<compile_context>
chip_gen: v7x
topology: tpu7x:2x2x1
jax: 0.10.2.dev20260603
libtpu: 0.0.44.dev20260713+nightly
codegen_flags: <defaults>
</compile_context>

<pallas_src>
import functools

import jax
import jax.numpy as jnp
from jax import lax
from jax.experimental import pallas as pl
from jax.experimental.pallas import tpu as pltpu
from jax.experimental.pallas import tpu_sc as plsc

N = 10000
D = 128
E = 320000
NC, NS = 2, 16
NW = NC * NS
NP = 10240
ROWS_PER_TILE = NP // NS
EW = E // NW
B = 80
ITERS = EW // B
BP = 80
ITERS_P = EW // BP

_mesh = plsc.VectorSubcoreMesh(
    core_axis_name="c", subcore_axis_name="s", num_cores=NC, num_subcores=NS
)


def _deg_body(dst_hbm, out_hbm, idxd, onesv, zv, obuf, accum, sem):
    c = lax.axis_index("c")
    s = lax.axis_index("s")
    wid = c * NS + s
    zeros16 = jnp.zeros((16,), jnp.float32)
    ones16 = jnp.ones((16,), jnp.float32)

    def zfill(i, _):
        zv[pl.ds(i * 16, 16)] = zeros16
        return 0

    lax.fori_loop(0, ROWS_PER_TILE // 16, zfill, 0)
    for j in range(B // 16):
        onesv[pl.ds(j * 16, 16)] = ones16
    pltpu.sync_copy(dst_hbm.at[1, wid], idxd)
    pltpu.sync_copy(zv, accum.at[pl.ds(s * ROWS_PER_TILE, ROWS_PER_TILE)])
    plsc.subcore_barrier()

    def body(i, _):
        pltpu.async_copy(onesv, accum.at[idxd.at[i]], sem, add=True)
        return 0

    lax.fori_loop(0, ITERS, body, 0)

    def drain(i, _):
        pltpu.make_async_copy(onesv, accum.at[idxd.at[0]], sem).wait()
        return 0

    lax.fori_loop(0, ITERS, drain, 0)
    plsc.subcore_barrier()
    pltpu.sync_copy(accum.at[pl.ds(s * ROWS_PER_TILE, ROWS_PER_TILE)], obuf)
    pltpu.sync_copy(obuf, out_hbm.at[c, pl.ds(s * ROWS_PER_TILE, ROWS_PER_TILE)])


_deg_call = pl.kernel(
    _deg_body,
    jax.ShapeDtypeStruct((NC, NP), jnp.float32),
    mesh=_mesh,
    scratch_types=[
        pltpu.VMEM((ITERS, B), jnp.int32),
        pltpu.VMEM((B,), jnp.float32),
        pltpu.VMEM((ROWS_PER_TILE,), jnp.float32),
        pltpu.VMEM((ROWS_PER_TILE,), jnp.float32),
        pltpu.VMEM_SHARED((NP,), jnp.float32),
        pltpu.SemaphoreType.DMA,
    ],
    name="sc_gcn_deg",
)


def _prop_body(g_hbm, ei_hbm, out_hbm, slab, wsrc_a, wsrc_b, wsrc_c, wdst_a,
               wdst_b, wdst_c, rows_a, rows_b, rows_c, accum,
               gsem_a, gsem_b, gsem_c, ssem_a, ssem_b, ssem_c):
    c = lax.axis_index("c")
    s = lax.axis_index("s")
    wid = c * NS + s
    zeros16 = jnp.zeros((16,), jnp.float32)

    def zfill(i, _):
        for j in range(D // 16):
            rows_a[i, pl.ds(j * 16, 16)] = zeros16
        return 0

    lax.fori_loop(0, BP, zfill, 0)
    pltpu.sync_copy(ei_hbm.at[wid], slab)

    def zcopy(r, _):
        pltpu.sync_copy(rows_a, accum.at[pl.ds(s * ROWS_PER_TILE + r * BP, BP)])
        return 0

    lax.fori_loop(0, ROWS_PER_TILE // BP, zcopy, 0)
    plsc.subcore_barrier()

    def unpack(i, wsrc, wdst):
        for j in range(BP // 16):
            v = slab[i, pl.ds(16 * j, 16)]
            wsrc[pl.ds(16 * j, 16)] = jnp.bitwise_and(v, 0xFFFF)
            wdst[pl.ds(16 * j, 16)] = jnp.right_shift(v, 16)

    def g_start(widx, buf, sem):
        pltpu.async_copy(g_hbm.at[widx], buf, sem)

    def g_wait(buf, sem):
        pltpu.make_async_copy(g_hbm.at[wsrc_a], buf, sem).wait()

    def s_start(widx, buf, sem):
        pltpu.async_copy(buf, accum.at[widx], sem, add=True)

    def s_wait(buf, sem):
        pltpu.make_async_copy(buf, accum.at[wdst_a], sem).wait()

    bufs = [(wsrc_a, wdst_a, rows_a, gsem_a, ssem_a),
            (wsrc_b, wdst_b, rows_b, gsem_b, ssem_b),
            (wsrc_c, wdst_c, rows_c, gsem_c, ssem_c)]

    def chunk(i, x, z, first=False, lookahead=True):
        xs, xd, xr, xg, xss = bufs[x]
        zs, zd, zr, zg, zss = bufs[z]
        g_wait(xr, xg)
        s_start(xd, xr, xss)
        if not first:
            s_wait(zr, zss)
        if lookahead:
            unpack(i + 2, zs, zd)
            g_start(zs, zr, zg)

    unpack(0, wsrc_a, wdst_a)
    g_start(wsrc_a, rows_a, gsem_a)
    unpack(1, wsrc_b, wdst_b)
    g_start(wsrc_b, rows_b, gsem_b)
    chunk(0, 0, 2, first=True)

    def body(k, _):
        i1 = 3 * k + 1
        chunk(i1, 1, 0)
        chunk(i1 + 1, 2, 1)
        chunk(i1 + 2, 0, 2)
        return 0

    lax.fori_loop(0, (ITERS_P - 5) // 3, body, 0)
    chunk(ITERS_P - 4, 1, 0)
    chunk(ITERS_P - 3, 2, 1)
    chunk(ITERS_P - 2, 0, 2, lookahead=False)
    chunk(ITERS_P - 1, 1, 0, lookahead=False)
    s_wait(rows_b, ssem_b)

    plsc.subcore_barrier()

    def wb(r, _):
        sl = pl.ds(s * ROWS_PER_TILE + r * BP, BP)
        pltpu.sync_copy(accum.at[sl], rows_a)
        pltpu.sync_copy(rows_a, out_hbm.at[c, sl])
        return 0

    lax.fori_loop(0, ROWS_PER_TILE // BP, wb, 0)


_prop_call = pl.kernel(
    _prop_body,
    jax.ShapeDtypeStruct((NC, NP, D), jnp.float32),
    mesh=_mesh,
    scratch_types=[
        pltpu.VMEM((ITERS_P, BP), jnp.int32),
        pltpu.VMEM((BP,), jnp.int32),
        pltpu.VMEM((BP,), jnp.int32),
        pltpu.VMEM((BP,), jnp.int32),
        pltpu.VMEM((BP,), jnp.int32),
        pltpu.VMEM((BP,), jnp.int32),
        pltpu.VMEM((BP,), jnp.int32),
        pltpu.VMEM((BP, D), jnp.float32),
        pltpu.VMEM((BP, D), jnp.float32),
        pltpu.VMEM((BP, D), jnp.float32),
        pltpu.VMEM_SHARED((NP, D), jnp.float32),
        pltpu.SemaphoreType.DMA,
        pltpu.SemaphoreType.DMA,
        pltpu.SemaphoreType.DMA,
        pltpu.SemaphoreType.DMA,
        pltpu.SemaphoreType.DMA,
        pltpu.SemaphoreType.DMA,
    ],
    name="sc_gcn_prop",
)


BN = 2000


def _pre_body(d2, x, w, dinv, g1):
    dd = d2[...]
    deg = dd[:, 0:1] + dd[:, 1:2] + 1.0
    di = lax.rsqrt(deg)
    dinv[...] = di
    h1 = jnp.dot(x[...], w[...], preferred_element_type=jnp.float32)
    g1[...] = h1 * di


def _mid_body(s2, g1, dinv, w, b, g2):
    di = dinv[...]
    r = jnp.maximum((s2[0] + s2[1] + g1[...]) * di + b[...], 0.0)
    h2 = jnp.dot(r, w[...], preferred_element_type=jnp.float32)
    g2[...] = h2 * di


def _fin_body(t2, g2, dinv, b, out):
    di = dinv[...]
    out[...] = (t2[0] + t2[1] + g2[...]) * di + b[...]


_pre_call = pl.pallas_call(
    _pre_body,
    grid=(N // BN,),
    in_specs=[
        pl.BlockSpec((BN, NC), lambda i: (i, 0)),
        pl.BlockSpec((BN, D), lambda i: (i, 0)),
        pl.BlockSpec((D, D), lambda i: (0, 0)),
    ],
    out_specs=[
        pl.BlockSpec((BN, 1), lambda i: (i, 0)),
        pl.BlockSpec((BN, D), lambda i: (i, 0)),
    ],
    out_shape=[
        jax.ShapeDtypeStruct((N, 1), jnp.float32),
        jax.ShapeDtypeStruct((N, D), jnp.float32),
    ],
    name="tc_gcn_pre",
)

_mid_call = pl.pallas_call(
    _mid_body,
    grid=(N // BN,),
    in_specs=[
        pl.BlockSpec((NC, BN, D), lambda i: (0, i, 0)),
        pl.BlockSpec((BN, D), lambda i: (i, 0)),
        pl.BlockSpec((BN, 1), lambda i: (i, 0)),
        pl.BlockSpec((D, D), lambda i: (0, 0)),
        pl.BlockSpec((1, D), lambda i: (0, 0)),
    ],
    out_specs=pl.BlockSpec((BN, D), lambda i: (i, 0)),
    out_shape=jax.ShapeDtypeStruct((N, D), jnp.float32),
    name="tc_gcn_mid",
)

_fin_call = pl.pallas_call(
    _fin_body,
    grid=(N // BN,),
    in_specs=[
        pl.BlockSpec((NC, BN, D), lambda i: (0, i, 0)),
        pl.BlockSpec((BN, D), lambda i: (i, 0)),
        pl.BlockSpec((BN, 1), lambda i: (i, 0)),
        pl.BlockSpec((1, D), lambda i: (0, 0)),
    ],
    out_specs=pl.BlockSpec((BN, D), lambda i: (i, 0)),
    out_shape=jax.ShapeDtypeStruct((N, D), jnp.float32),
    name="tc_gcn_fin",
)


@jax.jit
def kernel(x, edge_index, W1, b1, W2, b2):
    ei32 = edge_index.astype(jnp.int32)
    degp = _deg_call(ei32.reshape(2, NW, ITERS, B))
    degt = degp.T
    srcv = ei32[0]
    dstv = ei32[1]
    packed = jnp.bitwise_or(srcv, jnp.left_shift(dstv, 16))
    ei = packed.reshape(NW, ITERS_P, BP)
    dinv, g1 = _pre_call(degt, x, W1)
    s = _prop_call(g1, ei)
    g2 = _mid_call(s, g1, dinv, W2, b1.reshape(1, D))
    t = _prop_call(g2, ei)
    out = _fin_call(t, g2, dinv, b2.reshape(1, D))
    return out

# --- scband reference (transcript-rebuilt; emitter-appended) ---
"""Pipeline reference for scband-un-gcn-70677981823575 (READ-ONLY COPY).

The authoritative reference and input builder live on the scoring server;
editing this copy changes nothing except your own understanding.
"""

import jax, jax.numpy as jnp
import numpy as np

N_NODES = 10000
N_EDGES = 320000
D = 128


def setup_inputs(seed: int = 0) -> dict:
    key = jax.random.key(seed)
    k1, k2, k3, k4, k5, k6 = jax.random.split(key, 6)
    x = jax.random.normal(k1, (N_NODES, D), dtype=jnp.float32)
    edge_index = jax.random.randint(k2, (2, N_EDGES), 0, N_NODES, dtype=jnp.int64)
    s = 1.0 / np.sqrt(D)
    W1 = jax.random.uniform(k3, (D, D), dtype=jnp.float32, minval=-s, maxval=s)
    b1 = jax.random.uniform(k4, (D,), dtype=jnp.float32, minval=-s, maxval=s)
    W2 = jax.random.uniform(k5, (D, D), dtype=jnp.float32, minval=-s, maxval=s)
    b2 = jax.random.uniform(k6, (D,), dtype=jnp.float32, minval=-s, maxval=s)
    return {"x": x, "edge_index": edge_index, "W1": W1, "b1": b1, "W2": W2, "b2": b2}


def _gcn_conv(x, src, dst, W, b, num_nodes):
    # GCNConv with added self-loops and symmetric normalization
    loop = jnp.arange(num_nodes, dtype=src.dtype)
    src_f = jnp.concatenate([src, loop])
    dst_f = jnp.concatenate([dst, loop])
    deg = jax.ops.segment_sum(jnp.ones_like(dst_f, dtype=x.dtype), dst_f,
                              num_segments=num_nodes)
    deg_inv_sqrt = jnp.where(deg > 0, jax.lax.rsqrt(jnp.maximum(deg, 1e-12)), 0.0)
    norm = deg_inv_sqrt[src_f] * deg_inv_sqrt[dst_f]
    h = x @ W
    msg = jnp.take(h, src_f, axis=0) * norm[:, None]
    out = jax.ops.segment_sum(msg, dst_f, num_segments=num_nodes)
    return out + b


def reference(x, edge_index, W1, b1, W2, b2):
    # unGCN.forward in eval mode: edge_drop inactive, dropout inactive,
    # ood_method != 'DANN' so plain 2-layer GCN.
    num_nodes = x.shape[0]
    src = edge_index[0]
    dst = edge_index[1]
    h = _gcn_conv(x, src, dst, W1, b1, num_nodes)
    h = jax.nn.relu(h)
    out = _gcn_conv(h, src, dst, W2, b2, num_nodes)
    return out

if __name__ == "__main__":
    import jax
    _d = setup_inputs()
    print(jax.jit(kernel)(*tuple(_d.values())))

</pallas_src>

<mosaic_0001>
#map = affine_map<(d0, d1) -> (0, 0, 0, 0)>
#map1 = affine_map<(d0, d1) -> (0, 0)>
module attributes {stable_mosaic.version = 14 : i64} {
  func.func @sc_gcn_deg(%arg0: i32, %arg1: i32, %arg2: memref<2x32x125x80xi32, #tpu.memory_space<hbm>>, %arg3: memref<2x10240xf32, #tpu.memory_space<hbm>>, %arg4: memref<125x80xi32, #tpu.memory_space<vmem>>, %arg5: memref<80xf32, #tpu.memory_space<vmem>>, %arg6: memref<640xf32, #tpu.memory_space<vmem>>, %arg7: memref<640xf32, #tpu.memory_space<vmem>>, %arg8: memref<10240xf32, #tpu.memory_space<vmem_shared>>, %arg9: memref<!tpu.dma_semaphore, #tpu.memory_space<semaphore_mem>>) attributes {dimension_semantics = [#tpu.dimension_semantics<core_parallel>, #tpu.dimension_semantics<subcore_parallel>], iteration_bounds = array<i64: 2, 16>, scalar_prefetch = 0 : i64, scratch_operands = 6 : i64, tpu.core_type = #tpu.core_type<sc_vector_subcore>, window_params = [{transform_indices = #map}, {transform_indices = #map1}]} {
    %mul3A = arith.constant 16 : i32
    %mul3A_0 = arith.muli %arg0, %mul3A : i32
    %add3A = arith.addi %mul3A_0, %arg1 : i32
    %broadcast_in_dim3A = arith.constant 0.000000e+00 : f32
    %broadcast_in_dim3A_1 = vector.broadcast %broadcast_in_dim3A : f32 to vector<16xf32>
    %broadcast_in_dim3A_2 = arith.constant 1.000000e+00 : f32
    %broadcast_in_dim3A_3 = vector.broadcast %broadcast_in_dim3A_2 : f32 to vector<16xf32>
    %scan3A = arith.constant 0 : i32
    %scan3A_4 = arith.constant 0 : i32
    %scan3A_5 = arith.constant 40 : i32
    %scan3A_6 = arith.addi %scan3A_4, %scan3A_5 : i32
    %scan3A_7 = arith.constant 1 : i32
    %scan3A_8 = scf.for %scan3A_50 = %scan3A_4 to %scan3A_6 step %scan3A_7 iter_args(%scan3A_51 = %scan3A) -> (i32)  : i32 {
      %mul3A_52 = arith.constant 16 : i32
      %mul3A_53 = arith.muli %scan3A_50, %mul3A_52 : i32
      %swap3A_54 = arith.index_cast %mul3A_53 : i32 to index
      %swap3A_55 = tpu.vector_load %arg6[%swap3A_54] {strides = array<i32>} : memref<640xf32, #tpu.memory_space<vmem>>, vector<16xf32>,
      %swap3A_56 = vector.shape_cast %swap3A_55 : vector<16xf32> to vector<16xf32>
      %swap3A_57 = vector.shape_cast %broadcast_in_dim3A_1 : vector<16xf32> to vector<16xf32>
      tpu.vector_store %arg6[%swap3A_54], %swap3A_57 {strides = array<i32>} : memref<640xf32, #tpu.memory_space<vmem>>, vector<16xf32>,
      %scan3A_58 = arith.constant 0 : i32
      scf.yield %scan3A_58 : i32
    }
    %scan3A_9 = arith.constant 40 : i32
    %swap3A = arith.constant 0 : index
    %swap3A_10 = tpu.vector_load %arg5[%swap3A] {strides = array<i32>} : memref<80xf32, #tpu.memory_space<vmem>>, vector<16xf32>,
    %swap3A_11 = vector.shape_cast %swap3A_10 : vector<16xf32> to vector<16xf32>
    %swap3A_12 = vector.shape_cast %broadcast_in_dim3A_3 : vector<16xf32> to vector<16xf32>
    tpu.vector_store %arg5[%swap3A], %swap3A_12 {strides = array<i32>} : memref<80xf32, #tpu.memory_space<vmem>>, vector<16xf32>,
    %swap3A_13 = arith.constant 16 : index
    %swap3A_14 = tpu.vector_load %arg5[%swap3A_13] {strides = array<i32>} : memref<80xf32, #tpu.memory_space<vmem>>, vector<16xf32>,
    %swap3A_15 = vector.shape_cast %swap3A_14 : vector<16xf32> to vector<16xf32>
    %swap3A_16 = vector.shape_cast %broadcast_in_dim3A_3 : vector<16xf32> to vector<16xf32>
    tpu.vector_store %arg5[%swap3A_13], %swap3A_16 {strides = array<i32>} : memref<80xf32, #tpu.memory_space<vmem>>, vector<16xf32>,
    %swap3A_17 = arith.constant 32 : index
    %swap3A_18 = tpu.vector_load %arg5[%swap3A_17] {strides = array<i32>} : memref<80xf32, #tpu.memory_space<vmem>>, vector<16xf32>,
    %swap3A_19 = vector.shape_cast %swap3A_18 : vector<16xf32> to vector<16xf32>
    %swap3A_20 = vector.shape_cast %broadcast_in_dim3A_3 : vector<16xf32> to vector<16xf32>
    tpu.vector_store %arg5[%swap3A_17], %swap3A_20 {strides = array<i32>} : memref<80xf32, #tpu.memory_space<vmem>>, vector<16xf32>,
    %swap3A_21 = arith.constant 48 : index
    %swap3A_22 = tpu.vector_load %arg5[%swap3A_21] {strides = array<i32>} : memref<80xf32, #tpu.memory_space<vmem>>, vector<16xf32>,
    %swap3A_23 = vector.shape_cast %swap3A_22 : vector<16xf32> to vector<16xf32>
    %swap3A_24 = vector.shape_cast %broadcast_in_dim3A_3 : vector<16xf32> to vector<16xf32>
    tpu.vector_store %arg5[%swap3A_21], %swap3A_24 {strides = array<i32>} : memref<80xf32, #tpu.memory_space<vmem>>, vector<16xf32>,
    %swap3A_25 = arith.constant 64 : index
    %swap3A_26 = tpu.vector_load %arg5[%swap3A_25] {strides = array<i32>} : memref<80xf32, #tpu.memory_space<vmem>>, vector<16xf32>,
    %swap3A_27 = vector.shape_cast %swap3A_26 : vector<16xf32> to vector<16xf32>
    %swap3A_28 = vector.shape_cast %broadcast_in_dim3A_3 : vector<16xf32> to vector<16xf32>
    tpu.vector_store %arg5[%swap3A_25], %swap3A_28 {strides = array<i32>} : memref<80xf32, #tpu.memory_space<vmem>>, vector<16xf32>,
    %run_scoped3A = arith.constant 1 : i32
    "tpu.region"() ({
      %run_scoped3A_50 = tpu.sem_alloc : memref<!tpu.dma_semaphore, #tpu.memory_space<semaphore_mem>>
      %dma_start3A = arith.constant 0 : i32
      %dma_start3A_51 = arith.constant 0 : i32
      %dma_start3A_52 = tpu.memref_slice %arg2[%run_scoped3A, %add3A, %dma_start3A, %dma_start3A_51] : memref<2x32x125x80xi32, #tpu.memory_space<hbm>> -> memref<1x1x125x80xi32, #tpu.memory_space<hbm>>
      %dma_start3A_53 = tpu.memref_squeeze %dma_start3A_52 : memref<1x1x125x80xi32, #tpu.memory_space<hbm>> -> memref<125x80xi32, #tpu.memory_space<hbm>>
      %dma_start3A_54 = arith.constant 0 : i32
      %dma_start3A_55 = arith.constant 0 : i32
      %dma_start3A_56 = tpu.memref_slice %arg2[%run_scoped3A, %add3A, %dma_start3A_54, %dma_start3A_55] : memref<2x32x125x80xi32, #tpu.memory_space<hbm>> -> memref<1x1x125x80xi32, #tpu.memory_space<hbm>>
      %dma_start3A_57 = tpu.memref_squeeze %dma_start3A_56 : memref<1x1x125x80xi32, #tpu.memory_space<hbm>> -> memref<125x80xi32, #tpu.memory_space<hbm>>
      tpu.enqueue_dma source(%dma_start3A_57 : memref<125x80xi32, #tpu.memory_space<hbm>>) target(%arg4 : memref<125x80xi32, #tpu.memory_space<vmem>>) target_semaphore(%run_scoped3A_50 : memref<!tpu.dma_semaphore, #tpu.memory_space<semaphore_mem>>)
      %dma_wait3A = arith.constant 0 : i32
      %dma_wait3A_58 = arith.constant 0 : i32
      %dma_wait3A_59 = tpu.memref_slice %arg2[%run_scoped3A, %add3A, %dma_wait3A, %dma_wait3A_58] : memref<2x32x125x80xi32, #tpu.memory_space<hbm>> -> memref<1x1x125x80xi32, #tpu.memory_space<hbm>>
      %dma_wait3A_60 = tpu.memref_squeeze %dma_wait3A_59 : memref<1x1x125x80xi32, #tpu.memory_space<hbm>> -> memref<125x80xi32, #tpu.memory_space<hbm>>
      %dma_wait3A_61 = arith.constant 0 : i32
      %dma_wait3A_62 = arith.constant 0 : i32
      %dma_wait3A_63 = tpu.memref_slice %arg2[%run_scoped3A, %add3A, %dma_wait3A_61, %dma_wait3A_62] : memref<2x32x125x80xi32, #tpu.memory_space<hbm>> -> memref<1x1x125x80xi32, #tpu.memory_space<hbm>>
      %dma_wait3A_64 = tpu.memref_squeeze %dma_wait3A_63 : memref<1x1x125x80xi32, #tpu.memory_space<hbm>> -> memref<125x80xi32, #tpu.memory_space<hbm>>
      tpu.wait_dma2 semaphore(%run_scoped3A_50 : memref<!tpu.dma_semaphore, #tpu.memory_space<semaphore_mem>>) src(%dma_wait3A_64 : memref<125x80xi32, #tpu.memory_space<hbm>>) dst(%arg4 : memref<125x80xi32, #tpu.memory_space<vmem>>)
      tpu.yield
    }) : () -> ()
    %mul3A_29 = arith.constant 640 : i32
    %mul3A_30 = arith.muli %arg1, %mul3A_29 : i32
    "tpu.region"() ({
      %run_scoped3A_50 = tpu.sem_alloc : memref<!tpu.dma_semaphore, #tpu.memory_space<semaphore_mem>>
      %dma_start3A = tpu.memref_slice %arg8[%mul3A_30] : memref<10240xf32, #tpu.memory_space<vmem_shared>> -> memref<640xf32, #tpu.memory_space<vmem_shared>>
      %dma_start3A_51 = tpu.memref_slice %arg8[%mul3A_30] : memref<10240xf32, #tpu.memory_space<vmem_shared>> -> memref<640xf32, #tpu.memory_space<vmem_shared>>
      tpu.enqueue_dma source(%arg6 : memref<640xf32, #tpu.memory_space<vmem>>) target(%dma_start3A_51 : memref<640xf32, #tpu.memory_space<vmem_shared>>) target_semaphore(%run_scoped3A_50 : memref<!tpu.dma_semaphore, #tpu.memory_space<semaphore_mem>>)
      %dma_wait3A = tpu.memref_slice %arg8[%mul3A_30] : memref<10240xf32, #tpu.memory_space<vmem_shared>> -> memref<640xf32, #tpu.memory_space<vmem_shared>>
      %dma_wait3A_52 = tpu.memref_slice %arg8[%mul3A_30] : memref<10240xf32, #tpu.memory_space<vmem_shared>> -> memref<640xf32, #tpu.memory_space<vmem_shared>>
      tpu.wait_dma2 semaphore(%run_scoped3A_50 : memref<!tpu.dma_semaphore, #tpu.memory_space<semaphore_mem>>) src(%arg6 : memref<640xf32, #tpu.memory_space<vmem>>) dst(%dma_wait3A_52 : memref<640xf32, #tpu.memory_space<vmem_shared>>)
      tpu.yield
    }) : () -> ()
    %barrier3A = arith.constant 0 : index
    tpu.barrier barrier_id(%barrier3A)
    %scan3A_31 = arith.constant 0 : i32
    %scan3A_32 = arith.constant 0 : i32
    %scan3A_33 = arith.constant 125 : i32
    %scan3A_34 = arith.addi %scan3A_32, %scan3A_33 : i32
    %scan3A_35 = arith.constant 1 : i32
    %scan3A_36 = scf.for %scan3A_50 = %scan3A_32 to %scan3A_34 step %scan3A_35 iter_args(%scan3A_51 = %scan3A_31) -> (i32)  : i32 {
      %dma_start3A = arith.constant 0 : i32
      %dma_start3A_52 = tpu.memref_slice %arg4[%scan3A_50, %dma_start3A] : memref<125x80xi32, #tpu.memory_space<vmem>> -> memref<1x80xi32, #tpu.memory_space<vmem>>
      %dma_start3A_53 = tpu.memref_squeeze %dma_start3A_52 : memref<1x80xi32, #tpu.memory_space<vmem>> -> memref<80xi32, #tpu.memory_space<vmem>>
      %dma_start3A_54 = arith.constant 0 : i32
      %dma_start3A_55 = tpu.memref_slice %arg8[%dma_start3A_54] : memref<10240xf32, #tpu.memory_space<vmem_shared>> -> memref<10240xf32, #tpu.memory_space<vmem_shared>>
      tpu.enqueue_indirect_dma source(%arg5 : memref<80xf32, #tpu.memory_space<vmem>>) target(%dma_start3A_55 : memref<10240xf32, #tpu.memory_space<vmem_shared>>) offsets(%dma_start3A_53 : memref<80xi32, #tpu.memory_space<vmem>>) semaphore(%arg9 : memref<!tpu.dma_semaphore, #tpu.memory_space<semaphore_mem>>) {add = true}
      %scan3A_56 = arith.constant 0 : i32
      scf.yield %scan3A_56 : i32
    }
    %scan3A_37 = arith.constant 125 : i32
    %scan3A_38 = arith.constant 0 : i32
    %scan3A_39 = arith.constant 0 : i32
    %scan3A_40 = arith.constant 125 : i32
    %scan3A_41 = arith.addi %scan3A_39, %scan3A_40 : i32
    %scan3A_42 = arith.constant 1 : i32
    %scan3A_43 = scf.for %scan3A_50 = %scan3A_39 to %scan3A_41 step %scan3A_42 iter_args(%scan3A_51 = %scan3A_38) -> (i32)  : i32 {
      %dma_wait3A = arith.constant 0 : i32
      %dma_wait3A_52 = arith.constant 0 : i32
      %dma_wait3A_53 = tpu.memref_slice %arg4[%dma_wait3A, %dma_wait3A_52] : memref<125x80xi32, #tpu.memory_space<vmem>> -> memref<1x80xi32, #tpu.memory_space<vmem>>
      %dma_wait3A_54 = tpu.memref_squeeze %dma_wait3A_53 : memref<1x80xi32, #tpu.memory_space<vmem>> -> memref<80xi32, #tpu.memory_space<vmem>>
      %dma_wait3A_55 = arith.constant 0 : i32
      %dma_wait3A_56 = tpu.memref_slice %arg8[%dma_wait3A_55] : memref<10240xf32, #tpu.memory_space<vmem_shared>> -> memref<10240xf32, #tpu.memory_space<vmem_shared>>
      tpu.wait_indirect_dma semaphore(%arg9 : memref<!tpu.dma_semaphore, #tpu.memory_space<semaphore_mem>>) src(%arg5 : memref<80xf32, #tpu.memory_space<vmem>>) dst(%dma_wait3A_56 : memref<10240xf32, #tpu.memory_space<vmem_shared>>)
      %scan3A_57 = arith.constant 0 : i32
      scf.yield %scan3A_57 : i32
    }
    %scan3A_44 = arith.constant 125 : i32
    %barrier3A_45 = arith.constant 0 : index
    tpu.barrier barrier_id(%barrier3A_45)
    %mul3A_46 = arith.constant 640 : i32
    %mul3A_47 = arith.muli %arg1, %mul3A_46 : i32
    "tpu.region"() ({
      %run_scoped3A_50 = tpu.sem_alloc : memref<!tpu.dma_semaphore, #tpu.memory_space<semaphore_mem>>
      %dma_start3A = tpu.memref_slice %arg8[%mul3A_47] : memref<10240xf32, #tpu.memory_space<vmem_shared>> -> memref<640xf32, #tpu.memory_space<vmem_shared>>
      %dma_start3A_51 = tpu.memref_slice %arg8[%mul3A_47] : memref<10240xf32, #tpu.memory_space<vmem_shared>> -> memref<640xf32, #tpu.memory_space<vmem_shared>>
      tpu.enqueue_dma source(%dma_start3A_51 : memref<640xf32, #tpu.memory_space<vmem_shared>>) target(%arg7 : memref<640xf32, #tpu.memory_space<vmem>>) target_semaphore(%run_scoped3A_50 : memref<!tpu.dma_semaphore, #tpu.memory_space<semaphore_mem>>)
      %dma_wait3A = tpu.memref_slice %arg8[%mul3A_47] : memref<10240xf32, #tpu.memory_space<vmem_shared>> -> memref<640xf32, #tpu.memory_space<vmem_shared>>
      %dma_wait3A_52 = tpu.memref_slice %arg8[%mul3A_47] : memref<10240xf32, #tpu.memory_space<vmem_shared>> -> memref<640xf32, #tpu.memory_space<vmem_shared>>
      tpu.wait_dma2 semaphore(%run_scoped3A_50 : memref<!tpu.dma_semaphore, #tpu.memory_space<semaphore_mem>>) src(%dma_wait3A_52 : memref<640xf32, #tpu.memory_space<vmem_shared>>) dst(%arg7 : memref<640xf32, #tpu.memory_space<vmem>>)
      tpu.yield
    }) : () -> ()
    %mul3A_48 = arith.constant 640 : i32
    %mul3A_49 = arith.muli %arg1, %mul3A_48 : i32
    "tpu.region"() ({
      %run_scoped3A_50 = tpu.sem_alloc : memref<!tpu.dma_semaphore, #tpu.memory_space<semaphore_mem>>
      %dma_start3A = tpu.memref_slice %arg3[%arg0, %mul3A_49] : memref<2x10240xf32, #tpu.memory_space<hbm>> -> memref<1x640xf32, #tpu.memory_space<hbm>>
      %dma_start3A_51 = tpu.memref_squeeze %dma_start3A : memref<1x640xf32, #tpu.memory_space<hbm>> -> memref<640xf32, #tpu.memory_space<hbm>>
      %dma_start3A_52 = tpu.memref_slice %arg3[%arg0, %mul3A_49] : memref<2x10240xf32, #tpu.memory_space<hbm>> -> memref<1x640xf32, #tpu.memory_space<hbm>>
      %dma_start3A_53 = tpu.memref_squeeze %dma_start3A_52 : memref<1x640xf32, #tpu.memory_space<hbm>> -> memref<640xf32, #tpu.memory_space<hbm>>
      tpu.enqueue_dma source(%arg7 : memref<640xf32, #tpu.memory_space<vmem>>) target(%dma_start3A_53 : memref<640xf32, #tpu.memory_space<hbm>>) target_semaphore(%run_scoped3A_50 : memref<!tpu.dma_semaphore, #tpu.memory_space<semaphore_mem>>)
      %dma_wait3A = tpu.memref_slice %arg3[%arg0, %mul3A_49] : memref<2x10240xf32, #tpu.memory_space<hbm>> -> memref<1x640xf32, #tpu.memory_space<hbm>>
      %dma_wait3A_54 = tpu.memref_squeeze %dma_wait3A : memref<1x640xf32, #tpu.memory_space<hbm>> -> memref<640xf32, #tpu.memory_space<hbm>>
      %dma_wait3A_55 = tpu.memref_slice %arg3[%arg0, %mul3A_49] : memref<2x10240xf32, #tpu.memory_space<hbm>> -> memref<1x640xf32, #tpu.memory_space<hbm>>
      %dma_wait3A_56 = tpu.memref_squeeze %dma_wait3A_55 : memref<1x640xf32, #tpu.memory_space<hbm>> -> memref<640xf32, #tpu.memory_space<hbm>>
      tpu.wait_dma2 semaphore(%run_scoped3A_50 : memref<!tpu.dma_semaphore, #tpu.memory_space<semaphore_mem>>) src(%arg7 : memref<640xf32, #tpu.memory_space<vmem>>) dst(%dma_wait3A_56 : memref<640xf32, #tpu.memory_space<hbm>>)
      tpu.yield
    }) : () -> ()
    return
  }
}

#map = affine_map<(d0, d1) -> (0, 0)>
#map1 = affine_map<(d0, d1) -> (0, 0, 0)>
module attributes {stable_mosaic.version = 14 : i64} {
  func.func @sc_gcn_prop(%arg0: i32, %arg1: i32, %arg2: memref<10000x128xf32, #tpu.memory_space<hbm>>, %arg3: memref<32x125x80xi32, #tpu.memory_space<hbm>>, %arg4: memref<2x10240x128xf32, #tpu.memory_space<hbm>>, %arg5: memref<125x80xi32, #tpu.memory_space<vmem>>, %arg6: memref<80xi32, #tpu.memory_space<vmem>>, %arg7: memref<80xi32, #tpu.memory_space<vmem>>, %arg8: memref<80xi32, #tpu.memory_space<vmem>>, %arg9: memref<80xi32, #tpu.memory_space<vmem>>, %arg10: memref<80xi32, #tpu.memory_space<vmem>>, %arg11: memref<80xi32, #tpu.memory_space<vmem>>, %arg12: memref<80x128xf32, #tpu.memory_space<vmem>>, %arg13: memref<80x128xf32, #tpu.memory_space<vmem>>, %arg14: memref<80x128xf32, #tpu.memory_space<vmem>>, %arg15: memref<10240x128xf32, #tpu.memory_space<vmem_shared>>, %arg16: memref<!tpu.dma_semaphore, #tpu.memory_space<semaphore_mem>>, %arg17: memref<!tpu.dma_semaphore, #tpu.memory_space<semaphore_mem>>, %arg18: memref<!tpu.dma_semaphore, #tpu.memory_space<semaphore_mem>>, %arg19: memref<!tpu.dma_semaphore, #tpu.memory_space<semaphore_mem>>, %arg20: memref<!tpu.dma_semaphore, #tpu.memory_space<semaphore_mem>>, %arg21: memref<!tpu.dma_semaphore, #tpu.memory_space<semaphore_mem>>) attributes {dimension_semantics = [#tpu.dimension_semantics<core_parallel>, #tpu.dimension_semantics<subcore_parallel>], iteration_bounds = array<i64: 2, 16>, scalar_prefetch = 0 : i64, scratch_operands = 17 : i64, tpu.core_type = #tpu.core_type<sc_vector_subcore>, window_params = [{transform_indices = #map}, {transform_indices = #map1}, {transform_indices = #map1}]} {
    %mul3A = arith.constant 16 : i32
    %mul3A_0 = arith.muli %arg0, %mul3A : i32
    %add3A = arith.addi %mul3A_0, %arg1 : i32
    %broadcast_in_dim3A = arith.constant 0.000000e+00 : f32
    %broadcast_in_dim3A_1 = vector.broadcast %broadcast_in_dim3A : f32 to vector<16xf32>
    %scan3A = arith.constant 0 : i32
    %scan3A_2 = arith.constant 0 : i32
    %scan3A_3 = arith.constant 80 : i32
    %scan3A_4 = arith.addi %scan3A_2, %scan3A_3 : i32
    %scan3A_5 = arith.constant 1 : i32
    %scan3A_6 = scf.for %scan3A_559 = %scan3A_2 to %scan3A_4 step %scan3A_5 iter_args(%scan3A_560 = %scan3A) -> (i32)  : i32 {
      %swap3A_561 = arith.index_cast %scan3A_559 : i32 to index
      %swap3A_562 = arith.constant 0 : index
      %swap3A_563 = tpu.vector_load %arg12[%swap3A_561, %swap3A_562] {strides = array<i32>} : memref<80x128xf32, #tpu.memory_space<vmem>>, vector<1x16xf32>,
      %swap3A_564 = vector.shape_cast %swap3A_563 : vector<1x16xf32> to vector<16xf32>
      %swap3A_565 = vector.shape_cast %broadcast_in_dim3A_1 : vector<16xf32> to vector<1x16xf32>
      tpu.vector_store %arg12[%swap3A_561, %swap3A_562], %swap3A_565 {strides = array<i32>} : memref<80x128xf32, #tpu.memory_space<vmem>>, vector<1x16xf32>,
      %swap3A_566 = arith.index_cast %scan3A_559 : i32 to index
      %swap3A_567 = arith.constant 16 : index
      %swap3A_568 = tpu.vector_load %arg12[%swap3A_566, %swap3A_567] {strides = array<i32>} : memref<80x128xf32, #tpu.memory_space<vmem>>, vector<1x16xf32>,
      %swap3A_569 = vector.shape_cast %swap3A_568 : vector<1x16xf32> to vector<16xf32>
      %swap3A_570 = vector.shape_cast %broadcast_in_dim3A_1 : vector<16xf32> to vector<1x16xf32>
      tpu.vector_store %arg12[%swap3A_566, %swap3A_567], %swap3A_570 {strides = array<i32>} : memref<80x128xf32, #tpu.memory_space<vmem>>, vector<1x16xf32>,
      %swap3A_571 = arith.index_cast %scan3A_559 : i32 to index
      %swap3A_572 = arith.constant 32 : index
      %swap3A_573 = tpu.vector_load %arg12[%swap3A_571, %swap3A_572] {strides = array<i32>} : memref<80x128xf32, #tpu.memory_space<vmem>>, vector<1x16xf32>,
      %swap3A_574 = vector.shape_cast %swap3A_573 : vector<1x16xf32> to vector<16xf32>
      %swap3A_575 = vector.shape_cast %broadcast_in_dim3A_1 : vector<16xf32> to vector<1x16xf32>
      tpu.vector_store %arg12[%swap3A_571, %swap3A_572], %swap3A_575 {strides = array<i32>} : memref<80x128xf32, #tpu.memory_space<vmem>>, vector<1x16xf32>,
      %swap3A_576 = arith.index_cast %scan3A_559 : i32 to index
      %swap3A_577 = arith.constant 48 : index
      %swap3A_578 = tpu.vector_load %arg12[%swap3A_576, %swap3A_577] {strides = array<i32>} : memref<80x128xf32, #tpu.memory_space<vmem>>, vector<1x16xf32>,
      %swap3A_579 = vector.shape_cast %swap3A_578 : vector<1x16xf32> to vector<16xf32>
      %swap3A_580 = vector.shape_cast %broadcast_in_dim3A_1 : vector<16xf32> to vector<1x16xf32>
      tpu.vector_store %arg12[%swap3A_576, %swap3A_577], %swap3A_580 {strides = array<i32>} : memref<80x128xf32, #tpu.memory_space<vmem>>, vector<1x16xf32>,
      %swap3A_581 = arith.index_cast %scan3A_559 : i32 to index
      %swap3A_582 = arith.constant 64 : index
      %swap3A_583 = tpu.vector_load %arg12[%swap3A_581, %swap3A_582] {strides = array<i32>} : memref<80x128xf32, #tpu.memory_space<vmem>>, vector<1x16xf32>,
      %swap3A_584 = vector.shape_cast %swap3A_583 : vector<1x16xf32> to vector<16xf32>
      %swap3A_585 = vector.shape_cast %broadcast_in_dim3A_1 : vector<16xf32> to vector<1x16xf32>
      tpu.vector_store %arg12[%swap3A_581, %swap3A_582], %swap3A_585 {strides = array<i32>} : memref<80x128xf32, #tpu.memory_space<vmem>>, vector<1x16xf32>,
      %swap3A_586 = arith.index_cast %scan3A_559 : i32 to index
      %swap3A_587 = arith.constant 80 : index
      %swap3A_588 = tpu.vector_load %arg12[%swap3A_586, %swap3A_587] {strides = array<i32>} : memref<80x128xf32, #tpu.memory_space<vmem>>, vector<1x16xf32>,
      %swap3A_589 = vector.shape_cast %swap3A_588 : vector<1x16xf32> to vector<16xf32>
      %swap3A_590 = vector.shape_cast %broadcast_in_dim3A_1 : vector<16xf32> to vector<1x16xf32>
      tpu.vector_store %arg12[%swap3A_586, %swap3A_587], %swap3A_590 {strides = array<i32>} : memref<80x128xf32, #tpu.memory_space<vmem>>, vector<1x16xf32>,
      %swap3A_591 = arith.index_cast %scan3A_559 : i32 to index
      %swap3A_592 = arith.constant 96 : index
      %swap3A_593 = tpu.vector_load %arg12[%swap3A_591, %swap3A_592] {strides = array<i32>} : memref<80x128xf32, #tpu.memory_space<vmem>>, vector<1x16xf32>,
      %swap3A_594 = vector.shape_cast %swap3A_593 : vector<1x16xf32> to vector<16xf32>
      %swap3A_595 = vector.shape_cast %broadcast_in_dim3A_1 : vector<16xf32> to vector<1x16xf32>
      tpu.vector_store %arg12[%swap3A_591, %swap3A_592], %swap3A_595 {strides = array<i32>} : memref<80x128xf32, #tpu.memory_space<vmem>>, vector<1x16xf32>,
      %swap3A_596 = arith.index_cast %scan3A_559 : i32 to index
      %swap3A_597 = arith.constant 112 : index
      %swap3A_598 = tpu.vector_load %arg12[%swap3A_596, %swap3A_597] {strides = array<i32>} : memref<80x128xf32, #tpu.memory_space<vmem>>, vector<1x16xf32>,
      %swap3A_599 = vector.shape_cast %swap3A_598 : vector<1x16xf32> to vector<16xf32>
      %swap3A_600 = vector.shape_cast %broadcast_in_dim3A_1 : vector<16xf32> to vector<1x16xf32>
      tpu.vector_store %arg12[%swap3A_596, %swap3A_597], %swap3A_600 {strides = array<i32>} : memref<80x128xf32, #tpu.memory_space<vmem>>, vector<1x16xf32>,
      %scan3A_601 = arith.constant 0 : i32
      scf.yield %scan3A_601 : i32
    }
    %scan3A_7 = arith.constant 80 : i32
    "tpu.region"() ({
      %run_scoped3A = tpu.sem_alloc : memref<!tpu.dma_semaphore, #tpu.memory_space<semaphore_mem>>
      %dma_start3A_559 = arith.constant 0 : i32
      %dma_start3A_560 = arith.constant 0 : i32
      %dma_start3A_561 = tpu.memref_slice %arg3[%add3A, %dma_start3A_559, %dma_start3A_560] : memref<32x125x80xi32, #tpu.memory_space<hbm>> -> memref<1x125x80xi32, #tpu.memory_space<hbm>>
      %dma_start3A_562 = tpu.memref_squeeze %dma_start3A_561 : memref<1x125x80xi32, #tpu.memory_space<hbm>> -> memref<125x80xi32, #tpu.memory_space<hbm>>
      %dma_start3A_563 = arith.constant 0 : i32
      %dma_start3A_564 = arith.constant 0 : i32
      %dma_start3A_565 = tpu.memref_slice %arg3[%add3A, %dma_start3A_563, %dma_start3A_564] : memref<32x125x80xi32, #tpu.memory_space<hbm>> -> memref<1x125x80xi32, #tpu.memory_space<hbm>>
      %dma_start3A_566 = tpu.memref_squeeze %dma_start3A_565 : memref<1x125x80xi32, #tpu.memory_space<hbm>> -> memref<125x80xi32, #tpu.memory_space<hbm>>
      tpu.enqueue_dma source(%dma_start3A_566 : memref<125x80xi32, #tpu.memory_space<hbm>>) target(%arg5 : memref<125x80xi32, #tpu.memory_space<vmem>>) target_semaphore(%run_scoped3A : memref<!tpu.dma_semaphore, #tpu.memory_space<semaphore_mem>>)
      %dma_wait3A_567 = arith.constant 0 : i32
      %dma_wait3A_568 = arith.constant 0 : i32
      %dma_wait3A_569 = tpu.memref_slice %arg3[%add3A, %dma_wait3A_567, %dma_wait3A_568] : memref<32x125x80xi32, #tpu.memory_space<hbm>> -> memref<1x125x80xi32, #tpu.memory_space<hbm>>
      %dma_wait3A_570 = tpu.memref_squeeze %dma_wait3A_569 : memref<1x125x80xi32, #tpu.memory_space<hbm>> -> memref<125x80xi32, #tpu.memory_space<hbm>>
      %dma_wait3A_571 = arith.constant 0 : i32
      %dma_wait3A_572 = arith.constant 0 : i32
      %dma_wait3A_573 = tpu.memref_slice %arg3[%add3A, %dma_wait3A_571, %dma_wait3A_572] : memref<32x125x80xi32, #tpu.memory_space<hbm>> -> memref<1x125x80xi32, #tpu.memory_space<hbm>>
      %dma_wait3A_574 = tpu.memref_squeeze %dma_wait3A_573 : memref<1x125x80xi32, #tpu.memory_space<hbm>> -> memref<125x80xi32, #tpu.memory_space<hbm>>
      tpu.wait_dma2 semaphore(%run_scoped3A : memref<!tpu.dma_semaphore, #tpu.memory_space<semaphore_mem>>) src(%dma_wait3A_574 : memref<125x80xi32, #tpu.memory_space<hbm>>) dst(%arg5 : memref<125x80xi32, #tpu.memory_space<vmem>>)
      tpu.yield
    }) : () -> ()
    %scan3A_8 = arith.constant 0 : i32
    %scan3A_9 = arith.constant 0 : i32
    %scan3A_10 = arith.constant 8 : i32
    %scan3A_11 = arith.addi %scan3A_9, %scan3A_10 : i32
    %scan3A_12 = arith.constant 1 : i32
    %scan3A_13 = scf.for %scan3A_559 = %scan3A_9 to %scan3A_11 step %scan3A_12 iter_args(%scan3A_560 = %scan3A_8) -> (i32)  : i32 {
      %mul3A_561 = arith.constant 640 : i32
      %mul3A_562 = arith.muli %arg1, %mul3A_561 : i32
      %mul3A_563 = arith.constant 80 : i32
      %mul3A_564 = arith.muli %scan3A_559, %mul3A_563 : i32
      %add3A_565 = arith.addi %mul3A_562, %mul3A_564 : i32
      "tpu.region"() ({
        %run_scoped3A = tpu.sem_alloc : memref<!tpu.dma_semaphore, #tpu.memory_space<semaphore_mem>>
        %dma_start3A_567 = arith.constant 0 : i32
        %dma_start3A_568 = tpu.memref_slice %arg15[%add3A_565, %dma_start3A_567] : memref<10240x128xf32, #tpu.memory_space<vmem_shared>> -> memref<80x128xf32, #tpu.memory_space<vmem_shared>>
        %dma_start3A_569 = arith.constant 0 : i32
        %dma_start3A_570 = tpu.memref_slice %arg15[%add3A_565, %dma_start3A_569] : memref<10240x128xf32, #tpu.memory_space<vmem_shared>> -> memref<80x128xf32, #tpu.memory_space<vmem_shared>>
        tpu.enqueue_dma source(%arg12 : memref<80x128xf32, #tpu.memory_space<vmem>>) target(%dma_start3A_570 : memref<80x128xf32, #tpu.memory_space<vmem_shared>>) target_semaphore(%run_scoped3A : memref<!tpu.dma_semaphore, #tpu.memory_space<semaphore_mem>>)
        %dma_wait3A_571 = arith.constant 0 : i32
        %dma_wait3A_572 = tpu.memref_slice %arg15[%add3A_565, %dma_wait3A_571] : memref<10240x128xf32, #tpu.memory_space<vmem_shared>> -> memref<80x128xf32, #tpu.memory_space<vmem_shared>>
        %dma_wait3A_573 = arith.constant 0 : i32
        %dma_wait3A_574 = tpu.memref_slice %arg15[%add3A_565, %dma_wait3A_573] : memref<10240x128xf32, #tpu.memory_space<vmem_shared>> -> memref<80x128xf32, #tpu.memory_space<vmem_shared>>
        tpu.wait_dma2 semaphore(%run_scoped3A : memref<!tpu.dma_semaphore, #tpu.memory_space<semaphore_mem>>) src(%arg12 : memref<80x128xf32, #tpu.memory_space<vmem>>) dst(%dma_wait3A_574 : memref<80x128xf32, #tpu.memory_space<vmem_shared>>)
        tpu.yield
      }) : () -> ()
      %scan3A_566 = arith.constant 0 : i32
      scf.yield %scan3A_566 : i32
    }
    %scan3A_14 = arith.constant 8 : i32
    %barrier3A = arith.constant 0 : index
    tpu.barrier barrier_id(%barrier3A)
    %get3A = arith.constant 0 : i32
    %get3A_15 = arith.index_cast %get3A : i32 to index
    %get3A_16 = arith.constant 0 : index
    %get3A_17 = tpu.vector_load %arg5[%get3A_15, %get3A_16] {strides = array<i32>} : memref<125x80xi32, #tpu.memory_space<vmem>>, vector<1x16xi32>,
    %get3A_18 = vector.shape_cast %get3A_17 : vector<1x16xi32> to vector<16xi32>
    %and3A = arith.constant 65535 : i32
    %and3A_19 = vector.broadcast %and3A : i32 to vector<16xi32>
    %and3A_20 = arith.andi %get3A_18, %and3A_19 : vector<16xi32>
    %swap3A = arith.constant 0 : index
    %swap3A_21 = tpu.vector_load %arg6[%swap3A] {strides = array<i32>} : memref<80xi32, #tpu.memory_space<vmem>>, vector<16xi32>,
    %swap3A_22 = vector.shape_cast %swap3A_21 : vector<16xi32> to vector<16xi32>
    %swap3A_23 = vector.shape_cast %and3A_20 : vector<16xi32> to vector<16xi32>
    tpu.vector_store %arg6[%swap3A], %swap3A_23 {strides = array<i32>} : memref<80xi32, #tpu.memory_space<vmem>>, vector<16xi32>,
    %shift_right_arithmetic3A = arith.constant 16 : i32
    %shift_right_arithmetic3A_24 = vector.broadcast %shift_right_arithmetic3A : i32 to vector<16xi32>
    %shift_right_arithmetic3A_25 = arith.shrsi %get3A_18, %shift_right_arithmetic3A_24 : vector<16xi32>
    %swap3A_26 = arith.constant 0 : index
    %swap3A_27 = tpu.vector_load %arg9[%swap3A_26] {strides = array<i32>} : memref<80xi32, #tpu.memory_space<vmem>>, vector<16xi32>,
    %swap3A_28 = vector.shape_cast %swap3A_27 : vector<16xi32> to vector<16xi32>
    %swap3A_29 = vector.shape_cast %shift_right_arithmetic3A_25 : vector<16xi32> to vector<16xi32>
    tpu.vector_store %arg9[%swap3A_26], %swap3A_29 {strides = array<i32>} : memref<80xi32, #tpu.memory_space<vmem>>, vector<16xi32>,
    %get3A_30 = arith.constant 0 : i32
    %get3A_31 = arith.index_cast %get3A_30 : i32 to index
    %get3A_32 = arith.constant 16 : index
    %get3A_33 = tpu.vector_load %arg5[%get3A_31, %get3A_32] {strides = array<i32>} : memref<125x80xi32, #tpu.memory_space<vmem>>, vector<1x16xi32>,
    %get3A_34 = vector.shape_cast %get3A_33 : vector<1x16xi32> to vector<16xi32>
    %and3A_35 = arith.constant 65535 : i32
    %and3A_36 = vector.broadcast %and3A_35 : i32 to vector<16xi32>
    %and3A_37 = arith.andi %get3A_34, %and3A_36 : vector<16xi32>
    %swap3A_38 = arith.constant 16 : index
    %swap3A_39 = tpu.vector_load %arg6[%swap3A_38] {strides = array<i32>} : memref<80xi32, #tpu.memory_space<vmem>>, vector<16xi32>,
    %swap3A_40 = vector.shape_cast %swap3A_39 : vector<16xi32> to vector<16xi32>
    %swap3A_41 = vector.shape_cast %and3A_37 : vector<16xi32> to vector<16xi32>
    tpu.vector_store %arg6[%swap3A_38], %swap3A_41 {strides = array<i32>} : memref<80xi32, #tpu.memory_space<vmem>>, vector<16xi32>,
    %shift_right_arithmetic3A_42 = arith.constant 16 : i32
    %shift_right_arithmetic3A_43 = vector.broadcast %shift_right_arithmetic3A_42 : i32 to vector<16xi32>
    %shift_right_arithmetic3A_44 = arith.shrsi %get3A_34, %shift_right_arithmetic3A_43 : vector<16xi32>
    %swap3A_45 = arith.constant 16 : index
    %swap3A_46 = tpu.vector_load %arg9[%swap3A_45] {strides = array<i32>} : memref<80xi32, #tpu.memory_space<vmem>>, vector<16xi32>,
    %swap3A_47 = vector.shape_cast %swap3A_46 : vector<16xi32> to vector<16xi32>
    %swap3A_48 = vector.shape_cast %shift_right_arithmetic3A_44 : vector<16xi32> to vector<16xi32>
    tpu.vector_store %arg9[%swap3A_45], %swap3A_48 {strides = array<i32>} : memref<80xi32, #tpu.memory_space<vmem>>, vector<16xi32>,
    %get3A_49 = arith.constant 0 : i32
    %get3A_50 = arith.index_cast %get3A_49 : i32 to index
    %get3A_51 = arith.constant 32 : index
    %get3A_52 = tpu.vector_load %arg5[%get3A_50, %get3A_51] {strides = array<i32>} : memref<125x80xi32, #tpu.memory_space<vmem>>, vector<1x16xi32>,
    %get3A_53 = vector.shape_cast %get3A_52 : vector<1x16xi32> to vector<16xi32>
    %and3A_54 = arith.constant 65535 : i32
    %and3A_55 = vector.broadcast %and3A_54 : i32 to vector<16xi32>
    %and3A_56 = arith.andi %get3A_53, %and3A_55 : vector<16xi32>
    %swap3A_57 = arith.constant 32 : index
    %swap3A_58 = tpu.vector_load %arg6[%swap3A_57] {strides = array<i32>} : memref<80xi32, #tpu.memory_space<vmem>>, vector<16xi32>,
    %swap3A_59 = vector.shape_cast %swap3A_58 : vector<16xi32> to vector<16xi32>
    %swap3A_60 = vector.shape_cast %and3A_56 : vector<16xi32> to vector<16xi32>
    tpu.vector_store %arg6[%swap3A_57], %swap3A_60 {strides = array<i32>} : memref<80xi32, #tpu.memory_space<vmem>>, vector<16xi32>,
    %shift_right_arithmetic3A_61 = arith.constant 16 : i32
    %shift_right_arithmetic3A_62 = vector.broadcast %shift_right_arithmetic3A_61 : i32 to vector<16xi32>
    %shift_right_arithmetic3A_63 = arith.shrsi %get3A_53, %shift_right_arithmetic3A_62 : vector<16xi32>
    %swap3A_64 = arith.constant 32 : index
    %swap3A_65 = tpu.vector_load %arg9[%swap3A_64] {strides = array<i32>} : memref<80xi32, #tpu.memory_space<vmem>>, vector<16xi32>,
    %swap3A_66 = vector.shape_cast %swap3A_65 : vector<16xi32> to vector<16xi32>
    %swap3A_67 = vector.shape_cast %shift_right_arithmetic3A_63 : vector<16xi32> to vector<16xi32>
    tpu.vector_store %arg9[%swap3A_64], %swap3A_67 {strides = array<i32>} : memref<80xi32, #tpu.memory_space<vmem>>, vector<16xi32>,
    %get3A_68 = arith.constant 0 : i32
    %get3A_69 = arith.index_cast %get3A_68 : i32 to index
    %get3A_70 = arith.constant 48 : index
    %get3A_71 = tpu.vector_load %arg5[%get3A_69, %get3A_70] {strides = array<i32>} : memref<125x80xi32, #tpu.memory_space<vmem>>, vector<1x16xi32>,
    %get3A_72 = vector.shape_cast %get3A_71 : vector<1x16xi32> to vector<16xi32>
    %and3A_73 = arith.constant 65535 : i32
    %and3A_74 = vector.broadcast %and3A_73 : i32 to vector<16xi32>
    %and3A_75 = arith.andi %get3A_72, %and3A_74 : vector<16xi32>
    %swap3A_76 = arith.constant 48 : index
    %swap3A_77 = tpu.vector_load %arg6[%swap3A_76] {strides = array<i32>} : memref<80xi32, #tpu.memory_space<vmem>>, vector<16xi32>,
    %swap3A_78 = vector.shape_cast %swap3A_77 : vector<16xi32> to vector<16xi32>
    %swap3A_79 = vector.shape_cast %and3A_75 : vector<16xi32> to vector<16xi32>
    tpu.vector_store %arg6[%swap3A_76], %swap3A_79 {strides = array<i32>} : memref<80xi32, #tpu.memory_space<vmem>>, vector<16xi32>,
    %shift_right_arithmetic3A_80 = arith.constant 16 : i32
    %shift_right_arithmetic3A_81 = vector.broadcast %shift_right_arithmetic3A_80 : i32 to vector<16xi32>
    %shift_right_arithmetic3A_82 = arith.shrsi %get3A_72, %shift_right_arithmetic3A_81 : vector<16xi32>
    %swap3A_83 = arith.constant 48 : index
    %swap3A_84 = tpu.vector_load %arg9[%swap3A_83] {strides = array<i32>} : memref<80xi32, #tpu.memory_space<vmem>>, vector<16xi32>,
    %swap3A_85 = vector.shape_cast %swap3A_84 : vector<16xi32> to vector<16xi32>
    %swap3A_86 = vector.shape_cast %shift_right_arithmetic3A_82 : vector<16xi32> to vector<16xi32>
    tpu.vector_store %arg9[%swap3A_83], %swap3A_86 {strides = array<i32>} : memref<80xi32, #tpu.memory_space<vmem>>, vector<16xi32>,
    %get3A_87 = arith.constant 0 : i32
    %get3A_88 = arith.index_cast %get3A_87 : i32 to index
    %get3A_89 = arith.constant 64 : index
    %get3A_90 = tpu.vector_load %arg5[%get3A_88, %get3A_89] {strides = array<i32>} : memref<125x80xi32, #tpu.memory_space<vmem>>, vector<1x16xi32>,
    %get3A_91 = vector.shape_cast %get3A_90 : vector<1x16xi32> to vector<16xi32>
    %and3A_92 = arith.constant 65535 : i32
    %and3A_93 = vector.broadcast %and3A_92 : i32 to vector<16xi32>
    %and3A_94 = arith.andi %get3A_91, %and3A_93 : vector<16xi32>
    %swap3A_95 = arith.constant 64 : index
    %swap3A_96 = tpu.vector_load %arg6[%swap3A_95] {strides = array<i32>} : memref<80xi32, #tpu.memory_space<vmem>>, vector<16xi32>,
    %swap3A_97 = vector.shape_cast %swap3A_96 : vector<16xi32> to vector<16xi32>
    %swap3A_98 = vector.shape_cast %and3A_94 : vector<16xi32> to vector<16xi32>
    tpu.vector_store %arg6[%swap3A_95], %swap3A_98 {strides = array<i32>} : memref<80xi32, #tpu.memory_space<vmem>>, vector<16xi32>,
    %shift_right_arithmetic3A_99 = arith.constant 16 : i32
    %shift_right_arithmetic3A_100 = vector.broadcast %shift_right_arithmetic3A_99 : i32 to vector<16xi32>
    %shift_right_arithmetic3A_101 = arith.shrsi %get3A_91, %shift_right_arithmetic3A_100 : vector<16xi32>
    %swap3A_102 = arith.constant 64 : index
    %swap3A_103 = tpu.vector_load %arg9[%swap3A_102] {strides = array<i32>} : memref<80xi32, #tpu.memory_space<vmem>>, vector<16xi32>,
    %swap3A_104 = vector.shape_cast %swap3A_103 : vector<16xi32> to vector<16xi32>
    %swap3A_105 = vector.shape_cast %shift_right_arithmetic3A_101 : vector<16xi32> to vector<16xi32>
    tpu.vector_store %arg9[%swap3A_102], %swap3A_105 {strides = array<i32>} : memref<80xi32, #tpu.memory_space<vmem>>, vector<16xi32>,
    %dma_start3A = arith.constant 0 : i32
    %dma_start3A_106 = arith.constant 0 : i32
    %dma_start3A_107 = tpu.memref_slice %arg2[%dma_start3A, %dma_start3A_106] : memref<10000x128xf32, #tpu.memory_space<hbm>> -> memref<10000x128xf32, #tpu.memory_space<hbm>>
    tpu.enqueue_indirect_dma source(%dma_start3A_107 : memref<10000x128xf32, #tpu.memory_space<hbm>>) target(%arg12 : memref<80x128xf32, #tpu.memory_space<vmem>>) offsets(%arg6 : memref<80xi32, #tpu.memory_space<vmem>>) semaphore(%arg16 : memref<!tpu.dma_semaphore, #tpu.memory_space<semaphore_mem>>)
    %get3A_108 = arith.constant 1 : i32
    %get3A_109 = arith.index_cast %get3A_108 : i32 to index
    %get3A_110 = arith.constant 0 : index
    %get3A_111 = tpu.vector_load %arg5[%get3A_109, %get3A_110] {strides = array<i32>} : memref<125x80xi32, #tpu.memory_space<vmem>>, vector<1x16xi32>,
    %get3A_112 = vector.shape_cast %get3A_111 : vector<1x16xi32> to vector<16xi32>
    %and3A_113 = arith.constant 65535 : i32
    %and3A_114 = vector.broadcast %and3A_113 : i32 to vector<16xi32>
    %and3A_115 = arith.andi %get3A_112, %and3A_114 : vector<16xi32>
    %swap3A_116 = arith.constant 0 : index
    %swap3A_117 = tpu.vector_load %arg7[%swap3A_116] {strides = array<i32>} : memref<80xi32, #tpu.memory_space<vmem>>, vector<16xi32>,
    %swap3A_118 = vector.shape_cast %swap3A_117 : vector<16xi32> to vector<16xi32>
    %swap3A_119 = vector.shape_cast %and3A_115 : vector<16xi32> to vector<16xi32>
    tpu.vector_store %arg7[%swap3A_116], %swap3A_119 {strides = array<i32>} : memref<80xi32, #tpu.memory_space<vmem>>, vector<16xi32>,
    %shift_right_arithmetic3A_120 = arith.constant 16 : i32
    %shift_right_arithmetic3A_121 = vector.broadcast %shift_right_arithmetic3A_120 : i32 to vector<16xi32>
    %shift_right_arithmetic3A_122 = arith.shrsi %get3A_112, %shift_right_arithmetic3A_121 : vector<16xi32>
    %swap3A_123 = arith.constant 0 : index
    %swap3A_124 = tpu.vector_load %arg10[%swap3A_123] {strides = array<i32>} : memref<80xi32, #tpu.memory_space<vmem>>, vector<16xi32>,
    %swap3A_125 = vector.shape_cast %swap3A_124 : vector<16xi32> to vector<16xi32>
    %swap3A_126 = vector.shape_cast %shift_right_arithmetic3A_122 : vector<16xi32> to vector<16xi32>
    tpu.vector_store %arg10[%swap3A_123], %swap3A_126 {strides = array<i32>} : memref<80xi32, #tpu.memory_space<vmem>>, vector<16xi32>,
    %get3A_127 = arith.constant 1 : i32
    %get3A_128 = arith.index_cast %get3A_127 : i32 to index
    %get3A_129 = arith.constant 16 : index
    %get3A_130 = tpu.vector_load %arg5[%get3A_128, %get3A_129] {strides = array<i32>} : memref<125x80xi32, #tpu.memory_space<vmem>>, vector<1x16xi32>,
    %get3A_131 = vector.shape_cast %get3A_130 : vector<1x16xi32> to vector<16xi32>
    %and3A_132 = arith.constant 65535 : i32
    %and3A_133 = vector.broadcast %and3A_132 : i32 to vector<16xi32>
    %and3A_134 = arith.andi %get3A_131, %and3A_133 : vector<16xi32>
    %swap3A_135 = arith.constant 16 : index
    %swap3A_136 = tpu.vector_load %arg7[%swap3A_135] {strides = array<i32>} : memref<80xi32, #tpu.memory_space<vmem>>, vector<16xi32>,
    %swap3A_137 = vector.shape_cast %swap3A_136 : vector<16xi32> to vector<16xi32>
    %swap3A_138 = vector.shape_cast %and3A_134 : vector<16xi32> to vector<16xi32>
    tpu.vector_store %arg7[%swap3A_135], %swap3A_138 {strides = array<i32>} : memref<80xi32, #tpu.memory_space<vmem>>, vector<16xi32>,
    %shift_right_arithmetic3A_139 = arith.constant 16 : i32
    %shift_right_arithmetic3A_140 = vector.broadcast %shift_right_arithmetic3A_139 : i32 to vector<16xi32>
    %shift_right_arithmetic3A_141 = arith.shrsi %get3A_131, %shift_right_arithmetic3A_140 : vector<16xi32>
    %swap3A_142 = arith.constant 16 : index
    %swap3A_143 = tpu.vector_load %arg10[%swap3A_142] {strides = array<i32>} : memref<80xi32, #tpu.memory_space<vmem>>, vector<16xi32>,
    %swap3A_144 = vector.shape_cast %swap3A_143 : vector<16xi32> to vector<16xi32>
    %swap3A_145 = vector.shape_cast %shift_right_arithmetic3A_141 : vector<16xi32> to vector<16xi32>
    tpu.vector_store %arg10[%swap3A_142], %swap3A_145 {strides = array<i32>} : memref<80xi32, #tpu.memory_space<vmem>>, vector<16xi32>,
    %get3A_146 = arith.constant 1 : i32
    %get3A_147 = arith.index_cast %get3A_146 : i32 to index
    %get3A_148 = arith.constant 32 : index
    %get3A_149 = tpu.vector_load %arg5[%get3A_147, %get3A_148] {strides = array<i32>} : memref<125x80xi32, #tpu.memory_space<vmem>>, vector<1x16xi32>,
    %get3A_150 = vector.shape_cast %get3A_149 : vector<1x16xi32> to vector<16xi32>
    %and3A_151 = arith.constant 65535 : i32
    %and3A_152 = vector.broadcast %and3A_151 : i32 to vector<16xi32>
    %and3A_153 = arith.andi %get3A_150, %and3A_152 : vector<16xi32>
    %swap3A_154 = arith.constant 32 : index
    %swap3A_155 = tpu.vector_load %arg7[%swap3A_154] {strides = array<i32>} : memref<80xi32, #tpu.memory_space<vmem>>, vector<16xi32>,
    %swap3A_156 = vector.shape_cast %swap3A_155 : vector<16xi32> to vector<16xi32>
    %swap3A_157 = vector.shape_cast %and3A_153 : vector<16xi32> to vector<16xi32>
    tpu.vector_store %arg7[%swap3A_154], %swap3A_157 {strides = array<i32>} : memref<80xi32, #tpu.memory_space<vmem>>, vector<16xi32>,
    %shift_right_arithmetic3A_158 = arith.constant 16 : i32
    %shift_right_arithmetic3A_159 = vector.broadcast %shift_right_arithmetic3A_158 : i32 to vector<16xi32>
    %shift_right_arithmetic3A_160 = arith.shrsi %get3A_150, %shift_right_arithmetic3A_159 : vector<16xi32>
    %swap3A_161 = arith.constant 32 : index
    %swap3A_162 = tpu.vector_load %arg10[%swap3A_161] {strides = array<i32>} : memref<80xi32, #tpu.memory_space<vmem>>, vector<16xi32>,
    %swap3A_163 = vector.shape_cast %swap3A_162 : vector<16xi32> to vector<16xi32>
    %swap3A_164 = vector.shape_cast %shift_right_arithmetic3A_160 : vector<16xi32> to vector<16xi32>
    tpu.vector_store %arg10[%swap3A_161], %swap3A_164 {strides = array<i32>} : memref<80xi32, #tpu.memory_space<vmem>>, vector<16xi32>,
    %get3A_165 = arith.constant 1 : i32
    %get3A_166 = arith.index_cast %get3A_165 : i32 to index
    %get3A_167 = arith.constant 48 : index
    %get3A_168 = tpu.vector_load %arg5[%get3A_166, %get3A_167] {strides = array<i32>} : memref<125x80xi32, #tpu.memory_space<vmem>>, vector<1x16xi32>,
    %get3A_169 = vector.shape_cast %get3A_168 : vector<1x16xi32> to vector<16xi32>
    %and3A_170 = arith.constant 65535 : i32
    %and3A_171 = vector.broadcast %and3A_170 : i32 to vector<16xi32>
    %and3A_172 = arith.andi %get3A_169, %and3A_171 : vector<16xi32>
    %swap3A_173 = arith.constant 48 : index
    %swap3A_174 = tpu.vector_load %arg7[%swap3A_173] {strides = array<i32>} : memref<80xi32, #tpu.memory_space<vmem>>, vector<16xi32>,
    %swap3A_175 = vector.shape_cast %swap3A_174 : vector<16xi32> to vector<16xi32>
    %swap3A_176 = vector.shape_cast %and3A_172 : vector<16xi32> to vector<16xi32>
    tpu.vector_store %arg7[%swap3A_173], %swap3A_176 {strides = array<i32>} : memref<80xi32, #tpu.memory_space<vmem>>, vector<16xi32>,
    %shift_right_arithmetic3A_177 = arith.constant 16 : i32
    %shift_right_arithmetic3A_178 = vector.broadcast %shift_right_arithmetic3A_177 : i32 to vector<16xi32>
    %shift_right_arithmetic3A_179 = arith.shrsi %get3A_169, %shift_right_arithmetic3A_178 : vector<16xi32>
    %swap3A_180 = arith.constant 48 : index
    %swap3A_181 = tpu.vector_load %arg10[%swap3A_180] {strides = array<i32>} : memref<80xi32, #tpu.memory_space<vmem>>, vector<16xi32>,
    %swap3A_182 = vector.shape_cast %swap3A_181 : vector<16xi32> to vector<16xi32>
    %swap3A_183 = vector.shape_cast %shift_right_arithmetic3A_179 : vector<16xi32> to vector<16xi32>
    tpu.vector_store %arg10[%swap3A_180], %swap3A_183 {strides = array<i32>} : memref<80xi32, #tpu.memory_space<vmem>>, vector<16xi32>,
    %get3A_184 = arith.constant 1 : i32
    %get3A_185 = arith.index_cast %get3A_184 : i32 to index
    %get3A_186 = arith.constant 64 : index
    %get3A_187 = tpu.vector_load %arg5[%get3A_185, %get3A_186] {strides = array<i32>} : memref<125x80xi32, #tpu.memory_space<vmem>>, vector<1x16xi32>,
    %get3A_188 = vector.shape_cast %get3A_187 : vector<1x16xi32> to vector<16xi32>
    %and3A_189 = arith.constant 65535 : i32
    %and3A_190 = vector.broadcast %and3A_189 : i32 to vector<16xi32>
    %and3A_191 = arith.andi %get3A_188, %and3A_190 : vector<16xi32>
    %swap3A_192 = arith.constant 64 : index
    %swap3A_193 = tpu.vector_load %arg7[%swap3A_192] {strides = array<i32>} : memref<80xi32, #tpu.memory_space<vmem>>, vector<16xi32>,
    %swap3A_194 = vector.shape_cast %swap3A_193 : vector<16xi32> to vector<16xi32>
    %swap3A_195 = vector.shape_cast %and3A_191 : vector<16xi32> to vector<16xi32>
    tpu.vector_store %arg7[%swap3A_192], %swap3A_195 {strides = array<i32>} : memref<80xi32, #tpu.memory_space<vmem>>, vector<16xi32>,
    %shift_right_arithmetic3A_196 = arith.constant 16 : i32
    %shift_right_arithmetic3A_197 = vector.broadcast %shift_right_arithmetic3A_196 : i32 to vector<16xi32>
    %shift_right_arithmetic3A_198 = arith.shrsi %get3A_188, %shift_right_arithmetic3A_197 : vector<16xi32>
    %swap3A_199 = arith.constant 64 : index
    %swap3A_200 = tpu.vector_load %arg10[%swap3A_199] {strides = array<i32>} : memref<80xi32, #tpu.memory_space<vmem>>, vector<16xi32>,
    %swap3A_201 = vector.shape_cast %swap3A_200 : vector<16xi32> to vector<16xi32>
    %swap3A_202 = vector.shape_cast %shift_right_arithmetic3A_198 : vector<16xi32> to vector<16xi32>
    tpu.vector_store %arg10[%swap3A_199], %swap3A_202 {strides = array<i32>} : memref<80xi32, #tpu.memory_space<vmem>>, vector<16xi32>,
    %dma_start3A_203 = arith.constant 0 : i32
    %dma_start3A_204 = arith.constant 0 : i32
    %dma_start3A_205 = tpu.memref_slice %arg2[%dma_start3A_203, %dma_start3A_204] : memref<10000x128xf32, #tpu.memory_space<hbm>> -> memref<10000x128xf32, #tpu.memory_space<hbm>>
    tpu.enqueue_indirect_dma source(%dma_start3A_205 : memref<10000x128xf32, #tpu.memory_space<hbm>>) target(%arg13 : memref<80x128xf32, #tpu.memory_space<vmem>>) offsets(%arg7 : memref<80xi32, #tpu.memory_space<vmem>>) semaphore(%arg17 : memref<!tpu.dma_semaphore, #tpu.memory_space<semaphore_mem>>)
    %dma_wait3A = arith.constant 0 : i32
    %dma_wait3A_206 = arith.constant 0 : i32
    %dma_wait3A_207 = tpu.memref_slice %arg2[%dma_wait3A, %dma_wait3A_206] : memref<10000x128xf32, #tpu.memory_space<hbm>> -> memref<10000x128xf32, #tpu.memory_space<hbm>>
    tpu.wait_indirect_dma semaphore(%arg16 : memref<!tpu.dma_semaphore, #tpu.memory_space<semaphore_mem>>) src(%dma_wait3A_207 : memref<10000x128xf32, #tpu.memory_space<hbm>>) dst(%arg12 : memref<80x128xf32, #tpu.memory_space<vmem>>)
    %dma_start3A_208 = arith.constant 0 : i32
    %dma_start3A_209 = arith.constant 0 : i32
    %dma_start3A_210 = tpu.memref_slice %arg15[%dma_start3A_208, %dma_start3A_209] : memref<10240x128xf32, #tpu.memory_space<vmem_shared>> -> memref<10240x128xf32, #tpu.memory_space<vmem_shared>>
    tpu.enqueue_indirect_dma source(%arg12 : memref<80x128xf32, #tpu.memory_space<vmem>>) target(%dma_start3A_210 : memref<10240x128xf32, #tpu.memory_space<vmem_shared>>) offsets(%arg9 : memref<80xi32, #tpu.memory_space<vmem>>) semaphore(%arg19 : memref<!tpu.dma_semaphore, #tpu.memory_space<semaphore_mem>>) {add = true}
    %get3A_211 = arith.constant 2 : i32
    %get3A_212 = arith.index_cast %get3A_211 : i32 to index
    %get3A_213 = arith.constant 0 : index
    %get3A_214 = tpu.vector_load %arg5[%get3A_212, %get3A_213] {strides = array<i32>} : memref<125x80xi32, #tpu.memory_space<vmem>>, vector<1x16xi32>,
    %get3A_215 = vector.shape_cast %get3A_214 : vector<1x16xi32> to vector<16xi32>
    %and3A_216 = arith.constant 65535 : i32
    %and3A_217 = vector.broadcast %and3A_216 : i32 to vector<16xi32>
    %and3A_218 = arith.andi %get3A_215, %and3A_217 : vector<16xi32>
    %swap3A_219 = arith.constant 0 : index
    %swap3A_220 = tpu.vector_load %arg8[%swap3A_219] {strides = array<i32>} : memref<80xi32, #tpu.memory_space<vmem>>, vector<16xi32>,
    %swap3A_221 = vector.shape_cast %swap3A_220 : vector<16xi32> to vector<16xi32>
    %swap3A_222 = vector.shape_cast %and3A_218 : vector<16xi32> to vector<16xi32>
    tpu.vector_store %arg8[%swap3A_219], %swap3A_222 {strides = array<i32>} : memref<80xi32, #tpu.memory_space<vmem>>, vector<16xi32>,
    %shift_right_arithmetic3A_223 = arith.constant 16 : i32
    %shift_right_arithmetic3A_224 = vector.broadcast %shift_right_arithmetic3A_223 : i32 to vector<16xi32>
    %shift_right_arithmetic3A_225 = arith.shrsi %get3A_215, %shift_right_arithmetic3A_224 : vector<16xi32>
    %swap3A_226 = arith.constant 0 : index
    %swap3A_227 = tpu.vector_load %arg11[%swap3A_226] {strides = array<i32>} : memref<80xi32, #tpu.memory_space<vmem>>, vector<16xi32>,
    %swap3A_228 = vector.shape_cast %swap3A_227 : vector<16xi32> to vector<16xi32>
    %swap3A_229 = vector.shape_cast %shift_right_arithmetic3A_225 : vector<16xi32> to vector<16xi32>
    tpu.vector_store %arg11[%swap3A_226], %swap3A_229 {strides = array<i32>} : memref<80xi32, #tpu.memory_space<vmem>>, vector<16xi32>,
    %get3A_230 = arith.constant 2 : i32
    %get3A_231 = arith.index_cast %get3A_230 : i32 to index
    %get3A_232 = arith.constant 16 : index
    %get3A_233 = tpu.vector_load %arg5[%get3A_231, %get3A_232] {strides = array<i32>} : memref<125x80xi32, #tpu.memory_space<vmem>>, vector<1x16xi32>,
    %get3A_234 = vector.shape_cast %get3A_233 : vector<1x16xi32> to vector<16xi32>
    %and3A_235 = arith.constant 65535 : i32
    %and3A_236 = vector.broadcast %and3A_235 : i32 to vector<16xi32>
    %and3A_237 = arith.andi %get3A_234, %and3A_236 : vector<16xi32>
    %swap3A_238 = arith.constant 16 : index
    %swap3A_239 = tpu.vector_load %arg8[%swap3A_238] {strides = array<i32>} : memref<80xi32, #tpu.memory_space<vmem>>, vector<16xi32>,
    %swap3A_240 = vector.shape_cast %swap3A_239 : vector<16xi32> to vector<16xi32>
    %swap3A_241 = vector.shape_cast %and3A_237 : vector<16xi32> to vector<16xi32>
    tpu.vector_store %arg8[%swap3A_238], %swap3A_241 {strides = array<i32>} : memref<80xi32, #tpu.memory_space<vmem>>, vector<16xi32>,
    %shift_right_arithmetic3A_242 = arith.constant 16 : i32
    %shift_right_arithmetic3A_243 = vector.broadcast %shift_right_arithmetic3A_242 : i32 to vector<16xi32>
    %shift_right_arithmetic3A_244 = arith.shrsi %get3A_234, %shift_right_arithmetic3A_243 : vector<16xi32>
    %swap3A_245 = arith.constant 16 : index
    %swap3A_246 = tpu.vector_load %arg11[%swap3A_245] {strides = array<i32>} : memref<80xi32, #tpu.memory_space<vmem>>, vector<16xi32>,
    %swap3A_247 = vector.shape_cast %swap3A_246 : vector<16xi32> to vector<16xi32>
    %swap3A_248 = vector.shape_cast %shift_right_arithmetic3A_244 : vector<16xi32> to vector<16xi32>
    tpu.vector_store %arg11[%swap3A_245], %swap3A_248 {strides = array<i32>} : memref<80xi32, #tpu.memory_space<vmem>>, vector<16xi32>,
    %get3A_249 = arith.constant 2 : i32
    %get3A_250 = arith.index_cast %get3A_249 : i32 to index
    %get3A_251 = arith.constant 32 : index
    %get3A_252 = tpu.vector_load %arg5[%get3A_250, %get3A_251] {strides = array<i32>} : memref<125x80xi32, #tpu.memory_space<vmem>>, vector<1x16xi32>,
    %get3A_253 = vector.shape_cast %get3A_252 : vector<1x16xi32> to vector<16xi32>
    %and3A_254 = arith.constant 65535 : i32
    %and3A_255 = vector.broadcast %and3A_254 : i32 to vector<16xi32>
    %and3A_256 = arith.andi %get3A_253, %and3A_255 : vector<16xi32>
    %swap3A_257 = arith.constant 32 : index
    %swap3A_258 = tpu.vector_load %arg8[%swap3A_257] {strides = array<i32>} : memref<80xi32, #tpu.memory_space<vmem>>, vector<16xi32>,
    %swap3A_259 = vector.shape_cast %swap3A_258 : vector<16xi32> to vector<16xi32>
    %swap3A_260 = vector.shape_cast %and3A_256 : vector<16xi32> to vector<16xi32>
    tpu.vector_store %arg8[%swap3A_257], %swap3A_260 {strides = array<i32>} : memref<80xi32, #tpu.memory_space<vmem>>, vector<16xi32>,
    %shift_right_arithmetic3A_261 = arith.constant 16 : i32
    %shift_right_arithmetic3A_262 = vector.broadcast %shift_right_arithmetic3A_261 : i32 to vector<16xi32>
    %shift_right_arithmetic3A_263 = arith.shrsi %get3A_253, %shift_right_arithmetic3A_262 : vector<16xi32>
    %swap3A_264 = arith.constant 32 : index
    %swap3A_265 = tpu.vector_load %arg11[%swap3A_264] {strides = array<i32>} : memref<80xi32, #tpu.memory_space<vmem>>, vector<16xi32>,
    %swap3A_266 = vector.shape_cast %swap3A_265 : vector<16xi32> to vector<16xi32>
    %swap3A_267 = vector.shape_cast %shift_right_arithmetic3A_263 : vector<16xi32> to vector<16xi32>
    tpu.vector_store %arg11[%swap3A_264], %swap3A_267 {strides = array<i32>} : memref<80xi32, #tpu.memory_space<vmem>>, vector<16xi32>,
    %get3A_268 = arith.constant 2 : i32
    %get3A_269 = arith.index_cast %get3A_268 : i32 to index
    %get3A_270 = arith.constant 48 : index
    %get3A_271 = tpu.vector_load %arg5[%get3A_269, %get3A_270] {strides = array<i32>} : memref<125x80xi32, #tpu.memory_space<vmem>>, vector<1x16xi32>,
    %get3A_272 = vector.shape_cast %get3A_271 : vector<1x16xi32> to vector<16xi32>
    %and3A_273 = arith.constant 65535 : i32
    %and3A_274 = vector.broadcast %and3A_273 : i32 to vector<16xi32>
    %and3A_275 = arith.andi %get3A_272, %and3A_274 : vector<16xi32>
    %swap3A_276 = arith.constant 48 : index
    %swap3A_277 = tpu.vector_load %arg8[%swap3A_276] {strides = array<i32>} : memref<80xi32, #tpu.memory_space<vmem>>, vector<16xi32>,
    %swap3A_278 = vector.shape_cast %swap3A_277 : vector<16xi32> to vector<16xi32>
    %swap3A_279 = vector.shape_cast %and3A_275 : vector<16xi32> to vector<16xi32>
    tpu.vector_store %arg8[%swap3A_276], %swap3A_279 {strides = array<i32>} : memref<80xi32, #tpu.memory_space<vmem>>, vector<16xi32>,
    %shift_right_arithmetic3A_280 = arith.constant 16 : i32
    %shift_right_arithmetic3A_281 = vector.broadcast %shift_right_arithmetic3A_280 : i32 to vector<16xi32>
    %shift_right_arithmetic3A_282 = arith.shrsi %get3A_272, %shift_right_arithmetic3A_281 : vector<16xi32>
    %swap3A_283 = arith.constant 48 : index
    %swap3A_284 = tpu.vector_load %arg11[%swap3A_283] {strides = array<i32>} : memref<80xi32, #tpu.memory_space<vmem>>, vector<16xi32>,
    %swap3A_285 = vector.shape_cast %swap3A_284 : vector<16xi32> to vector<16xi32>
    %swap3A_286 = vector.shape_cast %shift_right_arithmetic3A_282 : vector<16xi32> to vector<16xi32>
    tpu.vector_store %arg11[%swap3A_283], %swap3A_286 {strides = array<i32>} : memref<80xi32, #tpu.memory_space<vmem>>, vector<16xi32>,
    %get3A_287 = arith.constant 2 : i32
    %get3A_288 = arith.index_cast %get3A_287 : i32 to index
    %get3A_289 = arith.constant 64 : index
    %get3A_290 = tpu.vector_load %arg5[%get3A_288, %get3A_289] {strides = array<i32>} : memref<125x80xi32, #tpu.memory_space<vmem>>, vector<1x16xi32>,
    %get3A_291 = vector.shape_cast %get3A_290 : vector<1x16xi32> to vector<16xi32>
    %and3A_292 = arith.constant 65535 : i32
    %and3A_293 = vector.broadcast %and3A_292 : i32 to vector<16xi32>
    %and3A_294 = arith.andi %get3A_291, %and3A_293 : vector<16xi32>
    %swap3A_295 = arith.constant 64 : index
    %swap3A_296 = tpu.vector_load %arg8[%swap3A_295] {strides = array<i32>} : memref<80xi32, #tpu.memory_space<vmem>>, vector<16xi32>,
    %swap3A_297 = vector.shape_cast %swap3A_296 : vector<16xi32> to vector<16xi32>
    %swap3A_298 = vector.shape_cast %and3A_294 : vector<16xi32> to vector<16xi32>
    tpu.vector_store %arg8[%swap3A_295], %swap3A_298 {strides = array<i32>} : memref<80xi32, #tpu.memory_space<vmem>>, vector<16xi32>,
    %shift_right_arithmetic3A_299 = arith.constant 16 : i32
    %shift_right_arithmetic3A_300 = vector.broadcast %shift_right_arithmetic3A_299 : i32 to vector<16xi32>
    %shift_right_arithmetic3A_301 = arith.shrsi %get3A_291, %shift_right_arithmetic3A_300 : vector<16xi32>
    %swap3A_302 = arith.constant 64 : index
    %swap3A_303 = tpu.vector_load %arg11[%swap3A_302] {strides = array<i32>} : memref<80xi32, #tpu.memory_space<vmem>>, vector<16xi32>,
    %swap3A_304 = vector.shape_cast %swap3A_303 : vector<16xi32> to vector<16xi32>
    %swap3A_305 = vector.shape_cast %shift_right_arithmetic3A_301 : vector<16xi32> to vector<16xi32>
    tpu.vector_store %arg11[%swap3A_302], %swap3A_305 {strides = array<i32>} : memref<80xi32, #tpu.memory_space<vmem>>, vector<16xi32>,
    %dma_start3A_306 = arith.constant 0 : i32
    %dma_start3A_307 = arith.constant 0 : i32
    %dma_start3A_308 = tpu.memref_slice %arg2[%dma_start3A_306, %dma_start3A_307] : memref<10000x128xf32, #tpu.memory_space<hbm>> -> memref<10000x128xf32, #tpu.memory_space<hbm>>
    tpu.enqueue_indirect_dma source(%dma_start3A_308 : memref<10000x128xf32, #tpu.memory_space<hbm>>) target(%arg14 : memref<80x128xf32, #tpu.memory_space<vmem>>) offsets(%arg8 : memref<80xi32, #tpu.memory_space<vmem>>) semaphore(%arg18 : memref<!tpu.dma_semaphore, #tpu.memory_space<semaphore_mem>>)
    %scan3A_309 = arith.constant 0 : i32
    %scan3A_310 = arith.constant 0 : i32
    %scan3A_311 = arith.constant 40 : i32
    %scan3A_312 = arith.addi %scan3A_310, %scan3A_311 : i32
    %scan3A_313 = arith.constant 1 : i32
    %scan3A_314 = scf.for %scan3A_559 = %scan3A_310 to %scan3A_312 step %scan3A_313 iter_args(%scan3A_560 = %scan3A_309) -> (i32)  : i32 {
      %mul3A_561 = arith.constant 3 : i32
      %mul3A_562 = arith.muli %mul3A_561, %scan3A_559 : i32
      %add3A_563 = arith.constant 1 : i32
      %add3A_564 = arith.addi %mul3A_562, %add3A_563 : i32
      %dma_wait3A_565 = arith.constant 0 : i32
      %dma_wait3A_566 = arith.constant 0 : i32
      %dma_wait3A_567 = tpu.memref_slice %arg2[%dma_wait3A_565, %dma_wait3A_566] : memref<10000x128xf32, #tpu.memory_space<hbm>> -> memref<10000x128xf32, #tpu.memory_space<hbm>>
      tpu.wait_indirect_dma semaphore(%arg17 : memref<!tpu.dma_semaphore, #tpu.memory_space<semaphore_mem>>) src(%dma_wait3A_567 : memref<10000x128xf32, #tpu.memory_space<hbm>>) dst(%arg13 : memref<80x128xf32, #tpu.memory_space<vmem>>)
      %dma_start3A_568 = arith.constant 0 : i32
      %dma_start3A_569 = arith.constant 0 : i32
      %dma_start3A_570 = tpu.memref_slice %arg15[%dma_start3A_568, %dma_start3A_569] : memref<10240x128xf32, #tpu.memory_space<vmem_shared>> -> memref<10240x128xf32, #tpu.memory_space<vmem_shared>>
      tpu.enqueue_indirect_dma source(%arg13 : memref<80x128xf32, #tpu.memory_space<vmem>>) target(%dma_start3A_570 : memref<10240x128xf32, #tpu.memory_space<vmem_shared>>) offsets(%arg10 : memref<80xi32, #tpu.memory_space<vmem>>) semaphore(%arg20 : memref<!tpu.dma_semaphore, #tpu.memory_space<semaphore_mem>>) {add = true}
      %dma_wait3A_571 = arith.constant 0 : i32
      %dma_wait3A_572 = arith.constant 0 : i32
      %dma_wait3A_573 = tpu.memref_slice %arg15[%dma_wait3A_571, %dma_wait3A_572] : memref<10240x128xf32, #tpu.memory_space<vmem_shared>> -> memref<10240x128xf32, #tpu.memory_space<vmem_shared>>
      tpu.wait_indirect_dma semaphore(%arg19 : memref<!tpu.dma_semaphore, #tpu.memory_space<semaphore_mem>>) src(%arg12 : memref<80x128xf32, #tpu.memory_space<vmem>>) dst(%dma_wait3A_573 : memref<10240x128xf32, #tpu.memory_space<vmem_shared>>)
      %add3A_574 = arith.constant 2 : i32
      %add3A_575 = arith.addi %add3A_564, %add3A_574 : i32
      %get3A_576 = arith.index_cast %add3A_575 : i32 to index
      %get3A_577 = arith.constant 0 : index
      %get3A_578 = tpu.vector_load %arg5[%get3A_576, %get3A_577] {strides = array<i32>} : memref<125x80xi32, #tpu.memory_space<vmem>>, vector<1x16xi32>,
      %get3A_579 = vector.shape_cast %get3A_578 : vector<1x16xi32> to vector<16xi32>
      %and3A_580 = arith.constant 65535 : i32
      %and3A_581 = vector.broadcast %and3A_580 : i32 to vector<16xi32>
      %and3A_582 = arith.andi %get3A_579, %and3A_581 : vector<16xi32>
      %swap3A_583 = arith.constant 0 : index
      %swap3A_584 = tpu.vector_load %arg6[%swap3A_583] {strides = array<i32>} : memref<80xi32, #tpu.memory_space<vmem>>, vector<16xi32>,
      %swap3A_585 = vector.shape_cast %swap3A_584 : vector<16xi32> to vector<16xi32>
      %swap3A_586 = vector.shape_cast %and3A_582 : vector<16xi32> to vector<16xi32>
      tpu.vector_store %arg6[%swap3A_583], %swap3A_586 {strides = array<i32>} : memref<80xi32, #tpu.memory_space<vmem>>, vector<16xi32>,
      %shift_right_arithmetic3A_587 = arith.constant 16 : i32
      %shift_right_arithmetic3A_588 = vector.broadcast %shift_right_arithmetic3A_587 : i32 to vector<16xi32>
      %shift_right_arithmetic3A_589 = arith.shrsi %get3A_579, %shift_right_arithmetic3A_588 : vector<16xi32>
      %swap3A_590 = arith.constant 0 : index
      %swap3A_591 = tpu.vector_load %arg9[%swap3A_590] {strides = array<i32>} : memref<80xi32, #tpu.memory_space<vmem>>, vector<16xi32>,
      %swap3A_592 = vector.shape_cast %swap3A_591 : vector<16xi32> to vector<16xi32>
      %swap3A_593 = vector.shape_cast %shift_right_arithmetic3A_589 : vector<16xi32> to vector<16xi32>
      tpu.vector_store %arg9[%swap3A_590], %swap3A_593 {strides = array<i32>} : memref<80xi32, #tpu.memory_space<vmem>>, vector<16xi32>,
      %get3A_594 = arith.index_cast %add3A_575 : i32 to index
      %get3A_595 = arith.constant 16 : index
      %get3A_596 = tpu.vector_load %arg5[%get3A_594, %get3A_595] {strides = array<i32>} : memref<125x80xi32, #tpu.memory_space<vmem>>, vector<1x16xi32>,
      %get3A_597 = vector.shape_cast %get3A_596 : vector<1x16xi32> to vector<16xi32>
      %and3A_598 = arith.constant 65535 : i32
      %and3A_599 = vector.broadcast %and3A_598 : i32 to vector<16xi32>
      %and3A_600 = arith.andi %get3A_597, %and3A_599 : vector<16xi32>
      %swap3A_601 = arith.constant 16 : index
      %swap3A_602 = tpu.vector_load %arg6[%swap3A_601] {strides = array<i32>} : memref<80xi32, #tpu.memory_space<vmem>>, vector<16xi32>,
      %swap3A_603 = vector.shape_cast %swap3A_602 : vector<16xi32> to vector<16xi32>
      %swap3A_604 = vector.shape_cast %and3A_600 : vector<16xi32> to vector<16xi32>
      tpu.vector_store %arg6[%swap3A_601], %swap3A_604 {strides = array<i32>} : memref<80xi32, #tpu.memory_space<vmem>>, vector<16xi32>,
      %shift_right_arithmetic3A_605 = arith.constant 16 : i32
      %shift_right_arithmetic3A_606 = vector.broadcast %shift_right_arithmetic3A_605 : i32 to vector<16xi32>
      %shift_right_arithmetic3A_607 = arith.shrsi %get3A_597, %shift_right_arithmetic3A_606 : vector<16xi32>
      %swap3A_608 = arith.constant 16 : index
      %swap3A_609 = tpu.vector_load %arg9[%swap3A_608] {strides = array<i32>} : memref<80xi32, #tpu.memory_space<vmem>>, vector<16xi32>,
      %swap3A_610 = vector.shape_cast %swap3A_609 : vector<16xi32> to vector<16xi32>
      %swap3A_611 = vector.shape_cast %shift_right_arithmetic3A_607 : vector<16xi32> to vector<16xi32>
      tpu.vector_store %arg9[%swap3A_608], %swap3A_611 {strides = array<i32>} : memref<80xi32, #tpu.memory_space<vmem>>, vector<16xi32>,
      %get3A_612 = arith.index_cast %add3A_575 : i32 to index
      %get3A_613 = arith.constant 32 : index
      %get3A_614 = tpu.vector_load %arg5[%get3A_612, %get3A_613] {strides = array<i32>} : memref<125x80xi32, #tpu.memory_space<vmem>>, vector<1x16xi32>,
      %get3A_615 = vector.shape_cast %get3A_614 : vector<1x16xi32> to vector<16xi32>
      %and3A_616 = arith.constant 65535 : i32
      %and3A_617 = vector.broadcast %and3A_616 : i32 to vector<16xi32>
      %and3A_618 = arith.andi %get3A_615, %and3A_617 : vector<16xi32>
      %swap3A_619 = arith.constant 32 : index
      %swap3A_620 = tpu.vector_load %arg6[%swap3A_619] {strides = array<i32>} : memref<80xi32, #tpu.memory_space<vmem>>, vector<16xi32>,
      %swap3A_621 = vector.shape_cast %swap3A_620 : vector<16xi32> to vector<16xi32>
      %swap3A_622 = vector.shape_cast %and3A_618 : vector<16xi32> to vector<16xi32>
      tpu.vector_store %arg6[%swap3A_619], %swap3A_622 {strides = array<i32>} : memref<80xi32, #tpu.memory_space<vmem>>, vector<16xi32>,
      %shift_right_arithmetic3A_623 = arith.constant 16 : i32
      %shift_right_arithmetic3A_624 = vector.broadcast %shift_right_arithmetic3A_623 : i32 to vector<16xi32>
      %shift_right_arithmetic3A_625 = arith.shrsi %get3A_615, %shift_right_arithmetic3A_624 : vector<16xi32>
      %swap3A_626 = arith.constant 32 : index
      %swap3A_627 = tpu.vector_load %arg9[%swap3A_626] {strides = array<i32>} : memref<80xi32, #tpu.memory_space<vmem>>, vector<16xi32>,
      %swap3A_628 = vector.shape_cast %swap3A_627 : vector<16xi32> to vector<16xi32>
      %swap3A_629 = vector.shape_cast %shift_right_arithmetic3A_625 : vector<16xi32> to vector<16xi32>
      tpu.vector_store %arg9[%swap3A_626], %swap3A_629 {strides = array<i32>} : memref<80xi32, #tpu.memory_space<vmem>>, vector<16xi32>,
      %get3A_630 = arith.index_cast %add3A_575 : i32 to index
      %get3A_631 = arith.constant 48 : index
      %get3A_632 = tpu.vector_load %arg5[%get3A_630, %get3A_631] {strides = array<i32>} : memref<125x80xi32, #tpu.memory_space<vmem>>, vector<1x16xi32>,
      %get3A_633 = vector.shape_cast %get3A_632 : vector<1x16xi32> to vector<16xi32>
      %and3A_634 = arith.constant 65535 : i32
      %and3A_635 = vector.broadcast %and3A_634 : i32 to vector<16xi32>
      %and3A_636 = arith.andi %get3A_633, %and3A_635 : vector<16xi32>
      %swap3A_637 = arith.constant 48 : index
      %swap3A_638 = tpu.vector_load %arg6[%swap3A_637] {strides = array<i32>} : memref<80xi32, #tpu.memory_space<vmem>>, vector<16xi32>,
      %swap3A_639 = vector.shape_cast %swap3A_638 : vector<16xi32> to vector<16xi32>
      %swap3A_640 = vector.shape_cast %and3A_636 : vector<16xi32> to vector<16xi32>
      tpu.vector_store %arg6[%swap3A_637], %swap3A_640 {strides = array<i32>} : memref<80xi32, #tpu.memory_space<vmem>>, vector<16xi32>,
      %shift_right_arithmetic3A_641 = arith.constant 16 : i32
      %shift_right_arithmetic3A_642 = vector.broadcast %shift_right_arithmetic3A_641 : i32 to vector<16xi32>
      %shift_right_arithmetic3A_643 = arith.shrsi %get3A_633, %shift_right_arithmetic3A_642 : vector<16xi32>
      %swap3A_644 = arith.constant 48 : index
      %swap3A_645 = tpu.vector_load %arg9[%swap3A_644] {strides = array<i32>} : memref<80xi32, #tpu.memory_space<vmem>>, vector<16xi32>,
      %swap3A_646 = vector.shape_cast %swap3A_645 : vector<16xi32> to vector<16xi32>
      %swap3A_647 = vector.shape_cast %shift_right_arithmetic3A_643 : vector<16xi32> to vector<16xi32>
      tpu.vector_store %arg9[%swap3A_644], %swap3A_647 {strides = array<i32>} : memref<80xi32, #tpu.memory_space<vmem>>, vector<16xi32>,
      %get3A_648 = arith.index_cast %add3A_575 : i32 to index
      %get3A_649 = arith.constant 64 : index
      %get3A_650 = tpu.vector_load %arg5[%get3A_648, %get3A_649] {strides = array<i32>} : memref<125x80xi32, #tpu.memory_space<vmem>>, vector<1x16xi32>,
      %get3A_651 = vector.shape_cast %get3A_650 : vector<1x16xi32> to vector<16xi32>
      %and3A_652 = arith.constant 65535 : i32
      %and3A_653 = vector.broadcast %and3A_652 : i32 to vector<16xi32>
      %and3A_654 = arith.andi %get3A_651, %and3A_653 : vector<16xi32>
      %swap3A_655 = arith.constant 64 : index
      %swap3A_656 = tpu.vector_load %arg6[%swap3A_655] {strides = array<i32>} : memref<80xi32, #tpu.memory_space<vmem>>, vector<16xi32>,
      %swap3A_657 = vector.shape_cast %swap3A_656 : vector<16xi32> to vector<16xi32>
      %swap3A_658 = vector.shape_cast %and3A_654 : vector<16xi32> to vector<16xi32>
      tpu.vector_store %arg6[%swap3A_655], %swap3A_658 {strides = array<i32>} : memref<80xi32, #tpu.memory_space<vmem>>, vector<16xi32>,
      %shift_right_arithmetic3A_659 = arith.constant 16 : i32
      %shift_right_arithmetic3A_660 = vector.broadcast %shift_right_arithmetic3A_659 : i32 to vector<16xi32>
      %shift_right_arithmetic3A_661 = arith.shrsi %get3A_651, %shift_right_arithmetic3A_660 : vector<16xi32>
      %swap3A_662 = arith.constant 64 : index
      %swap3A_663 = tpu.vector_load %arg9[%swap3A_662] {strides = array<i32>} : memref<80xi32, #tpu.memory_space<vmem>>, vector<16xi32>,
      %swap3A_664 = vector.shape_cast %swap3A_663 : vector<16xi32> to vector<16xi32>
      %swap3A_665 = vector.shape_cast %shift_right_arithmetic3A_661 : vector<16xi32> to vector<16xi32>
      tpu.vector_store %arg9[%swap3A_662], %swap3A_665 {strides = array<i32>} : memref<80xi32, #tpu.memory_space<vmem>>, vector<16xi32>,
      %dma_start3A_666 = arith.constant 0 : i32
      %dma_start3A_667 = arith.constant 0 : i32
      %dma_start3A_668 = tpu.memref_slice %arg2[%dma_start3A_666, %dma_start3A_667] : memref<10000x128xf32, #tpu.memory_space<hbm>> -> memref<10000x128xf32, #tpu.memory_space<hbm>>
      tpu.enqueue_indirect_dma source(%dma_start3A_668 : memref<10000x128xf32, #tpu.memory_space<hbm>>) target(%arg12 : memref<80x128xf32, #tpu.memory_space<vmem>>) offsets(%arg6 : memref<80xi32, #tpu.memory_space<vmem>>) semaphore(%arg16 : memref<!tpu.dma_semaphore, #tpu.memory_space<semaphore_mem>>)
      %add3A_669 = arith.constant 1 : i32
      %add3A_670 = arith.addi %add3A_564, %add3A_669 : i32
      %dma_wait3A_671 = arith.constant 0 : i32
      %dma_wait3A_672 = arith.constant 0 : i32
      %dma_wait3A_673 = tpu.memref_slice %arg2[%dma_wait3A_671, %dma_wait3A_672] : memref<10000x128xf32, #tpu.memory_space<hbm>> -> memref<10000x128xf32, #tpu.memory_space<hbm>>
      tpu.wait_indirect_dma semaphore(%arg18 : memref<!tpu.dma_semaphore, #tpu.memory_space<semaphore_mem>>) src(%dma_wait3A_673 : memref<10000x128xf32, #tpu.memory_space<hbm>>) dst(%arg14 : memref<80x128xf32, #tpu.memory_space<vmem>>)
      %dma_start3A_674 = arith.constant 0 : i32
      %dma_start3A_675 = arith.constant 0 : i32
      %dma_start3A_676 = tpu.memref_slice %arg15[%dma_start3A_674, %dma_start3A_675] : memref<10240x128xf32, #tpu.memory_space<vmem_shared>> -> memref<10240x128xf32, #tpu.memory_space<vmem_shared>>
      tpu.enqueue_indirect_dma source(%arg14 : memref<80x128xf32, #tpu.memory_space<vmem>>) target(%dma_start3A_676 : memref<10240x128xf32, #tpu.memory_space<vmem_shared>>) offsets(%arg11 : memref<80xi32, #tpu.memory_space<vmem>>) semaphore(%arg21 : memref<!tpu.dma_semaphore, #tpu.memory_space<semaphore_mem>>) {add = true}
      %dma_wait3A_677 = arith.constant 0 : i32
      %dma_wait3A_678 = arith.constant 0 : i32
      %dma_wait3A_679 = tpu.memref_slice %arg15[%dma_wait3A_677, %dma_wait3A_678] : memref<10240x128xf32, #tpu.memory_space<vmem_shared>> -> memref<10240x128xf32, #tpu.memory_space<vmem_shared>>
      tpu.wait_indirect_dma semaphore(%arg20 : memref<!tpu.dma_semaphore, #tpu.memory_space<semaphore_mem>>) src(%arg13 : memref<80x128xf32, #tpu.memory_space<vmem>>) dst(%dma_wait3A_679 : memref<10240x128xf32, #tpu.memory_space<vmem_shared>>)
      %add3A_680 = arith.constant 2 : i32
      %add3A_681 = arith.addi %add3A_670, %add3A_680 : i32
      %get3A_682 = arith.index_cast %add3A_681 : i32 to index
      %get3A_683 = arith.constant 0 : index
      %get3A_684 = tpu.vector_load %arg5[%get3A_682, %get3A_683] {strides = array<i32>} : memref<125x80xi32, #tpu.memory_space<vmem>>, vector<1x16xi32>,
      %get3A_685 = vector.shape_cast %get3A_684 : vector<1x16xi32> to vector<16xi32>
      %and3A_686 = arith.constant 65535 : i32
      %and3A_687 = vector.broadcast %and3A_686 : i32 to vector<16xi32>
      %and3A_688 = arith.andi %get3A_685, %and3A_687 : vector<16xi32>
      %swap3A_689 = arith.constant 0 : index
      %swap3A_690 = tpu.vector_load %arg7[%swap3A_689] {strides = array<i32>} : memref<80xi32, #tpu.memory_space<vmem>>, vector<16xi32>,
      %swap3A_691 = vector.shape_cast %swap3A_690 : vector<16xi32> to vector<16xi32>
      %swap3A_692 = vector.shape_cast %and3A_688 : vector<16xi32> to vector<16xi32>
      tpu.vector_store %arg7[%swap3A_689], %swap3A_692 {strides = array<i32>} : memref<80xi32, #tpu.memory_space<vmem>>, vector<16xi32>,
      %shift_right_arithmetic3A_693 = arith.constant 16 : i32
      %shift_right_arithmetic3A_694 = vector.broadcast %shift_right_arithmetic3A_693 : i32 to vector<16xi32>
      %shift_right_arithmetic3A_695 = arith.shrsi %get3A_685, %shift_right_arithmetic3A_694 : vector<16xi32>
      %swap3A_696 = arith.constant 0 : index
      %swap3A_697 = tpu.vector_load %arg10[%swap3A_696] {strides = array<i32>} : memref<80xi32, #tpu.memory_space<vmem>>, vector<16xi32>,
      %swap3A_698 = vector.shape_cast %swap3A_697 : vector<16xi32> to vector<16xi32>
      %swap3A_699 = vector.shape_cast %shift_right_arithmetic3A_695 : vector<16xi32> to vector<16xi32>
      tpu.vector_store %arg10[%swap3A_696], %swap3A_699 {strides = array<i32>} : memref<80xi32, #tpu.memory_space<vmem>>, vector<16xi32>,
      %get3A_700 = arith.index_cast %add3A_681 : i32 to index
      %get3A_701 = arith.constant 16 : index
      %get3A_702 = tpu.vector_load %arg5[%get3A_700, %get3A_701] {strides = array<i32>} : memref<125x80xi32, #tpu.memory_space<vmem>>, vector<1x16xi32>,
      %get3A_703 = vector.shape_cast %get3A_702 : vector<1x16xi32> to vector<16xi32>
      %and3A_704 = arith.constant 65535 : i32
      %and3A_705 = vector.broadcast %and3A_704 : i32 to vector<16xi32>
      %and3A_706 = arith.andi %get3A_703, %and3A_705 : vector<16xi32>
      %swap3A_707 = arith.constant 16 : index
      %swap3A_708 = tpu.vector_load %arg7[%swap3A_707] {strides = array<i32>} : memref<80xi32, #tpu.memory_space<vmem>>, vector<16xi32>,
      %swap3A_709 = vector.shape_cast %swap3A_708 : vector<16xi32> to vector<16xi32>
      %swap3A_710 = vector.shape_cast %and3A_706 : vector<16xi32> to vector<16xi32>
      tpu.vector_store %arg7[%swap3A_707], %swap3A_710 {strides = array<i32>} : memref<80xi32, #tpu.memory_space<vmem>>, vector<16xi32>,
      %shift_right_arithmetic3A_711 = arith.constant 16 : i32
      %shift_right_arithmetic3A_712 = vector.broadcast %shift_right_arithmetic3A_711 : i32 to vector<16xi32>
      %shift_right_arithmetic3A_713 = arith.shrsi %get3A_703, %shift_right_arithmetic3A_712 : vector<16xi32>
      %swap3A_714 = arith.constant 16 : index
      %swap3A_715 = tpu.vector_load %arg10[%swap3A_714] {strides = array<i32>} : memref<80xi32, #tpu.memory_space<vmem>>, vector<16xi32>,
      %swap3A_716 = vector.shape_cast %swap3A_715 : vector<16xi32> to vector<16xi32>
      %swap3A_717 = vector.shape_cast %shift_right_arithmetic3A_713 : vector<16xi32> to vector<16xi32>
      tpu.vector_store %arg10[%swap3A_714], %swap3A_717 {strides = array<i32>} : memref<80xi32, #tpu.memory_space<vmem>>, vector<16xi32>,
      %get3A_718 = arith.index_cast %add3A_681 : i32 to index
      %get3A_719 = arith.constant 32 : index
      %get3A_720 = tpu.vector_load %arg5[%get3A_718, %get3A_719] {strides = array<i32>} : memref<125x80xi32, #tpu.memory_space<vmem>>, vector<1x16xi32>,
      %get3A_721 = vector.shape_cast %get3A_720 : vector<1x16xi32> to vector<16xi32>
      %and3A_722 = arith.constant 65535 : i32
      %and3A_723 = vector.broadcast %and3A_722 : i32 to vector<16xi32>
      %and3A_724 = arith.andi %get3A_721, %and3A_723 : vector<16xi32>
      %swap3A_725 = arith.constant 32 : index
      %swap3A_726 = tpu.vector_load %arg7[%swap3A_725] {strides = array<i32>} : memref<80xi32, #tpu.memory_space<vmem>>, vector<16xi32>,
      %swap3A_727 = vector.shape_cast %swap3A_726 : vector<16xi32> to vector<16xi32>
      %swap3A_728 = vector.shape_cast %and3A_724 : vector<16xi32> to vector<16xi32>
      tpu.vector_store %arg7[%swap3A_725], %swap3A_728 {strides = array<i32>} : memref<80xi32, #tpu.memory_space<vmem>>, vector<16xi32>,
      %shift_right_arithmetic3A_729 = arith.constant 16 : i32
      %shift_right_arithmetic3A_730 = vector.broadcast %shift_right_arithmetic3A_729 : i32 to vector<16xi32>
      %shift_right_arithmetic3A_731 = arith.shrsi %get3A_721, %shift_right_arithmetic3A_730 : vector<16xi32>
      %swap3A_732 = arith.constant 32 : index
      %swap3A_733 = tpu.vector_load %arg10[%swap3A_732] {strides = array<i32>} : memref<80xi32, #tpu.memory_space<vmem>>, vector<16xi32>,
      %swap3A_734 = vector.shape_cast %swap3A_733 : vector<16xi32> to vector<16xi32>
      %swap3A_735 = vector.shape_cast %shift_right_arithmetic3A_731 : vector<16xi32> to vector<16xi32>
      tpu.vector_store %arg10[%swap3A_732], %swap3A_735 {strides = array<i32>} : memref<80xi32, #tpu.memory_space<vmem>>, vector<16xi32>,
      %get3A_736 = arith.index_cast %add3A_681 : i32 to index
      %get3A_737 = arith.constant 48 : index
      %get3A_738 = tpu.vector_load %arg5[%get3A_736, %get3A_737] {strides = array<i32>} : memref<125x80xi32, #tpu.memory_space<vmem>>, vector<1x16xi32>,
      %get3A_739 = vector.shape_cast %get3A_738 : vector<1x16xi32> to vector<16xi32>
      %and3A_740 = arith.constant 65535 : i32
      %and3A_741 = vector.broadcast %and3A_740 : i32 to vector<16xi32>
      %and3A_742 = arith.andi %get3A_739, %and3A_741 : vector<16xi32>
      %swap3A_743 = arith.constant 48 : index
      %swap3A_744 = tpu.vector_load %arg7[%swap3A_743] {strides = array<i32>} : memref<80xi32, #tpu.memory_space<vmem>>, vector<16xi32>,
      %swap3A_745 = vector.shape_cast %swap3A_744 : vector<16xi32> to vector<16xi32>
      %swap3A_746 = vector.shape_cast %and3A_742 : vector<16xi32> to vector<16xi32>
      tpu.vector_store %arg7[%swap3A_743], %swap3A_746 {strides = array<i32>} : memref<80xi32, #tpu.memory_space<vmem>>, vector<16xi32>,
      %shift_right_arithmetic3A_747 = arith.constant 16 : i32
      %shift_right_arithmetic3A_748 = vector.broadcast %shift_right_arithmetic3A_747 : i32 to vector<16xi32>
      %shift_right_arithmetic3A_749 = arith.shrsi %get3A_739, %shift_right_arithmetic3A_748 : vector<16xi32>
      %swap3A_750 = arith.constant 48 : index
      %swap3A_751 = tpu.vector_load %arg10[%swap3A_750] {strides = array<i32>} : memref<80xi32, #tpu.memory_space<vmem>>, vector<16xi32>,
      %swap3A_752 = vector.shape_cast %swap3A_751 : vector<16xi32> to vector<16xi32>
      %swap3A_753 = vector.shape_cast %shift_right_arithmetic3A_749 : vector<16xi32> to vector<16xi32>
      tpu.vector_store %arg10[%swap3A_750], %swap3A_753 {strides = array<i32>} : memref<80xi32, #tpu.memory_space<vmem>>, vector<16xi32>,
      %get3A_754 = arith.index_cast %add3A_681 : i32 to index
      %get3A_755 = arith.constant 64 : index
      %get3A_756 = tpu.vector_load %arg5[%get3A_754, %get3A_755] {strides = array<i32>} : memref<125x80xi32, #tpu.memory_space<vmem>>, vector<1x16xi32>,
      %get3A_757 = vector.shape_cast %get3A_756 : vector<1x16xi32> to vector<16xi32>
      %and3A_758 = arith.constant 65535 : i32
      %and3A_759 = vector.broadcast %and3A_758 : i32 to vector<16xi32>
      %and3A_760 = arith.andi %get3A_757, %and3A_759 : vector<16xi32>
      %swap3A_761 = arith.constant 64 : index
      %swap3A_762 = tpu.vector_load %arg7[%swap3A_761] {strides = array<i32>} : memref<80xi32, #tpu.memory_space<vmem>>, vector<16xi32>,
      %swap3A_763 = vector.shape_cast %swap3A_762 : vector<16xi32> to vector<16xi32>
      %swap3A_764 = vector.shape_cast %and3A_760 : vector<16xi32> to vector<16xi32>
      tpu.vector_store %arg7[%swap3A_761], %swap3A_764 {strides = array<i32>} : memref<80xi32, #tpu.memory_space<vmem>>, vector<16xi32>,
      %shift_right_arithmetic3A_765 = arith.constant 16 : i32
      %shift_right_arithmetic3A_766 = vector.broadcast %shift_right_arithmetic3A_765 : i32 to vector<16xi32>
      %shift_right_arithmetic3A_767 = arith.shrsi %get3A_757, %shift_right_arithmetic3A_766 : vector<16xi32>
      %swap3A_768 = arith.constant 64 : index
      %swap3A_769 = tpu.vector_load %arg10[%swap3A_768] {strides = array<i32>} : memref<80xi32, #tpu.memory_space<vmem>>, vector<16xi32>,
      %swap3A_770 = vector.shape_cast %swap3A_769 : vector<16xi32> to vector<16xi32>
      %swap3A_771 = vector.shape_cast %shift_right_arithmetic3A_767 : vector<16xi32> to vector<16xi32>
      tpu.vector_store %arg10[%swap3A_768], %swap3A_771 {strides = array<i32>} : memref<80xi32, #tpu.memory_space<vmem>>, vector<16xi32>,
      %dma_start3A_772 = arith.constant 0 : i32
      %dma_start3A_773 = arith.constant 0 : i32
      %dma_start3A_774 = tpu.memref_slice %arg2[%dma_start3A_772, %dma_start3A_773] : memref<10000x128xf32, #tpu.memory_space<hbm>> -> memref<10000x128xf32, #tpu.memory_space<hbm>>
      tpu.enqueue_indirect_dma source(%dma_start3A_774 : memref<10000x128xf32, #tpu.memory_space<hbm>>) target(%arg13 : memref<80x128xf32, #tpu.memory_space<vmem>>) offsets(%arg7 : memref<80xi32, #tpu.memory_space<vmem>>) semaphore(%arg17 : memref<!tpu.dma_semaphore, #tpu.memory_space<semaphore_mem>>)
      %add3A_775 = arith.constant 2 : i32
      %add3A_776 = arith.addi %add3A_564, %add3A_775 : i32
      %dma_wait3A_777 = arith.constant 0 : i32
      %dma_wait3A_778 = arith.constant 0 : i32
      %dma_wait3A_779 = tpu.memref_slice %arg2[%dma_wait3A_777, %dma_wait3A_778] : memref<10000x128xf32, #tpu.memory_space<hbm>> -> memref<10000x128xf32, #tpu.memory_space<hbm>>
      tpu.wait_indirect_dma semaphore(%arg16 : memref<!tpu.dma_semaphore, #tpu.memory_space<semaphore_mem>>) src(%dma_wait3A_779 : memref<10000x128xf32, #tpu.memory_space<hbm>>) dst(%arg12 : memref<80x128xf32, #tpu.memory_space<vmem>>)
      %dma_start3A_780 = arith.constant 0 : i32
      %dma_start3A_781 = arith.constant 0 : i32
      %dma_start3A_782 = tpu.memref_slice %arg15[%dma_start3A_780, %dma_start3A_781] : memref<10240x128xf32, #tpu.memory_space<vmem_shared>> -> memref<10240x128xf32, #tpu.memory_space<vmem_shared>>
      tpu.enqueue_indirect_dma source(%arg12 : memref<80x128xf32, #tpu.memory_space<vmem>>) target(%dma_start3A_782 : memref<10240x128xf32, #tpu.memory_space<vmem_shared>>) offsets(%arg9 : memref<80xi32, #tpu.memory_space<vmem>>) semaphore(%arg19 : memref<!tpu.dma_semaphore, #tpu.memory_space<semaphore_mem>>) {add = true}
      %dma_wait3A_783 = arith.constant 0 : i32
      %dma_wait3A_784 = arith.constant 0 : i32
      %dma_wait3A_785 = tpu.memref_slice %arg15[%dma_wait3A_783, %dma_wait3A_784] : memref<10240x128xf32, #tpu.memory_space<vmem_shared>> -> memref<10240x128xf32, #tpu.memory_space<vmem_shared>>
      tpu.wait_indirect_dma semaphore(%arg21 : memref<!tpu.dma_semaphore, #tpu.memory_space<semaphore_mem>>) src(%arg14 : memref<80x128xf32, #tpu.memory_space<vmem>>) dst(%dma_wait3A_785 : memref<10240x128xf32, #tpu.memory_space<vmem_shared>>)
      %add3A_786 = arith.constant 2 : i32
      %add3A_787 = arith.addi %add3A_776, %add3A_786 : i32
      %get3A_788 = arith.index_cast %add3A_787 : i32 to index
      %get3A_789 = arith.constant 0 : index
      %get3A_790 = tpu.vector_load %arg5[%get3A_788, %get3A_789] {strides = array<i32>} : memref<125x80xi32, #tpu.memory_space<vmem>>, vector<1x16xi32>,
      %get3A_791 = vector.shape_cast %get3A_790 : vector<1x16xi32> to vector<16xi32>
      %and3A_792 = arith.constant 65535 : i32
      %and3A_793 = vector.broadcast %and3A_792 : i32 to vector<16xi32>
      %and3A_794 = arith.andi %get3A_791, %and3A_793 : vector<16xi32>
      %swap3A_795 = arith.constant 0 : index
      %swap3A_796 = tpu.vector_load %arg8[%swap3A_795] {strides = array<i32>} : memref<80xi32, #tpu.memory_space<vmem>>, vector<16xi32>,
      %swap3A_797 = vector.shape_cast %swap3A_796 : vector<16xi32> to vector<16xi32>
      %swap3A_798 = vector.shape_cast %and3A_794 : vector<16xi32> to vector<16xi32>
      tpu.vector_store %arg8[%swap3A_795], %swap3A_798 {strides = array<i32>} : memref<80xi32, #tpu.memory_space<vmem>>, vector<16xi32>,
      %shift_right_arithmetic3A_799 = arith.constant 16 : i32
      %shift_right_arithmetic3A_800 = vector.broadcast %shift_right_arithmetic3A_799 : i32 to vector<16xi32>
      %shift_right_arithmetic3A_801 = arith.shrsi %get3A_791, %shift_right_arithmetic3A_800 : vector<16xi32>
      %swap3A_802 = arith.constant 0 : index
      %swap3A_803 = tpu.vector_load %arg11[%swap3A_802] {strides = array<i32>} : memref<80xi32, #tpu.memory_space<vmem>>, vector<16xi32>,
      %swap3A_804 = vector.shape_cast %swap3A_803 : vector<16xi32> to vector<16xi32>
      %swap3A_805 = vector.shape_cast %shift_right_arithmetic3A_801 : vector<16xi32> to vector<16xi32>
      tpu.vector_store %arg11[%swap3A_802], %swap3A_805 {strides = array<i32>} : memref<80xi32, #tpu.memory_space<vmem>>, vector<16xi32>,
      %get3A_806 = arith.index_cast %add3A_787 : i32 to index
      %get3A_807 = arith.constant 16 : index
      %get3A_808 = tpu.vector_load %arg5[%get3A_806, %get3A_807] {strides = array<i32>} : memref<125x80xi32, #tpu.memory_space<vmem>>, vector<1x16xi32>,
      %get3A_809 = vector.shape_cast %get3A_808 : vector<1x16xi32> to vector<16xi32>
      %and3A_810 = arith.constant 65535 : i32
      %and3A_811 = vector.broadcast %and3A_810 : i32 to vector<16xi32>
      %and3A_812 = arith.andi %get3A_809, %and3A_811 : vector<16xi32>
      %swap3A_813 = arith.constant 16 : index
      %swap3A_814 = tpu.vector_load %arg8[%swap3A_813] {strides = array<i32>} : memref<80xi32, #tpu.memory_space<vmem>>, vector<16xi32>,
      %swap3A_815 = vector.shape_cast %swap3A_814 : vector<16xi32> to vector<16xi32>
      %swap3A_816 = vector.shape_cast %and3A_812 : vector<16xi32> to vector<16xi32>
      tpu.vector_store %arg8[%swap3A_813], %swap3A_816 {strides = array<i32>} : memref<80xi32, #tpu.memory_space<vmem>>, vector<16xi32>,
      %shift_right_arithmetic3A_817 = arith.constant 16 : i32
      %shift_right_arithmetic3A_818 = vector.broadcast %shift_right_arithmetic3A_817 : i32 to vector<16xi32>
      %shift_right_arithmetic3A_819 = arith.shrsi %get3A_809, %shift_right_arithmetic3A_818 : vector<16xi32>
      %swap3A_820 = arith.constant 16 : index
      %swap3A_821 = tpu.vector_load %arg11[%swap3A_820] {strides = array<i32>} : memref<80xi32, #tpu.memory_space<vmem>>, vector<16xi32>,
      %swap3A_822 = vector.shape_cast %swap3A_821 : vector<16xi32> to vector<16xi32>
      %swap3A_823 = vector.shape_cast %shift_right_arithmetic3A_819 : vector<16xi32> to vector<16xi32>
      tpu.vector_store %arg11[%swap3A_820], %swap3A_823 {strides = array<i32>} : memref<80xi32, #tpu.memory_space<vmem>>, vector<16xi32>,
      %get3A_824 = arith.index_cast %add3A_787 : i32 to index
      %get3A_825 = arith.constant 32 : index
      %get3A_826 = tpu.vector_load %arg5[%get3A_824, %get3A_825] {strides = array<i32>} : memref<125x80xi32, #tpu.memory_space<vmem>>, vector<1x16xi32>,
      %get3A_827 = vector.shape_cast %get3A_826 : vector<1x16xi32> to vector<16xi32>
      %and3A_828 = arith.constant 65535 : i32
      %and3A_829 = vector.broadcast %and3A_828 : i32 to vector<16xi32>
      %and3A_830 = arith.andi %get3A_827, %and3A_829 : vector<16xi32>
      %swap3A_831 = arith.constant 32 : index
      %swap3A_832 = tpu.vector_load %arg8[%swap3A_831] {strides = array<i32>} : memref<80xi32, #tpu.memory_space<vmem>>, vector<16xi32>,
      %swap3A_833 = vector.shape_cast %swap3A_832 : vector<16xi32> to vector<16xi32>
      %swap3A_834 = vector.shape_cast %and3A_830 : vector<16xi32> to vector<16xi32>
      tpu.vector_store %arg8[%swap3A_831], %swap3A_834 {strides = array<i32>} : memref<80xi32, #tpu.memory_space<vmem>>, vector<16xi32>,
      %shift_right_arithmetic3A_835 = arith.constant 16 : i32
      %shift_right_arithmetic3A_836 = vector.broadcast %shift_right_arithmetic3A_835 : i32 to vector<16xi32>
      %shift_right_arithmetic3A_837 = arith.shrsi %get3A_827, %shift_right_arithmetic3A_836 : vector<16xi32>
      %swap3A_838 = arith.constant 32 : index
      %swap3A_839 = tpu.vector_load %arg11[%swap3A_838] {strides = array<i32>} : memref<80xi32, #tpu.memory_space<vmem>>, vector<16xi32>,
      %swap3A_840 = vector.shape_cast %swap3A_839 : vector<16xi32> to vector<16xi32>
      %swap3A_841 = vector.shape_cast %shift_right_arithmetic3A_837 : vector<16xi32> to vector<16xi32>
      tpu.vector_store %arg11[%swap3A_838], %swap3A_841 {strides = array<i32>} : memref<80xi32, #tpu.memory_space<vmem>>, vector<16xi32>,
      %get3A_842 = arith.index_cast %add3A_787 : i32 to index
      %get3A_843 = arith.constant 48 : index
      %get3A_844 = tpu.vector_load %arg5[%get3A_842, %get3A_843] {strides = array<i32>} : memref<125x80xi32, #tpu.memory_space<vmem>>, vector<1x16xi32>,
      %get3A_845 = vector.shape_cast %get3A_844 : vector<1x16xi32> to vector<16xi32>
      %and3A_846 = arith.constant 65535 : i32
      %and3A_847 = vector.broadcast %and3A_846 : i32 to vector<16xi32>
      %and3A_848 = arith.andi %get3A_845, %and3A_847 : vector<16xi32>
      %swap3A_849 = arith.constant 48 : index
      %swap3A_850 = tpu.vector_load %arg8[%swap3A_849] {strides = array<i32>} : memref<80xi32, #tpu.memory_space<vmem>>, vector<16xi32>,
      %swap3A_851 = vector.shape_cast %swap3A_850 : vector<16xi32> to vector<16xi32>
      %swap3A_852 = vector.shape_cast %and3A_848 : vector<16xi32> to vector<16xi32>
      tpu.vector_store %arg8[%swap3A_849], %swap3A_852 {strides = array<i32>} : memref<80xi32, #tpu.memory_space<vmem>>, vector<16xi32>,
      %shift_right_arithmetic3A_853 = arith.constant 16 : i32
      %shift_right_arithmetic3A_854 = vector.broadcast %shift_right_arithmetic3A_853 : i32 to vector<16xi32>
      %shift_right_arithmetic3A_855 = arith.shrsi %get3A_845, %shift_right_arithmetic3A_854 : vector<16xi32>
      %swap3A_856 = arith.constant 48 : index
      %swap3A_857 = tpu.vector_load %arg11[%swap3A_856] {strides = array<i32>} : memref<80xi32, #tpu.memory_space<vmem>>, vector<16xi32>,
      %swap3A_858 = vector.shape_cast %swap3A_857 : vector<16xi32> to vector<16xi32>
      %swap3A_859 = vector.shape_cast %shift_right_arithmetic3A_855 : vector<16xi32> to vector<16xi32>
      tpu.vector_store %arg11[%swap3A_856], %swap3A_859 {strides = array<i32>} : memref<80xi32, #tpu.memory_space<vmem>>, vector<16xi32>,
      %get3A_860 = arith.index_cast %add3A_787 : i32 to index
      %get3A_861 = arith.constant 64 : index
      %get3A_862 = tpu.vector_load %arg5[%get3A_860, %get3A_861] {strides = array<i32>} : memref<125x80xi32, #tpu.memory_space<vmem>>, vector<1x16xi32>,
      %get3A_863 = vector.shape_cast %get3A_862 : vector<1x16xi32> to vector<16xi32>
      %and3A_864 = arith.constant 65535 : i32
      %and3A_865 = vector.broadcast %and3A_864 : i32 to vector<16xi32>
      %and3A_866 = arith.andi %get3A_863, %and3A_865 : vector<16xi32>
      %swap3A_867 = arith.constant 64 : index
      %swap3A_868 = tpu.vector_load %arg8[%swap3A_867] {strides = array<i32>} : memref<80xi32, #tpu.memory_space<vmem>>, vector<16xi32>,
      %swap3A_869 = vector.shape_cast %swap3A_868 : vector<16xi32> to vector<16xi32>
      %swap3A_870 = vector.shape_cast %and3A_866 : vector<16xi32> to vector<16xi32>
      tpu.vector_store %arg8[%swap3A_867], %swap3A_870 {strides = array<i32>} : memref<80xi32, #tpu.memory_space<vmem>>, vector<16xi32>,
      %shift_right_arithmetic3A_871 = arith.constant 16 : i32
      %shift_right_arithmetic3A_872 = vector.broadcast %shift_right_arithmetic3A_871 : i32 to vector<16xi32>
      %shift_right_arithmetic3A_873 = arith.shrsi %get3A_863, %shift_right_arithmetic3A_872 : vector<16xi32>
      %swap3A_874 = arith.constant 64 : index
      %swap3A_875 = tpu.vector_load %arg11[%swap3A_874] {strides = array<i32>} : memref<80xi32, #tpu.memory_space<vmem>>, vector<16xi32>,
      %swap3A_876 = vector.shape_cast %swap3A_875 : vector<16xi32> to vector<16xi32>
      %swap3A_877 = vector.shape_cast %shift_right_arithmetic3A_873 : vector<16xi32> to vector<16xi32>
      tpu.vector_store %arg11[%swap3A_874], %swap3A_877 {strides = array<i32>} : memref<80xi32, #tpu.memory_space<vmem>>, vector<16xi32>,
      %dma_start3A_878 = arith.constant 0 : i32
      %dma_start3A_879 = arith.constant 0 : i32
      %dma_start3A_880 = tpu.memref_slice %arg2[%dma_start3A_878, %dma_start3A_879] : memref<10000x128xf32, #tpu.memory_space<hbm>> -> memref<10000x128xf32, #tpu.memory_space<hbm>>
      tpu.enqueue_indirect_dma source(%dma_start3A_880 : memref<10000x128xf32, #tpu.memory_space<hbm>>) target(%arg14 : memref<80x128xf32, #tpu.memory_space<vmem>>) offsets(%arg8 : memref<80xi32, #tpu.memory_space<vmem>>) semaphore(%arg18 : memref<!tpu.dma_semaphore, #tpu.memory_space<semaphore_mem>>)
      %scan3A_881 = arith.constant 0 : i32
      scf.yield %scan3A_881 : i32
    }
    %scan3A_315 = arith.constant 40 : i32
    %dma_wait3A_316 = arith.constant 0 : i32
    %dma_wait3A_317 = arith.constant 0 : i32
    %dma_wait3A_318 = tpu.memref_slice %arg2[%dma_wait3A_316, %dma_wait3A_317] : memref<10000x128xf32, #tpu.memory_space<hbm>> -> memref<10000x128xf32, #tpu.memory_space<hbm>>
    tpu.wait_indirect_dma semaphore(%arg17 : memref<!tpu.dma_semaphore, #tpu.memory_space<semaphore_mem>>) src(%dma_wait3A_318 : memref<10000x128xf32, #tpu.memory_space<hbm>>) dst(%arg13 : memref<80x128xf32, #tpu.memory_space<vmem>>)
    %dma_start3A_319 = arith.constant 0 : i32
    %dma_start3A_320 = arith.constant 0 : i32
    %dma_start3A_321 = tpu.memref_slice %arg15[%dma_start3A_319, %dma_start3A_320] : memref<10240x128xf32, #tpu.memory_space<vmem_shared>> -> memref<10240x128xf32, #tpu.memory_space<vmem_shared>>
    tpu.enqueue_indirect_dma source(%arg13 : memref<80x128xf32, #tpu.memory_space<vmem>>) target(%dma_start3A_321 : memref<10240x128xf32, #tpu.memory_space<vmem_shared>>) offsets(%arg10 : memref<80xi32, #tpu.memory_space<vmem>>) semaphore(%arg20 : memref<!tpu.dma_semaphore, #tpu.memory_space<semaphore_mem>>) {add = true}
    %dma_wait3A_322 = arith.constant 0 : i32
    %dma_wait3A_323 = arith.constant 0 : i32
    %dma_wait3A_324 = tpu.memref_slice %arg15[%dma_wait3A_322, %dma_wait3A_323] : memref<10240x128xf32, #tpu.memory_space<vmem_shared>> -> memref<10240x128xf32, #tpu.memory_space<vmem_shared>>
    tpu.wait_indirect_dma semaphore(%arg19 : memref<!tpu.dma_semaphore, #tpu.memory_space<semaphore_mem>>) src(%arg12 : memref<80x128xf32, #tpu.memory_space<vmem>>) dst(%dma_wait3A_324 : memref<10240x128xf32, #tpu.memory_space<vmem_shared>>)
    %get3A_325 = arith.constant 123 : i32
    %get3A_326 = arith.index_cast %get3A_325 : i32 to index
    %get3A_327 = arith.constant 0 : index
    %get3A_328 = tpu.vector_load %arg5[%get3A_326, %get3A_327] {strides = array<i32>} : memref<125x80xi32, #tpu.memory_space<vmem>>, vector<1x16xi32>,
    %get3A_329 = vector.shape_cast %get3A_328 : vector<1x16xi32> to vector<16xi32>
    %and3A_330 = arith.constant 65535 : i32
    %and3A_331 = vector.broadcast %and3A_330 : i32 to vector<16xi32>
    %and3A_332 = arith.andi %get3A_329, %and3A_331 : vector<16xi32>
    %swap3A_333 = arith.constant 0 : index
    %swap3A_334 = tpu.vector_load %arg6[%swap3A_333] {strides = array<i32>} : memref<80xi32, #tpu.memory_space<vmem>>, vector<16xi32>,
    %swap3A_335 = vector.shape_cast %swap3A_334 : vector<16xi32> to vector<16xi32>
    %swap3A_336 = vector.shape_cast %and3A_332 : vector<16xi32> to vector<16xi32>
    tpu.vector_store %arg6[%swap3A_333], %swap3A_336 {strides = array<i32>} : memref<80xi32, #tpu.memory_space<vmem>>, vector<16xi32>,
    %shift_right_arithmetic3A_337 = arith.constant 16 : i32
    %shift_right_arithmetic3A_338 = vector.broadcast %shift_right_arithmetic3A_337 : i32 to vector<16xi32>
    %shift_right_arithmetic3A_339 = arith.shrsi %get3A_329, %shift_right_arithmetic3A_338 : vector<16xi32>
    %swap3A_340 = arith.constant 0 : index
    %swap3A_341 = tpu.vector_load %arg9[%swap3A_340] {strides = array<i32>} : memref<80xi32, #tpu.memory_space<vmem>>, vector<16xi32>,
    %swap3A_342 = vector.shape_cast %swap3A_341 : vector<16xi32> to vector<16xi32>
    %swap3A_343 = vector.shape_cast %shift_right_arithmetic3A_339 : vector<16xi32> to vector<16xi32>
    tpu.vector_store %arg9[%swap3A_340], %swap3A_343 {strides = array<i32>} : memref<80xi32, #tpu.memory_space<vmem>>, vector<16xi32>,
    %get3A_344 = arith.constant 123 : i32
    %get3A_345 = arith.index_cast %get3A_344 : i32 to index
    %get3A_346 = arith.constant 16 : index
    %get3A_347 = tpu.vector_load %arg5[%get3A_345, %get3A_346] {strides = array<i32>} : memref<125x80xi32, #tpu.memory_space<vmem>>, vector<1x16xi32>,
    %get3A_348 = vector.shape_cast %get3A_347 : vector<1x16xi32> to vector<16xi32>
    %and3A_349 = arith.constant 65535 : i32
    %and3A_350 = vector.broadcast %and3A_349 : i32 to vector<16xi32>
    %and3A_351 = arith.andi %get3A_348, %and3A_350 : vector<16xi32>
    %swap3A_352 = arith.constant 16 : index
    %swap3A_353 = tpu.vector_load %arg6[%swap3A_352] {strides = array<i32>} : memref<80xi32, #tpu.memory_space<vmem>>, vector<16xi32>,
    %swap3A_354 = vector.shape_cast %swap3A_353 : vector<16xi32> to vector<16xi32>
    %swap3A_355 = vector.shape_cast %and3A_351 : vector<16xi32> to vector<16xi32>
    tpu.vector_store %arg6[%swap3A_352], %swap3A_355 {strides = array<i32>} : memref<80xi32, #tpu.memory_space<vmem>>, vector<16xi32>,
    %shift_right_arithmetic3A_356 = arith.constant 16 : i32
    %shift_right_arithmetic3A_357 = vector.broadcast %shift_right_arithmetic3A_356 : i32 to vector<16xi32>
    %shift_right_arithmetic3A_358 = arith.shrsi %get3A_348, %shift_right_arithmetic3A_357 : vector<16xi32>
    %swap3A_359 = arith.constant 16 : index
    %swap3A_360 = tpu.vector_load %arg9[%swap3A_359] {strides = array<i32>} : memref<80xi32, #tpu.memory_space<vmem>>, vector<16xi32>,
    %swap3A_361 = vector.shape_cast %swap3A_360 : vector<16xi32> to vector<16xi32>
    %swap3A_362 = vector.shape_cast %shift_right_arithmetic3A_358 : vector<16xi32> to vector<16xi32>
    tpu.vector_store %arg9[%swap3A_359], %swap3A_362 {strides = array<i32>} : memref<80xi32, #tpu.memory_space<vmem>>, vector<16xi32>,
    %get3A_363 = arith.constant 123 : i32
    %get3A_364 = arith.index_cast %get3A_363 : i32 to index
    %get3A_365 = arith.constant 32 : index
    %get3A_366 = tpu.vector_load %arg5[%get3A_364, %get3A_365] {strides = array<i32>} : memref<125x80xi32, #tpu.memory_space<vmem>>, vector<1x16xi32>,
    %get3A_367 = vector.shape_cast %get3A_366 : vector<1x16xi32> to vector<16xi32>
    %and3A_368 = arith.constant 65535 : i32
    %and3A_369 = vector.broadcast %and3A_368 : i32 to vector<16xi32>
    %and3A_370 = arith.andi %get3A_367, %and3A_369 : vector<16xi32>
    %swap3A_371 = arith.constant 32 : index
    %swap3A_372 = tpu.vector_load %arg6[%swap3A_371] {strides = array<i32>} : memref<80xi32, #tpu.memory_space<vmem>>, vector<16xi32>,
    %swap3A_373 = vector.shape_cast %swap3A_372 : vector<16xi32> to vector<16xi32>
    %swap3A_374 = vector.shape_cast %and3A_370 : vector<16xi32> to vector<16xi32>
    tpu.vector_store %arg6[%swap3A_371], %swap3A_374 {strides = array<i32>} : memref<80xi32, #tpu.memory_space<vmem>>, vector<16xi32>,
    %shift_right_arithmetic3A_375 = arith.constant 16 : i32
    %shift_right_arithmetic3A_376 = vector.broadcast %shift_right_arithmetic3A_375 : i32 to vector<16xi32>
    %shift_right_arithmetic3A_377 = arith.shrsi %get3A_367, %shift_right_arithmetic3A_376 : vector<16xi32>
    %swap3A_378 = arith.constant 32 : index
    %swap3A_379 = tpu.vector_load %arg9[%swap3A_378] {strides = array<i32>} : memref<80xi32, #tpu.memory_space<vmem>>, vector<16xi32>,
    %swap3A_380 = vector.shape_cast %swap3A_379 : vector<16xi32> to vector<16xi32>
    %swap3A_381 = vector.shape_cast %shift_right_arithmetic3A_377 : vector<16xi32> to vector<16xi32>
    tpu.vector_store %arg9[%swap3A_378], %swap3A_381 {strides = array<i32>} : memref<80xi32, #tpu.memory_space<vmem>>, vector<16xi32>,
    %get3A_382 = arith.constant 123 : i32
    %get3A_383 = arith.index_cast %get3A_382 : i32 to index
    %get3A_384 = arith.constant 48 : index
    %get3A_385 = tpu.vector_load %arg5[%get3A_383, %get3A_384] {strides = array<i32>} : memref<125x80xi32, #tpu.memory_space<vmem>>, vector<1x16xi32>,
    %get3A_386 = vector.shape_cast %get3A_385 : vector<1x16xi32> to vector<16xi32>
    %and3A_387 = arith.constant 65535 : i32
    %and3A_388 = vector.broadcast %and3A_387 : i32 to vector<16xi32>
    %and3A_389 = arith.andi %get3A_386, %and3A_388 : vector<16xi32>
    %swap3A_390 = arith.constant 48 : index
    %swap3A_391 = tpu.vector_load %arg6[%swap3A_390] {strides = array<i32>} : memref<80xi32, #tpu.memory_space<vmem>>, vector<16xi32>,
    %swap3A_392 = vector.shape_cast %swap3A_391 : vector<16xi32> to vector<16xi32>
    %swap3A_393 = vector.shape_cast %and3A_389 : vector<16xi32> to vector<16xi32>
    tpu.vector_store %arg6[%swap3A_390], %swap3A_393 {strides = array<i32>} : memref<80xi32, #tpu.memory_space<vmem>>, vector<16xi32>,
    %shift_right_arithmetic3A_394 = arith.constant 16 : i32
    %shift_right_arithmetic3A_395 = vector.broadcast %shift_right_arithmetic3A_394 : i32 to vector<16xi32>
    %shift_right_arithmetic3A_396 = arith.shrsi %get3A_386, %shift_right_arithmetic3A_395 : vector<16xi32>
    %swap3A_397 = arith.constant 48 : index
    %swap3A_398 = tpu.vector_load %arg9[%swap3A_397] {strides = array<i32>} : memref<80xi32, #tpu.memory_space<vmem>>, vector<16xi32>,
    %swap3A_399 = vector.shape_cast %swap3A_398 : vector<16xi32> to vector<16xi32>
    %swap3A_400 = vector.shape_cast %shift_right_arithmetic3A_396 : vector<16xi32> to vector<16xi32>
    tpu.vector_store %arg9[%swap3A_397], %swap3A_400 {strides = array<i32>} : memref<80xi32, #tpu.memory_space<vmem>>, vector<16xi32>,
    %get3A_401 = arith.constant 123 : i32
    %get3A_402 = arith.index_cast %get3A_401 : i32 to index
    %get3A_403 = arith.constant 64 : index
    %get3A_404 = tpu.vector_load %arg5[%get3A_402, %get3A_403] {strides = array<i32>} : memref<125x80xi32, #tpu.memory_space<vmem>>, vector<1x16xi32>,
    %get3A_405 = vector.shape_cast %get3A_404 : vector<1x16xi32> to vector<16xi32>
    %and3A_406 = arith.constant 65535 : i32
    %and3A_407 = vector.broadcast %and3A_406 : i32 to vector<16xi32>
    %and3A_408 = arith.andi %get3A_405, %and3A_407 : vector<16xi32>
    %swap3A_409 = arith.constant 64 : index
    %swap3A_410 = tpu.vector_load %arg6[%swap3A_409] {strides = array<i32>} : memref<80xi32, #tpu.memory_space<vmem>>, vector<16xi32>,
    %swap3A_411 = vector.shape_cast %swap3A_410 : vector<16xi32> to vector<16xi32>
    %swap3A_412 = vector.shape_cast %and3A_408 : vector<16xi32> to vector<16xi32>
    tpu.vector_store %arg6[%swap3A_409], %swap3A_412 {strides = array<i32>} : memref<80xi32, #tpu.memory_space<vmem>>, vector<16xi32>,
    %shift_right_arithmetic3A_413 = arith.constant 16 : i32
    %shift_right_arithmetic3A_414 = vector.broadcast %shift_right_arithmetic3A_413 : i32 to vector<16xi32>
    %shift_right_arithmetic3A_415 = arith.shrsi %get3A_405, %shift_right_arithmetic3A_414 : vector<16xi32>
    %swap3A_416 = arith.constant 64 : index
    %swap3A_417 = tpu.vector_load %arg9[%swap3A_416] {strides = array<i32>} : memref<80xi32, #tpu.memory_space<vmem>>, vector<16xi32>,
    %swap3A_418 = vector.shape_cast %swap3A_417 : vector<16xi32> to vector<16xi32>
    %swap3A_419 = vector.shape_cast %shift_right_arithmetic3A_415 : vector<16xi32> to vector<16xi32>
    tpu.vector_store %arg9[%swap3A_416], %swap3A_419 {strides = array<i32>} : memref<80xi32, #tpu.memory_space<vmem>>, vector<16xi32>,
    %dma_start3A_420 = arith.constant 0 : i32
    %dma_start3A_421 = arith.constant 0 : i32
    %dma_start3A_422 = tpu.memref_slice %arg2[%dma_start3A_420, %dma_start3A_421] : memref<10000x128xf32, #tpu.memory_space<hbm>> -> memref<10000x128xf32, #tpu.memory_space<hbm>>
    tpu.enqueue_indirect_dma source(%dma_start3A_422 : memref<10000x128xf32, #tpu.memory_space<hbm>>) target(%arg12 : memref<80x128xf32, #tpu.memory_space<vmem>>) offsets(%arg6 : memref<80xi32, #tpu.memory_space<vmem>>) semaphore(%arg16 : memref<!tpu.dma_semaphore, #tpu.memory_space<semaphore_mem>>)
    %dma_wait3A_423 = arith.constant 0 : i32
    %dma_wait3A_424 = arith.constant 0 : i32
    %dma_wait3A_425 = tpu.memref_slice %arg2[%dma_wait3A_423, %dma_wait3A_424] : memref<10000x128xf32, #tpu.memory_space<hbm>> -> memref<10000x128xf32, #tpu.memory_space<hbm>>
    tpu.wait_indirect_dma semaphore(%arg18 : memref<!tpu.dma_semaphore, #tpu.memory_space<semaphore_mem>>) src(%dma_wait3A_425 : memref<10000x128xf32, #tpu.memory_space<hbm>>) dst(%arg14 : memref<80x128xf32, #tpu.memory_space<vmem>>)
    %dma_start3A_426 = arith.constant 0 : i32
    %dma_start3A_427 = arith.constant 0 : i32
    %dma_start3A_428 = tpu.memref_slice %arg15[%dma_start3A_426, %dma_start3A_427] : memref<10240x128xf32, #tpu.memory_space<vmem_shared>> -> memref<10240x128xf32, #tpu.memory_space<vmem_shared>>
    tpu.enqueue_indirect_dma source(%arg14 : memref<80x128xf32, #tpu.memory_space<vmem>>) target(%dma_start3A_428 : memref<10240x128xf32, #tpu.memory_space<vmem_shared>>) offsets(%arg11 : memref<80xi32, #tpu.memory_space<vmem>>) semaphore(%arg21 : memref<!tpu.dma_semaphore, #tpu.memory_space<semaphore_mem>>) {add = true}
    %dma_wait3A_429 = arith.constant 0 : i32
    %dma_wait3A_430 = arith.constant 0 : i32
    %dma_wait3A_431 = tpu.memref_slice %arg15[%dma_wait3A_429, %dma_wait3A_430] : memref<10240x128xf32, #tpu.memory_space<vmem_shared>> -> memref<10240x128xf32, #tpu.memory_space<vmem_shared>>
    tpu.wait_indirect_dma semaphore(%arg20 : memref<!tpu.dma_semaphore, #tpu.memory_space<semaphore_mem>>) src(%arg13 : memref<80x128xf32, #tpu.memory_space<vmem>>) dst(%dma_wait3A_431 : memref<10240x128xf32, #tpu.memory_space<vmem_shared>>)
    %get3A_432 = arith.constant 124 : i32
    %get3A_433 = arith.index_cast %get3A_432 : i32 to index
    %get3A_434 = arith.constant 0 : index
    %get3A_435 = tpu.vector_load %arg5[%get3A_433, %get3A_434] {strides = array<i32>} : memref<125x80xi32, #tpu.memory_space<vmem>>, vector<1x16xi32>,
    %get3A_436 = vector.shape_cast %get3A_435 : vector<1x16xi32> to vector<16xi32>
    %and3A_437 = arith.constant 65535 : i32
    %and3A_438 = vector.broadcast %and3A_437 : i32 to vector<16xi32>
    %and3A_439 = arith.andi %get3A_436, %and3A_438 : vector<16xi32>
    %swap3A_440 = arith.constant 0 : index
    %swap3A_441 = tpu.vector_load %arg7[%swap3A_440] {strides = array<i32>} : memref<80xi32, #tpu.memory_space<vmem>>, vector<16xi32>,
    %swap3A_442 = vector.shape_cast %swap3A_441 : vector<16xi32> to vector<16xi32>
    %swap3A_443 = vector.shape_cast %and3A_439 : vector<16xi32> to vector<16xi32>
    tpu.vector_store %arg7[%swap3A_440], %swap3A_443 {strides = array<i32>} : memref<80xi32, #tpu.memory_space<vmem>>, vector<16xi32>,
    %shift_right_arithmetic3A_444 = arith.constant 16 : i32
    %shift_right_arithmetic3A_445 = vector.broadcast %shift_right_arithmetic3A_444 : i32 to vector<16xi32>
    %shift_right_arithmetic3A_446 = arith.shrsi %get3A_436, %shift_right_arithmetic3A_445 : vector<16xi32>
    %swap3A_447 = arith.constant 0 : index
    %swap3A_448 = tpu.vector_load %arg10[%swap3A_447] {strides = array<i32>} : memref<80xi32, #tpu.memory_space<vmem>>, vector<16xi32>,
    %swap3A_449 = vector.shape_cast %swap3A_448 : vector<16xi32> to vector<16xi32>
    %swap3A_450 = vector.shape_cast %shift_right_arithmetic3A_446 : vector<16xi32> to vector<16xi32>
    tpu.vector_store %arg10[%swap3A_447], %swap3A_450 {strides = array<i32>} : memref<80xi32, #tpu.memory_space<vmem>>, vector<16xi32>,
    %get3A_451 = arith.constant 124 : i32
    %get3A_452 = arith.index_cast %get3A_451 : i32 to index
    %get3A_453 = arith.constant 16 : index
    %get3A_454 = tpu.vector_load %arg5[%get3A_452, %get3A_453] {strides = array<i32>} : memref<125x80xi32, #tpu.memory_space<vmem>>, vector<1x16xi32>,
    %get3A_455 = vector.shape_cast %get3A_454 : vector<1x16xi32> to vector<16xi32>
    %and3A_456 = arith.constant 65535 : i32
    %and3A_457 = vector.broadcast %and3A_456 : i32 to vector<16xi32>
    %and3A_458 = arith.andi %get3A_455, %and3A_457 : vector<16xi32>
    %swap3A_459 = arith.constant 16 : index
    %swap3A_460 = tpu.vector_load %arg7[%swap3A_459] {strides = array<i32>} : memref<80xi32, #tpu.memory_space<vmem>>, vector<16xi32>,
    %swap3A_461 = vector.shape_cast %swap3A_460 : vector<16xi32> to vector<16xi32>
    %swap3A_462 = vector.shape_cast %and3A_458 : vector<16xi32> to vector<16xi32>
    tpu.vector_store %arg7[%swap3A_459], %swap3A_462 {strides = array<i32>} : memref<80xi32, #tpu.memory_space<vmem>>, vector<16xi32>,
    %shift_right_arithmetic3A_463 = arith.constant 16 : i32
    %shift_right_arithmetic3A_464 = vector.broadcast %shift_right_arithmetic3A_463 : i32 to vector<16xi32>
    %shift_right_arithmetic3A_465 = arith.shrsi %get3A_455, %shift_right_arithmetic3A_464 : vector<16xi32>
    %swap3A_466 = arith.constant 16 : index
    %swap3A_467 = tpu.vector_load %arg10[%swap3A_466] {strides = array<i32>} : memref<80xi32, #tpu.memory_space<vmem>>, vector<16xi32>,
    %swap3A_468 = vector.shape_cast %swap3A_467 : vector<16xi32> to vector<16xi32>
    %swap3A_469 = vector.shape_cast %shift_right_arithmetic3A_465 : vector<16xi32> to vector<16xi32>
    tpu.vector_store %arg10[%swap3A_466], %swap3A_469 {strides = array<i32>} : memref<80xi32, #tpu.memory_space<vmem>>, vector<16xi32>,
    %get3A_470 = arith.constant 124 : i32
    %get3A_471 = arith.index_cast %get3A_470 : i32 to index
    %get3A_472 = arith.constant 32 : index
    %get3A_473 = tpu.vector_load %arg5[%get3A_471, %get3A_472] {strides = array<i32>} : memref<125x80xi32, #tpu.memory_space<vmem>>, vector<1x16xi32>,
    %get3A_474 = vector.shape_cast %get3A_473 : vector<1x16xi32> to vector<16xi32>
    %and3A_475 = arith.constant 65535 : i32
    %and3A_476 = vector.broadcast %and3A_475 : i32 to vector<16xi32>
    %and3A_477 = arith.andi %get3A_474, %and3A_476 : vector<16xi32>
    %swap3A_478 = arith.constant 32 : index
    %swap3A_479 = tpu.vector_load %arg7[%swap3A_478] {strides = array<i32>} : memref<80xi32, #tpu.memory_space<vmem>>, vector<16xi32>,
    %swap3A_480 = vector.shape_cast %swap3A_479 : vector<16xi32> to vector<16xi32>
    %swap3A_481 = vector.shape_cast %and3A_477 : vector<16xi32> to vector<16xi32>
    tpu.vector_store %arg7[%swap3A_478], %swap3A_481 {strides = array<i32>} : memref<80xi32, #tpu.memory_space<vmem>>, vector<16xi32>,
    %shift_right_arithmetic3A_482 = arith.constant 16 : i32
    %shift_right_arithmetic3A_483 = vector.broadcast %shift_right_arithmetic3A_482 : i32 to vector<16xi32>
    %shift_right_arithmetic3A_484 = arith.shrsi %get3A_474, %shift_right_arithmetic3A_483 : vector<16xi32>
    %swap3A_485 = arith.constant 32 : index
    %swap3A_486 = tpu.vector_load %arg10[%swap3A_485] {strides = array<i32>} : memref<80xi32, #tpu.memory_space<vmem>>, vector<16xi32>,
    %swap3A_487 = vector.shape_cast %swap3A_486 : vector<16xi32> to vector<16xi32>
    %swap3A_488 = vector.shape_cast %shift_right_arithmetic3A_484 : vector<16xi32> to vector<16xi32>
    tpu.vector_store %arg10[%swap3A_485], %swap3A_488 {strides = array<i32>} : memref<80xi32, #tpu.memory_space<vmem>>, vector<16xi32>,
    %get3A_489 = arith.constant 124 : i32
    %get3A_490 = arith.index_cast %get3A_489 : i32 to index
    %get3A_491 = arith.constant 48 : index
    %get3A_492 = tpu.vector_load %arg5[%get3A_490, %get3A_491] {strides = array<i32>} : memref<125x80xi32, #tpu.memory_space<vmem>>, vector<1x16xi32>,
    %get3A_493 = vector.shape_cast %get3A_492 : vector<1x16xi32> to vector<16xi32>
    %and3A_494 = arith.constant 65535 : i32
    %and3A_495 = vector.broadcast %and3A_494 : i32 to vector<16xi32>
    %and3A_496 = arith.andi %get3A_493, %and3A_495 : vector<16xi32>
    %swap3A_497 = arith.constant 48 : index
    %swap3A_498 = tpu.vector_load %arg7[%swap3A_497] {strides = array<i32>} : memref<80xi32, #tpu.memory_space<vmem>>, vector<16xi32>,
    %swap3A_499 = vector.shape_cast %swap3A_498 : vector<16xi32> to vector<16xi32>
    %swap3A_500 = vector.shape_cast %and3A_496 : vector<16xi32> to vector<16xi32>
    tpu.vector_store %arg7[%swap3A_497], %swap3A_500 {strides = array<i32>} : memref<80xi32, #tpu.memory_space<vmem>>, vector<16xi32>,
    %shift_right_arithmetic3A_501 = arith.constant 16 : i32
    %shift_right_arithmetic3A_502 = vector.broadcast %shift_right_arithmetic3A_501 : i32 to vector<16xi32>
    %shift_right_arithmetic3A_503 = arith.shrsi %get3A_493, %shift_right_arithmetic3A_502 : vector<16xi32>
    %swap3A_504 = arith.constant 48 : index
    %swap3A_505 = tpu.vector_load %arg10[%swap3A_504] {strides = array<i32>} : memref<80xi32, #tpu.memory_space<vmem>>, vector<16xi32>,
    %swap3A_506 = vector.shape_cast %swap3A_505 : vector<16xi32> to vector<16xi32>
    %swap3A_507 = vector.shape_cast %shift_right_arithmetic3A_503 : vector<16xi32> to vector<16xi32>
    tpu.vector_store %arg10[%swap3A_504], %swap3A_507 {strides = array<i32>} : memref<80xi32, #tpu.memory_space<vmem>>, vector<16xi32>,
    %get3A_508 = arith.constant 124 : i32
    %get3A_509 = arith.index_cast %get3A_508 : i32 to index
    %get3A_510 = arith.constant 64 : index
    %get3A_511 = tpu.vector_load %arg5[%get3A_509, %get3A_510] {strides = array<i32>} : memref<125x80xi32, #tpu.memory_space<vmem>>, vector<1x16xi32>,
    %get3A_512 = vector.shape_cast %get3A_511 : vector<1x16xi32> to vector<16xi32>
    %and3A_513 = arith.constant 65535 : i32
    %and3A_514 = vector.broadcast %and3A_513 : i32 to vector<16xi32>
    %and3A_515 = arith.andi %get3A_512, %and3A_514 : vector<16xi32>
    %swap3A_516 = arith.constant 64 : index
    %swap3A_517 = tpu.vector_load %arg7[%swap3A_516] {strides = array<i32>} : memref<80xi32, #tpu.memory_space<vmem>>, vector<16xi32>,
    %swap3A_518 = vector.shape_cast %swap3A_517 : vector<16xi32> to vector<16xi32>
    %swap3A_519 = vector.shape_cast %and3A_515 : vector<16xi32> to vector<16xi32>
    tpu.vector_store %arg7[%swap3A_516], %swap3A_519 {strides = array<i32>} : memref<80xi32, #tpu.memory_space<vmem>>, vector<16xi32>,
    %shift_right_arithmetic3A_520 = arith.constant 16 : i32
    %shift_right_arithmetic3A_521 = vector.broadcast %shift_right_arithmetic3A_520 : i32 to vector<16xi32>
    %shift_right_arithmetic3A_522 = arith.shrsi %get3A_512, %shift_right_arithmetic3A_521 : vector<16xi32>
    %swap3A_523 = arith.constant 64 : index
    %swap3A_524 = tpu.vector_load %arg10[%swap3A_523] {strides = array<i32>} : memref<80xi32, #tpu.memory_space<vmem>>, vector<16xi32>,
    %swap3A_525 = vector.shape_cast %swap3A_524 : vector<16xi32> to vector<16xi32>
    %swap3A_526 = vector.shape_cast %shift_right_arithmetic3A_522 : vector<16xi32> to vector<16xi32>
    tpu.vector_store %arg10[%swap3A_523], %swap3A_526 {strides = array<i32>} : memref<80xi32, #tpu.memory_space<vmem>>, vector<16xi32>,
    %dma_start3A_527 = arith.constant 0 : i32
    %dma_start3A_528 = arith.constant 0 : i32
    %dma_start3A_529 = tpu.memref_slice %arg2[%dma_start3A_527, %dma_start3A_528] : memref<10000x128xf32, #tpu.memory_space<hbm>> -> memref<10000x128xf32, #tpu.memory_space<hbm>>
    tpu.enqueue_indirect_dma source(%dma_start3A_529 : memref<10000x128xf32, #tpu.memory_space<hbm>>) target(%arg13 : memref<80x128xf32, #tpu.memory_space<vmem>>) offsets(%arg7 : memref<80xi32, #tpu.memory_space<vmem>>) semaphore(%arg17 : memref<!tpu.dma_semaphore, #tpu.memory_space<semaphore_mem>>)
    %dma_wait3A_530 = arith.constant 0 : i32
    %dma_wait3A_531 = arith.constant 0 : i32
    %dma_wait3A_532 = tpu.memref_slice %arg2[%dma_wait3A_530, %dma_wait3A_531] : memref<10000x128xf32, #tpu.memory_space<hbm>> -> memref<10000x128xf32, #tpu.memory_space<hbm>>
    tpu.wait_indirect_dma semaphore(%arg16 : memref<!tpu.dma_semaphore, #tpu.memory_space<semaphore_mem>>) src(%dma_wait3A_532 : memref<10000x128xf32, #tpu.memory_space<hbm>>) dst(%arg12 : memref<80x128xf32, #tpu.memory_space<vmem>>)
    %dma_start3A_533 = arith.constant 0 : i32
    %dma_start3A_534 = arith.constant 0 : i32
    %dma_start3A_535 = tpu.memref_slice %arg15[%dma_start3A_533, %dma_start3A_534] : memref<10240x128xf32, #tpu.memory_space<vmem_shared>> -> memref<10240x128xf32, #tpu.memory_space<vmem_shared>>
    tpu.enqueue_indirect_dma source(%arg12 : memref<80x128xf32, #tpu.memory_space<vmem>>) target(%dma_start3A_535 : memref<10240x128xf32, #tpu.memory_space<vmem_shared>>) offsets(%arg9 : memref<80xi32, #tpu.memory_space<vmem>>) semaphore(%arg19 : memref<!tpu.dma_semaphore, #tpu.memory_space<semaphore_mem>>) {add = true}
    %dma_wait3A_536 = arith.constant 0 : i32
    %dma_wait3A_537 = arith.constant 0 : i32
    %dma_wait3A_538 = tpu.memref_slice %arg15[%dma_wait3A_536, %dma_wait3A_537] : memref<10240x128xf32, #tpu.memory_space<vmem_shared>> -> memref<10240x128xf32, #tpu.memory_space<vmem_shared>>
    tpu.wait_indirect_dma semaphore(%arg21 : memref<!tpu.dma_semaphore, #tpu.memory_space<semaphore_mem>>) src(%arg14 : memref<80x128xf32, #tpu.memory_space<vmem>>) dst(%dma_wait3A_538 : memref<10240x128xf32, #tpu.memory_space<vmem_shared>>)
    %dma_wait3A_539 = arith.constant 0 : i32
    %dma_wait3A_540 = arith.constant 0 : i32
    %dma_wait3A_541 = tpu.memref_slice %arg2[%dma_wait3A_539, %dma_wait3A_540] : memref<10000x128xf32, #tpu.memory_space<hbm>> -> memref<10000x128xf32, #tpu.memory_space<hbm>>
    tpu.wait_indirect_dma semaphore(%arg17 : memref<!tpu.dma_semaphore, #tpu.memory_space<semaphore_mem>>) src(%dma_wait3A_541 : memref<10000x128xf32, #tpu.memory_space<hbm>>) dst(%arg13 : memref<80x128xf32, #tpu.memory_space<vmem>>)
    %dma_start3A_542 = arith.constant 0 : i32
    %dma_start3A_543 = arith.constant 0 : i32
    %dma_start3A_544 = tpu.memref_slice %arg15[%dma_start3A_542, %dma_start3A_543] : memref<10240x128xf32, #tpu.memory_space<vmem_shared>> -> memref<10240x128xf32, #tpu.memory_space<vmem_shared>>
    tpu.enqueue_indirect_dma source(%arg13 : memref<80x128xf32, #tpu.memory_space<vmem>>) target(%dma_start3A_544 : memref<10240x128xf32, #tpu.memory_space<vmem_shared>>) offsets(%arg10 : memref<80xi32, #tpu.memory_space<vmem>>) semaphore(%arg20 : memref<!tpu.dma_semaphore, #tpu.memory_space<semaphore_mem>>) {add = true}
    %dma_wait3A_545 = arith.constant 0 : i32
    %dma_wait3A_546 = arith.constant 0 : i32
    %dma_wait3A_547 = tpu.memref_slice %arg15[%dma_wait3A_545, %dma_wait3A_546] : memref<10240x128xf32, #tpu.memory_space<vmem_shared>> -> memref<10240x128xf32, #tpu.memory_space<vmem_shared>>
    tpu.wait_indirect_dma semaphore(%arg19 : memref<!tpu.dma_semaphore, #tpu.memory_space<semaphore_mem>>) src(%arg12 : memref<80x128xf32, #tpu.memory_space<vmem>>) dst(%dma_wait3A_547 : memref<10240x128xf32, #tpu.memory_space<vmem_shared>>)
    %dma_wait3A_548 = arith.constant 0 : i32
    %dma_wait3A_549 = arith.constant 0 : i32
    %dma_wait3A_550 = tpu.memref_slice %arg15[%dma_wait3A_548, %dma_wait3A_549] : memref<10240x128xf32, #tpu.memory_space<vmem_shared>> -> memref<10240x128xf32, #tpu.memory_space<vmem_shared>>
    tpu.wait_indirect_dma semaphore(%arg20 : memref<!tpu.dma_semaphore, #tpu.memory_space<semaphore_mem>>) src(%arg13 : memref<80x128xf32, #tpu.memory_space<vmem>>) dst(%dma_wait3A_550 : memref<10240x128xf32, #tpu.memory_space<vmem_shared>>)
    %barrier3A_551 = arith.constant 0 : index
    tpu.barrier barrier_id(%barrier3A_551)
    %scan3A_552 = arith.constant 0 : i32
    %scan3A_553 = arith.constant 0 : i32
    %scan3A_554 = arith.constant 8 : i32
    %scan3A_555 = arith.addi %scan3A_553, %scan3A_554 : i32
    %scan3A_556 = arith.constant 1 : i32
    %scan3A_557 = scf.for %scan3A_559 = %scan3A_553 to %scan3A_555 step %scan3A_556 iter_args(%scan3A_560 = %scan3A_552) -> (i32)  : i32 {
      %mul3A_561 = arith.constant 640 : i32
      %mul3A_562 = arith.muli %arg1, %mul3A_561 : i32
      %mul3A_563 = arith.constant 80 : i32
      %mul3A_564 = arith.muli %scan3A_559, %mul3A_563 : i32
      %add3A_565 = arith.addi %mul3A_562, %mul3A_564 : i32
      "tpu.region"() ({
        %run_scoped3A = tpu.sem_alloc : memref<!tpu.dma_semaphore, #tpu.memory_space<semaphore_mem>>
        %dma_start3A_567 = arith.constant 0 : i32
        %dma_start3A_568 = tpu.memref_slice %arg15[%add3A_565, %dma_start3A_567] : memref<10240x128xf32, #tpu.memory_space<vmem_shared>> -> memref<80x128xf32, #tpu.memory_space<vmem_shared>>
        %dma_start3A_569 = arith.constant 0 : i32
        %dma_start3A_570 = tpu.memref_slice %arg15[%add3A_565, %dma_start3A_569] : memref<10240x128xf32, #tpu.memory_space<vmem_shared>> -> memref<80x128xf32, #tpu.memory_space<vmem_shared>>
        tpu.enqueue_dma source(%dma_start3A_570 : memref<80x128xf32, #tpu.memory_space<vmem_shared>>) target(%arg12 : memref<80x128xf32, #tpu.memory_space<vmem>>) target_semaphore(%run_scoped3A : memref<!tpu.dma_semaphore, #tpu.memory_space<semaphore_mem>>)
        %dma_wait3A_571 = arith.constant 0 : i32
        %dma_wait3A_572 = tpu.memref_slice %arg15[%add3A_565, %dma_wait3A_571] : memref<10240x128xf32, #tpu.memory_space<vmem_shared>> -> memref<80x128xf32, #tpu.memory_space<vmem_shared>>
        %dma_wait3A_573 = arith.constant 0 : i32
        %dma_wait3A_574 = tpu.memref_slice %arg15[%add3A_565, %dma_wait3A_573] : memref<10240x128xf32, #tpu.memory_space<vmem_shared>> -> memref<80x128xf32, #tpu.memory_space<vmem_shared>>
        tpu.wait_dma2 semaphore(%run_scoped3A : memref<!tpu.dma_semaphore, #tpu.memory_space<semaphore_mem>>) src(%dma_wait3A_574 : memref<80x128xf32, #tpu.memory_space<vmem_shared>>) dst(%arg12 : memref<80x128xf32, #tpu.memory_space<vmem>>)
        tpu.yield
      }) : () -> ()
      "tpu.region"() ({
        %run_scoped3A = tpu.sem_alloc : memref<!tpu.dma_semaphore, #tpu.memory_space<semaphore_mem>>
        %dma_start3A_567 = arith.constant 0 : i32
        %dma_start3A_568 = tpu.memref_slice %arg4[%arg0, %add3A_565, %dma_start3A_567] : memref<2x10240x128xf32, #tpu.memory_space<hbm>> -> memref<1x80x128xf32, #tpu.memory_space<hbm>>
        %dma_start3A_569 = tpu.memref_squeeze %dma_start3A_568 : memref<1x80x128xf32, #tpu.memory_space<hbm>> -> memref<80x128xf32, #tpu.memory_space<hbm>>
        %dma_start3A_570 = arith.constant 0 : i32
        %dma_start3A_571 = tpu.memref_slice %arg4[%arg0, %add3A_565, %dma_start3A_570] : memref<2x10240x128xf32, #tpu.memory_space<hbm>> -> memref<1x80x128xf32, #tpu.memory_space<hbm>>
        %dma_start3A_572 = tpu.memref_squeeze %dma_start3A_571 : memref<1x80x128xf32, #tpu.memory_space<hbm>> -> memref<80x128xf32, #tpu.memory_space<hbm>>
        tpu.enqueue_dma source(%arg12 : memref<80x128xf32, #tpu.memory_space<vmem>>) target(%dma_start3A_572 : memref<80x128xf32, #tpu.memory_space<hbm>>) target_semaphore(%run_scoped3A : memref<!tpu.dma_semaphore, #tpu.memory_space<semaphore_mem>>)
        %dma_wait3A_573 = arith.constant 0 : i32
        %dma_wait3A_574 = tpu.memref_slice %arg4[%arg0, %add3A_565, %dma_wait3A_573] : memref<2x10240x128xf32, #tpu.memory_space<hbm>> -> memref<1x80x128xf32, #tpu.memory_space<hbm>>
        %dma_wait3A_575 = tpu.memref_squeeze %dma_wait3A_574 : memref<1x80x128xf32, #tpu.memory_space<hbm>> -> memref<80x128xf32, #tpu.memory_space<hbm>>
        %dma_wait3A_576 = arith.constant 0 : i32
        %dma_wait3A_577 = tpu.memref_slice %arg4[%arg0, %add3A_565, %dma_wait3A_576] : memref<2x10240x128xf32, #tpu.memory_space<hbm>> -> memref<1x80x128xf32, #tpu.memory_space<hbm>>
        %dma_wait3A_578 = tpu.memref_squeeze %dma_wait3A_577 : memref<1x80x128xf32, #tpu.memory_space<hbm>> -> memref<80x128xf32, #tpu.memory_space<hbm>>
        tpu.wait_dma2 semaphore(%run_scoped3A : memref<!tpu.dma_semaphore, #tpu.memory_space<semaphore_mem>>) src(%arg12 : memref<80x128xf32, #tpu.memory_space<vmem>>) dst(%dma_wait3A_578 : memref<80x128xf32, #tpu.memory_space<hbm>>)
        tpu.yield
      }) : () -> ()
      %scan3A_566 = arith.constant 0 : i32
      scf.yield %scan3A_566 : i32
    }
    %scan3A_558 = arith.constant 8 : i32
    return
  }
}

#map = affine_map<(d0, d1) -> (0, 0)>
#map1 = affine_map<(d0, d1) -> (0, 0, 0)>
module attributes {stable_mosaic.version = 14 : i64} {
  func.func @sc_gcn_prop(%arg0: i32, %arg1: i32, %arg2: memref<10000x128xf32, #tpu.memory_space<hbm>>, %arg3: memref<32x125x80xi32, #tpu.memory_space<hbm>>, %arg4: memref<2x10240x128xf32, #tpu.memory_space<hbm>>, %arg5: memref<125x80xi32, #tpu.memory_space<vmem>>, %arg6: memref<80xi32, #tpu.memory_space<vmem>>, %arg7: memref<80xi32, #tpu.memory_space<vmem>>, %arg8: memref<80xi32, #tpu.memory_space<vmem>>, %arg9: memref<80xi32, #tpu.memory_space<vmem>>, %arg10: memref<80xi32, #tpu.memory_space<vmem>>, %arg11: memref<80xi32, #tpu.memory_space<vmem>>, %arg12: memref<80x128xf32, #tpu.memory_space<vmem>>, %arg13: memref<80x128xf32, #tpu.memory_space<vmem>>, %arg14: memref<80x128xf32, #tpu.memory_space<vmem>>, %arg15: memref<10240x128xf32, #tpu.memory_space<vmem_shared>>, %arg16: memref<!tpu.dma_semaphore, #tpu.memory_space<semaphore_mem>>, %arg17: memref<!tpu.dma_semaphore, #tpu.memory_space<semaphore_mem>>, %arg18: memref<!tpu.dma_semaphore, #tpu.memory_space<semaphore_mem>>, %arg19: memref<!tpu.dma_semaphore, #tpu.memory_space<semaphore_mem>>, %arg20: memref<!tpu.dma_semaphore, #tpu.memory_space<semaphore_mem>>, %arg21: memref<!tpu.dma_semaphore, #tpu.memory_space<semaphore_mem>>) attributes {dimension_semantics = [#tpu.dimension_semantics<core_parallel>, #tpu.dimension_semantics<subcore_parallel>], iteration_bounds = array<i64: 2, 16>, scalar_prefetch = 0 : i64, scratch_operands = 17 : i64, tpu.core_type = #tpu.core_type<sc_vector_subcore>, window_params = [{transform_indices = #map}, {transform_indices = #map1}, {transform_indices = #map1}]} {
    %mul3A = arith.constant 16 : i32
    %mul3A_0 = arith.muli %arg0, %mul3A : i32
    %add3A = arith.addi %mul3A_0, %arg1 : i32
    %broadcast_in_dim3A = arith.constant 0.000000e+00 : f32
    %broadcast_in_dim3A_1 = vector.broadcast %broadcast_in_dim3A : f32 to vector<16xf32>
    %scan3A = arith.constant 0 : i32
    %scan3A_2 = arith.constant 0 : i32
    %scan3A_3 = arith.constant 80 : i32
    %scan3A_4 = arith.addi %scan3A_2, %scan3A_3 : i32
    %scan3A_5 = arith.constant 1 : i32
    %scan3A_6 = scf.for %scan3A_559 = %scan3A_2 to %scan3A_4 step %scan3A_5 iter_args(%scan3A_560 = %scan3A) -> (i32)  : i32 {
      %swap3A_561 = arith.index_cast %scan3A_559 : i32 to index
      %swap3A_562 = arith.constant 0 : index
      %swap3A_563 = tpu.vector_load %arg12[%swap3A_561, %swap3A_562] {strides = array<i32>} : memref<80x128xf32, #tpu.memory_space<vmem>>, vector<1x16xf32>,
      %swap3A_564 = vector.shape_cast %swap3A_563 : vector<1x16xf32> to vector<16xf32>
      %swap3A_565 = vector.shape_cast %broadcast_in_dim3A_1 : vector<16xf32> to vector<1x16xf32>
      tpu.vector_store %arg12[%swap3A_561, %swap3A_562], %swap3A_565 {strides = array<i32>} : memref<80x128xf32, #tpu.memory_space<vmem>>, vector<1x16xf32>,
      %swap3A_566 = arith.index_cast %scan3A_559 : i32 to index
      %swap3A_567 = arith.constant 16 : index
      %swap3A_568 = tpu.vector_load %arg12[%swap3A_566, %swap3A_567] {strides = array<i32>} : memref<80x128xf32, #tpu.memory_space<vmem>>, vector<1x16xf32>,
      %swap3A_569 = vector.shape_cast %swap3A_568 : vector<1x16xf32> to vector<16xf32>
      %swap3A_570 = vector.shape_cast %broadcast_in_dim3A_1 : vector<16xf32> to vector<1x16xf32>
      tpu.vector_store %arg12[%swap3A_566, %swap3A_567], %swap3A_570 {strides = array<i32>} : memref<80x128xf32, #tpu.memory_space<vmem>>, vector<1x16xf32>,
      %swap3A_571 = arith.index_cast %scan3A_559 : i32 to index
      %swap3A_572 = arith.constant 32 : index
      %swap3A_573 = tpu.vector_load %arg12[%swap3A_571, %swap3A_572] {strides = array<i32>} : memref<80x128xf32, #tpu.memory_space<vmem>>, vector<1x16xf32>,
      %swap3A_574 = vector.shape_cast %swap3A_573 : vector<1x16xf32> to vector<16xf32>
      %swap3A_575 = vector.shape_cast %broadcast_in_dim3A_1 : vector<16xf32> to vector<1x16xf32>
      tpu.vector_store %arg12[%swap3A_571, %swap3A_572], %swap3A_575 {strides = array<i32>} : memref<80x128xf32, #tpu.memory_space<vmem>>, vector<1x16xf32>,
      %swap3A_576 = arith.index_cast %scan3A_559 : i32 to index
      %swap3A_577 = arith.constant 48 : index
      %swap3A_578 = tpu.vector_load %arg12[%swap3A_576, %swap3A_577] {strides = array<i32>} : memref<80x128xf32, #tpu.memory_space<vmem>>, vector<1x16xf32>,
      %swap3A_579 = vector.shape_cast %swap3A_578 : vector<1x16xf32> to vector<16xf32>
      %swap3A_580 = vector.shape_cast %broadcast_in_dim3A_1 : vector<16xf32> to vector<1x16xf32>
      tpu.vector_store %arg12[%swap3A_576, %swap3A_577], %swap3A_580 {strides = array<i32>} : memref<80x128xf32, #tpu.memory_space<vmem>>, vector<1x16xf32>,
      %swap3A_581 = arith.index_cast %scan3A_559 : i32 to index
      %swap3A_582 = arith.constant 64 : index
      %swap3A_583 = tpu.vector_load %arg12[%swap3A_581, %swap3A_582] {strides = array<i32>} : memref<80x128xf32, #tpu.memory_space<vmem>>, vector<1x16xf32>,
      %swap3A_584 = vector.shape_cast %swap3A_583 : vector<1x16xf32> to vector<16xf32>
      %swap3A_585 = vector.shape_cast %broadcast_in_dim3A_1 : vector<16xf32> to vector<1x16xf32>
      tpu.vector_store %arg12[%swap3A_581, %swap3A_582], %swap3A_585 {strides = array<i32>} : memref<80x128xf32, #tpu.memory_space<vmem>>, vector<1x16xf32>,
      %swap3A_586 = arith.index_cast %scan3A_559 : i32 to index
      %swap3A_587 = arith.constant 80 : index
      %swap3A_588 = tpu.vector_load %arg12[%swap3A_586, %swap3A_587] {strides = array<i32>} : memref<80x128xf32, #tpu.memory_space<vmem>>, vector<1x16xf32>,
      %swap3A_589 = vector.shape_cast %swap3A_588 : vector<1x16xf32> to vector<16xf32>
      %swap3A_590 = vector.shape_cast %broadcast_in_dim3A_1 : vector<16xf32> to vector<1x16xf32>
      tpu.vector_store %arg12[%swap3A_586, %swap3A_587], %swap3A_590 {strides = array<i32>} : memref<80x128xf32, #tpu.memory_space<vmem>>, vector<1x16xf32>,
      %swap3A_591 = arith.index_cast %scan3A_559 : i32 to index
      %swap3A_592 = arith.constant 96 : index
      %swap3A_593 = tpu.vector_load %arg12[%swap3A_591, %swap3A_592] {strides = array<i32>} : memref<80x128xf32, #tpu.memory_space<vmem>>, vector<1x16xf32>,
      %swap3A_594 = vector.shape_cast %swap3A_593 : vector<1x16xf32> to vector<16xf32>
      %swap3A_595 = vector.shape_cast %broadcast_in_dim3A_1 : vector<16xf32> to vector<1x16xf32>
      tpu.vector_store %arg12[%swap3A_591, %swap3A_592], %swap3A_595 {strides = array<i32>} : memref<80x128xf32, #tpu.memory_space<vmem>>, vector<1x16xf32>,
      %swap3A_596 = arith.index_cast %scan3A_559 : i32 to index
      %swap3A_597 = arith.constant 112 : index
      %swap3A_598 = tpu.vector_load %arg12[%swap3A_596, %swap3A_597] {strides = array<i32>} : memref<80x128xf32, #tpu.memory_space<vmem>>, vector<1x16xf32>,
      %swap3A_599 = vector.shape_cast %swap3A_598 : vector<1x16xf32> to vector<16xf32>
      %swap3A_600 = vector.shape_cast %broadcast_in_dim3A_1 : vector<16xf32> to vector<1x16xf32>
      tpu.vector_store %arg12[%swap3A_596, %swap3A_597], %swap3A_600 {strides = array<i32>} : memref<80x128xf32, #tpu.memory_space<vmem>>, vector<1x16xf32>,
      %scan3A_601 = arith.constant 0 : i32
      scf.yield %scan3A_601 : i32
    }
    %scan3A_7 = arith.constant 80 : i32
    "tpu.region"() ({
      %run_scoped3A = tpu.sem_alloc : memref<!tpu.dma_semaphore, #tpu.memory_space<semaphore_mem>>
      %dma_start3A_559 = arith.constant 0 : i32
      %dma_start3A_560 = arith.constant 0 : i32
      %dma_start3A_561 = tpu.memref_slice %arg3[%add3A, %dma_start3A_559, %dma_start3A_560] : memref<32x125x80xi32, #tpu.memory_space<hbm>> -> memref<1x125x80xi32, #tpu.memory_space<hbm>>
      %dma_start3A_562 = tpu.memref_squeeze %dma_start3A_561 : memref<1x125x80xi32, #tpu.memory_space<hbm>> -> memref<125x80xi32, #tpu.memory_space<hbm>>
      %dma_start3A_563 = arith.constant 0 : i32
      %dma_start3A_564 = arith.constant 0 : i32
      %dma_start3A_565 = tpu.memref_slice %arg3[%add3A, %dma_start3A_563, %dma_start3A_564] : memref<32x125x80xi32, #tpu.memory_space<hbm>> -> memref<1x125x80xi32, #tpu.memory_space<hbm>>
      %dma_start3A_566 = tpu.memref_squeeze %dma_start3A_565 : memref<1x125x80xi32, #tpu.memory_space<hbm>> -> memref<125x80xi32, #tpu.memory_space<hbm>>
      tpu.enqueue_dma source(%dma_start3A_566 : memref<125x80xi32, #tpu.memory_space<hbm>>) target(%arg5 : memref<125x80xi32, #tpu.memory_space<vmem>>) target_semaphore(%run_scoped3A : memref<!tpu.dma_semaphore, #tpu.memory_space<semaphore_mem>>)
      %dma_wait3A_567 = arith.constant 0 : i32
      %dma_wait3A_568 = arith.constant 0 : i32
      %dma_wait3A_569 = tpu.memref_slice %arg3[%add3A, %dma_wait3A_567, %dma_wait3A_568] : memref<32x125x80xi32, #tpu.memory_space<hbm>> -> memref<1x125x80xi32, #tpu.memory_space<hbm>>
      %dma_wait3A_570 = tpu.memref_squeeze %dma_wait3A_569 : memref<1x125x80xi32, #tpu.memory_space<hbm>> -> memref<125x80xi32, #tpu.memory_space<hbm>>
      %dma_wait3A_571 = arith.constant 0 : i32
      %dma_wait3A_572 = arith.constant 0 : i32
      %dma_wait3A_573 = tpu.memref_slice %arg3[%add3A, %dma_wait3A_571, %dma_wait3A_572] : memref<32x125x80xi32, #tpu.memory_space<hbm>> -> memref<1x125x80xi32, #tpu.memory_space<hbm>>
      %dma_wait3A_574 = tpu.memref_squeeze %dma_wait3A_573 : memref<1x125x80xi32, #tpu.memory_space<hbm>> -> memref<125x80xi32, #tpu.memory_space<hbm>>
      tpu.wait_dma2 semaphore(%run_scoped3A : memref<!tpu.dma_semaphore, #tpu.memory_space<semaphore_mem>>) src(%dma_wait3A_574 : memref<125x80xi32, #tpu.memory_space<hbm>>) dst(%arg5 : memref<125x80xi32, #tpu.memory_space<vmem>>)
      tpu.yield
    }) : () -> ()
    %scan3A_8 = arith.constant 0 : i32
    %scan3A_9 = arith.constant 0 : i32
    %scan3A_10 = arith.constant 8 : i32
    %scan3A_11 = arith.addi %scan3A_9, %scan3A_10 : i32
    %scan3A_12 = arith.constant 1 : i32
    %scan3A_13 = scf.for %scan3A_559 = %scan3A_9 to %scan3A_11 step %scan3A_12 iter_args(%scan3A_560 = %scan3A_8) -> (i32)  : i32 {
      %mul3A_561 = arith.constant 640 : i32
      %mul3A_562 = arith.muli %arg1, %mul3A_561 : i32
      %mul3A_563 = arith.constant 80 : i32
      %mul3A_564 = arith.muli %scan3A_559, %mul3A_563 : i32
      %add3A_565 = arith.addi %mul3A_562, %mul3A_564 : i32
      "tpu.region"() ({
        %run_scoped3A = tpu.sem_alloc : memref<!tpu.dma_semaphore, #tpu.memory_space<semaphore_mem>>
        %dma_start3A_567 = arith.constant 0 : i32
        %dma_start3A_568 = tpu.memref_slice %arg15[%add3A_565, %dma_start3A_567] : memref<10240x128xf32, #tpu.memory_space<vmem_shared>> -> memref<80x128xf32, #tpu.memory_space<vmem_shared>>
        %dma_start3A_569 = arith.constant 0 : i32
        %dma_start3A_570 = tpu.memref_slice %arg15[%add3A_565, %dma_start3A_569] : memref<10240x128xf32, #tpu.memory_space<vmem_shared>> -> memref<80x128xf32, #tpu.memory_space<vmem_shared>>
        tpu.enqueue_dma source(%arg12 : memref<80x128xf32, #tpu.memory_space<vmem>>) target(%dma_start3A_570 : memref<80x128xf32, #tpu.memory_space<vmem_shared>>) target_semaphore(%run_scoped3A : memref<!tpu.dma_semaphore, #tpu.memory_space<semaphore_mem>>)
        %dma_wait3A_571 = arith.constant 0 : i32
        %dma_wait3A_572 = tpu.memref_slice %arg15[%add3A_565, %dma_wait3A_571] : memref<10240x128xf32, #tpu.memory_space<vmem_shared>> -> memref<80x128xf32, #tpu.memory_space<vmem_shared>>
        %dma_wait3A_573 = arith.constant 0 : i32
        %dma_wait3A_574 = tpu.memref_slice %arg15[%add3A_565, %dma_wait3A_573] : memref<10240x128xf32, #tpu.memory_space<vmem_shared>> -> memref<80x128xf32, #tpu.memory_space<vmem_shared>>
        tpu.wait_dma2 semaphore(%run_scoped3A : memref<!tpu.dma_semaphore, #tpu.memory_space<semaphore_mem>>) src(%arg12 : memref<80x128xf32, #tpu.memory_space<vmem>>) dst(%dma_wait3A_574 : memref<80x128xf32, #tpu.memory_space<vmem_shared>>)
        tpu.yield
      }) : () -> ()
      %scan3A_566 = arith.constant 0 : i32
      scf.yield %scan3A_566 : i32
    }
    %scan3A_14 = arith.constant 8 : i32
    %barrier3A = arith.constant 0 : index
    tpu.barrier barrier_id(%barrier3A)
    %get3A = arith.constant 0 : i32
    %get3A_15 = arith.index_cast %get3A : i32 to index
    %get3A_16 = arith.constant 0 : index
    %get3A_17 = tpu.vector_load %arg5[%get3A_15, %get3A_16] {strides = array<i32>} : memref<125x80xi32, #tpu.memory_space<vmem>>, vector<1x16xi32>,
    %get3A_18 = vector.shape_cast %get3A_17 : vector<1x16xi32> to vector<16xi32>
    %and3A = arith.constant 65535 : i32
    %and3A_19 = vector.broadcast %and3A : i32 to vector<16xi32>
    %and3A_20 = arith.andi %get3A_18, %and3A_19 : vector<16xi32>
    %swap3A = arith.constant 0 : index
    %swap3A_21 = tpu.vector_load %arg6[%swap3A] {strides = array<i32>} : memref<80xi32, #tpu.memory_space<vmem>>, vector<16xi32>,
    %swap3A_22 = vector.shape_cast %swap3A_21 : vector<16xi32> to vector<16xi32>
    %swap3A_23 = vector.shape_cast %and3A_20 : vector<16xi32> to vector<16xi32>
    tpu.vector_store %arg6[%swap3A], %swap3A_23 {strides = array<i32>} : memref<80xi32, #tpu.memory_space<vmem>>, vector<16xi32>,
    %shift_right_arithmetic3A = arith.constant 16 : i32
    %shift_right_arithmetic3A_24 = vector.broadcast %shift_right_arithmetic3A : i32 to vector<16xi32>
    %shift_right_arithmetic3A_25 = arith.shrsi %get3A_18, %shift_right_arithmetic3A_24 : vector<16xi32>
    %swap3A_26 = arith.constant 0 : index
    %swap3A_27 = tpu.vector_load %arg9[%swap3A_26] {strides = array<i32>} : memref<80xi32, #tpu.memory_space<vmem>>, vector<16xi32>,
    %swap3A_28 = vector.shape_cast %swap3A_27 : vector<16xi32> to vector<16xi32>
    %swap3A_29 = vector.shape_cast %shift_right_arithmetic3A_25 : vector<16xi32> to vector<16xi32>
    tpu.vector_store %arg9[%swap3A_26], %swap3A_29 {strides = array<i32>} : memref<80xi32, #tpu.memory_space<vmem>>, vector<16xi32>,
    %get3A_30 = arith.constant 0 : i32
    %get3A_31 = arith.index_cast %get3A_30 : i32 to index
    %get3A_32 = arith.constant 16 : index
    %get3A_33 = tpu.vector_load %arg5[%get3A_31, %get3A_32] {strides = array<i32>} : memref<125x80xi32, #tpu.memory_space<vmem>>, vector<1x16xi32>,
    %get3A_34 = vector.shape_cast %get3A_33 : vector<1x16xi32> to vector<16xi32>
    %and3A_35 = arith.constant 65535 : i32
    %and3A_36 = vector.broadcast %and3A_35 : i32 to vector<16xi32>
    %and3A_37 = arith.andi %get3A_34, %and3A_36 : vector<16xi32>
    %swap3A_38 = arith.constant 16 : index
    %swap3A_39 = tpu.vector_load %arg6[%swap3A_38] {strides = array<i32>} : memref<80xi32, #tpu.memory_space<vmem>>, vector<16xi32>,
    %swap3A_40 = vector.shape_cast %swap3A_39 : vector<16xi32> to vector<16xi32>
    %swap3A_41 = vector.shape_cast %and3A_37 : vector<16xi32> to vector<16xi32>
    tpu.vector_store %arg6[%swap3A_38], %swap3A_41 {strides = array<i32>} : memref<80xi32, #tpu.memory_space<vmem>>, vector<16xi32>,
    %shift_right_arithmetic3A_42 = arith.constant 16 : i32
    %shift_right_arithmetic3A_43 = vector.broadcast %shift_right_arithmetic3A_42 : i32 to vector<16xi32>
    %shift_right_arithmetic3A_44 = arith.shrsi %get3A_34, %shift_right_arithmetic3A_43 : vector<16xi32>
    %swap3A_45 = arith.constant 16 : index
    %swap3A_46 = tpu.vector_load %arg9[%swap3A_45] {strides = array<i32>} : memref<80xi32, #tpu.memory_space<vmem>>, vector<16xi32>,
    %swap3A_47 = vector.shape_cast %swap3A_46 : vector<16xi32> to vector<16xi32>
    %swap3A_48 = vector.shape_cast %shift_right_arithmetic3A_44 : vector<16xi32> to vector<16xi32>
    tpu.vector_store %arg9[%swap3A_45], %swap3A_48 {strides = array<i32>} : memref<80xi32, #tpu.memory_space<vmem>>, vector<16xi32>,
    %get3A_49 = arith.constant 0 : i32
    %get3A_50 = arith.index_cast %get3A_49 : i32 to index
    %get3A_51 = arith.constant 32 : index
    %get3A_52 = tpu.vector_load %arg5[%get3A_50, %get3A_51] {strides = array<i32>} : memref<125x80xi32, #tpu.memory_space<vmem>>, vector<1x16xi32>,
    %get3A_53 = vector.shape_cast %get3A_52 : vector<1x16xi32> to vector<16xi32>
    %and3A_54 = arith.constant 65535 : i32
    %and3A_55 = vector.broadcast %and3A_54 : i32 to vector<16xi32>
    %and3A_56 = arith.andi %get3A_53, %and3A_55 : vector<16xi32>
    %swap3A_57 = arith.constant 32 : index
    %swap3A_58 = tpu.vector_load %arg6[%swap3A_57] {strides = array<i32>} : memref<80xi32, #tpu.memory_space<vmem>>, vector<16xi32>,
    %swap3A_59 = vector.shape_cast %swap3A_58 : vector<16xi32> to vector<16xi32>
    %swap3A_60 = vector.shape_cast %and3A_56 : vector<16xi32> to vector<16xi32>
    tpu.vector_store %arg6[%swap3A_57], %swap3A_60 {strides = array<i32>} : memref<80xi32, #tpu.memory_space<vmem>>, vector<16xi32>,
    %shift_right_arithmetic3A_61 = arith.constant 16 : i32
    %shift_right_arithmetic3A_62 = vector.broadcast %shift_right_arithmetic3A_61 : i32 to vector<16xi32>
    %shift_right_arithmetic3A_63 = arith.shrsi %get3A_53, %shift_right_arithmetic3A_62 : vector<16xi32>
    %swap3A_64 = arith.constant 32 : index
    %swap3A_65 = tpu.vector_load %arg9[%swap3A_64] {strides = array<i32>} : memref<80xi32, #tpu.memory_space<vmem>>, vector<16xi32>,
    %swap3A_66 = vector.shape_cast %swap3A_65 : vector<16xi32> to vector<16xi32>
    %swap3A_67 = vector.shape_cast %shift_right_arithmetic3A_63 : vector<16xi32> to vector<16xi32>
    tpu.vector_store %arg9[%swap3A_64], %swap3A_67 {strides = array<i32>} : memref<80xi32, #tpu.memory_space<vmem>>, vector<16xi32>,
    %get3A_68 = arith.constant 0 : i32
    %get3A_69 = arith.index_cast %get3A_68 : i32 to index
    %get3A_70 = arith.constant 48 : index
    %get3A_71 = tpu.vector_load %arg5[%get3A_69, %get3A_70] {strides = array<i32>} : memref<125x80xi32, #tpu.memory_space<vmem>>, vector<1x16xi32>,
    %get3A_72 = vector.shape_cast %get3A_71 : vector<1x16xi32> to vector<16xi32>
    %and3A_73 = arith.constant 65535 : i32
    %and3A_74 = vector.broadcast %and3A_73 : i32 to vector<16xi32>
    %and3A_75 = arith.andi %get3A_72, %and3A_74 : vector<16xi32>
    %swap3A_76 = arith.constant 48 : index
    %swap3A_77 = tpu.vector_load %arg6[%swap3A_76] {strides = array<i32>} : memref<80xi32, #tpu.memory_space<vmem>>, vector<16xi32>,
    %swap3A_78 = vector.shape_cast %swap3A_77 : vector<16xi32> to vector<16xi32>
    %swap3A_79 = vector.shape_cast %and3A_75 : vector<16xi32> to vector<16xi32>
    tpu.vector_store %arg6[%swap3A_76], %swap3A_79 {strides = array<i32>} : memref<80xi32, #tpu.memory_space<vmem>>, vector<16xi32>,
    %shift_right_arithmetic3A_80 = arith.constant 16 : i32
    %shift_right_arithmetic3A_81 = vector.broadcast %shift_right_arithmetic3A_80 : i32 to vector<16xi32>
    %shift_right_arithmetic3A_82 = arith.shrsi %get3A_72, %shift_right_arithmetic3A_81 : vector<16xi32>
    %swap3A_83 = arith.constant 48 : index
    %swap3A_84 = tpu.vector_load %arg9[%swap3A_83] {strides = array<i32>} : memref<80xi32, #tpu.memory_space<vmem>>, vector<16xi32>,
    %swap3A_85 = vector.shape_cast %swap3A_84 : vector<16xi32> to vector<16xi32>
    %swap3A_86 = vector.shape_cast %shift_right_arithmetic3A_82 : vector<16xi32> to vector<16xi32>
    tpu.vector_store %arg9[%swap3A_83], %swap3A_86 {strides = array<i32>} : memref<80xi32, #tpu.memory_space<vmem>>, vector<16xi32>,
    %get3A_87 = arith.constant 0 : i32
    %get3A_88 = arith.index_cast %get3A_87 : i32 to index
    %get3A_89 = arith.constant 64 : index
    %get3A_90 = tpu.vector_load %arg5[%get3A_88, %get3A_89] {strides = array<i32>} : memref<125x80xi32, #tpu.memory_space<vmem>>, vector<1x16xi32>,
    %get3A_91 = vector.shape_cast %get3A_90 : vector<1x16xi32> to vector<16xi32>
    %and3A_92 = arith.constant 65535 : i32
    %and3A_93 = vector.broadcast %and3A_92 : i32 to vector<16xi32>
    %and3A_94 = arith.andi %get3A_91, %and3A_93 : vector<16xi32>
    %swap3A_95 = arith.constant 64 : index
    %swap3A_96 = tpu.vector_load %arg6[%swap3A_95] {strides = array<i32>} : memref<80xi32, #tpu.memory_space<vmem>>, vector<16xi32>,
    %swap3A_97 = vector.shape_cast %swap3A_96 : vector<16xi32> to vector<16xi32>
    %swap3A_98 = vector.shape_cast %and3A_94 : vector<16xi32> to vector<16xi32>
    tpu.vector_store %arg6[%swap3A_95], %swap3A_98 {strides = array<i32>} : memref<80xi32, #tpu.memory_space<vmem>>, vector<16xi32>,
    %shift_right_arithmetic3A_99 = arith.constant 16 : i32
    %shift_right_arithmetic3A_100 = vector.broadcast %shift_right_arithmetic3A_99 : i32 to vector<16xi32>
    %shift_right_arithmetic3A_101 = arith.shrsi %get3A_91, %shift_right_arithmetic3A_100 : vector<16xi32>
    %swap3A_102 = arith.constant 64 : index
    %swap3A_103 = tpu.vector_load %arg9[%swap3A_102] {strides = array<i32>} : memref<80xi32, #tpu.memory_space<vmem>>, vector<16xi32>,
    %swap3A_104 = vector.shape_cast %swap3A_103 : vector<16xi32> to vector<16xi32>
    %swap3A_105 = vector.shape_cast %shift_right_arithmetic3A_101 : vector<16xi32> to vector<16xi32>
    tpu.vector_store %arg9[%swap3A_102], %swap3A_105 {strides = array<i32>} : memref<80xi32, #tpu.memory_space<vmem>>, vector<16xi32>,
    %dma_start3A = arith.constant 0 : i32
    %dma_start3A_106 = arith.constant 0 : i32
    %dma_start3A_107 = tpu.memref_slice %arg2[%dma_start3A, %dma_start3A_106] : memref<10000x128xf32, #tpu.memory_space<hbm>> -> memref<10000x128xf32, #tpu.memory_space<hbm>>
    tpu.enqueue_indirect_dma source(%dma_start3A_107 : memref<10000x128xf32, #tpu.memory_space<hbm>>) target(%arg12 : memref<80x128xf32, #tpu.memory_space<vmem>>) offsets(%arg6 : memref<80xi32, #tpu.memory_space<vmem>>) semaphore(%arg16 : memref<!tpu.dma_semaphore, #tpu.memory_space<semaphore_mem>>)
    %get3A_108 = arith.constant 1 : i32
    %get3A_109 = arith.index_cast %get3A_108 : i32 to index
    %get3A_110 = arith.constant 0 : index
    %get3A_111 = tpu.vector_load %arg5[%get3A_109, %get3A_110] {strides = array<i32>} : memref<125x80xi32, #tpu.memory_space<vmem>>, vector<1x16xi32>,
    %get3A_112 = vector.shape_cast %get3A_111 : vector<1x16xi32> to vector<16xi32>
    %and3A_113 = arith.constant 65535 : i32
    %and3A_114 = vector.broadcast %and3A_113 : i32 to vector<16xi32>
    %and3A_115 = arith.andi %get3A_112, %and3A_114 : vector<16xi32>
    %swap3A_116 = arith.constant 0 : index
    %swap3A_117 = tpu.vector_load %arg7[%swap3A_116] {strides = array<i32>} : memref<80xi32, #tpu.memory_space<vmem>>, vector<16xi32>,
    %swap3A_118 = vector.shape_cast %swap3A_117 : vector<16xi32> to vector<16xi32>
    %swap3A_119 = vector.shape_cast %and3A_115 : vector<16xi32> to vector<16xi32>
    tpu.vector_store %arg7[%swap3A_116], %swap3A_119 {strides = array<i32>} : memref<80xi32, #tpu.memory_space<vmem>>, vector<16xi32>,
    %shift_right_arithmetic3A_120 = arith.constant 16 : i32
    %shift_right_arithmetic3A_121 = vector.broadcast %shift_right_arithmetic3A_120 : i32 to vector<16xi32>
    %shift_right_arithmetic3A_122 = arith.shrsi %get3A_112, %shift_right_arithmetic3A_121 : vector<16xi32>
    %swap3A_123 = arith.constant 0 : index
    %swap3A_124 = tpu.vector_load %arg10[%swap3A_123] {strides = array<i32>} : memref<80xi32, #tpu.memory_space<vmem>>, vector<16xi32>,
    %swap3A_125 = vector.shape_cast %swap3A_124 : vector<16xi32> to vector<16xi32>
    %swap3A_126 = vector.shape_cast %shift_right_arithmetic3A_122 : vector<16xi32> to vector<16xi32>
    tpu.vector_store %arg10[%swap3A_123], %swap3A_126 {strides = array<i32>} : memref<80xi32, #tpu.memory_space<vmem>>, vector<16xi32>,
    %get3A_127 = arith.constant 1 : i32
    %get3A_128 = arith.index_cast %get3A_127 : i32 to index
    %get3A_129 = arith.constant 16 : index
    %get3A_130 = tpu.vector_load %arg5[%get3A_128, %get3A_129] {strides = array<i32>} : memref<125x80xi32, #tpu.memory_space<vmem>>, vector<1x16xi32>,
    %get3A_131 = vector.shape_cast %get3A_130 : vector<1x16xi32> to vector<16xi32>
    %and3A_132 = arith.constant 65535 : i32
    %and3A_133 = vector.broadcast %and3A_132 : i32 to vector<16xi32>
    %and3A_134 = arith.andi %get3A_131, %and3A_133 : vector<16xi32>
    %swap3A_135 = arith.constant 16 : index
    %swap3A_136 = tpu.vector_load %arg7[%swap3A_135] {strides = array<i32>} : memref<80xi32, #tpu.memory_space<vmem>>, vector<16xi32>,
    %swap3A_137 = vector.shape_cast %swap3A_136 : vector<16xi32> to vector<16xi32>
    %swap3A_138 = vector.shape_cast %and3A_134 : vector<16xi32> to vector<16xi32>
    tpu.vector_store %arg7[%swap3A_135], %swap3A_138 {strides = array<i32>} : memref<80xi32, #tpu.memory_space<vmem>>, vector<16xi32>,
    %shift_right_arithmetic3A_139 = arith.constant 16 : i32
    %shift_right_arithmetic3A_140 = vector.broadcast %shift_right_arithmetic3A_139 : i32 to vector<16xi32>
    %shift_right_arithmetic3A_141 = arith.shrsi %get3A_131, %shift_right_arithmetic3A_140 : vector<16xi32>
    %swap3A_142 = arith.constant 16 : index
    %swap3A_143 = tpu.vector_load %arg10[%swap3A_142] {strides = array<i32>} : memref<80xi32, #tpu.memory_space<vmem>>, vector<16xi32>,
    %swap3A_144 = vector.shape_cast %swap3A_143 : vector<16xi32> to vector<16xi32>
    %swap3A_145 = vector.shape_cast %shift_right_arithmetic3A_141 : vector<16xi32> to vector<16xi32>
    tpu.vector_store %arg10[%swap3A_142], %swap3A_145 {strides = array<i32>} : memref<80xi32, #tpu.memory_space<vmem>>, vector<16xi32>,
    %get3A_146 = arith.constant 1 : i32
    %get3A_147 = arith.index_cast %get3A_146 : i32 to index
    %get3A_148 = arith.constant 32 : index
    %get3A_149 = tpu.vector_load %arg5[%get3A_147, %get3A_148] {strides = array<i32>} : memref<125x80xi32, #tpu.memory_space<vmem>>, vector<1x16xi32>,
    %get3A_150 = vector.shape_cast %get3A_149 : vector<1x16xi32> to vector<16xi32>
    %and3A_151 = arith.constant 65535 : i32
    %and3A_152 = vector.broadcast %and3A_151 : i32 to vector<16xi32>
    %and3A_153 = arith.andi %get3A_150, %and3A_152 : vector<16xi32>
    %swap3A_154 = arith.constant 32 : index
    %swap3A_155 = tpu.vector_load %arg7[%swap3A_154] {strides = array<i32>} : memref<80xi32, #tpu.memory_space<vmem>>, vector<16xi32>,
    %swap3A_156 = vector.shape_cast %swap3A_155 : vector<16xi32> to vector<16xi32>
    %swap3A_157 = vector.shape_cast %and3A_153 : vector<16xi32> to vector<16xi32>
    tpu.vector_store %arg7[%swap3A_154], %swap3A_157 {strides = array<i32>} : memref<80xi32, #tpu.memory_space<vmem>>, vector<16xi32>,
    %shift_right_arithmetic3A_158 = arith.constant 16 : i32
    %shift_right_arithmetic3A_159 = vector.broadcast %shift_right_arithmetic3A_158 : i32 to vector<16xi32>
    %shift_right_arithmetic3A_160 = arith.shrsi %get3A_150, %shift_right_arithmetic3A_159 : vector<16xi32>
    %swap3A_161 = arith.constant 32 : index
    %swap3A_162 = tpu.vector_load %arg10[%swap3A_161] {strides = array<i32>} : memref<80xi32, #tpu.memory_space<vmem>>, vector<16xi32>,
    %swap3A_163 = vector.shape_cast %swap3A_162 : vector<16xi32> to vector<16xi32>
    %swap3A_164 = vector.shape_cast %shift_right_arithmetic3A_160 : vector<16xi32> to vector<16xi32>
    tpu.vector_store %arg10[%swap3A_161], %swap3A_164 {strides = array<i32>} : memref<80xi32, #tpu.memory_space<vmem>>, vector<16xi32>,
    %get3A_165 = arith.constant 1 : i32
    %get3A_166 = arith.index_cast %get3A_165 : i32 to index
    %get3A_167 = arith.constant 48 : index
    %get3A_168 = tpu.vector_load %arg5[%get3A_166, %get3A_167] {strides = array<i32>} : memref<125x80xi32, #tpu.memory_space<vmem>>, vector<1x16xi32>,
    %get3A_169 = vector.shape_cast %get3A_168 : vector<1x16xi32> to vector<16xi32>
    %and3A_170 = arith.constant 65535 : i32
    %and3A_171 = vector.broadcast %and3A_170 : i32 to vector<16xi32>
    %and3A_172 = arith.andi %get3A_169, %and3A_171 : vector<16xi32>
    %swap3A_173 = arith.constant 48 : index
    %swap3A_174 = tpu.vector_load %arg7[%swap3A_173] {strides = array<i32>} : memref<80xi32, #tpu.memory_space<vmem>>, vector<16xi32>,
    %swap3A_175 = vector.shape_cast %swap3A_174 : vector<16xi32> to vector<16xi32>
    %swap3A_176 = vector.shape_cast %and3A_172 : vector<16xi32> to vector<16xi32>
    tpu.vector_store %arg7[%swap3A_173], %swap3A_176 {strides = array<i32>} : memref<80xi32, #tpu.memory_space<vmem>>, vector<16xi32>,
    %shift_right_arithmetic3A_177 = arith.constant 16 : i32
    %shift_right_arithmetic3A_178 = vector.broadcast %shift_right_arithmetic3A_177 : i32 to vector<16xi32>
    %shift_right_arithmetic3A_179 = arith.shrsi %get3A_169, %shift_right_arithmetic3A_178 : vector<16xi32>
    %swap3A_180 = arith.constant 48 : index
    %swap3A_181 = tpu.vector_load %arg10[%swap3A_180] {strides = array<i32>} : memref<80xi32, #tpu.memory_space<vmem>>, vector<16xi32>,
    %swap3A_182 = vector.shape_cast %swap3A_181 : vector<16xi32> to vector<16xi32>
    %swap3A_183 = vector.shape_cast %shift_right_arithmetic3A_179 : vector<16xi32> to vector<16xi32>
    tpu.vector_store %arg10[%swap3A_180], %swap3A_183 {strides = array<i32>} : memref<80xi32, #tpu.memory_space<vmem>>, vector<16xi32>,
    %get3A_184 = arith.constant 1 : i32
    %get3A_185 = arith.index_cast %get3A_184 : i32 to index
    %get3A_186 = arith.constant 64 : index
    %get3A_187 = tpu.vector_load %arg5[%get3A_185, %get3A_186] {strides = array<i32>} : memref<125x80xi32, #tpu.memory_space<vmem>>, vector<1x16xi32>,
    %get3A_188 = vector.shape_cast %get3A_187 : vector<1x16xi32> to vector<16xi32>
    %and3A_189 = arith.constant 65535 : i32
    %and3A_190 = vector.broadcast %and3A_189 : i32 to vector<16xi32>
    %and3A_191 = arith.andi %get3A_188, %and3A_190 : vector<16xi32>
    %swap3A_192 = arith.constant 64 : index
    %swap3A_193 = tpu.vector_load %arg7[%swap3A_192] {strides = array<i32>} : memref<80xi32, #tpu.memory_space<vmem>>, vector<16xi32>,
    %swap3A_194 = vector.shape_cast %swap3A_193 : vector<16xi32> to vector<16xi32>
    %swap3A_195 = vector.shape_cast %and3A_191 : vector<16xi32> to vector<16xi32>
    tpu.vector_store %arg7[%swap3A_192], %swap3A_195 {strides = array<i32>} : memref<80xi32, #tpu.memory_space<vmem>>, vector<16xi32>,
    %shift_right_arithmetic3A_196 = arith.constant 16 : i32
    %shift_right_arithmetic3A_197 = vector.broadcast %shift_right_arithmetic3A_196 : i32 to vector<16xi32>
    %shift_right_arithmetic3A_198 = arith.shrsi %get3A_188, %shift_right_arithmetic3A_197 : vector<16xi32>
    %swap3A_199 = arith.constant 64 : index
    %swap3A_200 = tpu.vector_load %arg10[%swap3A_199] {strides = array<i32>} : memref<80xi32, #tpu.memory_space<vmem>>, vector<16xi32>,
    %swap3A_201 = vector.shape_cast %swap3A_200 : vector<16xi32> to vector<16xi32>
    %swap3A_202 = vector.shape_cast %shift_right_arithmetic3A_198 : vector<16xi32> to vector<16xi32>
    tpu.vector_store %arg10[%swap3A_199], %swap3A_202 {strides = array<i32>} : memref<80xi32, #tpu.memory_space<vmem>>, vector<16xi32>,
    %dma_start3A_203 = arith.constant 0 : i32
    %dma_start3A_204 = arith.constant 0 : i32
    %dma_start3A_205 = tpu.memref_slice %arg2[%dma_start3A_203, %dma_start3A_204] : memref<10000x128xf32, #tpu.memory_space<hbm>> -> memref<10000x128xf32, #tpu.memory_space<hbm>>
    tpu.enqueue_indirect_dma source(%dma_start3A_205 : memref<10000x128xf32, #tpu.memory_space<hbm>>) target(%arg13 : memref<80x128xf32, #tpu.memory_space<vmem>>) offsets(%arg7 : memref<80xi32, #tpu.memory_space<vmem>>) semaphore(%arg17 : memref<!tpu.dma_semaphore, #tpu.memory_space<semaphore_mem>>)
    %dma_wait3A = arith.constant 0 : i32
    %dma_wait3A_206 = arith.constant 0 : i32
    %dma_wait3A_207 = tpu.memref_slice %arg2[%dma_wait3A, %dma_wait3A_206] : memref<10000x128xf32, #tpu.memory_space<hbm>> -> memref<10000x128xf32, #tpu.memory_space<hbm>>
    tpu.wait_indirect_dma semaphore(%arg16 : memref<!tpu.dma_semaphore, #tpu.memory_space<semaphore_mem>>) src(%dma_wait3A_207 : memref<10000x128xf32, #tpu.memory_space<hbm>>) dst(%arg12 : memref<80x128xf32, #tpu.memory_space<vmem>>)
    %dma_start3A_208 = arith.constant 0 : i32
    %dma_start3A_209 = arith.constant 0 : i32
    %dma_start3A_210 = tpu.memref_slice %arg15[%dma_start3A_208, %dma_start3A_209] : memref<10240x128xf32, #tpu.memory_space<vmem_shared>> -> memref<10240x128xf32, #tpu.memory_space<vmem_shared>>
    tpu.enqueue_indirect_dma source(%arg12 : memref<80x128xf32, #tpu.memory_space<vmem>>) target(%dma_start3A_210 : memref<10240x128xf32, #tpu.memory_space<vmem_shared>>) offsets(%arg9 : memref<80xi32, #tpu.memory_space<vmem>>) semaphore(%arg19 : memref<!tpu.dma_semaphore, #tpu.memory_space<semaphore_mem>>) {add = true}
    %get3A_211 = arith.constant 2 : i32
    %get3A_212 = arith.index_cast %get3A_211 : i32 to index
    %get3A_213 = arith.constant 0 : index
    %get3A_214 = tpu.vector_load %arg5[%get3A_212, %get3A_213] {strides = array<i32>} : memref<125x80xi32, #tpu.memory_space<vmem>>, vector<1x16xi32>,
    %get3A_215 = vector.shape_cast %get3A_214 : vector<1x16xi32> to vector<16xi32>
    %and3A_216 = arith.constant 65535 : i32
    %and3A_217 = vector.broadcast %and3A_216 : i32 to vector<16xi32>
    %and3A_218 = arith.andi %get3A_215, %and3A_217 : vector<16xi32>
    %swap3A_219 = arith.constant 0 : index
    %swap3A_220 = tpu.vector_load %arg8[%swap3A_219] {strides = array<i32>} : memref<80xi32, #tpu.memory_space<vmem>>, vector<16xi32>,
    %swap3A_221 = vector.shape_cast %swap3A_220 : vector<16xi32> to vector<16xi32>
    %swap3A_222 = vector.shape_cast %and3A_218 : vector<16xi32> to vector<16xi32>
    tpu.vector_store %arg8[%swap3A_219], %swap3A_222 {strides = array<i32>} : memref<80xi32, #tpu.memory_space<vmem>>, vector<16xi32>,
    %shift_right_arithmetic3A_223 = arith.constant 16 : i32
    %shift_right_arithmetic3A_224 = vector.broadcast %shift_right_arithmetic3A_223 : i32 to vector<16xi32>
    %shift_right_arithmetic3A_225 = arith.shrsi %get3A_215, %shift_right_arithmetic3A_224 : vector<16xi32>
    %swap3A_226 = arith.constant 0 : index
    %swap3A_227 = tpu.vector_load %arg11[%swap3A_226] {strides = array<i32>} : memref<80xi32, #tpu.memory_space<vmem>>, vector<16xi32>,
    %swap3A_228 = vector.shape_cast %swap3A_227 : vector<16xi32> to vector<16xi32>
    %swap3A_229 = vector.shape_cast %shift_right_arithmetic3A_225 : vector<16xi32> to vector<16xi32>
    tpu.vector_store %arg11[%swap3A_226], %swap3A_229 {strides = array<i32>} : memref<80xi32, #tpu.memory_space<vmem>>, vector<16xi32>,
    %get3A_230 = arith.constant 2 : i32
    %get3A_231 = arith.index_cast %get3A_230 : i32 to index
    %get3A_232 = arith.constant 16 : index
    %get3A_233 = tpu.vector_load %arg5[%get3A_231, %get3A_232] {strides = array<i32>} : memref<125x80xi32, #tpu.memory_space<vmem>>, vector<1x16xi32>,
    %get3A_234 = vector.shape_cast %get3A_233 : vector<1x16xi32> to vector<16xi32>
    %and3A_235 = arith.constant 65535 : i32
    %and3A_236 = vector.broadcast %and3A_235 : i32 to vector<16xi32>
    %and3A_237 = arith.andi %get3A_234, %and3A_236 : vector<16xi32>
    %swap3A_238 = arith.constant 16 : index
    %swap3A_239 = tpu.vector_load %arg8[%swap3A_238] {strides = array<i32>} : memref<80xi32, #tpu.memory_space<vmem>>, vector<16xi32>,
    %swap3A_240 = vector.shape_cast %swap3A_239 : vector<16xi32> to vector<16xi32>
    %swap3A_241 = vector.shape_cast %and3A_237 : vector<16xi32> to vector<16xi32>
    tpu.vector_store %arg8[%swap3A_238], %swap3A_241 {strides = array<i32>} : memref<80xi32, #tpu.memory_space<vmem>>, vector<16xi32>,
    %shift_right_arithmetic3A_242 = arith.constant 16 : i32
    %shift_right_arithmetic3A_243 = vector.broadcast %shift_right_arithmetic3A_242 : i32 to vector<16xi32>
    %shift_right_arithmetic3A_244 = arith.shrsi %get3A_234, %shift_right_arithmetic3A_243 : vector<16xi32>
    %swap3A_245 = arith.constant 16 : index
    %swap3A_246 = tpu.vector_load %arg11[%swap3A_245] {strides = array<i32>} : memref<80xi32, #tpu.memory_space<vmem>>, vector<16xi32>,
    %swap3A_247 = vector.shape_cast %swap3A_246 : vector<16xi32> to vector<16xi32>
    %swap3A_248 = vector.shape_cast %shift_right_arithmetic3A_244 : vector<16xi32> to vector<16xi32>
    tpu.vector_store %arg11[%swap3A_245], %swap3A_248 {strides = array<i32>} : memref<80xi32, #tpu.memory_space<vmem>>, vector<16xi32>,
    %get3A_249 = arith.constant 2 : i32
    %get3A_250 = arith.index_cast %get3A_249 : i32 to index
    %get3A_251 = arith.constant 32 : index
    %get3A_252 = tpu.vector_load %arg5[%get3A_250, %get3A_251] {strides = array<i32>} : memref<125x80xi32, #tpu.memory_space<vmem>>, vector<1x16xi32>,
    %get3A_253 = vector.shape_cast %get3A_252 : vector<1x16xi32> to vector<16xi32>
    %and3A_254 = arith.constant 65535 : i32
    %and3A_255 = vector.broadcast %and3A_254 : i32 to vector<16xi32>
    %and3A_256 = arith.andi %get3A_253, %and3A_255 : vector<16xi32>
    %swap3A_257 = arith.constant 32 : index
    %swap3A_258 = tpu.vector_load %arg8[%swap3A_257] {strides = array<i32>} : memref<80xi32, #tpu.memory_space<vmem>>, vector<16xi32>,
    %swap3A_259 = vector.shape_cast %swap3A_258 : vector<16xi32> to vector<16xi32>
    %swap3A_260 = vector.shape_cast %and3A_256 : vector<16xi32> to vector<16xi32>
    tpu.vector_store %arg8[%swap3A_257], %swap3A_260 {strides = array<i32>} : memref<80xi32, #tpu.memory_space<vmem>>, vector<16xi32>,
    %shift_right_arithmetic3A_261 = arith.constant 16 : i32
    %shift_right_arithmetic3A_262 = vector.broadcast %shift_right_arithmetic3A_261 : i32 to vector<16xi32>
    %shift_right_arithmetic3A_263 = arith.shrsi %get3A_253, %shift_right_arithmetic3A_262 : vector<16xi32>
    %swap3A_264 = arith.constant 32 : index
    %swap3A_265 = tpu.vector_load %arg11[%swap3A_264] {strides = array<i32>} : memref<80xi32, #tpu.memory_space<vmem>>, vector<16xi32>,
    %swap3A_266 = vector.shape_cast %swap3A_265 : vector<16xi32> to vector<16xi32>
    %swap3A_267 = vector.shape_cast %shift_right_arithmetic3A_263 : vector<16xi32> to vector<16xi32>
    tpu.vector_store %arg11[%swap3A_264], %swap3A_267 {strides = array<i32>} : memref<80xi32, #tpu.memory_space<vmem>>, vector<16xi32>,
    %get3A_268 = arith.constant 2 : i32
    %get3A_269 = arith.index_cast %get3A_268 : i32 to index
    %get3A_270 = arith.constant 48 : index
    %get3A_271 = tpu.vector_load %arg5[%get3A_269, %get3A_270] {strides = array<i32>} : memref<125x80xi32, #tpu.memory_space<vmem>>, vector<1x16xi32>,
    %get3A_272 = vector.shape_cast %get3A_271 : vector<1x16xi32> to vector<16xi32>
    %and3A_273 = arith.constant 65535 : i32
    %and3A_274 = vector.broadcast %and3A_273 : i32 to vector<16xi32>
    %and3A_275 = arith.andi %get3A_272, %and3A_274 : vector<16xi32>
    %swap3A_276 = arith.constant 48 : index
    %swap3A_277 = tpu.vector_load %arg8[%swap3A_276] {strides = array<i32>} : memref<80xi32, #tpu.memory_space<vmem>>, vector<16xi32>,
    %swap3A_278 = vector.shape_cast %swap3A_277 : vector<16xi32> to vector<16xi32>
    %swap3A_279 = vector.shape_cast %and3A_275 : vector<16xi32> to vector<16xi32>
    tpu.vector_store %arg8[%swap3A_276], %swap3A_279 {strides = array<i32>} : memref<80xi32, #tpu.memory_space<vmem>>, vector<16xi32>,
    %shift_right_arithmetic3A_280 = arith.constant 16 : i32
    %shift_right_arithmetic3A_281 = vector.broadcast %shift_right_arithmetic3A_280 : i32 to vector<16xi32>
    %shift_right_arithmetic3A_282 = arith.shrsi %get3A_272, %shift_right_arithmetic3A_281 : vector<16xi32>
    %swap3A_283 = arith.constant 48 : index
    %swap3A_284 = tpu.vector_load %arg11[%swap3A_283] {strides = array<i32>} : memref<80xi32, #tpu.memory_space<vmem>>, vector<16xi32>,
    %swap3A_285 = vector.shape_cast %swap3A_284 : vector<16xi32> to vector<16xi32>
    %swap3A_286 = vector.shape_cast %shift_right_arithmetic3A_282 : vector<16xi32> to vector<16xi32>
    tpu.vector_store %arg11[%swap3A_283], %swap3A_286 {strides = array<i32>} : memref<80xi32, #tpu.memory_space<vmem>>, vector<16xi32>,
    %get3A_287 = arith.constant 2 : i32
    %get3A_288 = arith.index_cast %get3A_287 : i32 to index
    %get3A_289 = arith.constant 64 : index
    %get3A_290 = tpu.vector_load %arg5[%get3A_288, %get3A_289] {strides = array<i32>} : memref<125x80xi32, #tpu.memory_space<vmem>>, vector<1x16xi32>,
    %get3A_291 = vector.shape_cast %get3A_290 : vector<1x16xi32> to vector<16xi32>
    %and3A_292 = arith.constant 65535 : i32
    %and3A_293 = vector.broadcast %and3A_292 : i32 to vector<16xi32>
    %and3A_294 = arith.andi %get3A_291, %and3A_293 : vector<16xi32>
    %swap3A_295 = arith.constant 64 : index
    %swap3A_296 = tpu.vector_load %arg8[%swap3A_295] {strides = array<i32>} : memref<80xi32, #tpu.memory_space<vmem>>, vector<16xi32>,
    %swap3A_297 = vector.shape_cast %swap3A_296 : vector<16xi32> to vector<16xi32>
    %swap3A_298 = vector.shape_cast %and3A_294 : vector<16xi32> to vector<16xi32>
    tpu.vector_store %arg8[%swap3A_295], %swap3A_298 {strides = array<i32>} : memref<80xi32, #tpu.memory_space<vmem>>, vector<16xi32>,
    %shift_right_arithmetic3A_299 = arith.constant 16 : i32
    %shift_right_arithmetic3A_300 = vector.broadcast %shift_right_arithmetic3A_299 : i32 to vector<16xi32>
    %shift_right_arithmetic3A_301 = arith.shrsi %get3A_291, %shift_right_arithmetic3A_300 : vector<16xi32>
    %swap3A_302 = arith.constant 64 : index
    %swap3A_303 = tpu.vector_load %arg11[%swap3A_302] {strides = array<i32>} : memref<80xi32, #tpu.memory_space<vmem>>, vector<16xi32>,
    %swap3A_304 = vector.shape_cast %swap3A_303 : vector<16xi32> to vector<16xi32>
    %swap3A_305 = vector.shape_cast %shift_right_arithmetic3A_301 : vector<16xi32> to vector<16xi32>
    tpu.vector_store %arg11[%swap3A_302], %swap3A_305 {strides = array<i32>} : memref<80xi32, #tpu.memory_space<vmem>>, vector<16xi32>,
    %dma_start3A_306 = arith.constant 0 : i32
    %dma_start3A_307 = arith.constant 0 : i32
    %dma_start3A_308 = tpu.memref_slice %arg2[%dma_start3A_306, %dma_start3A_307] : memref<10000x128xf32, #tpu.memory_space<hbm>> -> memref<10000x128xf32, #tpu.memory_space<hbm>>
    tpu.enqueue_indirect_dma source(%dma_start3A_308 : memref<10000x128xf32, #tpu.memory_space<hbm>>) target(%arg14 : memref<80x128xf32, #tpu.memory_space<vmem>>) offsets(%arg8 : memref<80xi32, #tpu.memory_space<vmem>>) semaphore(%arg18 : memref<!tpu.dma_semaphore, #tpu.memory_space<semaphore_mem>>)
    %scan3A_309 = arith.constant 0 : i32
    %scan3A_310 = arith.constant 0 : i32
    %scan3A_311 = arith.constant 40 : i32
    %scan3A_312 = arith.addi %scan3A_310, %scan3A_311 : i32
    %scan3A_313 = arith.constant 1 : i32
    %scan3A_314 = scf.for %scan3A_559 = %scan3A_310 to %scan3A_312 step %scan3A_313 iter_args(%scan3A_560 = %scan3A_309) -> (i32)  : i32 {
      %mul3A_561 = arith.constant 3 : i32
      %mul3A_562 = arith.muli %mul3A_561, %scan3A_559 : i32
      %add3A_563 = arith.constant 1 : i32
      %add3A_564 = arith.addi %mul3A_562, %add3A_563 : i32
      %dma_wait3A_565 = arith.constant 0 : i32
      %dma_wait3A_566 = arith.constant 0 : i32
      %dma_wait3A_567 = tpu.memref_slice %arg2[%dma_wait3A_565, %dma_wait3A_566] : memref<10000x128xf32, #tpu.memory_space<hbm>> -> memref<10000x128xf32, #tpu.memory_space<hbm>>
      tpu.wait_indirect_dma semaphore(%arg17 : memref<!tpu.dma_semaphore, #tpu.memory_space<semaphore_mem>>) src(%dma_wait3A_567 : memref<10000x128xf32, #tpu.memory_space<hbm>>) dst(%arg13 : memref<80x128xf32, #tpu.memory_space<vmem>>)
      %dma_start3A_568 = arith.constant 0 : i32
      %dma_start3A_569 = arith.constant 0 : i32
      %dma_start3A_570 = tpu.memref_slice %arg15[%dma_start3A_568, %dma_start3A_569] : memref<10240x128xf32, #tpu.memory_space<vmem_shared>> -> memref<10240x128xf32, #tpu.memory_space<vmem_shared>>
      tpu.enqueue_indirect_dma source(%arg13 : memref<80x128xf32, #tpu.memory_space<vmem>>) target(%dma_start3A_570 : memref<10240x128xf32, #tpu.memory_space<vmem_shared>>) offsets(%arg10 : memref<80xi32, #tpu.memory_space<vmem>>) semaphore(%arg20 : memref<!tpu.dma_semaphore, #tpu.memory_space<semaphore_mem>>) {add = true}
      %dma_wait3A_571 = arith.constant 0 : i32
      %dma_wait3A_572 = arith.constant 0 : i32
      %dma_wait3A_573 = tpu.memref_slice %arg15[%dma_wait3A_571, %dma_wait3A_572] : memref<10240x128xf32, #tpu.memory_space<vmem_shared>> -> memref<10240x128xf32, #tpu.memory_space<vmem_shared>>
      tpu.wait_indirect_dma semaphore(%arg19 : memref<!tpu.dma_semaphore, #tpu.memory_space<semaphore_mem>>) src(%arg12 : memref<80x128xf32, #tpu.memory_space<vmem>>) dst(%dma_wait3A_573 : memref<10240x128xf32, #tpu.memory_space<vmem_shared>>)
      %add3A_574 = arith.constant 2 : i32
      %add3A_575 = arith.addi %add3A_564, %add3A_574 : i32
      %get3A_576 = arith.index_cast %add3A_575 : i32 to index
      %get3A_577 = arith.constant 0 : index
      %get3A_578 = tpu.vector_load %arg5[%get3A_576, %get3A_577] {strides = array<i32>} : memref<125x80xi32, #tpu.memory_space<vmem>>, vector<1x16xi32>,
      %get3A_579 = vector.shape_cast %get3A_578 : vector<1x16xi32> to vector<16xi32>
      %and3A_580 = arith.constant 65535 : i32
      %and3A_581 = vector.broadcast %and3A_580 : i32 to vector<16xi32>
      %and3A_582 = arith.andi %get3A_579, %and3A_581 : vector<16xi32>
      %swap3A_583 = arith.constant 0 : index
      %swap3A_584 = tpu.vector_load %arg6[%swap3A_583] {strides = array<i32>} : memref<80xi32, #tpu.memory_space<vmem>>, vector<16xi32>,
      %swap3A_585 = vector.shape_cast %swap3A_584 : vector<16xi32> to vector<16xi32>
      %swap3A_586 = vector.shape_cast %and3A_582 : vector<16xi32> to vector<16xi32>
      tpu.vector_store %arg6[%swap3A_583], %swap3A_586 {strides = array<i32>} : memref<80xi32, #tpu.memory_space<vmem>>, vector<16xi32>,
      %shift_right_arithmetic3A_587 = arith.constant 16 : i32
      %shift_right_arithmetic3A_588 = vector.broadcast %shift_right_arithmetic3A_587 : i32 to vector<16xi32>
      %shift_right_arithmetic3A_589 = arith.shrsi %get3A_579, %shift_right_arithmetic3A_588 : vector<16xi32>
      %swap3A_590 = arith.constant 0 : index
      %swap3A_591 = tpu.vector_load %arg9[%swap3A_590] {strides = array<i32>} : memref<80xi32, #tpu.memory_space<vmem>>, vector<16xi32>,
      %swap3A_592 = vector.shape_cast %swap3A_591 : vector<16xi32> to vector<16xi32>
      %swap3A_593 = vector.shape_cast %shift_right_arithmetic3A_589 : vector<16xi32> to vector<16xi32>
      tpu.vector_store %arg9[%swap3A_590], %swap3A_593 {strides = array<i32>} : memref<80xi32, #tpu.memory_space<vmem>>, vector<16xi32>,
      %get3A_594 = arith.index_cast %add3A_575 : i32 to index
      %get3A_595 = arith.constant 16 : index
      %get3A_596 = tpu.vector_load %arg5[%get3A_594, %get3A_595] {strides = array<i32>} : memref<125x80xi32, #tpu.memory_space<vmem>>, vector<1x16xi32>,
      %get3A_597 = vector.shape_cast %get3A_596 : vector<1x16xi32> to vector<16xi32>
      %and3A_598 = arith.constant 65535 : i32
      %and3A_599 = vector.broadcast %and3A_598 : i32 to vector<16xi32>
      %and3A_600 = arith.andi %get3A_597, %and3A_599 : vector<16xi32>
      %swap3A_601 = arith.constant 16 : index
      %swap3A_602 = tpu.vector_load %arg6[%swap3A_601] {strides = array<i32>} : memref<80xi32, #tpu.memory_space<vmem>>, vector<16xi32>,
      %swap3A_603 = vector.shape_cast %swap3A_602 : vector<16xi32> to vector<16xi32>
      %swap3A_604 = vector.shape_cast %and3A_600 : vector<16xi32> to vector<16xi32>
      tpu.vector_store %arg6[%swap3A_601], %swap3A_604 {strides = array<i32>} : memref<80xi32, #tpu.memory_space<vmem>>, vector<16xi32>,
      %shift_right_arithmetic3A_605 = arith.constant 16 : i32
      %shift_right_arithmetic3A_606 = vector.broadcast %shift_right_arithmetic3A_605 : i32 to vector<16xi32>
      %shift_right_arithmetic3A_607 = arith.shrsi %get3A_597, %shift_right_arithmetic3A_606 : vector<16xi32>
      %swap3A_608 = arith.constant 16 : index
      %swap3A_609 = tpu.vector_load %arg9[%swap3A_608] {strides = array<i32>} : memref<80xi32, #tpu.memory_space<vmem>>, vector<16xi32>,
      %swap3A_610 = vector.shape_cast %swap3A_609 : vector<16xi32> to vector<16xi32>
      %swap3A_611 = vector.shape_cast %shift_right_arithmetic3A_607 : vector<16xi32> to vector<16xi32>
      tpu.vector_store %arg9[%swap3A_608], %swap3A_611 {strides = array<i32>} : memref<80xi32, #tpu.memory_space<vmem>>, vector<16xi32>,
      %get3A_612 = arith.index_cast %add3A_575 : i32 to index
      %get3A_613 = arith.constant 32 : index
      %get3A_614 = tpu.vector_load %arg5[%get3A_612, %get3A_613] {strides = array<i32>} : memref<125x80xi32, #tpu.memory_space<vmem>>, vector<1x16xi32>,
      %get3A_615 = vector.shape_cast %get3A_614 : vector<1x16xi32> to vector<16xi32>
      %and3A_616 = arith.constant 65535 : i32
      %and3A_617 = vector.broadcast %and3A_616 : i32 to vector<16xi32>
      %and3A_618 = arith.andi %get3A_615, %and3A_617 : vector<16xi32>
      %swap3A_619 = arith.constant 32 : index
      %swap3A_620 = tpu.vector_load %arg6[%swap3A_619] {strides = array<i32>} : memref<80xi32, #tpu.memory_space<vmem>>, vector<16xi32>,
      %swap3A_621 = vector.shape_cast %swap3A_620 : vector<16xi32> to vector<16xi32>
      %swap3A_622 = vector.shape_cast %and3A_618 : vector<16xi32> to vector<16xi32>
      tpu.vector_store %arg6[%swap3A_619], %swap3A_622 {strides = array<i32>} : memref<80xi32, #tpu.memory_space<vmem>>, vector<16xi32>,
      %shift_right_arithmetic3A_623 = arith.constant 16 : i32
      %shift_right_arithmetic3A_624 = vector.broadcast %shift_right_arithmetic3A_623 : i32 to vector<16xi32>
      %shift_right_arithmetic3A_625 = arith.shrsi %get3A_615, %shift_right_arithmetic3A_624 : vector<16xi32>
      %swap3A_626 = arith.constant 32 : index
      %swap3A_627 = tpu.vector_load %arg9[%swap3A_626] {strides = array<i32>} : memref<80xi32, #tpu.memory_space<vmem>>, vector<16xi32>,
      %swap3A_628 = vector.shape_cast %swap3A_627 : vector<16xi32> to vector<16xi32>
      %swap3A_629 = vector.shape_cast %shift_right_arithmetic3A_625 : vector<16xi32> to vector<16xi32>
      tpu.vector_store %arg9[%swap3A_626], %swap3A_629 {strides = array<i32>} : memref<80xi32, #tpu.memory_space<vmem>>, vector<16xi32>,
      %get3A_630 = arith.index_cast %add3A_575 : i32 to index
      %get3A_631 = arith.constant 48 : index
      %get3A_632 = tpu.vector_load %arg5[%get3A_630, %get3A_631] {strides = array<i32>} : memref<125x80xi32, #tpu.memory_space<vmem>>, vector<1x16xi32>,
      %get3A_633 = vector.shape_cast %get3A_632 : vector<1x16xi32> to vector<16xi32>
      %and3A_634 = arith.constant 65535 : i32
      %and3A_635 = vector.broadcast %and3A_634 : i32 to vector<16xi32>
      %and3A_636 = arith.andi %get3A_633, %and3A_635 : vector<16xi32>
      %swap3A_637 = arith.constant 48 : index
      %swap3A_638 = tpu.vector_load %arg6[%swap3A_637] {strides = array<i32>} : memref<80xi32, #tpu.memory_space<vmem>>, vector<16xi32>,
      %swap3A_639 = vector.shape_cast %swap3A_638 : vector<16xi32> to vector<16xi32>
      %swap3A_640 = vector.shape_cast %and3A_636 : vector<16xi32> to vector<16xi32>
      tpu.vector_store %arg6[%swap3A_637], %swap3A_640 {strides = array<i32>} : memref<80xi32, #tpu.memory_space<vmem>>, vector<16xi32>,
      %shift_right_arithmetic3A_641 = arith.constant 16 : i32
      %shift_right_arithmetic3A_642 = vector.broadcast %shift_right_arithmetic3A_641 : i32 to vector<16xi32>
      %shift_right_arithmetic3A_643 = arith.shrsi %get3A_633, %shift_right_arithmetic3A_642 : vector<16xi32>
      %swap3A_644 = arith.constant 48 : index
      %swap3A_645 = tpu.vector_load %arg9[%swap3A_644] {strides = array<i32>} : memref<80xi32, #tpu.memory_space<vmem>>, vector<16xi32>,
      %swap3A_646 = vector.shape_cast %swap3A_645 : vector<16xi32> to vector<16xi32>
      %swap3A_647 = vector.shape_cast %shift_right_arithmetic3A_643 : vector<16xi32> to vector<16xi32>
      tpu.vector_store %arg9[%swap3A_644], %swap3A_647 {strides = array<i32>} : memref<80xi32, #tpu.memory_space<vmem>>, vector<16xi32>,
      %get3A_648 = arith.index_cast %add3A_575 : i32 to index
      %get3A_649 = arith.constant 64 : index
      %get3A_650 = tpu.vector_load %arg5[%get3A_648, %get3A_649] {strides = array<i32>} : memref<125x80xi32, #tpu.memory_space<vmem>>, vector<1x16xi32>,
      %get3A_651 = vector.shape_cast %get3A_650 : vector<1x16xi32> to vector<16xi32>
      %and3A_652 = arith.constant 65535 : i32
      %and3A_653 = vector.broadcast %and3A_652 : i32 to vector<16xi32>
      %and3A_654 = arith.andi %get3A_651, %and3A_653 : vector<16xi32>
      %swap3A_655 = arith.constant 64 : index
      %swap3A_656 = tpu.vector_load %arg6[%swap3A_655] {strides = array<i32>} : memref<80xi32, #tpu.memory_space<vmem>>, vector<16xi32>,
      %swap3A_657 = vector.shape_cast %swap3A_656 : vector<16xi32> to vector<16xi32>
      %swap3A_658 = vector.shape_cast %and3A_654 : vector<16xi32> to vector<16xi32>
      tpu.vector_store %arg6[%swap3A_655], %swap3A_658 {strides = array<i32>} : memref<80xi32, #tpu.memory_space<vmem>>, vector<16xi32>,
      %shift_right_arithmetic3A_659 = arith.constant 16 : i32
      %shift_right_arithmetic3A_660 = vector.broadcast %shift_right_arithmetic3A_659 : i32 to vector<16xi32>
      %shift_right_arithmetic3A_661 = arith.shrsi %get3A_651, %shift_right_arithmetic3A_660 : vector<16xi32>
      %swap3A_662 = arith.constant 64 : index
      %swap3A_663 = tpu.vector_load %arg9[%swap3A_662] {strides = array<i32>} : memref<80xi32, #tpu.memory_space<vmem>>, vector<16xi32>,
      %swap3A_664 = vector.shape_cast %swap3A_663 : vector<16xi32> to vector<16xi32>
      %swap3A_665 = vector.shape_cast %shift_right_arithmetic3A_661 : vector<16xi32> to vector<16xi32>
      tpu.vector_store %arg9[%swap3A_662], %swap3A_665 {strides = array<i32>} : memref<80xi32, #tpu.memory_space<vmem>>, vector<16xi32>,
      %dma_start3A_666 = arith.constant 0 : i32
      %dma_start3A_667 = arith.constant 0 : i32
      %dma_start3A_668 = tpu.memref_slice %arg2[%dma_start3A_666, %dma_start3A_667] : memref<10000x128xf32, #tpu.memory_space<hbm>> -> memref<10000x128xf32, #tpu.memory_space<hbm>>
      tpu.enqueue_indirect_dma source(%dma_start3A_668 : memref<10000x128xf32, #tpu.memory_space<hbm>>) target(%arg12 : memref<80x128xf32, #tpu.memory_space<vmem>>) offsets(%arg6 : memref<80xi32, #tpu.memory_space<vmem>>) semaphore(%arg16 : memref<!tpu.dma_semaphore, #tpu.memory_space<semaphore_mem>>)
      %add3A_669 = arith.constant 1 : i32
      %add3A_670 = arith.addi %add3A_564, %add3A_669 : i32
      %dma_wait3A_671 = arith.constant 0 : i32
      %dma_wait3A_672 = arith.constant 0 : i32
      %dma_wait3A_673 = tpu.memref_slice %arg2[%dma_wait3A_671, %dma_wait3A_672] : memref<10000x128xf32, #tpu.memory_space<hbm>> -> memref<10000x128xf32, #tpu.memory_space<hbm>>
      tpu.wait_indirect_dma semaphore(%arg18 : memref<!tpu.dma_semaphore, #tpu.memory_space<semaphore_mem>>) src(%dma_wait3A_673 : memref<10000x128xf32, #tpu.memory_space<hbm>>) dst(%arg14 : memref<80x128xf32, #tpu.memory_space<vmem>>)
      %dma_start3A_674 = arith.constant 0 : i32
      %dma_start3A_675 = arith.constant 0 : i32
      %dma_start3A_676 = tpu.memref_slice %arg15[%dma_start3A_674, %dma_start3A_675] : memref<10240x128xf32, #tpu.memory_space<vmem_shared>> -> memref<10240x128xf32, #tpu.memory_space<vmem_shared>>
      tpu.enqueue_indirect_dma source(%arg14 : memref<80x128xf32, #tpu.memory_space<vmem>>) target(%dma_start3A_676 : memref<10240x128xf32, #tpu.memory_space<vmem_shared>>) offsets(%arg11 : memref<80xi32, #tpu.memory_space<vmem>>) semaphore(%arg21 : memref<!tpu.dma_semaphore, #tpu.memory_space<semaphore_mem>>) {add = true}
      %dma_wait3A_677 = arith.constant 0 : i32
      %dma_wait3A_678 = arith.constant 0 : i32
      %dma_wait3A_679 = tpu.memref_slice %arg15[%dma_wait3A_677, %dma_wait3A_678] : memref<10240x128xf32, #tpu.memory_space<vmem_shared>> -> memref<10240x128xf32, #tpu.memory_space<vmem_shared>>
      tpu.wait_indirect_dma semaphore(%arg20 : memref<!tpu.dma_semaphore, #tpu.memory_space<semaphore_mem>>) src(%arg13 : memref<80x128xf32, #tpu.memory_space<vmem>>) dst(%dma_wait3A_679 : memref<10240x128xf32, #tpu.memory_space<vmem_shared>>)
      %add3A_680 = arith.constant 2 : i32
      %add3A_681 = arith.addi %add3A_670, %add3A_680 : i32
      %get3A_682 = arith.index_cast %add3A_681 : i32 to index
      %get3A_683 = arith.constant 0 : index
      %get3A_684 = tpu.vector_load %arg5[%get3A_682, %get3A_683] {strides = array<i32>} : memref<125x80xi32, #tpu.memory_space<vmem>>, vector<1x16xi32>,
      %get3A_685 = vector.shape_cast %get3A_684 : vector<1x16xi32> to vector<16xi32>
      %and3A_686 = arith.constant 65535 : i32
      %and3A_687 = vector.broadcast %and3A_686 : i32 to vector<16xi32>
      %and3A_688 = arith.andi %get3A_685, %and3A_687 : vector<16xi32>
      %swap3A_689 = arith.constant 0 : index
      %swap3A_690 = tpu.vector_load %arg7[%swap3A_689] {strides = array<i32>} : memref<80xi32, #tpu.memory_space<vmem>>, vector<16xi32>,
      %swap3A_691 = vector.shape_cast %swap3A_690 : vector<16xi32> to vector<16xi32>
      %swap3A_692 = vector.shape_cast %and3A_688 : vector<16xi32> to vector<16xi32>
      tpu.vector_store %arg7[%swap3A_689], %swap3A_692 {strides = array<i32>} : memref<80xi32, #tpu.memory_space<vmem>>, vector<16xi32>,
      %shift_right_arithmetic3A_693 = arith.constant 16 : i32
      %shift_right_arithmetic3A_694 = vector.broadcast %shift_right_arithmetic3A_693 : i32 to vector<16xi32>
      %shift_right_arithmetic3A_695 = arith.shrsi %get3A_685, %shift_right_arithmetic3A_694 : vector<16xi32>
      %swap3A_696 = arith.constant 0 : index
      %swap3A_697 = tpu.vector_load %arg10[%swap3A_696] {strides = array<i32>} : memref<80xi32, #tpu.memory_space<vmem>>, vector<16xi32>,
      %swap3A_698 = vector.shape_cast %swap3A_697 : vector<16xi32> to vector<16xi32>
      %swap3A_699 = vector.shape_cast %shift_right_arithmetic3A_695 : vector<16xi32> to vector<16xi32>
      tpu.vector_store %arg10[%swap3A_696], %swap3A_699 {strides = array<i32>} : memref<80xi32, #tpu.memory_space<vmem>>, vector<16xi32>,
      %get3A_700 = arith.index_cast %add3A_681 : i32 to index
      %get3A_701 = arith.constant 16 : index
      %get3A_702 = tpu.vector_load %arg5[%get3A_700, %get3A_701] {strides = array<i32>} : memref<125x80xi32, #tpu.memory_space<vmem>>, vector<1x16xi32>,
      %get3A_703 = vector.shape_cast %get3A_702 : vector<1x16xi32> to vector<16xi32>
      %and3A_704 = arith.constant 65535 : i32
      %and3A_705 = vector.broadcast %and3A_704 : i32 to vector<16xi32>
      %and3A_706 = arith.andi %get3A_703, %and3A_705 : vector<16xi32>
      %swap3A_707 = arith.constant 16 : index
      %swap3A_708 = tpu.vector_load %arg7[%swap3A_707] {strides = array<i32>} : memref<80xi32, #tpu.memory_space<vmem>>, vector<16xi32>,
      %swap3A_709 = vector.shape_cast %swap3A_708 : vector<16xi32> to vector<16xi32>
      %swap3A_710 = vector.shape_cast %and3A_706 : vector<16xi32> to vector<16xi32>
      tpu.vector_store %arg7[%swap3A_707], %swap3A_710 {strides = array<i32>} : memref<80xi32, #tpu.memory_space<vmem>>, vector<16xi32>,
      %shift_right_arithmetic3A_711 = arith.constant 16 : i32
      %shift_right_arithmetic3A_712 = vector.broadcast %shift_right_arithmetic3A_711 : i32 to vector<16xi32>
      %shift_right_arithmetic3A_713 = arith.shrsi %get3A_703, %shift_right_arithmetic3A_712 : vector<16xi32>
      %swap3A_714 = arith.constant 16 : index
      %swap3A_715 = tpu.vector_load %arg10[%swap3A_714] {strides = array<i32>} : memref<80xi32, #tpu.memory_space<vmem>>, vector<16xi32>,
      %swap3A_716 = vector.shape_cast %swap3A_715 : vector<16xi32> to vector<16xi32>
      %swap3A_717 = vector.shape_cast %shift_right_arithmetic3A_713 : vector<16xi32> to vector<16xi32>
      tpu.vector_store %arg10[%swap3A_714], %swap3A_717 {strides = array<i32>} : memref<80xi32, #tpu.memory_space<vmem>>, vector<16xi32>,
      %get3A_718 = arith.index_cast %add3A_681 : i32 to index
      %get3A_719 = arith.constant 32 : index
      %get3A_720 = tpu.vector_load %arg5[%get3A_718, %get3A_719] {strides = array<i32>} : memref<125x80xi32, #tpu.memory_space<vmem>>, vector<1x16xi32>,
      %get3A_721 = vector.shape_cast %get3A_720 : vector<1x16xi32> to vector<16xi32>
      %and3A_722 = arith.constant 65535 : i32
      %and3A_723 = vector.broadcast %and3A_722 : i32 to vector<16xi32>
      %and3A_724 = arith.andi %get3A_721, %and3A_723 : vector<16xi32>
      %swap3A_725 = arith.constant 32 : index
      %swap3A_726 = tpu.vector_load %arg7[%swap3A_725] {strides = array<i32>} : memref<80xi32, #tpu.memory_space<vmem>>, vector<16xi32>,
      %swap3A_727 = vector.shape_cast %swap3A_726 : vector<16xi32> to vector<16xi32>
      %swap3A_728 = vector.shape_cast %and3A_724 : vector<16xi32> to vector<16xi32>
      tpu.vector_store %arg7[%swap3A_725], %swap3A_728 {strides = array<i32>} : memref<80xi32, #tpu.memory_space<vmem>>, vector<16xi32>,
      %shift_right_arithmetic3A_729 = arith.constant 16 : i32
      %shift_right_arithmetic3A_730 = vector.broadcast %shift_right_arithmetic3A_729 : i32 to vector<16xi32>
      %shift_right_arithmetic3A_731 = arith.shrsi %get3A_721, %shift_right_arithmetic3A_730 : vector<16xi32>
      %swap3A_732 = arith.constant 32 : index
      %swap3A_733 = tpu.vector_load %arg10[%swap3A_732] {strides = array<i32>} : memref<80xi32, #tpu.memory_space<vmem>>, vector<16xi32>,
      %swap3A_734 = vector.shape_cast %swap3A_733 : vector<16xi32> to vector<16xi32>
      %swap3A_735 = vector.shape_cast %shift_right_arithmetic3A_731 : vector<16xi32> to vector<16xi32>
      tpu.vector_store %arg10[%swap3A_732], %swap3A_735 {strides = array<i32>} : memref<80xi32, #tpu.memory_space<vmem>>, vector<16xi32>,
      %get3A_736 = arith.index_cast %add3A_681 : i32 to index
      %get3A_737 = arith.constant 48 : index
      %get3A_738 = tpu.vector_load %arg5[%get3A_736, %get3A_737] {strides = array<i32>} : memref<125x80xi32, #tpu.memory_space<vmem>>, vector<1x16xi32>,
      %get3A_739 = vector.shape_cast %get3A_738 : vector<1x16xi32> to vector<16xi32>
      %and3A_740 = arith.constant 65535 : i32
      %and3A_741 = vector.broadcast %and3A_740 : i32 to vector<16xi32>
      %and3A_742 = arith.andi %get3A_739, %and3A_741 : vector<16xi32>
      %swap3A_743 = arith.constant 48 : index
      %swap3A_744 = tpu.vector_load %arg7[%swap3A_743] {strides = array<i32>} : memref<80xi32, #tpu.memory_space<vmem>>, vector<16xi32>,
      %swap3A_745 = vector.shape_cast %swap3A_744 : vector<16xi32> to vector<16xi32>
      %swap3A_746 = vector.shape_cast %and3A_742 : vector<16xi32> to vector<16xi32>
      tpu.vector_store %arg7[%swap3A_743], %swap3A_746 {strides = array<i32>} : memref<80xi32, #tpu.memory_space<vmem>>, vector<16xi32>,
      %shift_right_arithmetic3A_747 = arith.constant 16 : i32
      %shift_right_arithmetic3A_748 = vector.broadcast %shift_right_arithmetic3A_747 : i32 to vector<16xi32>
      %shift_right_arithmetic3A_749 = arith.shrsi %get3A_739, %shift_right_arithmetic3A_748 : vector<16xi32>
      %swap3A_750 = arith.constant 48 : index
      %swap3A_751 = tpu.vector_load %arg10[%swap3A_750] {strides = array<i32>} : memref<80xi32, #tpu.memory_space<vmem>>, vector<16xi32>,
      %swap3A_752 = vector.shape_cast %swap3A_751 : vector<16xi32> to vector<16xi32>
      %swap3A_753 = vector.shape_cast %shift_right_arithmetic3A_749 : vector<16xi32> to vector<16xi32>
      tpu.vector_store %arg10[%swap3A_750], %swap3A_753 {strides = array<i32>} : memref<80xi32, #tpu.memory_space<vmem>>, vector<16xi32>,
      %get3A_754 = arith.index_cast %add3A_681 : i32 to index
      %get3A_755 = arith.constant 64 : index
      %get3A_756 = tpu.vector_load %arg5[%get3A_754, %get3A_755] {strides = array<i32>} : memref<125x80xi32, #tpu.memory_space<vmem>>, vector<1x16xi32>,
      %get3A_757 = vector.shape_cast %get3A_756 : vector<1x16xi32> to vector<16xi32>
      %and3A_758 = arith.constant 65535 : i32
      %and3A_759 = vector.broadcast %and3A_758 : i32 to vector<16xi32>
      %and3A_760 = arith.andi %get3A_757, %and3A_759 : vector<16xi32>
      %swap3A_761 = arith.constant 64 : index
      %swap3A_762 = tpu.vector_load %arg7[%swap3A_761] {strides = array<i32>} : memref<80xi32, #tpu.memory_space<vmem>>, vector<16xi32>,
      %swap3A_763 = vector.shape_cast %swap3A_762 : vector<16xi32> to vector<16xi32>
      %swap3A_764 = vector.shape_cast %and3A_760 : vector<16xi32> to vector<16xi32>
      tpu.vector_store %arg7[%swap3A_761], %swap3A_764 {strides = array<i32>} : memref<80xi32, #tpu.memory_space<vmem>>, vector<16xi32>,
      %shift_right_arithmetic3A_765 = arith.constant 16 : i32
      %shift_right_arithmetic3A_766 = vector.broadcast %shift_right_arithmetic3A_765 : i32 to vector<16xi32>
      %shift_right_arithmetic3A_767 = arith.shrsi %get3A_757, %shift_right_arithmetic3A_766 : vector<16xi32>
      %swap3A_768 = arith.constant 64 : index
      %swap3A_769 = tpu.vector_load %arg10[%swap3A_768] {strides = array<i32>} : memref<80xi32, #tpu.memory_space<vmem>>, vector<16xi32>,
      %swap3A_770 = vector.shape_cast %swap3A_769 : vector<16xi32> to vector<16xi32>
      %swap3A_771 = vector.shape_cast %shift_right_arithmetic3A_767 : vector<16xi32> to vector<16xi32>
      tpu.vector_store %arg10[%swap3A_768], %swap3A_771 {strides = array<i32>} : memref<80xi32, #tpu.memory_space<vmem>>, vector<16xi32>,
      %dma_start3A_772 = arith.constant 0 : i32
      %dma_start3A_773 = arith.constant 0 : i32
      %dma_start3A_774 = tpu.memref_slice %arg2[%dma_start3A_772, %dma_start3A_773] : memref<10000x128xf32, #tpu.memory_space<hbm>> -> memref<10000x128xf32, #tpu.memory_space<hbm>>
      tpu.enqueue_indirect_dma source(%dma_start3A_774 : memref<10000x128xf32, #tpu.memory_space<hbm>>) target(%arg13 : memref<80x128xf32, #tpu.memory_space<vmem>>) offsets(%arg7 : memref<80xi32, #tpu.memory_space<vmem>>) semaphore(%arg17 : memref<!tpu.dma_semaphore, #tpu.memory_space<semaphore_mem>>)
      %add3A_775 = arith.constant 2 : i32
      %add3A_776 = arith.addi %add3A_564, %add3A_775 : i32
      %dma_wait3A_777 = arith.constant 0 : i32
      %dma_wait3A_778 = arith.constant 0 : i32
      %dma_wait3A_779 = tpu.memref_slice %arg2[%dma_wait3A_777, %dma_wait3A_778] : memref<10000x128xf32, #tpu.memory_space<hbm>> -> memref<10000x128xf32, #tpu.memory_space<hbm>>
      tpu.wait_indirect_dma semaphore(%arg16 : memref<!tpu.dma_semaphore, #tpu.memory_space<semaphore_mem>>) src(%dma_wait3A_779 : memref<10000x128xf32, #tpu.memory_space<hbm>>) dst(%arg12 : memref<80x128xf32, #tpu.memory_space<vmem>>)
      %dma_start3A_780 = arith.constant 0 : i32
      %dma_start3A_781 = arith.constant 0 : i32
      %dma_start3A_782 = tpu.memref_slice %arg15[%dma_start3A_780, %dma_start3A_781] : memref<10240x128xf32, #tpu.memory_space<vmem_shared>> -> memref<10240x128xf32, #tpu.memory_space<vmem_shared>>
      tpu.enqueue_indirect_dma source(%arg12 : memref<80x128xf32, #tpu.memory_space<vmem>>) target(%dma_start3A_782 : memref<10240x128xf32, #tpu.memory_space<vmem_shared>>) offsets(%arg9 : memref<80xi32, #tpu.memory_space<vmem>>) semaphore(%arg19 : memref<!tpu.dma_semaphore, #tpu.memory_space<semaphore_mem>>) {add = true}
      %dma_wait3A_783 = arith.constant 0 : i32
      %dma_wait3A_784 = arith.constant 0 : i32
      %dma_wait3A_785 = tpu.memref_slice %arg15[%dma_wait3A_783, %dma_wait3A_784] : memref<10240x128xf32, #tpu.memory_space<vmem_shared>> -> memref<10240x128xf32, #tpu.memory_space<vmem_shared>>
      tpu.wait_indirect_dma semaphore(%arg21 : memref<!tpu.dma_semaphore, #tpu.memory_space<semaphore_mem>>) src(%arg14 : memref<80x128xf32, #tpu.memory_space<vmem>>) dst(%dma_wait3A_785 : memref<10240x128xf32, #tpu.memory_space<vmem_shared>>)
      %add3A_786 = arith.constant 2 : i32
      %add3A_787 = arith.addi %add3A_776, %add3A_786 : i32
      %get3A_788 = arith.index_cast %add3A_787 : i32 to index
      %get3A_789 = arith.constant 0 : index
      %get3A_790 = tpu.vector_load %arg5[%get3A_788, %get3A_789] {strides = array<i32>} : memref<125x80xi32, #tpu.memory_space<vmem>>, vector<1x16xi32>,
      %get3A_791 = vector.shape_cast %get3A_790 : vector<1x16xi32> to vector<16xi32>
      %and3A_792 = arith.constant 65535 : i32
      %and3A_793 = vector.broadcast %and3A_792 : i32 to vector<16xi32>
      %and3A_794 = arith.andi %get3A_791, %and3A_793 : vector<16xi32>
      %swap3A_795 = arith.constant 0 : index
      %swap3A_796 = tpu.vector_load %arg8[%swap3A_795] {strides = array<i32>} : memref<80xi32, #tpu.memory_space<vmem>>, vector<16xi32>,
      %swap3A_797 = vector.shape_cast %swap3A_796 : vector<16xi32> to vector<16xi32>
      %swap3A_798 = vector.shape_cast %and3A_794 : vector<16xi32> to vector<16xi32>
      tpu.vector_store %arg8[%swap3A_795], %swap3A_798 {strides = array<i32>} : memref<80xi32, #tpu.memory_space<vmem>>, vector<16xi32>,
      %shift_right_arithmetic3A_799 = arith.constant 16 : i32
      %shift_right_arithmetic3A_800 = vector.broadcast %shift_right_arithmetic3A_799 : i32 to vector<16xi32>
      %shift_right_arithmetic3A_801 = arith.shrsi %get3A_791, %shift_right_arithmetic3A_800 : vector<16xi32>
      %swap3A_802 = arith.constant 0 : index
      %swap3A_803 = tpu.vector_load %arg11[%swap3A_802] {strides = array<i32>} : memref<80xi32, #tpu.memory_space<vmem>>, vector<16xi32>,
      %swap3A_804 = vector.shape_cast %swap3A_803 : vector<16xi32> to vector<16xi32>
      %swap3A_805 = vector.shape_cast %shift_right_arithmetic3A_801 : vector<16xi32> to vector<16xi32>
      tpu.vector_store %arg11[%swap3A_802], %swap3A_805 {strides = array<i32>} : memref<80xi32, #tpu.memory_space<vmem>>, vector<16xi32>,
      %get3A_806 = arith.index_cast %add3A_787 : i32 to index
      %get3A_807 = arith.constant 16 : index
      %get3A_808 = tpu.vector_load %arg5[%get3A_806, %get3A_807] {strides = array<i32>} : memref<125x80xi32, #tpu.memory_space<vmem>>, vector<1x16xi32>,
      %get3A_809 = vector.shape_cast %get3A_808 : vector<1x16xi32> to vector<16xi32>
      %and3A_810 = arith.constant 65535 : i32
      %and3A_811 = vector.broadcast %and3A_810 : i32 to vector<16xi32>
      %and3A_812 = arith.andi %get3A_809, %and3A_811 : vector<16xi32>
      %swap3A_813 = arith.constant 16 : index
      %swap3A_814 = tpu.vector_load %arg8[%swap3A_813] {strides = array<i32>} : memref<80xi32, #tpu.memory_space<vmem>>, vector<16xi32>,
      %swap3A_815 = vector.shape_cast %swap3A_814 : vector<16xi32> to vector<16xi32>
      %swap3A_816 = vector.shape_cast %and3A_812 : vector<16xi32> to vector<16xi32>
      tpu.vector_store %arg8[%swap3A_813], %swap3A_816 {strides = array<i32>} : memref<80xi32, #tpu.memory_space<vmem>>, vector<16xi32>,
      %shift_right_arithmetic3A_817 = arith.constant 16 : i32
      %shift_right_arithmetic3A_818 = vector.broadcast %shift_right_arithmetic3A_817 : i32 to vector<16xi32>
      %shift_right_arithmetic3A_819 = arith.shrsi %get3A_809, %shift_right_arithmetic3A_818 : vector<16xi32>
      %swap3A_820 = arith.constant 16 : index
      %swap3A_821 = tpu.vector_load %arg11[%swap3A_820] {strides = array<i32>} : memref<80xi32, #tpu.memory_space<vmem>>, vector<16xi32>,
      %swap3A_822 = vector.shape_cast %swap3A_821 : vector<16xi32> to vector<16xi32>
      %swap3A_823 = vector.shape_cast %shift_right_arithmetic3A_819 : vector<16xi32> to vector<16xi32>
      tpu.vector_store %arg11[%swap3A_820], %swap3A_823 {strides = array<i32>} : memref<80xi32, #tpu.memory_space<vmem>>, vector<16xi32>,
      %get3A_824 = arith.index_cast %add3A_787 : i32 to index
      %get3A_825 = arith.constant 32 : index
      %get3A_826 = tpu.vector_load %arg5[%get3A_824, %get3A_825] {strides = array<i32>} : memref<125x80xi32, #tpu.memory_space<vmem>>, vector<1x16xi32>,
      %get3A_827 = vector.shape_cast %get3A_826 : vector<1x16xi32> to vector<16xi32>
      %and3A_828 = arith.constant 65535 : i32
      %and3A_829 = vector.broadcast %and3A_828 : i32 to vector<16xi32>
      %and3A_830 = arith.andi %get3A_827, %and3A_829 : vector<16xi32>
      %swap3A_831 = arith.constant 32 : index
      %swap3A_832 = tpu.vector_load %arg8[%swap3A_831] {strides = array<i32>} : memref<80xi32, #tpu.memory_space<vmem>>, vector<16xi32>,
      %swap3A_833 = vector.shape_cast %swap3A_832 : vector<16xi32> to vector<16xi32>
      %swap3A_834 = vector.shape_cast %and3A_830 : vector<16xi32> to vector<16xi32>
      tpu.vector_store %arg8[%swap3A_831], %swap3A_834 {strides = array<i32>} : memref<80xi32, #tpu.memory_space<vmem>>, vector<16xi32>,
      %shift_right_arithmetic3A_835 = arith.constant 16 : i32
      %shift_right_arithmetic3A_836 = vector.broadcast %shift_right_arithmetic3A_835 : i32 to vector<16xi32>
      %shift_right_arithmetic3A_837 = arith.shrsi %get3A_827, %shift_right_arithmetic3A_836 : vector<16xi32>
      %swap3A_838 = arith.constant 32 : index
      %swap3A_839 = tpu.vector_load %arg11[%swap3A_838] {strides = array<i32>} : memref<80xi32, #tpu.memory_space<vmem>>, vector<16xi32>,
      %swap3A_840 = vector.shape_cast %swap3A_839 : vector<16xi32> to vector<16xi32>
      %swap3A_841 = vector.shape_cast %shift_right_arithmetic3A_837 : vector<16xi32> to vector<16xi32>
      tpu.vector_store %arg11[%swap3A_838], %swap3A_841 {strides = array<i32>} : memref<80xi32, #tpu.memory_space<vmem>>, vector<16xi32>,
      %get3A_842 = arith.index_cast %add3A_787 : i32 to index
      %get3A_843 = arith.constant 48 : index
      %get3A_844 = tpu.vector_load %arg5[%get3A_842, %get3A_843] {strides = array<i32>} : memref<125x80xi32, #tpu.memory_space<vmem>>, vector<1x16xi32>,
      %get3A_845 = vector.shape_cast %get3A_844 : vector<1x16xi32> to vector<16xi32>
      %and3A_846 = arith.constant 65535 : i32
      %and3A_847 = vector.broadcast %and3A_846 : i32 to vector<16xi32>
      %and3A_848 = arith.andi %get3A_845, %and3A_847 : vector<16xi32>
      %swap3A_849 = arith.constant 48 : index
      %swap3A_850 = tpu.vector_load %arg8[%swap3A_849] {strides = array<i32>} : memref<80xi32, #tpu.memory_space<vmem>>, vector<16xi32>,
      %swap3A_851 = vector.shape_cast %swap3A_850 : vector<16xi32> to vector<16xi32>
      %swap3A_852 = vector.shape_cast %and3A_848 : vector<16xi32> to vector<16xi32>
      tpu.vector_store %arg8[%swap3A_849], %swap3A_852 {strides = array<i32>} : memref<80xi32, #tpu.memory_space<vmem>>, vector<16xi32>,
      %shift_right_arithmetic3A_853 = arith.constant 16 : i32
      %shift_right_arithmetic3A_854 = vector.broadcast %shift_right_arithmetic3A_853 : i32 to vector<16xi32>
      %shift_right_arithmetic3A_855 = arith.shrsi %get3A_845, %shift_right_arithmetic3A_854 : vector<16xi32>
      %swap3A_856 = arith.constant 48 : index
      %swap3A_857 = tpu.vector_load %arg11[%swap3A_856] {strides = array<i32>} : memref<80xi32, #tpu.memory_space<vmem>>, vector<16xi32>,
      %swap3A_858 = vector.shape_cast %swap3A_857 : vector<16xi32> to vector<16xi32>
      %swap3A_859 = vector.shape_cast %shift_right_arithmetic3A_855 : vector<16xi32> to vector<16xi32>
      tpu.vector_store %arg11[%swap3A_856], %swap3A_859 {strides = array<i32>} : memref<80xi32, #tpu.memory_space<vmem>>, vector<16xi32>,
      %get3A_860 = arith.index_cast %add3A_787 : i32 to index
      %get3A_861 = arith.constant 64 : index
      %get3A_862 = tpu.vector_load %arg5[%get3A_860, %get3A_861] {strides = array<i32>} : memref<125x80xi32, #tpu.memory_space<vmem>>, vector<1x16xi32>,
      %get3A_863 = vector.shape_cast %get3A_862 : vector<1x16xi32> to vector<16xi32>
      %and3A_864 = arith.constant 65535 : i32
      %and3A_865 = vector.broadcast %and3A_864 : i32 to vector<16xi32>
      %and3A_866 = arith.andi %get3A_863, %and3A_865 : vector<16xi32>
      %swap3A_867 = arith.constant 64 : index
      %swap3A_868 = tpu.vector_load %arg8[%swap3A_867] {strides = array<i32>} : memref<80xi32, #tpu.memory_space<vmem>>, vector<16xi32>,
      %swap3A_869 = vector.shape_cast %swap3A_868 : vector<16xi32> to vector<16xi32>
      %swap3A_870 = vector.shape_cast %and3A_866 : vector<16xi32> to vector<16xi32>
      tpu.vector_store %arg8[%swap3A_867], %swap3A_870 {strides = array<i32>} : memref<80xi32, #tpu.memory_space<vmem>>, vector<16xi32>,
      %shift_right_arithmetic3A_871 = arith.constant 16 : i32
      %shift_right_arithmetic3A_872 = vector.broadcast %shift_right_arithmetic3A_871 : i32 to vector<16xi32>
      %shift_right_arithmetic3A_873 = arith.shrsi %get3A_863, %shift_right_arithmetic3A_872 : vector<16xi32>
      %swap3A_874 = arith.constant 64 : index
      %swap3A_875 = tpu.vector_load %arg11[%swap3A_874] {strides = array<i32>} : memref<80xi32, #tpu.memory_space<vmem>>, vector<16xi32>,
      %swap3A_876 = vector.shape_cast %swap3A_875 : vector<16xi32> to vector<16xi32>
      %swap3A_877 = vector.shape_cast %shift_right_arithmetic3A_873 : vector<16xi32> to vector<16xi32>
      tpu.vector_store %arg11[%swap3A_874], %swap3A_877 {strides = array<i32>} : memref<80xi32, #tpu.memory_space<vmem>>, vector<16xi32>,
      %dma_start3A_878 = arith.constant 0 : i32
      %dma_start3A_879 = arith.constant 0 : i32
      %dma_start3A_880 = tpu.memref_slice %arg2[%dma_start3A_878, %dma_start3A_879] : memref<10000x128xf32, #tpu.memory_space<hbm>> -> memref<10000x128xf32, #tpu.memory_space<hbm>>
      tpu.enqueue_indirect_dma source(%dma_start3A_880 : memref<10000x128xf32, #tpu.memory_space<hbm>>) target(%arg14 : memref<80x128xf32, #tpu.memory_space<vmem>>) offsets(%arg8 : memref<80xi32, #tpu.memory_space<vmem>>) semaphore(%arg18 : memref<!tpu.dma_semaphore, #tpu.memory_space<semaphore_mem>>)
      %scan3A_881 = arith.constant 0 : i32
      scf.yield %scan3A_881 : i32
    }
    %scan3A_315 = arith.constant 40 : i32
    %dma_wait3A_316 = arith.constant 0 : i32
    %dma_wait3A_317 = arith.constant 0 : i32
    %dma_wait3A_318 = tpu.memref_slice %arg2[%dma_wait3A_316, %dma_wait3A_317] : memref<10000x128xf32, #tpu.memory_space<hbm>> -> memref<10000x128xf32, #tpu.memory_space<hbm>>
    tpu.wait_indirect_dma semaphore(%arg17 : memref<!tpu.dma_semaphore, #tpu.memory_space<semaphore_mem>>) src(%dma_wait3A_318 : memref<10000x128xf32, #tpu.memory_space<hbm>>) dst(%arg13 : memref<80x128xf32, #tpu.memory_space<vmem>>)
    %dma_start3A_319 = arith.constant 0 : i32
    %dma_start3A_320 = arith.constant 0 : i32
    %dma_start3A_321 = tpu.memref_slice %arg15[%dma_start3A_319, %dma_start3A_320] : memref<10240x128xf32, #tpu.memory_space<vmem_shared>> -> memref<10240x128xf32, #tpu.memory_space<vmem_shared>>
    tpu.enqueue_indirect_dma source(%arg13 : memref<80x128xf32, #tpu.memory_space<vmem>>) target(%dma_start3A_321 : memref<10240x128xf32, #tpu.memory_space<vmem_shared>>) offsets(%arg10 : memref<80xi32, #tpu.memory_space<vmem>>) semaphore(%arg20 : memref<!tpu.dma_semaphore, #tpu.memory_space<semaphore_mem>>) {add = true}
    %dma_wait3A_322 = arith.constant 0 : i32
    %dma_wait3A_323 = arith.constant 0 : i32
    %dma_wait3A_324 = tpu.memref_slice %arg15[%dma_wait3A_322, %dma_wait3A_323] : memref<10240x128xf32, #tpu.memory_space<vmem_shared>> -> memref<10240x128xf32, #tpu.memory_space<vmem_shared>>
    tpu.wait_indirect_dma semaphore(%arg19 : memref<!tpu.dma_semaphore, #tpu.memory_space<semaphore_mem>>) src(%arg12 : memref<80x128xf32, #tpu.memory_space<vmem>>) dst(%dma_wait3A_324 : memref<10240x128xf32, #tpu.memory_space<vmem_shared>>)
    %get3A_325 = arith.constant 123 : i32
    %get3A_326 = arith.index_cast %get3A_325 : i32 to index
    %get3A_327 = arith.constant 0 : index
    %get3A_328 = tpu.vector_load %arg5[%get3A_326, %get3A_327] {strides = array<i32>} : memref<125x80xi32, #tpu.memory_space<vmem>>, vector<1x16xi32>,
    %get3A_329 = vector.shape_cast %get3A_328 : vector<1x16xi32> to vector<16xi32>
    %and3A_330 = arith.constant 65535 : i32
    %and3A_331 = vector.broadcast %and3A_330 : i32 to vector<16xi32>
    %and3A_332 = arith.andi %get3A_329, %and3A_331 : vector<16xi32>
    %swap3A_333 = arith.constant 0 : index
    %swap3A_334 = tpu.vector_load %arg6[%swap3A_333] {strides = array<i32>} : memref<80xi32, #tpu.memory_space<vmem>>, vector<16xi32>,
    %swap3A_335 = vector.shape_cast %swap3A_334 : vector<16xi32> to vector<16xi32>
    %swap3A_336 = vector.shape_cast %and3A_332 : vector<16xi32> to vector<16xi32>
    tpu.vector_store %arg6[%swap3A_333], %swap3A_336 {strides = array<i32>} : memref<80xi32, #tpu.memory_space<vmem>>, vector<16xi32>,
    %shift_right_arithmetic3A_337 = arith.constant 16 : i32
    %shift_right_arithmetic3A_338 = vector.broadcast %shift_right_arithmetic3A_337 : i32 to vector<16xi32>
    %shift_right_arithmetic3A_339 = arith.shrsi %get3A_329, %shift_right_arithmetic3A_338 : vector<16xi32>
    %swap3A_340 = arith.constant 0 : index
    %swap3A_341 = tpu.vector_load %arg9[%swap3A_340] {strides = array<i32>} : memref<80xi32, #tpu.memory_space<vmem>>, vector<16xi32>,
    %swap3A_342 = vector.shape_cast %swap3A_341 : vector<16xi32> to vector<16xi32>
    %swap3A_343 = vector.shape_cast %shift_right_arithmetic3A_339 : vector<16xi32> to vector<16xi32>
    tpu.vector_store %arg9[%swap3A_340], %swap3A_343 {strides = array<i32>} : memref<80xi32, #tpu.memory_space<vmem>>, vector<16xi32>,
    %get3A_344 = arith.constant 123 : i32
    %get3A_345 = arith.index_cast %get3A_344 : i32 to index
    %get3A_346 = arith.constant 16 : index
    %get3A_347 = tpu.vector_load %arg5[%get3A_345, %get3A_346] {strides = array<i32>} : memref<125x80xi32, #tpu.memory_space<vmem>>, vector<1x16xi32>,
    %get3A_348 = vector.shape_cast %get3A_347 : vector<1x16xi32> to vector<16xi32>
    %and3A_349 = arith.constant 65535 : i32
    %and3A_350 = vector.broadcast %and3A_349 : i32 to vector<16xi32>
    %and3A_351 = arith.andi %get3A_348, %and3A_350 : vector<16xi32>
    %swap3A_352 = arith.constant 16 : index
    %swap3A_353 = tpu.vector_load %arg6[%swap3A_352] {strides = array<i32>} : memref<80xi32, #tpu.memory_space<vmem>>, vector<16xi32>,
    %swap3A_354 = vector.shape_cast %swap3A_353 : vector<16xi32> to vector<16xi32>
    %swap3A_355 = vector.shape_cast %and3A_351 : vector<16xi32> to vector<16xi32>
    tpu.vector_store %arg6[%swap3A_352], %swap3A_355 {strides = array<i32>} : memref<80xi32, #tpu.memory_space<vmem>>, vector<16xi32>,
    %shift_right_arithmetic3A_356 = arith.constant 16 : i32
    %shift_right_arithmetic3A_357 = vector.broadcast %shift_right_arithmetic3A_356 : i32 to vector<16xi32>
    %shift_right_arithmetic3A_358 = arith.shrsi %get3A_348, %shift_right_arithmetic3A_357 : vector<16xi32>
    %swap3A_359 = arith.constant 16 : index
    %swap3A_360 = tpu.vector_load %arg9[%swap3A_359] {strides = array<i32>} : memref<80xi32, #tpu.memory_space<vmem>>, vector<16xi32>,
    %swap3A_361 = vector.shape_cast %swap3A_360 : vector<16xi32> to vector<16xi32>
    %swap3A_362 = vector.shape_cast %shift_right_arithmetic3A_358 : vector<16xi32> to vector<16xi32>
    tpu.vector_store %arg9[%swap3A_359], %swap3A_362 {strides = array<i32>} : memref<80xi32, #tpu.memory_space<vmem>>, vector<16xi32>,
    %get3A_363 = arith.constant 123 : i32
    %get3A_364 = arith.index_cast %get3A_363 : i32 to index
    %get3A_365 = arith.constant 32 : index
    %get3A_366 = tpu.vector_load %arg5[%get3A_364, %get3A_365] {strides = array<i32>} : memref<125x80xi32, #tpu.memory_space<vmem>>, vector<1x16xi32>,
    %get3A_367 = vector.shape_cast %get3A_366 : vector<1x16xi32> to vector<16xi32>
    %and3A_368 = arith.constant 65535 : i32
    %and3A_369 = vector.broadcast %and3A_368 : i32 to vector<16xi32>
    %and3A_370 = arith.andi %get3A_367, %and3A_369 : vector<16xi32>
    %swap3A_371 = arith.constant 32 : index
    %swap3A_372 = tpu.vector_load %arg6[%swap3A_371] {strides = array<i32>} : memref<80xi32, #tpu.memory_space<vmem>>, vector<16xi32>,
    %swap3A_373 = vector.shape_cast %swap3A_372 : vector<16xi32> to vector<16xi32>
    %swap3A_374 = vector.shape_cast %and3A_370 : vector<16xi32> to vector<16xi32>
    tpu.vector_store %arg6[%swap3A_371], %swap3A_374 {strides = array<i32>} : memref<80xi32, #tpu.memory_space<vmem>>, vector<16xi32>,
    %shift_right_arithmetic3A_375 = arith.constant 16 : i32
    %shift_right_arithmetic3A_376 = vector.broadcast %shift_right_arithmetic3A_375 : i32 to vector<16xi32>
    %shift_right_arithmetic3A_377 = arith.shrsi %get3A_367, %shift_right_arithmetic3A_376 : vector<16xi32>
    %swap3A_378 = arith.constant 32 : index
    %swap3A_379 = tpu.vector_load %arg9[%swap3A_378] {strides = array<i32>} : memref<80xi32, #tpu.memory_space<vmem>>, vector<16xi32>,
    %swap3A_380 = vector.shape_cast %swap3A_379 : vector<16xi32> to vector<16xi32>
    %swap3A_381 = vector.shape_cast %shift_right_arithmetic3A_377 : vector<16xi32> to vector<16xi32>
    tpu.vector_store %arg9[%swap3A_378], %swap3A_381 {strides = array<i32>} : memref<80xi32, #tpu.memory_space<vmem>>, vector<16xi32>,
    %get3A_382 = arith.constant 123 : i32
    %get3A_383 = arith.index_cast %get3A_382 : i32 to index
    %get3A_384 = arith.constant 48 : index
    %get3A_385 = tpu.vector_load %arg5[%get3A_383, %get3A_384] {strides = array<i32>} : memref<125x80xi32, #tpu.memory_space<vmem>>, vector<1x16xi32>,
    %get3A_386 = vector.shape_cast %get3A_385 : vector<1x16xi32> to vector<16xi32>
    %and3A_387 = arith.constant 65535 : i32
    %and3A_388 = vector.broadcast %and3A_387 : i32 to vector<16xi32>
    %and3A_389 = arith.andi %get3A_386, %and3A_388 : vector<16xi32>
    %swap3A_390 = arith.constant 48 : index
    %swap3A_391 = tpu.vector_load %arg6[%swap3A_390] {strides = array<i32>} : memref<80xi32, #tpu.memory_space<vmem>>, vector<16xi32>,
    %swap3A_392 = vector.shape_cast %swap3A_391 : vector<16xi32> to vector<16xi32>
    %swap3A_393 = vector.shape_cast %and3A_389 : vector<16xi32> to vector<16xi32>
    tpu.vector_store %arg6[%swap3A_390], %swap3A_393 {strides = array<i32>} : memref<80xi32, #tpu.memory_space<vmem>>, vector<16xi32>,
    %shift_right_arithmetic3A_394 = arith.constant 16 : i32
    %shift_right_arithmetic3A_395 = vector.broadcast %shift_right_arithmetic3A_394 : i32 to vector<16xi32>
    %shift_right_arithmetic3A_396 = arith.shrsi %get3A_386, %shift_right_arithmetic3A_395 : vector<16xi32>
    %swap3A_397 = arith.constant 48 : index
    %swap3A_398 = tpu.vector_load %arg9[%swap3A_397] {strides = array<i32>} : memref<80xi32, #tpu.memory_space<vmem>>, vector<16xi32>,
    %swap3A_399 = vector.shape_cast %swap3A_398 : vector<16xi32> to vector<16xi32>
    %swap3A_400 = vector.shape_cast %shift_right_arithmetic3A_396 : vector<16xi32> to vector<16xi32>
    tpu.vector_store %arg9[%swap3A_397], %swap3A_400 {strides = array<i32>} : memref<80xi32, #tpu.memory_space<vmem>>, vector<16xi32>,
    %get3A_401 = arith.constant 123 : i32
    %get3A_402 = arith.index_cast %get3A_401 : i32 to index
    %get3A_403 = arith.constant 64 : index
    %get3A_404 = tpu.vector_load %arg5[%get3A_402, %get3A_403] {strides = array<i32>} : memref<125x80xi32, #tpu.memory_space<vmem>>, vector<1x16xi32>,
    %get3A_405 = vector.shape_cast %get3A_404 : vector<1x16xi32> to vector<16xi32>
    %and3A_406 = arith.constant 65535 : i32
    %and3A_407 = vector.broadcast %and3A_406 : i32 to vector<16xi32>
    %and3A_408 = arith.andi %get3A_405, %and3A_407 : vector<16xi32>
    %swap3A_409 = arith.constant 64 : index
    %swap3A_410 = tpu.vector_load %arg6[%swap3A_409] {strides = array<i32>} : memref<80xi32, #tpu.memory_space<vmem>>, vector<16xi32>,
    %swap3A_411 = vector.shape_cast %swap3A_410 : vector<16xi32> to vector<16xi32>
    %swap3A_412 = vector.shape_cast %and3A_408 : vector<16xi32> to vector<16xi32>
    tpu.vector_store %arg6[%swap3A_409], %swap3A_412 {strides = array<i32>} : memref<80xi32, #tpu.memory_space<vmem>>, vector<16xi32>,
    %shift_right_arithmetic3A_413 = arith.constant 16 : i32
    %shift_right_arithmetic3A_414 = vector.broadcast %shift_right_arithmetic3A_413 : i32 to vector<16xi32>
    %shift_right_arithmetic3A_415 = arith.shrsi %get3A_405, %shift_right_arithmetic3A_414 : vector<16xi32>
    %swap3A_416 = arith.constant 64 : index
    %swap3A_417 = tpu.vector_load %arg9[%swap3A_416] {strides = array<i32>} : memref<80xi32, #tpu.memory_space<vmem>>, vector<16xi32>,
    %swap3A_418 = vector.shape_cast %swap3A_417 : vector<16xi32> to vector<16xi32>
    %swap3A_419 = vector.shape_cast %shift_right_arithmetic3A_415 : vector<16xi32> to vector<16xi32>
    tpu.vector_store %arg9[%swap3A_416], %swap3A_419 {strides = array<i32>} : memref<80xi32, #tpu.memory_space<vmem>>, vector<16xi32>,
    %dma_start3A_420 = arith.constant 0 : i32
    %dma_start3A_421 = arith.constant 0 : i32
    %dma_start3A_422 = tpu.memref_slice %arg2[%dma_start3A_420, %dma_start3A_421] : memref<10000x128xf32, #tpu.memory_space<hbm>> -> memref<10000x128xf32, #tpu.memory_space<hbm>>
    tpu.enqueue_indirect_dma source(%dma_start3A_422 : memref<10000x128xf32, #tpu.memory_space<hbm>>) target(%arg12 : memref<80x128xf32, #tpu.memory_space<vmem>>) offsets(%arg6 : memref<80xi32, #tpu.memory_space<vmem>>) semaphore(%arg16 : memref<!tpu.dma_semaphore, #tpu.memory_space<semaphore_mem>>)
    %dma_wait3A_423 = arith.constant 0 : i32
    %dma_wait3A_424 = arith.constant 0 : i32
    %dma_wait3A_425 = tpu.memref_slice %arg2[%dma_wait3A_423, %dma_wait3A_424] : memref<10000x128xf32, #tpu.memory_space<hbm>> -> memref<10000x128xf32, #tpu.memory_space<hbm>>
    tpu.wait_indirect_dma semaphore(%arg18 : memref<!tpu.dma_semaphore, #tpu.memory_space<semaphore_mem>>) src(%dma_wait3A_425 : memref<10000x128xf32, #tpu.memory_space<hbm>>) dst(%arg14 : memref<80x128xf32, #tpu.memory_space<vmem>>)
    %dma_start3A_426 = arith.constant 0 : i32
    %dma_start3A_427 = arith.constant 0 : i32
    %dma_start3A_428 = tpu.memref_slice %arg15[%dma_start3A_426, %dma_start3A_427] : memref<10240x128xf32, #tpu.memory_space<vmem_shared>> -> memref<10240x128xf32, #tpu.memory_space<vmem_shared>>
    tpu.enqueue_indirect_dma source(%arg14 : memref<80x128xf32, #tpu.memory_space<vmem>>) target(%dma_start3A_428 : memref<10240x128xf32, #tpu.memory_space<vmem_shared>>) offsets(%arg11 : memref<80xi32, #tpu.memory_space<vmem>>) semaphore(%arg21 : memref<!tpu.dma_semaphore, #tpu.memory_space<semaphore_mem>>) {add = true}
    %dma_wait3A_429 = arith.constant 0 : i32
    %dma_wait3A_430 = arith.constant 0 : i32
    %dma_wait3A_431 = tpu.memref_slice %arg15[%dma_wait3A_429, %dma_wait3A_430] : memref<10240x128xf32, #tpu.memory_space<vmem_shared>> -> memref<10240x128xf32, #tpu.memory_space<vmem_shared>>
    tpu.wait_indirect_dma semaphore(%arg20 : memref<!tpu.dma_semaphore, #tpu.memory_space<semaphore_mem>>) src(%arg13 : memref<80x128xf32, #tpu.memory_space<vmem>>) dst(%dma_wait3A_431 : memref<10240x128xf32, #tpu.memory_space<vmem_shared>>)
    %get3A_432 = arith.constant 124 : i32
    %get3A_433 = arith.index_cast %get3A_432 : i32 to index
    %get3A_434 = arith.constant 0 : index
    %get3A_435 = tpu.vector_load %arg5[%get3A_433, %get3A_434] {strides = array<i32>} : memref<125x80xi32, #tpu.memory_space<vmem>>, vector<1x16xi32>,
    %get3A_436 = vector.shape_cast %get3A_435 : vector<1x16xi32> to vector<16xi32>
    %and3A_437 = arith.constant 65535 : i32
    %and3A_438 = vector.broadcast %and3A_437 : i32 to vector<16xi32>
    %and3A_439 = arith.andi %get3A_436, %and3A_438 : vector<16xi32>
    %swap3A_440 = arith.constant 0 : index
    %swap3A_441 = tpu.vector_load %arg7[%swap3A_440] {strides = array<i32>} : memref<80xi32, #tpu.memory_space<vmem>>, vector<16xi32>,
    %swap3A_442 = vector.shape_cast %swap3A_441 : vector<16xi32> to vector<16xi32>
    %swap3A_443 = vector.shape_cast %and3A_439 : vector<16xi32> to vector<16xi32>
    tpu.vector_store %arg7[%swap3A_440], %swap3A_443 {strides = array<i32>} : memref<80xi32, #tpu.memory_space<vmem>>, vector<16xi32>,
    %shift_right_arithmetic3A_444 = arith.constant 16 : i32
    %shift_right_arithmetic3A_445 = vector.broadcast %shift_right_arithmetic3A_444 : i32 to vector<16xi32>
    %shift_right_arithmetic3A_446 = arith.shrsi %get3A_436, %shift_right_arithmetic3A_445 : vector<16xi32>
    %swap3A_447 = arith.constant 0 : index
    %swap3A_448 = tpu.vector_load %arg10[%swap3A_447] {strides = array<i32>} : memref<80xi32, #tpu.memory_space<vmem>>, vector<16xi32>,
    %swap3A_449 = vector.shape_cast %swap3A_448 : vector<16xi32> to vector<16xi32>
    %swap3A_450 = vector.shape_cast %shift_right_arithmetic3A_446 : vector<16xi32> to vector<16xi32>
    tpu.vector_store %arg10[%swap3A_447], %swap3A_450 {strides = array<i32>} : memref<80xi32, #tpu.memory_space<vmem>>, vector<16xi32>,
    %get3A_451 = arith.constant 124 : i32
    %get3A_452 = arith.index_cast %get3A_451 : i32 to index
    %get3A_453 = arith.constant 16 : index
    %get3A_454 = tpu.vector_load %arg5[%get3A_452, %get3A_453] {strides = array<i32>} : memref<125x80xi32, #tpu.memory_space<vmem>>, vector<1x16xi32>,
    %get3A_455 = vector.shape_cast %get3A_454 : vector<1x16xi32> to vector<16xi32>
    %and3A_456 = arith.constant 65535 : i32
    %and3A_457 = vector.broadcast %and3A_456 : i32 to vector<16xi32>
    %and3A_458 = arith.andi %get3A_455, %and3A_457 : vector<16xi32>
    %swap3A_459 = arith.constant 16 : index
    %swap3A_460 = tpu.vector_load %arg7[%swap3A_459] {strides = array<i32>} : memref<80xi32, #tpu.memory_space<vmem>>, vector<16xi32>,
    %swap3A_461 = vector.shape_cast %swap3A_460 : vector<16xi32> to vector<16xi32>
    %swap3A_462 = vector.shape_cast %and3A_458 : vector<16xi32> to vector<16xi32>
    tpu.vector_store %arg7[%swap3A_459], %swap3A_462 {strides = array<i32>} : memref<80xi32, #tpu.memory_space<vmem>>, vector<16xi32>,
    %shift_right_arithmetic3A_463 = arith.constant 16 : i32
    %shift_right_arithmetic3A_464 = vector.broadcast %shift_right_arithmetic3A_463 : i32 to vector<16xi32>
    %shift_right_arithmetic3A_465 = arith.shrsi %get3A_455, %shift_right_arithmetic3A_464 : vector<16xi32>
    %swap3A_466 = arith.constant 16 : index
    %swap3A_467 = tpu.vector_load %arg10[%swap3A_466] {strides = array<i32>} : memref<80xi32, #tpu.memory_space<vmem>>, vector<16xi32>,
    %swap3A_468 = vector.shape_cast %swap3A_467 : vector<16xi32> to vector<16xi32>
    %swap3A_469 = vector.shape_cast %shift_right_arithmetic3A_465 : vector<16xi32> to vector<16xi32>
    tpu.vector_store %arg10[%swap3A_466], %swap3A_469 {strides = array<i32>} : memref<80xi32, #tpu.memory_space<vmem>>, vector<16xi32>,
    %get3A_470 = arith.constant 124 : i32
    %get3A_471 = arith.index_cast %get3A_470 : i32 to index
    %get3A_472 = arith.constant 32 : index
    %get3A_473 = tpu.vector_load %arg5[%get3A_471, %get3A_472] {strides = array<i32>} : memref<125x80xi32, #tpu.memory_space<vmem>>, vector<1x16xi32>,
    %get3A_474 = vector.shape_cast %get3A_473 : vector<1x16xi32> to vector<16xi32>
    %and3A_475 = arith.constant 65535 : i32
    %and3A_476 = vector.broadcast %and3A_475 : i32 to vector<16xi32>
    %and3A_477 = arith.andi %get3A_474, %and3A_476 : vector<16xi32>
    %swap3A_478 = arith.constant 32 : index
    %swap3A_479 = tpu.vector_load %arg7[%swap3A_478] {strides = array<i32>} : memref<80xi32, #tpu.memory_space<vmem>>, vector<16xi32>,
    %swap3A_480 = vector.shape_cast %swap3A_479 : vector<16xi32> to vector<16xi32>
    %swap3A_481 = vector.shape_cast %and3A_477 : vector<16xi32> to vector<16xi32>
    tpu.vector_store %arg7[%swap3A_478], %swap3A_481 {strides = array<i32>} : memref<80xi32, #tpu.memory_space<vmem>>, vector<16xi32>,
    %shift_right_arithmetic3A_482 = arith.constant 16 : i32
    %shift_right_arithmetic3A_483 = vector.broadcast %shift_right_arithmetic3A_482 : i32 to vector<16xi32>
    %shift_right_arithmetic3A_484 = arith.shrsi %get3A_474, %shift_right_arithmetic3A_483 : vector<16xi32>
    %swap3A_485 = arith.constant 32 : index
    %swap3A_486 = tpu.vector_load %arg10[%swap3A_485] {strides = array<i32>} : memref<80xi32, #tpu.memory_space<vmem>>, vector<16xi32>,
    %swap3A_487 = vector.shape_cast %swap3A_486 : vector<16xi32> to vector<16xi32>
    %swap3A_488 = vector.shape_cast %shift_right_arithmetic3A_484 : vector<16xi32> to vector<16xi32>
    tpu.vector_store %arg10[%swap3A_485], %swap3A_488 {strides = array<i32>} : memref<80xi32, #tpu.memory_space<vmem>>, vector<16xi32>,
    %get3A_489 = arith.constant 124 : i32
    %get3A_490 = arith.index_cast %get3A_489 : i32 to index
    %get3A_491 = arith.constant 48 : index
    %get3A_492 = tpu.vector_load %arg5[%get3A_490, %get3A_491] {strides = array<i32>} : memref<125x80xi32, #tpu.memory_space<vmem>>, vector<1x16xi32>,
    %get3A_493 = vector.shape_cast %get3A_492 : vector<1x16xi32> to vector<16xi32>
    %and3A_494 = arith.constant 65535 : i32
    %and3A_495 = vector.broadcast %and3A_494 : i32 to vector<16xi32>
    %and3A_496 = arith.andi %get3A_493, %and3A_495 : vector<16xi32>
    %swap3A_497 = arith.constant 48 : index
    %swap3A_498 = tpu.vector_load %arg7[%swap3A_497] {strides = array<i32>} : memref<80xi32, #tpu.memory_space<vmem>>, vector<16xi32>,
    %swap3A_499 = vector.shape_cast %swap3A_498 : vector<16xi32> to vector<16xi32>
    %swap3A_500 = vector.shape_cast %and3A_496 : vector<16xi32> to vector<16xi32>
    tpu.vector_store %arg7[%swap3A_497], %swap3A_500 {strides = array<i32>} : memref<80xi32, #tpu.memory_space<vmem>>, vector<16xi32>,
    %shift_right_arithmetic3A_501 = arith.constant 16 : i32
    %shift_right_arithmetic3A_502 = vector.broadcast %shift_right_arithmetic3A_501 : i32 to vector<16xi32>
    %shift_right_arithmetic3A_503 = arith.shrsi %get3A_493, %shift_right_arithmetic3A_502 : vector<16xi32>
    %swap3A_504 = arith.constant 48 : index
    %swap3A_505 = tpu.vector_load %arg10[%swap3A_504] {strides = array<i32>} : memref<80xi32, #tpu.memory_space<vmem>>, vector<16xi32>,
    %swap3A_506 = vector.shape_cast %swap3A_505 : vector<16xi32> to vector<16xi32>
    %swap3A_507 = vector.shape_cast %shift_right_arithmetic3A_503 : vector<16xi32> to vector<16xi32>
    tpu.vector_store %arg10[%swap3A_504], %swap3A_507 {strides = array<i32>} : memref<80xi32, #tpu.memory_space<vmem>>, vector<16xi32>,
    %get3A_508 = arith.constant 124 : i32
    %get3A_509 = arith.index_cast %get3A_508 : i32 to index
    %get3A_510 = arith.constant 64 : index
    %get3A_511 = tpu.vector_load %arg5[%get3A_509, %get3A_510] {strides = array<i32>} : memref<125x80xi32, #tpu.memory_space<vmem>>, vector<1x16xi32>,
    %get3A_512 = vector.shape_cast %get3A_511 : vector<1x16xi32> to vector<16xi32>
    %and3A_513 = arith.constant 65535 : i32
    %and3A_514 = vector.broadcast %and3A_513 : i32 to vector<16xi32>
    %and3A_515 = arith.andi %get3A_512, %and3A_514 : vector<16xi32>
    %swap3A_516 = arith.constant 64 : index
    %swap3A_517 = tpu.vector_load %arg7[%swap3A_516] {strides = array<i32>} : memref<80xi32, #tpu.memory_space<vmem>>, vector<16xi32>,
    %swap3A_518 = vector.shape_cast %swap3A_517 : vector<16xi32> to vector<16xi32>
    %swap3A_519 = vector.shape_cast %and3A_515 : vector<16xi32> to vector<16xi32>
    tpu.vector_store %arg7[%swap3A_516], %swap3A_519 {strides = array<i32>} : memref<80xi32, #tpu.memory_space<vmem>>, vector<16xi32>,
    %shift_right_arithmetic3A_520 = arith.constant 16 : i32
    %shift_right_arithmetic3A_521 = vector.broadcast %shift_right_arithmetic3A_520 : i32 to vector<16xi32>
    %shift_right_arithmetic3A_522 = arith.shrsi %get3A_512, %shift_right_arithmetic3A_521 : vector<16xi32>
    %swap3A_523 = arith.constant 64 : index
    %swap3A_524 = tpu.vector_load %arg10[%swap3A_523] {strides = array<i32>} : memref<80xi32, #tpu.memory_space<vmem>>, vector<16xi32>,
    %swap3A_525 = vector.shape_cast %swap3A_524 : vector<16xi32> to vector<16xi32>
    %swap3A_526 = vector.shape_cast %shift_right_arithmetic3A_522 : vector<16xi32> to vector<16xi32>
    tpu.vector_store %arg10[%swap3A_523], %swap3A_526 {strides = array<i32>} : memref<80xi32, #tpu.memory_space<vmem>>, vector<16xi32>,
    %dma_start3A_527 = arith.constant 0 : i32
    %dma_start3A_528 = arith.constant 0 : i32
    %dma_start3A_529 = tpu.memref_slice %arg2[%dma_start3A_527, %dma_start3A_528] : memref<10000x128xf32, #tpu.memory_space<hbm>> -> memref<10000x128xf32, #tpu.memory_space<hbm>>
    tpu.enqueue_indirect_dma source(%dma_start3A_529 : memref<10000x128xf32, #tpu.memory_space<hbm>>) target(%arg13 : memref<80x128xf32, #tpu.memory_space<vmem>>) offsets(%arg7 : memref<80xi32, #tpu.memory_space<vmem>>) semaphore(%arg17 : memref<!tpu.dma_semaphore, #tpu.memory_space<semaphore_mem>>)
    %dma_wait3A_530 = arith.constant 0 : i32
    %dma_wait3A_531 = arith.constant 0 : i32
    %dma_wait3A_532 = tpu.memref_slice %arg2[%dma_wait3A_530, %dma_wait3A_531] : memref<10000x128xf32, #tpu.memory_space<hbm>> -> memref<10000x128xf32, #tpu.memory_space<hbm>>
    tpu.wait_indirect_dma semaphore(%arg16 : memref<!tpu.dma_semaphore, #tpu.memory_space<semaphore_mem>>) src(%dma_wait3A_532 : memref<10000x128xf32, #tpu.memory_space<hbm>>) dst(%arg12 : memref<80x128xf32, #tpu.memory_space<vmem>>)
    %dma_start3A_533 = arith.constant 0 : i32
    %dma_start3A_534 = arith.constant 0 : i32
    %dma_start3A_535 = tpu.memref_slice %arg15[%dma_start3A_533, %dma_start3A_534] : memref<10240x128xf32, #tpu.memory_space<vmem_shared>> -> memref<10240x128xf32, #tpu.memory_space<vmem_shared>>
    tpu.enqueue_indirect_dma source(%arg12 : memref<80x128xf32, #tpu.memory_space<vmem>>) target(%dma_start3A_535 : memref<10240x128xf32, #tpu.memory_space<vmem_shared>>) offsets(%arg9 : memref<80xi32, #tpu.memory_space<vmem>>) semaphore(%arg19 : memref<!tpu.dma_semaphore, #tpu.memory_space<semaphore_mem>>) {add = true}
    %dma_wait3A_536 = arith.constant 0 : i32
    %dma_wait3A_537 = arith.constant 0 : i32
    %dma_wait3A_538 = tpu.memref_slice %arg15[%dma_wait3A_536, %dma_wait3A_537] : memref<10240x128xf32, #tpu.memory_space<vmem_shared>> -> memref<10240x128xf32, #tpu.memory_space<vmem_shared>>
    tpu.wait_indirect_dma semaphore(%arg21 : memref<!tpu.dma_semaphore, #tpu.memory_space<semaphore_mem>>) src(%arg14 : memref<80x128xf32, #tpu.memory_space<vmem>>) dst(%dma_wait3A_538 : memref<10240x128xf32, #tpu.memory_space<vmem_shared>>)
    %dma_wait3A_539 = arith.constant 0 : i32
    %dma_wait3A_540 = arith.constant 0 : i32
    %dma_wait3A_541 = tpu.memref_slice %arg2[%dma_wait3A_539, %dma_wait3A_540] : memref<10000x128xf32, #tpu.memory_space<hbm>> -> memref<10000x128xf32, #tpu.memory_space<hbm>>
    tpu.wait_indirect_dma semaphore(%arg17 : memref<!tpu.dma_semaphore, #tpu.memory_space<semaphore_mem>>) src(%dma_wait3A_541 : memref<10000x128xf32, #tpu.memory_space<hbm>>) dst(%arg13 : memref<80x128xf32, #tpu.memory_space<vmem>>)
    %dma_start3A_542 = arith.constant 0 : i32
    %dma_start3A_543 = arith.constant 0 : i32
    %dma_start3A_544 = tpu.memref_slice %arg15[%dma_start3A_542, %dma_start3A_543] : memref<10240x128xf32, #tpu.memory_space<vmem_shared>> -> memref<10240x128xf32, #tpu.memory_space<vmem_shared>>
    tpu.enqueue_indirect_dma source(%arg13 : memref<80x128xf32, #tpu.memory_space<vmem>>) target(%dma_start3A_544 : memref<10240x128xf32, #tpu.memory_space<vmem_shared>>) offsets(%arg10 : memref<80xi32, #tpu.memory_space<vmem>>) semaphore(%arg20 : memref<!tpu.dma_semaphore, #tpu.memory_space<semaphore_mem>>) {add = true}
    %dma_wait3A_545 = arith.constant 0 : i32
    %dma_wait3A_546 = arith.constant 0 : i32
    %dma_wait3A_547 = tpu.memref_slice %arg15[%dma_wait3A_545, %dma_wait3A_546] : memref<10240x128xf32, #tpu.memory_space<vmem_shared>> -> memref<10240x128xf32, #tpu.memory_space<vmem_shared>>
    tpu.wait_indirect_dma semaphore(%arg19 : memref<!tpu.dma_semaphore, #tpu.memory_space<semaphore_mem>>) src(%arg12 : memref<80x128xf32, #tpu.memory_space<vmem>>) dst(%dma_wait3A_547 : memref<10240x128xf32, #tpu.memory_space<vmem_shared>>)
    %dma_wait3A_548 = arith.constant 0 : i32
    %dma_wait3A_549 = arith.constant 0 : i32
    %dma_wait3A_550 = tpu.memref_slice %arg15[%dma_wait3A_548, %dma_wait3A_549] : memref<10240x128xf32, #tpu.memory_space<vmem_shared>> -> memref<10240x128xf32, #tpu.memory_space<vmem_shared>>
    tpu.wait_indirect_dma semaphore(%arg20 : memref<!tpu.dma_semaphore, #tpu.memory_space<semaphore_mem>>) src(%arg13 : memref<80x128xf32, #tpu.memory_space<vmem>>) dst(%dma_wait3A_550 : memref<10240x128xf32, #tpu.memory_space<vmem_shared>>)
    %barrier3A_551 = arith.constant 0 : index
    tpu.barrier barrier_id(%barrier3A_551)
    %scan3A_552 = arith.constant 0 : i32
    %scan3A_553 = arith.constant 0 : i32
    %scan3A_554 = arith.constant 8 : i32
    %scan3A_555 = arith.addi %scan3A_553, %scan3A_554 : i32
    %scan3A_556 = arith.constant 1 : i32
    %scan3A_557 = scf.for %scan3A_559 = %scan3A_553 to %scan3A_555 step %scan3A_556 iter_args(%scan3A_560 = %scan3A_552) -> (i32)  : i32 {
      %mul3A_561 = arith.constant 640 : i32
      %mul3A_562 = arith.muli %arg1, %mul3A_561 : i32
      %mul3A_563 = arith.constant 80 : i32
      %mul3A_564 = arith.muli %scan3A_559, %mul3A_563 : i32
      %add3A_565 = arith.addi %mul3A_562, %mul3A_564 : i32
      "tpu.region"() ({
        %run_scoped3A = tpu.sem_alloc : memref<!tpu.dma_semaphore, #tpu.memory_space<semaphore_mem>>
        %dma_start3A_567 = arith.constant 0 : i32
        %dma_start3A_568 = tpu.memref_slice %arg15[%add3A_565, %dma_start3A_567] : memref<10240x128xf32, #tpu.memory_space<vmem_shared>> -> memref<80x128xf32, #tpu.memory_space<vmem_shared>>
        %dma_start3A_569 = arith.constant 0 : i32
        %dma_start3A_570 = tpu.memref_slice %arg15[%add3A_565, %dma_start3A_569] : memref<10240x128xf32, #tpu.memory_space<vmem_shared>> -> memref<80x128xf32, #tpu.memory_space<vmem_shared>>
        tpu.enqueue_dma source(%dma_start3A_570 : memref<80x128xf32, #tpu.memory_space<vmem_shared>>) target(%arg12 : memref<80x128xf32, #tpu.memory_space<vmem>>) target_semaphore(%run_scoped3A : memref<!tpu.dma_semaphore, #tpu.memory_space<semaphore_mem>>)
        %dma_wait3A_571 = arith.constant 0 : i32
        %dma_wait3A_572 = tpu.memref_slice %arg15[%add3A_565, %dma_wait3A_571] : memref<10240x128xf32, #tpu.memory_space<vmem_shared>> -> memref<80x128xf32, #tpu.memory_space<vmem_shared>>
        %dma_wait3A_573 = arith.constant 0 : i32
        %dma_wait3A_574 = tpu.memref_slice %arg15[%add3A_565, %dma_wait3A_573] : memref<10240x128xf32, #tpu.memory_space<vmem_shared>> -> memref<80x128xf32, #tpu.memory_space<vmem_shared>>
        tpu.wait_dma2 semaphore(%run_scoped3A : memref<!tpu.dma_semaphore, #tpu.memory_space<semaphore_mem>>) src(%dma_wait3A_574 : memref<80x128xf32, #tpu.memory_space<vmem_shared>>) dst(%arg12 : memref<80x128xf32, #tpu.memory_space<vmem>>)
        tpu.yield
      }) : () -> ()
      "tpu.region"() ({
        %run_scoped3A = tpu.sem_alloc : memref<!tpu.dma_semaphore, #tpu.memory_space<semaphore_mem>>
        %dma_start3A_567 = arith.constant 0 : i32
        %dma_start3A_568 = tpu.memref_slice %arg4[%arg0, %add3A_565, %dma_start3A_567] : memref<2x10240x128xf32, #tpu.memory_space<hbm>> -> memref<1x80x128xf32, #tpu.memory_space<hbm>>
        %dma_start3A_569 = tpu.memref_squeeze %dma_start3A_568 : memref<1x80x128xf32, #tpu.memory_space<hbm>> -> memref<80x128xf32, #tpu.memory_space<hbm>>
        %dma_start3A_570 = arith.constant 0 : i32
        %dma_start3A_571 = tpu.memref_slice %arg4[%arg0, %add3A_565, %dma_start3A_570] : memref<2x10240x128xf32, #tpu.memory_space<hbm>> -> memref<1x80x128xf32, #tpu.memory_space<hbm>>
        %dma_start3A_572 = tpu.memref_squeeze %dma_start3A_571 : memref<1x80x128xf32, #tpu.memory_space<hbm>> -> memref<80x128xf32, #tpu.memory_space<hbm>>
        tpu.enqueue_dma source(%arg12 : memref<80x128xf32, #tpu.memory_space<vmem>>) target(%dma_start3A_572 : memref<80x128xf32, #tpu.memory_space<hbm>>) target_semaphore(%run_scoped3A : memref<!tpu.dma_semaphore, #tpu.memory_space<semaphore_mem>>)
        %dma_wait3A_573 = arith.constant 0 : i32
        %dma_wait3A_574 = tpu.memref_slice %arg4[%arg0, %add3A_565, %dma_wait3A_573] : memref<2x10240x128xf32, #tpu.memory_space<hbm>> -> memref<1x80x128xf32, #tpu.memory_space<hbm>>
        %dma_wait3A_575 = tpu.memref_squeeze %dma_wait3A_574 : memref<1x80x128xf32, #tpu.memory_space<hbm>> -> memref<80x128xf32, #tpu.memory_space<hbm>>
        %dma_wait3A_576 = arith.constant 0 : i32
        %dma_wait3A_577 = tpu.memref_slice %arg4[%arg0, %add3A_565, %dma_wait3A_576] : memref<2x10240x128xf32, #tpu.memory_space<hbm>> -> memref<1x80x128xf32, #tpu.memory_space<hbm>>
        %dma_wait3A_578 = tpu.memref_squeeze %dma_wait3A_577 : memref<1x80x128xf32, #tpu.memory_space<hbm>> -> memref<80x128xf32, #tpu.memory_space<hbm>>
        tpu.wait_dma2 semaphore(%run_scoped3A : memref<!tpu.dma_semaphore, #tpu.memory_space<semaphore_mem>>) src(%arg12 : memref<80x128xf32, #tpu.memory_space<vmem>>) dst(%dma_wait3A_578 : memref<80x128xf32, #tpu.memory_space<hbm>>)
        tpu.yield
      }) : () -> ()
      %scan3A_566 = arith.constant 0 : i32
      scf.yield %scan3A_566 : i32
    }
    %scan3A_558 = arith.constant 8 : i32
    return
  }
}

module attributes {stable_mosaic.version = 14 : i64} {
  func.func @tc_gcn_pre(%arg0: i32, %arg1: memref<2000x2xf32, #tpu.memory_space<vmem>>, %arg2: memref<2000x128xf32, #tpu.memory_space<vmem>>, %arg3: memref<128x128xf32, #tpu.memory_space<vmem>>, %arg4: memref<2000x1xf32, #tpu.memory_space<vmem>>, %arg5: memref<2000x128xf32, #tpu.memory_space<vmem>>) attributes {dimension_semantics = [#tpu.dimension_semantics<arbitrary>], iteration_bounds = array<i64: 5>, scalar_prefetch = 0 : i64, scratch_operands = 0 : i64, tpu.core_type = #tpu.core_type<tc>, window_params = [{transform_indices = @transform_0, window_bounds = array<i64: 2000, 2>}, {transform_indices = @transform_1, window_bounds = array<i64: 2000, 128>}, {pipeline_mode = #tpu.pipeline_mode<synchronous>, transform_indices = @transform_2, window_bounds = array<i64: 128, 128>}, {transform_indices = @transform_3, window_bounds = array<i64: 2000, 1>}, {transform_indices = @transform_4, window_bounds = array<i64: 2000, 128>}]} {
    %get3A = arith.constant 0 : index
    %get3A_0 = arith.constant 0 : index
    %get3A_1 = vector.load %arg1[%get3A, %get3A_0] : memref<2000x2xf32, #tpu.memory_space<vmem>>, vector<2000x2xf32>
    %slice3A = vector.extract_strided_slice %get3A_1 {offsets = [0, 0], sizes = [2000, 1], strides = [1, 1]} : vector<2000x2xf32> to vector<2000x1xf32>
    %slice3A_2 = vector.extract_strided_slice %get3A_1 {offsets = [0, 1], sizes = [2000, 1], strides = [1, 1]} : vector<2000x2xf32> to vector<2000x1xf32>
    %add3A = arith.addf %slice3A, %slice3A_2 : vector<2000x1xf32>
    %add3A_3 = arith.constant 1.000000e+00 : f32
    %add3A_4 = vector.broadcast %add3A_3 : f32 to vector<2000x1xf32>
    %add3A_5 = arith.addf %add3A, %add3A_4 : vector<2000x1xf32>
    %rsqrt3A = math.rsqrt %add3A_5 : vector<2000x1xf32>
    %swap3A = arith.constant 0 : index
    %swap3A_6 = arith.constant 0 : index
    %swap3A_7 = vector.load %arg4[%swap3A, %swap3A_6] : memref<2000x1xf32, #tpu.memory_space<vmem>>, vector<2000x1xf32>
    tpu.vector_store %arg4[%swap3A, %swap3A_6], %rsqrt3A {strides = array<i32>} : memref<2000x1xf32, #tpu.memory_space<vmem>>, vector<2000x1xf32>,
    %get3A_8 = arith.constant 0 : index
    %get3A_9 = arith.constant 0 : index
    %get3A_10 = vector.load %arg2[%get3A_8, %get3A_9] : memref<2000x128xf32, #tpu.memory_space<vmem>>, vector<2000x128xf32>
    %get3A_11 = arith.constant 0 : index
    %get3A_12 = arith.constant 0 : index
    %get3A_13 = vector.load %arg3[%get3A_11, %get3A_12] : memref<128x128xf32, #tpu.memory_space<vmem>>, vector<128x128xf32>
    %dot_general3A = arith.constant dense<0.000000e+00> : vector<2000x128xf32>
    %dot_general3A_14 = tpu.matmul %get3A_10, %get3A_13, %dot_general3A {dimension_numbers = #tpu.dot_dimension_numbers<[1], [0], [0], [1], [0, 0, 1, 1], [], []>, transpose_lhs_hint = false} : vector<2000x128xf32>, vector<128x128xf32>, vector<2000x128xf32> -> vector<2000x128xf32>
    %mul3A = vector.broadcast %rsqrt3A : vector<2000x1xf32> to vector<2000x128xf32>
    %mul3A_15 = arith.mulf %dot_general3A_14, %mul3A : vector<2000x128xf32>
    %swap3A_16 = arith.constant 0 : index
    %swap3A_17 = arith.constant 0 : index
    %swap3A_18 = vector.load %arg5[%swap3A_16, %swap3A_17] : memref<2000x128xf32, #tpu.memory_space<vmem>>, vector<2000x128xf32>
    tpu.vector_store %arg5[%swap3A_16, %swap3A_17], %mul3A_15 {strides = array<i32>} : memref<2000x128xf32, #tpu.memory_space<vmem>>, vector<2000x128xf32>,
    return
  }
  func.func @transform_0(%arg0: i32) -> (i32, i32) {
    %c0_i32 = arith.constant 0 : i32
    %c0_i32_0 = arith.constant 0 : i32
    return %arg0, %c0_i32 : i32, i32
  }
  func.func @transform_1(%arg0: i32) -> (i32, i32) {
    %c0_i32 = arith.constant 0 : i32
    %c0_i32_0 = arith.constant 0 : i32
    return %arg0, %c0_i32 : i32, i32
  }
  func.func @transform_2(%arg0: i32) -> (i32, i32) {
    %c0_i32 = arith.constant 0 : i32
    %c0_i32_0 = arith.constant 0 : i32
    %c0_i32_1 = arith.constant 0 : i32
    return %c0_i32, %c0_i32_0 : i32, i32
  }
  func.func @transform_3(%arg0: i32) -> (i32, i32) {
    %c0_i32 = arith.constant 0 : i32
    %c0_i32_0 = arith.constant 0 : i32
    return %arg0, %c0_i32 : i32, i32
  }
  func.func @transform_4(%arg0: i32) -> (i32, i32) {
    %c0_i32 = arith.constant 0 : i32
    %c0_i32_0 = arith.constant 0 : i32
    return %arg0, %c0_i32 : i32, i32
  }
}

module attributes {stable_mosaic.version = 14 : i64} {
  func.func @tc_gcn_mid(%arg0: i32, %arg1: memref<2x2000x128xf32, #tpu.memory_space<vmem>>, %arg2: memref<2000x128xf32, #tpu.memory_space<vmem>>, %arg3: memref<2000x1xf32, #tpu.memory_space<vmem>>, %arg4: memref<128x128xf32, #tpu.memory_space<vmem>>, %arg5: memref<1x128xf32, #tpu.memory_space<vmem>>, %arg6: memref<2000x128xf32, #tpu.memory_space<vmem>>) attributes {dimension_semantics = [#tpu.dimension_semantics<arbitrary>], iteration_bounds = array<i64: 5>, scalar_prefetch = 0 : i64, scratch_operands = 0 : i64, tpu.core_type = #tpu.core_type<tc>, window_params = [{transform_indices = @transform_0, window_bounds = array<i64: 2, 2000, 128>}, {transform_indices = @transform_1, window_bounds = array<i64: 2000, 128>}, {transform_indices = @transform_2, window_bounds = array<i64: 2000, 1>}, {pipeline_mode = #tpu.pipeline_mode<synchronous>, transform_indices = @transform_3, window_bounds = array<i64: 128, 128>}, {pipeline_mode = #tpu.pipeline_mode<synchronous>, transform_indices = @transform_4, window_bounds = array<i64: 1, 128>}, {transform_indices = @transform_5, window_bounds = array<i64: 2000, 128>}]} {
    %get3A = arith.constant 0 : index
    %get3A_0 = arith.constant 0 : index
    %get3A_1 = vector.load %arg3[%get3A, %get3A_0] : memref<2000x1xf32, #tpu.memory_space<vmem>>, vector<2000x1xf32>
    %get3A_2 = arith.constant 0 : index
    %get3A_3 = arith.constant 0 : index
    %get3A_4 = arith.constant 0 : index
    %get3A_5 = vector.load %arg1[%get3A_2, %get3A_3, %get3A_4] : memref<2x2000x128xf32, #tpu.memory_space<vmem>>, vector<1x2000x128xf32>
    %get3A_6 = vector.shape_cast %get3A_5 : vector<1x2000x128xf32> to vector<2000x128xf32>
    %get3A_7 = arith.constant 1 : index
    %get3A_8 = arith.constant 0 : index
    %get3A_9 = arith.constant 0 : index
    %get3A_10 = vector.load %arg1[%get3A_7, %get3A_8, %get3A_9] : memref<2x2000x128xf32, #tpu.memory_space<vmem>>, vector<1x2000x128xf32>
    %get3A_11 = vector.shape_cast %get3A_10 : vector<1x2000x128xf32> to vector<2000x128xf32>
    %add3A = arith.addf %get3A_6, %get3A_11 : vector<2000x128xf32>
    %get3A_12 = arith.constant 0 : index
    %get3A_13 = arith.constant 0 : index
    %get3A_14 = vector.load %arg2[%get3A_12, %get3A_13] : memref<2000x128xf32, #tpu.memory_space<vmem>>, vector<2000x128xf32>
    %add3A_15 = arith.addf %add3A, %get3A_14 : vector<2000x128xf32>
    %mul3A = vector.broadcast %get3A_1 : vector<2000x1xf32> to vector<2000x128xf32>
    %mul3A_16 = arith.mulf %add3A_15, %mul3A : vector<2000x128xf32>
    %get3A_17 = arith.constant 0 : index
    %get3A_18 = arith.constant 0 : index
    %get3A_19 = vector.load %arg5[%get3A_17, %get3A_18] : memref<1x128xf32, #tpu.memory_space<vmem>>, vector<1x128xf32>
    %add3A_20 = vector.broadcast %get3A_19 : vector<1x128xf32> to vector<2000x128xf32>
    %add3A_21 = arith.addf %mul3A_16, %add3A_20 : vector<2000x128xf32>
    %max3A = arith.constant 0.000000e+00 : f32
    %max3A_22 = vector.broadcast %max3A : f32 to vector<2000x128xf32>
    %max3A_23 = arith.maximumf %add3A_21, %max3A_22 : vector<2000x128xf32>
    %get3A_24 = arith.constant 0 : index
    %get3A_25 = arith.constant 0 : index
    %get3A_26 = vector.load %arg4[%get3A_24, %get3A_25] : memref<128x128xf32, #tpu.memory_space<vmem>>, vector<128x128xf32>
    %dot_general3A = arith.constant dense<0.000000e+00> : vector<2000x128xf32>
    %dot_general3A_27 = tpu.matmul %max3A_23, %get3A_26, %dot_general3A {dimension_numbers = #tpu.dot_dimension_numbers<[1], [0], [0], [1], [0, 0, 1, 1], [], []>, transpose_lhs_hint = false} : vector<2000x128xf32>, vector<128x128xf32>, vector<2000x128xf32> -> vector<2000x128xf32>
    %mul3A_28 = vector.broadcast %get3A_1 : vector<2000x1xf32> to vector<2000x128xf32>
    %mul3A_29 = arith.mulf %dot_general3A_27, %mul3A_28 : vector<2000x128xf32>
    %swap3A = arith.constant 0 : index
    %swap3A_30 = arith.constant 0 : index
    %swap3A_31 = vector.load %arg6[%swap3A, %swap3A_30] : memref<2000x128xf32, #tpu.memory_space<vmem>>, vector<2000x128xf32>
    tpu.vector_store %arg6[%swap3A, %swap3A_30], %mul3A_29 {strides = array<i32>} : memref<2000x128xf32, #tpu.memory_space<vmem>>, vector<2000x128xf32>,
    return
  }
  func.func @transform_0(%arg0: i32) -> (i32, i32, i32) {
    %c0_i32 = arith.constant 0 : i32
    %c0_i32_0 = arith.constant 0 : i32
    %c0_i32_1 = arith.constant 0 : i32
    return %c0_i32, %arg0, %c0_i32_0 : i32, i32, i32
  }
  func.func @transform_1(%arg0: i32) -> (i32, i32) {
    %c0_i32 = arith.constant 0 : i32
    %c0_i32_0 = arith.constant 0 : i32
    return %arg0, %c0_i32 : i32, i32
  }
  func.func @transform_2(%arg0: i32) -> (i32, i32) {
    %c0_i32 = arith.constant 0 : i32
    %c0_i32_0 = arith.constant 0 : i32
    return %arg0, %c0_i32 : i32, i32
  }
  func.func @transform_3(%arg0: i32) -> (i32, i32) {
    %c0_i32 = arith.constant 0 : i32
    %c0_i32_0 = arith.constant 0 : i32
    %c0_i32_1 = arith.constant 0 : i32
    return %c0_i32, %c0_i32_0 : i32, i32
  }
  func.func @transform_4(%arg0: i32) -> (i32, i32) {
    %c0_i32 = arith.constant 0 : i32
    %c0_i32_0 = arith.constant 0 : i32
    %c0_i32_1 = arith.constant 0 : i32
    return %c0_i32, %c0_i32_0 : i32, i32
  }
  func.func @transform_5(%arg0: i32) -> (i32, i32) {
    %c0_i32 = arith.constant 0 : i32
    %c0_i32_0 = arith.constant 0 : i32
    return %arg0, %c0_i32 : i32, i32
  }
}

module attributes {stable_mosaic.version = 14 : i64} {
  func.func @tc_gcn_fin(%arg0: i32, %arg1: memref<2x2000x128xf32, #tpu.memory_space<vmem>>, %arg2: memref<2000x128xf32, #tpu.memory_space<vmem>>, %arg3: memref<2000x1xf32, #tpu.memory_space<vmem>>, %arg4: memref<1x128xf32, #tpu.memory_space<vmem>>, %arg5: memref<2000x128xf32, #tpu.memory_space<vmem>>) attributes {dimension_semantics = [#tpu.dimension_semantics<arbitrary>], iteration_bounds = array<i64: 5>, scalar_prefetch = 0 : i64, scratch_operands = 0 : i64, tpu.core_type = #tpu.core_type<tc>, window_params = [{transform_indices = @transform_0, window_bounds = array<i64: 2, 2000, 128>}, {transform_indices = @transform_1, window_bounds = array<i64: 2000, 128>}, {transform_indices = @transform_2, window_bounds = array<i64: 2000, 1>}, {pipeline_mode = #tpu.pipeline_mode<synchronous>, transform_indices = @transform_3, window_bounds = array<i64: 1, 128>}, {transform_indices = @transform_4, window_bounds = array<i64: 2000, 128>}]} {
    %get3A = arith.constant 0 : index
    %get3A_0 = arith.constant 0 : index
    %get3A_1 = vector.load %arg3[%get3A, %get3A_0] : memref<2000x1xf32, #tpu.memory_space<vmem>>, vector<2000x1xf32>
    %get3A_2 = arith.constant 0 : index
    %get3A_3 = arith.constant 0 : index
    %get3A_4 = arith.constant 0 : index
    %get3A_5 = vector.load %arg1[%get3A_2, %get3A_3, %get3A_4] : memref<2x2000x128xf32, #tpu.memory_space<vmem>>, vector<1x2000x128xf32>
    %get3A_6 = vector.shape_cast %get3A_5 : vector<1x2000x128xf32> to vector<2000x128xf32>
    %get3A_7 = arith.constant 1 : index
    %get3A_8 = arith.constant 0 : index
    %get3A_9 = arith.constant 0 : index
    %get3A_10 = vector.load %arg1[%get3A_7, %get3A_8, %get3A_9] : memref<2x2000x128xf32, #tpu.memory_space<vmem>>, vector<1x2000x128xf32>
    %get3A_11 = vector.shape_cast %get3A_10 : vector<1x2000x128xf32> to vector<2000x128xf32>
    %add3A = arith.addf %get3A_6, %get3A_11 : vector<2000x128xf32>
    %get3A_12 = arith.constant 0 : index
    %get3A_13 = arith.constant 0 : index
    %get3A_14 = vector.load %arg2[%get3A_12, %get3A_13] : memref<2000x128xf32, #tpu.memory_space<vmem>>, vector<2000x128xf32>
    %add3A_15 = arith.addf %add3A, %get3A_14 : vector<2000x128xf32>
    %mul3A = vector.broadcast %get3A_1 : vector<2000x1xf32> to vector<2000x128xf32>
    %mul3A_16 = arith.mulf %add3A_15, %mul3A : vector<2000x128xf32>
    %get3A_17 = arith.constant 0 : index
    %get3A_18 = arith.constant 0 : index
    %get3A_19 = vector.load %arg4[%get3A_17, %get3A_18] : memref<1x128xf32, #tpu.memory_space<vmem>>, vector<1x128xf32>
    %add3A_20 = vector.broadcast %get3A_19 : vector<1x128xf32> to vector<2000x128xf32>
    %add3A_21 = arith.addf %mul3A_16, %add3A_20 : vector<2000x128xf32>
    %swap3A = arith.constant 0 : index
    %swap3A_22 = arith.constant 0 : index
    %swap3A_23 = vector.load %arg5[%swap3A, %swap3A_22] : memref<2000x128xf32, #tpu.memory_space<vmem>>, vector<2000x128xf32>
    tpu.vector_store %arg5[%swap3A, %swap3A_22], %add3A_21 {strides = array<i32>} : memref<2000x128xf32, #tpu.memory_space<vmem>>, vector<2000x128xf32>,
    return
  }
  func.func @transform_0(%arg0: i32) -> (i32, i32, i32) {
    %c0_i32 = arith.constant 0 : i32
    %c0_i32_0 = arith.constant 0 : i32
    %c0_i32_1 = arith.constant 0 : i32
    return %c0_i32, %arg0, %c0_i32_0 : i32, i32, i32
  }
  func.func @transform_1(%arg0: i32) -> (i32, i32) {
    %c0_i32 = arith.constant 0 : i32
    %c0_i32_0 = arith.constant 0 : i32
    return %arg0, %c0_i32 : i32, i32
  }
  func.func @transform_2(%arg0: i32) -> (i32, i32) {
    %c0_i32 = arith.constant 0 : i32
    %c0_i32_0 = arith.constant 0 : i32
    return %arg0, %c0_i32 : i32, i32
  }
  func.func @transform_3(%arg0: i32) -> (i32, i32) {
    %c0_i32 = arith.constant 0 : i32
    %c0_i32_0 = arith.constant 0 : i32
    %c0_i32_1 = arith.constant 0 : i32
    return %c0_i32, %c0_i32_0 : i32, i32
  }
  func.func @transform_4(%arg0: i32) -> (i32, i32) {
    %c0_i32 = arith.constant 0 : i32
    %c0_i32_0 = arith.constant 0 : i32
    return %arg0, %c0_i32 : i32, i32
  }
}

</mosaic_0001>

<sc_bundles>
// kernel: sc_gcn_deg.3.cloned.1.call-start
scs
__scs_entry_jumppad:
0x0: {  	(pc) =	sbr.rel $0x88, $3  }
0x1: {  	(tag) =	ssettag $0x0;
	lr =	simm.s32 $0x1  }
0x2: {  	[smem:$0x3F9B] =	sst lr;
	_ =	strace $0xD0000000  }
0x3: {  	_ = 	snop  }
0x4: {  	_ = 	snop  }
0x5: {  	_ = 	snop  }
0x6: {  	_ = 	snop  }
0x7: {  	_ = 	snop  }
__scs_overlays_trampoline_lowered:
0x8: {  	[smem:$0x3FAA] =	sst s0  }
0x9: {  	[smem:$0x3FAB] =	sst s1  }
0xa: {  	[smem:$0x3FAC] =	sst s2  }
0xb: {  	[smem:$0x3FAD] =	sst s3  }
0xc: {  	[smem:$0x3FAE] =	sst s4  }
0xd: {  	[smem:$0x3FAF] =	sst s5  }
0xe: {  	[smem:$0x3FB0] =	sst s6  }
0xf: {  	[smem:$0x3FB1] =	sst s7  }
0x10: {  	[smem:$0x3FB2] =	sst s8  }
0x11: {  	[smem:$0x3FB3] =	sst s9;
	s0 =	simm.s32 @!p0 $0x0  }
0x12: {  	s1 =	sld [smem:$0x3F99];
	s0 =	simm.s32 @p0 $0x1  }
0x13: {  	[smem:$0x3FB4] =	sst s0;
	s0 =	simm.s32 @!p1 $0x0  }
0x14: {  	s2 =	sld [smem:$0x3F98];
	s0 =	simm.s32 @p1 $0x1  }
0x15: {  	[smem:$0x3FB5] =	sst s0;
	s0 =	simm.s32 @!p2 $0x0  }
0x16: {  	s3 =	sld [smem:$0x3FDB];
	s0 =	simm.s32 @p2 $0x1  }
0x17: {  	s4 =	simm.s32 $0x1BF5;
	[smem:$0x3FB7] =	sst s0  }
0x18: {  	s0 =	sld [smem:$0x3F9A];
	_ =	swait.ge [sflag:s4], $0x0  }
0x19: {  	s7 =	sld [smem:$0x3F9B]  }
0x1a: {  	s8 =	sadd.s32 $0xFFFFE003, lr  }
0x1b: {  	s9 =	sadd.s32 $0xFFFFFEF7, lr;
	s5 =	simm.s32 $0xFFFFFFFF;
	p2 =	slt.u32 s8, $0xFFFFF086  }
0x1c: {  	p1 =	slt.u32 s9, $0xF7A;
	s5 =	simm.s32 @!p2 $0x0  }
0x1d: {  	s5 =	simm.s32 @p1 $0x1;
	p0 =	seq.s32 s7, s2  }
0x1e: {  	s7 =	smul.u32 @!p0 $0xF7A, s2;
	p2 =	seq.s32 @!p0 s5, $0x0  }
0x1f: {  	s9 =	smul.u32 $0xF7A, s1;
	s8 =	simm.s32 @!p0 $0x1BF5;
	p2 =	por !p2, p0  }
0x20: {  	[sflag:s8] =	ssyncset.s32 @!p0 $0xFFFFF086;
	s6 =	sadd.s32 @!p0 s3, s7;
	s7 =	simm.s32 @!p0 $0x108  }
0x21: {  	s3 =	sadd.s32 s3, s9;
	s6 =	sadd.s32 @!p0 $0x88, s6;
	s7 =	simm.s32 @p2 $0x1082  }
0x22: {  	[simem:s7], [sflag:s8] =	dma.local @!p0 [hbm:s6], $0xF7A  }
0x23: {  	s9 =	sor.u32 $0xD0000000, s2;
	s6 =	simm.s32 $0x108;
	_ =	swait.ge @!p0 [sflag:s8], $0x0  }
0x24: {  	s3 =	sadd.s32 $0x88, s3;
	s6 =	simm.s32 @!p1 $0x1082;
	[sflag:s4] =	ssyncset.s32 $0xFFFFF086  }
0x25: {  	[simem:s6], [sflag:s4] =	dma.local [hbm:s3], $0xF7A  }
0x26: {  	[smem:$0x3F9B] =	sst s1;
	(tag) =	ssettag s2;
	_ =	strace s9  }
0x27: {  	s1 =	sld [smem:$0x3FAB]  }
0x28: {  	s2 =	sld [smem:$0x3FAC]  }
0x29: {  	s4 =	sld [smem:$0x3FAE]  }
0x2a: {  	p0 =	seq.s32 s5, $0x0;
	s5 =	sld [smem:$0x3FAF]  }
0x2b: {  	s6 =	sld [smem:$0x3FB0]  }
0x2c: {  	s7 =	sld [smem:$0x3FB1]  }
0x2d: {  	s3 =	simm.s32 $0x108;
	s8 =	sld [smem:$0x3FB2]  }
0x2e: {  	s3 =	simm.s32 @!p0 $0x1082;
	s9 =	sld [smem:$0x3FB3]  }
0x2f: {  	lr =	sadd.s32 s0, s3;
	s0 =	sld [smem:$0x3FAA]  }
0x30: {  	s3 =	sld [smem:$0x3FAD]  }
0x31: {  	[smem:$0x3FB6] =	sst s10  }
0x32: {  	s10 =	sld [smem:$0x3FB4];
	_ =	sdelay $0x3  }
0x33: {  	p0 =	seq.s32 s10, $0x1;
	s10 =	sld [smem:$0x3FB6];
	_ =	sdelay $0x3  }
0x34: {  	[smem:$0x3FB6] =	sst s10  }
0x35: {  	s10 =	sld [smem:$0x3FB5];
	_ =	sdelay $0x3  }
0x36: {  	p1 =	seq.s32 s10, $0x1;
	s10 =	sld [smem:$0x3FB6];
	_ =	sdelay $0x3  }
0x37: {  	[smem:$0x3FB6] =	sst s10  }
0x38: {  	s10 =	sld [smem:$0x3FB7]  }
0x39: {  	_ = 	snop;
	(pc) =	sbr.ind lr, $3  }
0x3a: {  	_ = 	snop  }
0x3b: {  	_ = 	snop  }
0x3c: {  	p2 =	seq.s32 s10, $0x1;
	s10 =	sld [smem:$0x3FB6]  }
0x3d: {  	_ =	shalt  }
0x3e: {  	_ =	shalt  }
0x3f: {  	_ =	shalt  }
0x40: {  	_ =	shalt  }
0x41: {  	_ =	shalt  }
0x42: {  	_ =	shalt  }
0x43: {  	_ =	shalt  }
0x44: {  	_ =	shalt  }
0x45: {  	_ =	shalt  }
0x46: {  	_ =	shalt  }
0x47: {  	_ =	shalt  }
0x48: {  	_ =	shalt  }
0x49: {  	_ =	shalt  }
0x4a: {  	_ =	shalt  }
0x4b: {  	_ =	shalt  }
0x4c: {  	_ =	shalt  }
0x4d: {  	_ =	shalt  }
0x4e: {  	_ =	shalt  }
0x4f: {  	_ =	shalt  }
0x50: {  	_ =	shalt  }
0x51: {  	_ =	shalt  }
0x52: {  	_ =	shalt  }
0x53: {  	_ =	shalt  }
0x54: {  	_ =	shalt  }
0x55: {  	_ =	shalt  }
0x56: {  	_ =	shalt  }
0x57: {  	_ =	shalt  }
0x58: {  	_ =	shalt  }
0x59: {  	_ =	shalt  }
0x5a: {  	_ =	shalt  }
0x5b: {  	_ =	shalt  }
0x5c: {  	_ =	shalt  }
0x5d: {  	_ =	shalt  }
0x5e: {  	_ =	shalt  }
0x5f: {  	_ =	shalt  }
0x60: {  	_ =	shalt  }
0x61: {  	_ =	shalt  }
0x62: {  	_ =	shalt  }
0x63: {  	_ =	shalt  }
0x64: {  	_ =	shalt  }
0x65: {  	_ =	shalt  }
0x66: {  	_ =	shalt  }
0x67: {  	_ =	shalt  }
0x68: {  	_ =	shalt  }
0x69: {  	_ =	shalt  }
0x6a: {  	_ =	shalt  }
0x6b: {  	_ =	shalt  }
0x6c: {  	_ =	shalt  }
0x6d: {  	_ =	shalt  }
0x6e: {  	_ =	shalt  }
0x6f: {  	_ =	shalt  }
0x70: {  	_ =	shalt  }
0x71: {  	_ =	shalt  }
0x72: {  	_ =	shalt  }
0x73: {  	_ =	shalt  }
0x74: {  	_ =	shalt  }
0x75: {  	_ =	shalt  }
0x76: {  	_ =	shalt  }
0x77: {  	_ =	shalt  }
0x78: {  	_ =	shalt  }
0x79: {  	_ =	shalt  }
0x7a: {  	_ =	shalt  }
0x7b: {  	_ =	shalt  }
0x7c: {  	_ =	shalt  }
0x7d: {  	_ =	shalt  }
0x7e: {  	_ =	shalt  }
0x7f: {  	_ =	shalt  }
0x80: {  	_ =	shalt  }
0x81: {  	_ =	shalt  }
0x82: {  	_ =	shalt  }
0x83: {  	_ =	shalt  }
0x84: {  	_ =	shalt  }
0x85: {  	_ =	shalt  }
0x86: {  	_ =	shalt  }
0x87: {  	_ =	shalt  }
.Lfunc_end0:
.L_simem_size_0:
called_computation_lowered:
.L_overlay_start_0:
0x88: {  	s2 =	sld [smem:$0x3FD9]  }
0x89: {  	s3 =	sld [smem:$0x3FFE];
	_ =	sdelay $0x1  }
0x8a: {  	s1 =	srdreg.scid  }
0x8b: {  	s0 =	sand.u32 $0x1, s1  }
0x8c: {  	s17 =	sshll.u32 s0, $0xA;
	s2 =	sadd.s32 s3, s2  }
0x8d: {  	s2 =	sadd.s32 s2, s17  }
0x8e: {  	[smem:$0x3FC2] =	sst s2  }
0x8f: {  	_ = 	snop  }
0x90: {  	s2 =	sld [smem:$0x3FD0];
	(tm) =	ssettm $0x1  }
0x91: {  	s18 =	sld [smem:$0x3FFB];
	_ =	sdelay $0x3  }
0x92: {  	_ =	strace s18  }
0x93: {  	s3 =	sld [smem:$0x3FFC];
	_ =	sdelay $0x3  }
0x94: {  	_ =	strace s3  }
0x95: {  	s3 =	sld [smem:$0x3FFD];
	_ =	sdelay $0x3  }
0x96: {  	_ =	strace s3  }
0x97: {  	_ =	strace $0x8FFFFFFF  }
0x98: {  	s19 =	sld [smem:$0x3FDB];
	_ =	sdelay $0x1  }
0x99: {  	s4 =	simm.s32 $_scs_section_size  }
0x9a: {  	s5 =	simm.s32 $_size__tile_overlayer_lowered;
	s6 =	simm.s32 $_tile_overlayer_lowered  }
0x9b: {  	s22 =	simm.s32 $0x1BFF;
	s21 =	sshll.u32 s6, $0x1;
	s3 =	sadd.s32 s4, s19  }
0x9c: {  	s7 =	simm.s32 $0x0;
	s20 =	sshll.u32 s5, $0x1;
	s5 =	sadd.s32 s21, s3  }
0x9d: {  	[timem:s7], [sflag:s22] =	dma.local [hbm:s5], s20  }
0x9e: {  	_ =	swait.ge [sflag:s22], s20  }
0x9f: {  	s4 =	ssub.s32 $0x0, s20;
	[sflag:s22] =	ssyncset.done $0x0  }
0xa0: {  	[sflag:s22] =	ssyncadd.s32 s4;
	_ =	sdelay $0x1  }
0xa1: {  	s23 =	simm.s32 $0x1B8B  }
0xa2: {  	_ =	swait.ge [sflag:s23], $0x1  }
0xa3: {  	[sflag:s23] =	ssyncset.done $0x0  }
0xa4: {  	s25 =	simm.s32 $0x1B8E;
	s24 =	sld [smem:$0x3FFE];
	[sflag:s23] =	ssyncadd.s32 $0xFFFFFFFF  }
0xa5: {  	s26 =	simm.s32 $execute0_lowered;
	[smem:$0x3FD2] =	sst s25  }
0xa6: {  	s5 =	sshll.u32 s26, $0x1;
	_ =	strace $0x80000046;
	[dreg:$0x1] =	wrdreg $0xFFFFFFFF  }
0xa7: {  	s28 =	simm.s32 $_size_execute0_lowered;
	s3 =	sadd.s32 s3, s5;
	[dreg:$0x0] =	wrdreg $0x0  }
0xa8: {  	s5 =	sshll.u32 s28, $0x1;
	[dreg:$0x2] =	wrdreg s3  }
0xa9: {  	[dreg:$0x3] =	wrdreg s5  }
0xaa: {  	[dreg:$0x4] =	wrdreg $0xC0  }
0xab: {  	_ =	task [dreg:s7], $0x5FFFF  }
0xac: {  	[dreg:$0x1] =	wrdreg $0xFFFFFFFF  }
0xad: {  	[dreg:$0x0] =	wrdreg $0x60  }
0xae: {  	[dreg:$0x2] =	wrdreg s2  }
0xaf: {  	[dreg:$0x3] =	wrdreg s24  }
0xb0: {  	[dreg:$0x4] =	wrdreg $0x45800  }
0xb1: {  	[dreg:$0x5] =	wrdreg $0x9  }
0xb2: {  	_ =	task.clear_ibuf [dreg:s7], $0x6FFFF;
	_ =	strace $0x90000046  }
0xb3: {  	s29 =	simm.s32 $0x9;
	_ =	strace $0x80000048  }
0xb4: {  	_ =	swait.ge [sflag:s29], $0x1  }
0xb5: {  	[sflag:s29] =	ssyncadd.s32 $0xFFFFFFFF  }
0xb6: {  	_ =	strace $0x90000048  }
0xb7: {  	_ =	sfence  }
0xb8: {  	s30 =	sld [smem:$0x0];
	_ =	sdelay $0x2  }
0xb9: {  	s31 =	sshll.u32 s1, $0xD;
	s1 =	sshrl.u32 s1, $0x2  }
0xba: {  	s3 =	sand.u32 $0x4000, s31;
	s1 =	sadd.s32 s1, s30  }
0xbb: {  	s0 =	sor.u32 s3, s0;
	s1 =	sshll.u32 s1, $0x11  }
0xbc: {  	s0 =	sor.u32 s1, s0  }
0xbd: {  	s0 =	sadd.s32 $0x8F2B, s0  }
0xbe: {  	[sflag:s0] =	ssyncadd.remote.s32 $0x1  }
0xbf: {  	_ =	sfence.sel $0xFFFF  }
0xc0: {  	[dreg:$0x0] =	wrdreg $0xFFFFFFFF;
	(pc) =	sbr.abs _section_cstart, $3  }
0xc1: {  	[dreg:$0x1] =	wrdreg $0xFFFFFFFF  }
0xc2: {  	_ =	task.clear_ibuf [dreg:s7], $0x2FFFF;
	_ =	strace $0x9FFFFFFF  }
0xc3: {  	(tm) =	ssettm $0x7FFFFFFF  }
tec
execute0_lowered:
.L_overlay_start_1:
0x0: {  	(tag) =	ssettag $0x1  }
0x1: {  	s4 =	rddreg [dreg:$0x0]  }
0x2: {  	s5 =	rddreg [dreg:$0x1]  }
0x3: {  	s2 =	rddreg [dreg:$0x2]  }
0x4: {  	s0 =	rddreg [dreg:$0x3]  }
0x5: {  	s6 =	srdreg.scid;
	s1 =	stileid.u32;
	s3 =	simm.s32 $0x0  }
0x6: {  	s10 =	simm.s32 $0x50;
	s11 =	simm.s32 $0x4000;
	s12 =	simm.s32 $0x1  }
0x7: {  	s13 =	simm.s32 $0x4300;
	s14 =	simm.s32 $0x80;
	s15 =	simm.s32 $0x100  }
0x8: {  	s16 =	simm.s32 $0x0;
	s6 =	sand.u32 $0x1, s6;
	s7 =	smul.u32 $0x500, s1  }
0x9: {  	[smem:$0x7FF] =	sst s3;
	s9 =	sshll.u32 s1, $0xB;
	s29 =	smul.u32 $0xA00, s1  }
0xa: {  	s8 =	sshll.u32 s6, $0x7;
	_ =	strace $0x80000047;
	s28 =	ssub.s32 $0x2, s6  }
0xb: {  	s6 =	sshll.u32 s6, $0xF;
	s4 =	sadd.s32 s9, s4;
	s9 =	simm.s32 $0x4080  }
0xc: {  	s7 =	sor.u32 s8, s7;
	s30 =	sshrl.u32 s28, $0x1;
	s4 =	sadd.s32 s6, s4  }
0xd: {  	s31 =	sshrl.u32 s29, $0x2;
	s7 =	sshrl.u32 s7, $0x3;
	s8 =	ssub.s32 s28, s30  }
0xe: {  	s4 =	sadd.s32 $0x10000, s4;
	s7 =	sadd.s32 s7, s5;
	s5 =	sadd.s32 s31, s2  }
0xf: {  	v0 =	vimm.f32 $0.0e+00;
	v1 =	vimm.f32 $1.000000000e+00;
	s6 =	sadd.s32 $0x2C00, s7;
	s7 =	smax.u32 s8, $0x1;
	s8 =	simm.s32 $0x2  }
.LBB2_1:
0x10: {  	[tilespmem:$0x4080] =	vst v0  }
0x11: {  	[tilespmem:$0x4090] =	vst v0  }
0x12: {  	[tilespmem:$0x40A0] =	vst v0  }
0x13: {  	[tilespmem:$0x40B0] =	vst v0  }
0x14: {  	[tilespmem:$0x40C0] =	vst v0  }
0x15: {  	[tilespmem:$0x40D0] =	vst v0  }
0x16: {  	[tilespmem:$0x40E0] =	vst v0  }
0x17: {  	[tilespmem:$0x40F0] =	vst v0  }
0x18: {  	[tilespmem:$0x4100] =	vst v0  }
0x19: {  	[tilespmem:$0x4110] =	vst v0  }
0x1a: {  	[tilespmem:$0x4120] =	vst v0  }
0x1b: {  	[tilespmem:$0x4130] =	vst v0  }
0x1c: {  	[tilespmem:$0x4140] =	vst v0  }
0x1d: {  	[tilespmem:$0x4150] =	vst v0  }
0x1e: {  	[tilespmem:$0x4160] =	vst v0  }
0x1f: {  	[tilespmem:$0x4170] =	vst v0  }
0x20: {  	[tilespmem:$0x4180] =	vst v0  }
0x21: {  	[tilespmem:$0x4190] =	vst v0  }
0x22: {  	[tilespmem:$0x41A0] =	vst v0  }
0x23: {  	[tilespmem:$0x41B0] =	vst v0  }
0x24: {  	[tilespmem:$0x41C0] =	vst v0  }
0x25: {  	[tilespmem:$0x41D0] =	vst v0  }
0x26: {  	[tilespmem:$0x41E0] =	vst v0  }
0x27: {  	[tilespmem:$0x41F0] =	vst v0  }
0x28: {  	[tilespmem:$0x4200] =	vst v0  }
0x29: {  	[tilespmem:$0x4210] =	vst v0  }
0x2a: {  	[tilespmem:$0x4220] =	vst v0  }
0x2b: {  	[tilespmem:$0x4230] =	vst v0  }
0x2c: {  	[tilespmem:$0x4240] =	vst v0  }
0x2d: {  	[tilespmem:$0x4250] =	vst v0  }
0x2e: {  	[tilespmem:$0x4260] =	vst v0  }
0x2f: {  	[tilespmem:$0x4270] =	vst v0  }
0x30: {  	[tilespmem:$0x4280] =	vst v0  }
0x31: {  	[tilespmem:$0x4290] =	vst v0  }
0x32: {  	[tilespmem:$0x42A0] =	vst v0  }
0x33: {  	[tilespmem:$0x42B0] =	vst v0  }
0x34: {  	[tilespmem:$0x42C0] =	vst v0  }
0x35: {  	[tilespmem:$0x42D0] =	vst v0  }
0x36: {  	[tilespmem:$0x42E0] =	vst v0  }
0x37: {  	[tilespmem:$0x42F0] =	vst v0  }
0x38: {  	[tilespmem:$0x4000] =	vst v1  }
0x39: {  	[tilespmem:$0x4010] =	vst v1  }
0x3a: {  	[tilespmem:$0x4020] =	vst v1  }
0x3b: {  	[tilespmem:$0x4030] =	vst v1  }
0x3c: {  	[tilespmem:$0x4040] =	vst v1  }
0x3d: {  	[tilespmem:s3], [sflag:$0x2] =	stream.linear.gather [hbm4b:s4+s3], $0x3E80, $0x38;
	[tilespmem:$0x4800] =	vst v63  }
0x3e: {  	_ =	swait.ge [sflag:s8], $0x3E80  }
0x3f: {  	[sflag:s8] =	ssyncset.done $0x0  }
0x40: {  	[sflag:s8] =	ssyncadd.s32 $0xFFFFC180  }
0x41: {  	[spmem:s5] =	stream.linear.scatter [tilespmem:s9], [sflag:$0x2], $0x280, $0x38;
	[tilespmem:$0x4800] =	vst v63  }
0x42: {  	_ =	swait.ge [sflag:s8], $0x280  }
0x43: {  	[sflag:s8] =	ssyncset.done $0x0  }
0x44: {  	[sflag:s8] =	ssyncadd.s32 $0xFFFFFD80  }
0x45: {  	s17 =	simm.s32 $0x0;
	[bflag:$0x0] =	sbarrier.arrive $0xFFFF  }
.LBB2_2:
0x46: {  	p0 =	sne.s32 s17, $0xF800  }
.Ltmp0:
0x47: {  	_ = 	snop;
	(pc) =	sbr.rel @p0 .LBB2_2-.Ltmp0, $3  }
0x48: {  	_ =	sdelay $0x1  }
0x49: {  	s18 =	sshra.s32 s17, $0x2;
	s17 =	sadd.s32 $0x200, s17  }
0x4a: {  	[spmem:s2] =	stream.indirect.scatter.add.f32 [tilespmem:s11], [sflag:$0x1], $0x1, s18, s10, $0xb8;
	[tilespmem:$0x4800] =	vst v63  }
0x4b: {  	_ =	swait.ge [sflag:s12], $0x50  }
0x4c: {  	s17 =	simm.s32 $0x7C;
	[sflag:s12] =	ssyncset.done $0x0  }
.LBB2_4:
0x4d: {  	p0 =	sne.s32 s17, $0x1;
	s17 =	sadd.s32 $0xFFFFFFFF, s17;
	[sflag:s12] =	ssyncadd.s32 $0xFFFFFFB0  }
.Ltmp1:
0x4e: {  	(pc) =	sbr.rel @p0 .LBB2_4-.Ltmp1, $3  }
0x4f: {  	_ =	sdelay $0x1  }
0x50: {  	_ =	swait.ge [sflag:s12], $0x50  }
0x51: {  	[sflag:s12] =	ssyncset.done $0x0  }
0x52: {  	[sflag:s12] =	ssyncadd.s32 $0xFFFFFFB0  }
0x53: {  	[bflag:$0x0] =	sbarrier.arrive $0xFFFF  }
0x54: {  	[tilespmem:s13], [sflag:$0x2] =	stream.linear.gather [spmem:s5], $0x280, $0x38;
	[tilespmem:$0x4800] =	vst v63  }
0x55: {  	s16 =	sadd.s32 $0x1, s16;
	_ =	swait.ge [sflag:s8], $0x280  }
0x56: {  	p0 =	sne.s32 s16, s7;
	[sflag:s8] =	ssyncset.done $0x0  }
.Ltmp2:
0x57: {  	[sflag:s8] =	ssyncadd.s32 $0xFFFFFD80;
	(pc) =	sbr.rel @p0 .LBB2_1-.Ltmp2, $4  }
0x58: {  	[hbm4b:s6+s14] =	stream.strided.scatter [tilespmem:s13], [sflag:$0x2], $0x280, s15, s14, $0x38;
	[tilespmem:$0x4800] =	vst v63  }
0x59: {  	_ =	swait.ge [sflag:s8], $0x280  }
0x5a: {  	[sflag:s8] =	ssyncset.done $0x0  }
0x5b: {  	[sflag:s8] =	ssyncadd.s32 $0xFFFFFD80  }
0x5c: {  	_ =	sfence.sel $0x180000  }
0x5d: {  	[bflag:$0x0] =	sbarrier.arrive $0xFFFF  }
0x5e: {  	p0 =	sne.s32 s1, $0x0;
	_ =	strace $0x90000047  }
0x5f: {  	s0 =	sadd.s32 @!p0 $0x100000, s0;
	[bflag:$0x2] =	sbarrier.arrive $0xFFFF  }
0x60: {  	[sflag:s0] =	ssyncadd.tile.s32 @!p0 $0x1;
	_ =	shalt  }
.Lfunc_end2:
_tile_overlayer_lowered:
.L_overlay_start_2:
0x61: {  	(tag) =	ssettag $0x2  }
0x62: {  	s0 =	rddreg [dreg:$0x0];
	s2 =	stileid.u32  }
0x63: {  	s1 =	rddreg [dreg:$0x1];
	p0 =	sne.s32 s2, $0x0  }
0x64: {  	s3 =	rddreg [dreg:$0x2];
	[bflag:$0x3] =	sbarrier.arrive $0xFFFF;
	s2 =	simm.s32 @!p0 $0x1C02  }
0x65: {  	[timem:s3], [sflag:s2] =	dma.local @!p0 [hbm:s0], s1  }
0x66: {  	s0 =	simm.s32 @!p0 $0x2  }
0x67: {  	_ =	swait.ge @!p0 [sflag:s0], s1  }
0x68: {  	s1 =	ssub.s32 @!p0 $0x0, s1;
	[sflag:s0] =	ssyncset.done @!p0 $0x0  }
0x69: {  	[sflag:s0] =	ssyncadd.s32 @!p0 s1  }
0x6a: {  	[bflag:$0x3] =	sbarrier.arrive $0xFFFF  }
0x6b: {  	_ =	shalt  }

// kernel: sc_gcn_prop.4.cloned.1.call-start
scs
__scs_entry_jumppad:
0x0: {  	(pc) =	sbr.rel $0x88, $3  }
0x1: {  	(tag) =	ssettag $0x0;
	lr =	simm.s32 $0x1  }
0x2: {  	[smem:$0x3F9B] =	sst lr;
	_ =	strace $0xD0000000  }
0x3: {  	_ = 	snop  }
0x4: {  	_ = 	snop  }
0x5: {  	_ = 	snop  }
0x6: {  	_ = 	snop  }
0x7: {  	_ = 	snop  }
__scs_overlays_trampoline_lowered:
0x8: {  	[smem:$0x3FAA] =	sst s0  }
0x9: {  	[smem:$0x3FAB] =	sst s1  }
0xa: {  	[smem:$0x3FAC] =	sst s2  }
0xb: {  	[smem:$0x3FAD] =	sst s3  }
0xc: {  	[smem:$0x3FAE] =	sst s4  }
0xd: {  	[smem:$0x3FAF] =	sst s5  }
0xe: {  	[smem:$0x3FB0] =	sst s6  }
0xf: {  	[smem:$0x3FB1] =	sst s7  }
0x10: {  	[smem:$0x3FB2] =	sst s8  }
0x11: {  	[smem:$0x3FB3] =	sst s9;
	s0 =	simm.s32 @!p0 $0x0  }
0x12: {  	s1 =	sld [smem:$0x3F99];
	s0 =	simm.s32 @p0 $0x1  }
0x13: {  	[smem:$0x3FB4] =	sst s0;
	s0 =	simm.s32 @!p1 $0x0  }
0x14: {  	s2 =	sld [smem:$0x3F98];
	s0 =	simm.s32 @p1 $0x1  }
0x15: {  	[smem:$0x3FB5] =	sst s0;
	s0 =	simm.s32 @!p2 $0x0  }
0x16: {  	s3 =	sld [smem:$0x3FDB];
	s0 =	simm.s32 @p2 $0x1  }
0x17: {  	s4 =	simm.s32 $0x1BF5;
	[smem:$0x3FB7] =	sst s0  }
0x18: {  	s0 =	sld [smem:$0x3F9A];
	_ =	swait.ge [sflag:s4], $0x0  }
0x19: {  	s7 =	sld [smem:$0x3F9B]  }
0x1a: {  	s8 =	sadd.s32 $0xFFFFE003, lr  }
0x1b: {  	s9 =	sadd.s32 $0xFFFFFEF7, lr;
	s5 =	simm.s32 $0xFFFFFFFF;
	p2 =	slt.u32 s8, $0xFFFFF086  }
0x1c: {  	p1 =	slt.u32 s9, $0xF7A;
	s5 =	simm.s32 @!p2 $0x0  }
0x1d: {  	s5 =	simm.s32 @p1 $0x1;
	p0 =	seq.s32 s7, s2  }
0x1e: {  	s7 =	smul.u32 @!p0 $0xF7A, s2;
	p2 =	seq.s32 @!p0 s5, $0x0  }
0x1f: {  	s9 =	smul.u32 $0xF7A, s1;
	s8 =	simm.s32 @!p0 $0x1BF5;
	p2 =	por !p2, p0  }
0x20: {  	[sflag:s8] =	ssyncset.s32 @!p0 $0xFFFFF086;
	s6 =	sadd.s32 @!p0 s3, s7;
	s7 =	simm.s32 @!p0 $0x108  }
0x21: {  	s3 =	sadd.s32 s3, s9;
	s6 =	sadd.s32 @!p0 $0x88, s6;
	s7 =	simm.s32 @p2 $0x1082  }
0x22: {  	[simem:s7], [sflag:s8] =	dma.local @!p0 [hbm:s6], $0xF7A  }
0x23: {  	s9 =	sor.u32 $0xD0000000, s2;
	s6 =	simm.s32 $0x108;
	_ =	swait.ge @!p0 [sflag:s8], $0x0  }
0x24: {  	s3 =	sadd.s32 $0x88, s3;
	s6 =	simm.s32 @!p1 $0x1082;
	[sflag:s4] =	ssyncset.s32 $0xFFFFF086  }
0x25: {  	[simem:s6], [sflag:s4] =	dma.local [hbm:s3], $0xF7A  }
0x26: {  	[smem:$0x3F9B] =	sst s1;
	(tag) =	ssettag s2;
	_ =	strace s9  }
0x27: {  	s1 =	sld [smem:$0x3FAB]  }
0x28: {  	s2 =	sld [smem:$0x3FAC]  }
0x29: {  	s4 =	sld [smem:$0x3FAE]  }
0x2a: {  	p0 =	seq.s32 s5, $0x0;
	s5 =	sld [smem:$0x3FAF]  }
0x2b: {  	s6 =	sld [smem:$0x3FB0]  }
0x2c: {  	s7 =	sld [smem:$0x3FB1]  }
0x2d: {  	s3 =	simm.s32 $0x108;
	s8 =	sld [smem:$0x3FB2]  }
0x2e: {  	s3 =	simm.s32 @!p0 $0x1082;
	s9 =	sld [smem:$0x3FB3]  }
0x2f: {  	lr =	sadd.s32 s0, s3;
	s0 =	sld [smem:$0x3FAA]  }
0x30: {  	s3 =	sld [smem:$0x3FAD]  }
0x31: {  	[smem:$0x3FB6] =	sst s10  }
0x32: {  	s10 =	sld [smem:$0x3FB4];
	_ =	sdelay $0x3  }
0x33: {  	p0 =	seq.s32 s10, $0x1;
	s10 =	sld [smem:$0x3FB6];
	_ =	sdelay $0x3  }
0x34: {  	[smem:$0x3FB6] =	sst s10  }
0x35: {  	s10 =	sld [smem:$0x3FB5];
	_ =	sdelay $0x3  }
0x36: {  	p1 =	seq.s32 s10, $0x1;
	s10 =	sld [smem:$0x3FB6];
	_ =	sdelay $0x3  }
0x37: {  	[smem:$0x3FB6] =	sst s10  }
0x38: {  	s10 =	sld [smem:$0x3FB7]  }
0x39: {  	_ = 	snop;
	(pc) =	sbr.ind lr, $3  }
0x3a: {  	_ = 	snop  }
0x3b: {  	_ = 	snop  }
0x3c: {  	p2 =	seq.s32 s10, $0x1;
	s10 =	sld [smem:$0x3FB6]  }
0x3d: {  	_ =	shalt  }
0x3e: {  	_ =	shalt  }
0x3f: {  	_ =	shalt  }
0x40: {  	_ =	shalt  }
0x41: {  	_ =	shalt  }
0x42: {  	_ =	shalt  }
0x43: {  	_ =	shalt  }
0x44: {  	_ =	shalt  }
0x45: {  	_ =	shalt  }
0x46: {  	_ =	shalt  }
0x47: {  	_ =	shalt  }
0x48: {  	_ =	shalt  }
0x49: {  	_ =	shalt  }
0x4a: {  	_ =	shalt  }
0x4b: {  	_ =	shalt  }
0x4c: {  	_ =	shalt  }
0x4d: {  	_ =	shalt  }
0x4e: {  	_ =	shalt  }
0x4f: {  	_ =	shalt  }
0x50: {  	_ =	shalt  }
0x51: {  	_ =	shalt  }
0x52: {  	_ =	shalt  }
0x53: {  	_ =	shalt  }
0x54: {  	_ =	shalt  }
0x55: {  	_ =	shalt  }
0x56: {  	_ =	shalt  }
0x57: {  	_ =	shalt  }
0x58: {  	_ =	shalt  }
0x59: {  	_ =	shalt  }
0x5a: {  	_ =	shalt  }
0x5b: {  	_ =	shalt  }
0x5c: {  	_ =	shalt  }
0x5d: {  	_ =	shalt  }
0x5e: {  	_ =	shalt  }
0x5f: {  	_ =	shalt  }
0x60: {  	_ =	shalt  }
0x61: {  	_ =	shalt  }
0x62: {  	_ =	shalt  }
0x63: {  	_ =	shalt  }
0x64: {  	_ =	shalt  }
0x65: {  	_ =	shalt  }
0x66: {  	_ =	shalt  }
0x67: {  	_ =	shalt  }
0x68: {  	_ =	shalt  }
0x69: {  	_ =	shalt  }
0x6a: {  	_ =	shalt  }
0x6b: {  	_ =	shalt  }
0x6c: {  	_ =	shalt  }
0x6d: {  	_ =	shalt  }
0x6e: {  	_ =	shalt  }
0x6f: {  	_ =	shalt  }
0x70: {  	_ =	shalt  }
0x71: {  	_ =	shalt  }
0x72: {  	_ =	shalt  }
0x73: {  	_ =	shalt  }
0x74: {  	_ =	shalt  }
0x75: {  	_ =	shalt  }
0x76: {  	_ =	shalt  }
0x77: {  	_ =	shalt  }
0x78: {  	_ =	shalt  }
0x79: {  	_ =	shalt  }
0x7a: {  	_ =	shalt  }
0x7b: {  	_ =	shalt  }
0x7c: {  	_ =	shalt  }
0x7d: {  	_ =	shalt  }
0x7e: {  	_ =	shalt  }
0x7f: {  	_ =	shalt  }
0x80: {  	_ =	shalt  }
0x81: {  	_ =	shalt  }
0x82: {  	_ =	shalt  }
0x83: {  	_ =	shalt  }
0x84: {  	_ =	shalt  }
0x85: {  	_ =	shalt  }
0x86: {  	_ =	shalt  }
0x87: {  	_ =	shalt  }
.Lfunc_end0:
.L_simem_size_0:
called_computation.1_lowered:
.L_overlay_start_0:
0x88: {  	s2 =	sld [smem:$0x3FD9]  }
0x89: {  	s3 =	sld [smem:$0x3FFE];
	_ =	sdelay $0x1  }
0x8a: {  	s1 =	srdreg.scid  }
0x8b: {  	s0 =	sand.u32 $0x1, s1  }
0x8c: {  	s17 =	sshll.u32 s0, $0xA;
	s2 =	sadd.s32 s3, s2  }
0x8d: {  	s2 =	sadd.s32 s2, s17  }
0x8e: {  	[smem:$0x3FC2] =	sst s2  }
0x8f: {  	_ = 	snop  }
0x90: {  	s2 =	sld [smem:$0x3FD0];
	(tm) =	ssettm $0x1  }
0x91: {  	s18 =	sld [smem:$0x3FFB];
	_ =	sdelay $0x3  }
0x92: {  	_ =	strace s18  }
0x93: {  	s3 =	sld [smem:$0x3FFC];
	_ =	sdelay $0x3  }
0x94: {  	_ =	strace s3  }
0x95: {  	s3 =	sld [smem:$0x3FFD];
	_ =	sdelay $0x3  }
0x96: {  	_ =	strace s3  }
0x97: {  	_ =	strace $0x8FFFFFFF  }
0x98: {  	s19 =	sld [smem:$0x3FDB];
	_ =	sdelay $0x1  }
0x99: {  	s4 =	simm.s32 $_scs_section_size  }
0x9a: {  	s5 =	simm.s32 $_size__tile_overlayer_lowered;
	s6 =	simm.s32 $_tile_overlayer_lowered  }
0x9b: {  	s22 =	simm.s32 $0x1BFF;
	s21 =	sshll.u32 s6, $0x1;
	s3 =	sadd.s32 s4, s19  }
0x9c: {  	s7 =	simm.s32 $0x0;
	s20 =	sshll.u32 s5, $0x1;
	s5 =	sadd.s32 s21, s3  }
0x9d: {  	[timem:s7], [sflag:s22] =	dma.local [hbm:s5], s20  }
0x9e: {  	_ =	swait.ge [sflag:s22], s20  }
0x9f: {  	s4 =	ssub.s32 $0x0, s20;
	[sflag:s22] =	ssyncset.done $0x0  }
0xa0: {  	[sflag:s22] =	ssyncadd.s32 s4;
	_ =	sdelay $0x1  }
0xa1: {  	s23 =	simm.s32 $0x1B8B  }
0xa2: {  	_ =	swait.ge [sflag:s23], $0x1  }
0xa3: {  	[sflag:s23] =	ssyncset.done $0x0  }
0xa4: {  	s25 =	simm.s32 $0x1B8E;
	s24 =	sld [smem:$0x3FFE];
	[sflag:s23] =	ssyncadd.s32 $0xFFFFFFFF  }
0xa5: {  	s26 =	simm.s32 $execute0_lowered;
	[smem:$0x3FD2] =	sst s25  }
0xa6: {  	s5 =	sshll.u32 s26, $0x1;
	_ =	strace $0x80000049;
	[dreg:$0x1] =	wrdreg $0xFFFFFFFF  }
0xa7: {  	s28 =	simm.s32 $_size_execute0_lowered;
	s3 =	sadd.s32 s3, s5;
	[dreg:$0x0] =	wrdreg $0x0  }
0xa8: {  	s5 =	sshll.u32 s28, $0x1;
	[dreg:$0x2] =	wrdreg s3  }
0xa9: {  	[dreg:$0x3] =	wrdreg s5  }
0xaa: {  	[dreg:$0x4] =	wrdreg $0xC0  }
0xab: {  	_ =	task [dreg:s7], $0x5FFFF  }
0xac: {  	[dreg:$0x1] =	wrdreg $0xFFFFFFFF  }
0xad: {  	[dreg:$0x0] =	wrdreg $0x60  }
0xae: {  	[dreg:$0x2] =	wrdreg s2  }
0xaf: {  	[dreg:$0x3] =	wrdreg s24  }
0xb0: {  	[dreg:$0x4] =	wrdreg $0xBB000  }
0xb1: {  	[dreg:$0x5] =	wrdreg $0x9  }
0xb2: {  	_ =	task.clear_ibuf [dreg:s7], $0x6FFFF;
	_ =	strace $0x90000049  }
0xb3: {  	s29 =	simm.s32 $0x9;
	_ =	strace $0x8000004B  }
0xb4: {  	_ =	swait.ge [sflag:s29], $0x1  }
0xb5: {  	[sflag:s29] =	ssyncadd.s32 $0xFFFFFFFF  }
0xb6: {  	_ =	strace $0x9000004B  }
0xb7: {  	_ =	sfence  }
0xb8: {  	s30 =	sld [smem:$0x0];
	_ =	sdelay $0x2  }
0xb9: {  	s31 =	sshll.u32 s1, $0xD;
	s1 =	sshrl.u32 s1, $0x2  }
0xba: {  	s3 =	sand.u32 $0x4000, s31;
	s1 =	sadd.s32 s1, s30  }
0xbb: {  	s0 =	sor.u32 s3, s0;
	s1 =	sshll.u32 s1, $0x11  }
0xbc: {  	s0 =	sor.u32 s1, s0  }
0xbd: {  	s0 =	sadd.s32 $0x8F2B, s0  }
0xbe: {  	[sflag:s0] =	ssyncadd.remote.s32 $0x1  }
0xbf: {  	_ =	sfence.sel $0xFFFF  }
0xc0: {  	[dreg:$0x0] =	wrdreg $0xFFFFFFFF;
	(pc) =	sbr.abs _section_cstart, $3  }
0xc1: {  	[dreg:$0x1] =	wrdreg $0xFFFFFFFF  }
0xc2: {  	_ =	task.clear_ibuf [dreg:s7], $0x2FFFF;
	_ =	strace $0x9FFFFFFF  }
0xc3: {  	(tm) =	ssettm $0x7FFFFFFF  }
tec
execute0_lowered:
.L_overlay_start_1:
0x0: {  	(tag) =	ssettag $0x1  }
0x1: {  	s1 =	rddreg [dreg:$0x0]  }
0x2: {  	s0 =	rddreg [dreg:$0x1]  }
0x3: {  	s2 =	rddreg [dreg:$0x2];
	s4 =	simm.s32 $0x0  }
0x4: {  	s3 =	srdreg.scid;
	s9 =	stileid.u32;
	s28 =	simm.s32 $0x4080  }
0x5: {  	s29 =	simm.s32 $0x6B00;
	s30 =	simm.s32 $0x1;
	s31 =	simm.s32 $0x4180  }
0x6: {  	[smem:$0x7FF] =	sst s4;
	s3 =	sand.u32 $0x1, s3;
	s8 =	smul.u32 $0x50000, s9  }
0x7: {  	s5 =	sshll.u32 s9, $0xB;
	s14 =	smul.u32 $0x14000, s9;
	_ =	strace $0x8000004A  }
0x8: {  	s6 =	ssub.s32 $0x2, s3;
	s5 =	sadd.s32 s5, s0;
	s0 =	sadd.s32 $0x13600, s0  }
0x9: {  	s20 =	sshll.u32 s3, $0xF;
	s3 =	smul.u32 $0x140000, s3;
	s7 =	sshrl.u32 s6, $0x1  }
0xa: {  	s5 =	sadd.s32 s20, s5;
	s21 =	sshrl.u32 s8, $0x2;
	s24 =	sor.u32 $0x2800, s14  }
0xb: {  	s25 =	sadd.s32 $0x5000, s14;
	s15 =	sadd.s32 $0x7800, s14;
	s16 =	sadd.s32 $0xA000, s14  }
0xc: {  	s17 =	sadd.s32 $0xC800, s14;
	s18 =	sadd.s32 $0xF000, s14;
	s20 =	sadd.s32 $0x11800, s14  }
0xd: {  	s7 =	ssub.s32 s6, s7;
	s5 =	sadd.s32 $0x3600, s5;
	s22 =	sadd.s32 s21, s2  }
0xe: {  	s8 =	sadd.s32 s24, s2;
	s9 =	sadd.s32 s25, s2;
	s10 =	sadd.s32 s15, s2  }
0xf: {  	s11 =	sadd.s32 s16, s2;
	s12 =	sadd.s32 s17, s2;
	s13 =	sadd.s32 s18, s2  }
0x10: {  	s19 =	sadd.s32 s3, s14;
	s14 =	sadd.s32 s20, s2;
	[dreg:$0x4] =	wrdreg s5  }
0x11: {  	s21 =	sadd.s32 s3, s16;
	s16 =	simm.s32 $0x3;
	[dreg:$0x5] =	wrdreg s22  }
0x12: {  	s23 =	smax.u32 s7, $0x1;
	s5 =	sadd.s32 s3, s24;
	s19 =	sshrl.u32 s19, $0x3  }
0x13: {  	s7 =	sadd.s32 s3, s25;
	s24 =	sadd.s32 s3, s17;
	s25 =	sadd.s32 s3, s18  }
0x14: {  	s17 =	simm.s32 $0x4280;
	s18 =	simm.s32 $0x5;
	[dreg:$0x6] =	wrdreg s23  }
0x15: {  	s5 =	sshrl.u32 s5, $0x3;
	s26 =	sadd.s32 s0, s19;
	s19 =	sadd.s32 s3, s15  }
0x16: {  	s15 =	sshrl.u32 s21, $0x3;
	s3 =	sadd.s32 s3, s20;
	s20 =	simm.s32 $0x0  }
0x17: {  	[dreg:$0x7] =	wrdreg s26;
	s5 =	sadd.s32 s0, s5;
	s23 =	sadd.s32 s0, s15  }
0x18: {  	s3 =	sshrl.u32 s3, $0x3;
	s15 =	simm.s32 $0x4;
	[dreg:$0x8] =	wrdreg s5  }
0x19: {  	s5 =	sshrl.u32 s7, $0x3;
	s7 =	sshrl.u32 s19, $0x3;
	[dreg:$0xb] =	wrdreg s23  }
0x1a: {  	s23 =	simm.s32 $0x7;
	s19 =	simm.s32 $0x6;
	s5 =	sadd.s32 s0, s5  }
0x1b: {  	s22 =	sadd.s32 s0, s7;
	s7 =	sshrl.u32 s25, $0x3;
	[dreg:$0x9] =	wrdreg s5  }
0x1c: {  	s25 =	simm.s32 $0x50;
	[dreg:$0xa] =	wrdreg s22;
	s5 =	sshrl.u32 s24, $0x3  }
0x1d: {  	s26 =	sadd.s32 s0, s7;
	s24 =	simm.s32 $0x4300;
	s7 =	simm.s32 $0x4200  }
0x1e: {  	s5 =	sadd.s32 s0, s5;
	[dreg:$0xd] =	wrdreg s26;
	s0 =	sadd.s32 s0, s3  }
0x1f: {  	s26 =	simm.s32 $0x4000;
	s3 =	simm.s32 $0x9300;
	[dreg:$0xc] =	wrdreg s5  }
0x20: {  	v0 =	vimm.f32 $0.0e+00;
	[dreg:$0xe] =	wrdreg s0;
	s0 =	simm.s32 $0x4100;
	s5 =	simm.s32 $0x2  }
.LBB2_1:
0x21: {  	s21 =	simm.s32 $0x0;
	s22 =	simm.s32 $0x200  }
.LBB2_2:
0x22: {  	p0 =	sne.s32 s22, $0x9E00;
	[tilespmem:s21+$0x4370] =	vst v0  }
0x23: {  	[tilespmem:s21+$0x4300] =	vst v0  }
0x24: {  	[tilespmem:s21+$0x4310] =	vst v0  }
.Ltmp0:
0x25: {  	[tilespmem:s21+$0x4320] =	vst v0;
	(pc) =	sbr.rel @p0 .LBB2_2-.Ltmp0, $4  }
0x26: {  	[tilespmem:s21+$0x4330] =	vst v0  }
0x27: {  	[tilespmem:s21+$0x4340] =	vst v0  }
0x28: {  	[tilespmem:s21+$0x4350] =	vst v0  }
0x29: {  	[tilespmem:s21+$0x4360] =	vst v0;
	s21 =	sshra.s32 s22, $0x2;
	s22 =	sadd.s32 $0x200, s22  }
0x2a: {  	[tilespmem:s21+$0x4370] =	vst v0  }
0x2b: {  	[tilespmem:s21+$0x4300] =	vst v0  }
0x2c: {  	[tilespmem:s21+$0x4310] =	vst v0  }
0x2d: {  	[tilespmem:s21+$0x4320] =	vst v0  }
0x2e: {  	[tilespmem:s21+$0x4330] =	vst v0  }
0x2f: {  	[tilespmem:s21+$0x4340] =	vst v0  }
0x30: {  	[tilespmem:s21+$0x4350] =	vst v0  }
0x31: {  	[tilespmem:s21+$0x4360] =	vst v0;
	s6 =	rddreg [dreg:$0x4]  }
0x32: {  	[tilespmem:s4], [sflag:$0x7] =	stream.linear.gather [hbm4b:s6+s4], $0x3E80, $0x38;
	[tilespmem:$0x1FB00] =	vst v63  }
0x33: {  	_ =	swait.ge [sflag:s23], $0x3E80  }
0x34: {  	[sflag:s23] =	ssyncset.done $0x0  }
0x35: {  	s22 =	rddreg [dreg:$0x5];
	[sflag:s23] =	ssyncadd.s32 $0xFFFFC180  }
0x36: {  	[spmem:s22] =	stream.linear.scatter [tilespmem:s24], [sflag:$0x7], $0x2800, $0x38;
	[tilespmem:$0x1FB00] =	vst v63  }
0x37: {  	_ =	swait.ge [sflag:s23], $0x2800  }
0x38: {  	[sflag:s23] =	ssyncset.done $0x0  }
0x39: {  	[sflag:s23] =	ssyncadd.s32 $0xFFFFD800  }
0x3a: {  	[spmem:s8] =	stream.linear.scatter [tilespmem:s24], [sflag:$0x7], $0x2800, $0x38;
	[tilespmem:$0x1FB00] =	vst v63  }
0x3b: {  	_ =	swait.ge [sflag:s23], $0x2800  }
0x3c: {  	[sflag:s23] =	ssyncset.done $0x0  }
0x3d: {  	[sflag:s23] =	ssyncadd.s32 $0xFFFFD800  }
0x3e: {  	[spmem:s9] =	stream.linear.scatter [tilespmem:s24], [sflag:$0x7], $0x2800, $0x38;
	[tilespmem:$0x1FB00] =	vst v63  }
0x3f: {  	_ =	swait.ge [sflag:s23], $0x2800  }
0x40: {  	[sflag:s23] =	ssyncset.done $0x0  }
0x41: {  	[sflag:s23] =	ssyncadd.s32 $0xFFFFD800  }
0x42: {  	[spmem:s10] =	stream.linear.scatter [tilespmem:s24], [sflag:$0x7], $0x2800, $0x38;
	[tilespmem:$0x1FB00] =	vst v63  }
0x43: {  	_ =	swait.ge [sflag:s23], $0x2800  }
0x44: {  	[sflag:s23] =	ssyncset.done $0x0  }
0x45: {  	[sflag:s23] =	ssyncadd.s32 $0xFFFFD800  }
0x46: {  	[spmem:s11] =	stream.linear.scatter [tilespmem:s24], [sflag:$0x7], $0x2800, $0x38;
	[tilespmem:$0x1FB00] =	vst v63  }
0x47: {  	_ =	swait.ge [sflag:s23], $0x2800  }
0x48: {  	[sflag:s23] =	ssyncset.done $0x0  }
0x49: {  	[sflag:s23] =	ssyncadd.s32 $0xFFFFD800  }
0x4a: {  	[spmem:s12] =	stream.linear.scatter [tilespmem:s24], [sflag:$0x7], $0x2800, $0x38;
	[tilespmem:$0x1FB00] =	vst v63  }
0x4b: {  	_ =	swait.ge [sflag:s23], $0x2800  }
0x4c: {  	[sflag:s23] =	ssyncset.done $0x0  }
0x4d: {  	[sflag:s23] =	ssyncadd.s32 $0xFFFFD800  }
0x4e: {  	[spmem:s13] =	stream.linear.scatter [tilespmem:s24], [sflag:$0x7], $0x2800, $0x38;
	[tilespmem:$0x1FB00] =	vst v63  }
0x4f: {  	_ =	swait.ge [sflag:s23], $0x2800  }
0x50: {  	[sflag:s23] =	ssyncset.done $0x0  }
0x51: {  	[sflag:s23] =	ssyncadd.s32 $0xFFFFD800  }
0x52: {  	[spmem:s14] =	stream.linear.scatter [tilespmem:s24], [sflag:$0x7], $0x2800, $0x38;
	[tilespmem:$0x1FB00] =	vst v63  }
0x53: {  	_ =	swait.ge [sflag:s23], $0x2800  }
0x54: {  	[sflag:s23] =	ssyncset.done $0x0  }
0x55: {  	[sflag:s23] =	ssyncadd.s32 $0xFFFFD800  }
0x56: {  	[bflag:$0x0] =	sbarrier.arrive $0xFFFF  }
0x57: {  	v1 =	vld [tilespmem:$0x0];
	_ =	sdelay $0x1  }
0x58: {  	v2 =	vld [tilespmem:$0x10];
	_ =	sdelay $0x1  }
0x59: {  	v3 =	vld [tilespmem:$0x20]  }
0x5a: {  	v4 =	vand.u32 $0xFFFF, v1  }
0x5b: {  	v59 =	vld [tilespmem:$0x30];
	v1 =	vshra.s32 v1, $0x10;
	[tilespmem:$0x4000] =	vst v4  }
0x5c: {  	[tilespmem:$0x4180] =	vst v1;
	v1 =	vand.u32 $0xFFFF, v2  }
0x5d: {  	[tilespmem:$0x4010] =	vst v1;
	v1 =	vshra.s32 v2, $0x10;
	v2 =	vld [tilespmem:$0x40]  }
0x5e: {  	[tilespmem:$0x4190] =	vst v1;
	v1 =	vand.u32 $0xFFFF, v3  }
0x5f: {  	[tilespmem:$0x4020] =	vst v1;
	v1 =	vshra.s32 v3, $0x10  }
0x60: {  	[tilespmem:$0x41A0] =	vst v1;
	v1 =	vand.u32 $0xFFFF, v59  }
0x61: {  	[tilespmem:$0x4030] =	vst v1;
	v1 =	vshra.s32 v59, $0x10  }
0x62: {  	[tilespmem:$0x41B0] =	vst v1;
	v1 =	vand.u32 $0xFFFF, v2  }
0x63: {  	[tilespmem:$0x4040] =	vst v1;
	v1 =	vshra.s32 v2, $0x10  }
0x64: {  	[tilespmem:$0x41C0] =	vst v1  }
0x65: {  	[tilespmem:s24], [sflag:$0x1] =	stream.indirect.gather [hbm4b:s1+s25], $0x80, s26, s25, $0xb8;
	[tilespmem:$0x1FB00] =	vst v63  }
0x66: {  	v1 =	vld [tilespmem:$0x80];
	_ =	sdelay $0x1  }
0x67: {  	v2 =	vld [tilespmem:$0x90];
	_ =	sdelay $0x1  }
0x68: {  	v3 =	vld [tilespmem:$0xA0]  }
0x69: {  	v60 =	vand.u32 $0xFFFF, v1  }
0x6a: {  	v61 =	vld [tilespmem:$0xB0];
	v1 =	vshra.s32 v1, $0x10;
	[tilespmem:$0x4080] =	vst v60  }
0x6b: {  	[tilespmem:$0x4200] =	vst v1;
	v1 =	vand.u32 $0xFFFF, v2  }
0x6c: {  	[tilespmem:$0x4090] =	vst v1;
	v1 =	vshra.s32 v2, $0x10;
	v2 =	vld [tilespmem:$0xC0]  }
0x6d: {  	[tilespmem:$0x4210] =	vst v1;
	v1 =	vand.u32 $0xFFFF, v3  }
0x6e: {  	[tilespmem:$0x40A0] =	vst v1;
	v1 =	vshra.s32 v3, $0x10  }
0x6f: {  	[tilespmem:$0x4220] =	vst v1;
	v1 =	vand.u32 $0xFFFF, v61  }
0x70: {  	[tilespmem:$0x40B0] =	vst v1;
	v1 =	vshra.s32 v61, $0x10  }
0x71: {  	[tilespmem:$0x4230] =	vst v1;
	v1 =	vand.u32 $0xFFFF, v2  }
0x72: {  	[tilespmem:$0x40C0] =	vst v1;
	v1 =	vshra.s32 v2, $0x10  }
0x73: {  	[tilespmem:$0x4240] =	vst v1  }
0x74: {  	[tilespmem:s29], [sflag:$0x2] =	stream.indirect.gather [hbm4b:s1+s25], $0x80, s28, s25, $0xb8;
	[tilespmem:$0x1FB00] =	vst v63  }
0x75: {  	_ =	swait.ge [sflag:s30], $0x2800  }
0x76: {  	[sflag:s30] =	ssyncset.done $0x0  }
0x77: {  	[sflag:s30] =	ssyncadd.s32 $0xFFFFD800  }
0x78: {  	[spmem:s2] =	stream.indirect.scatter.add.f32 [tilespmem:s24], [sflag:$0x4], $0x80, s31, s25, $0xb8;
	[tilespmem:$0x1FB00] =	vst v63  }
0x79: {  	v1 =	vld [tilespmem:$0x100];
	_ =	sdelay $0x1  }
0x7a: {  	v2 =	vld [tilespmem:$0x110];
	_ =	sdelay $0x1  }
0x7b: {  	v3 =	vld [tilespmem:$0x120]  }
0x7c: {  	v62 =	vand.u32 $0xFFFF, v1  }
0x7d: {  	v63 =	vld [tilespmem:$0x130];
	v1 =	vshra.s32 v1, $0x10;
	[tilespmem:$0x4100] =	vst v62  }
0x7e: {  	[tilespmem:$0x4280] =	vst v1;
	v1 =	vand.u32 $0xFFFF, v2  }
0x7f: {  	[tilespmem:$0x4110] =	vst v1;
	v1 =	vshra.s32 v2, $0x10;
	v2 =	vld [tilespmem:$0x140]  }
0x80: {  	[tilespmem:$0x4290] =	vst v1;
	v1 =	vand.u32 $0xFFFF, v3  }
0x81: {  	[tilespmem:$0x4120] =	vst v1;
	v1 =	vshra.s32 v3, $0x10  }
0x82: {  	[tilespmem:$0x42A0] =	vst v1;
	v1 =	vand.u32 $0xFFFF, v63  }
0x83: {  	[tilespmem:$0x4130] =	vst v1;
	v1 =	vshra.s32 v63, $0x10  }
0x84: {  	[tilespmem:$0x42B0] =	vst v1;
	v1 =	vand.u32 $0xFFFF, v2  }
0x85: {  	[tilespmem:$0x4140] =	vst v1;
	v1 =	vshra.s32 v2, $0x10  }
0x86: {  	[tilespmem:$0x42C0] =	vst v1  }
0x87: {  	[tilespmem:s3], [sflag:$0x3] =	stream.indirect.gather [hbm4b:s1+s25], $0x80, s0, s25, $0xb8;
	[tilespmem:$0x1FB00] =	vst v63  }
0x88: {  	_ =	swait.ge [sflag:s5], $0x2800  }
0x89: {  	[sflag:s5] =	ssyncset.done $0x0  }
0x8a: {  	[sflag:s5] =	ssyncadd.s32 $0xFFFFD800  }
0x8b: {  	[spmem:s2] =	stream.indirect.scatter.add.f32 [tilespmem:s29], [sflag:$0x5], $0x80, s7, s25, $0xb8;
	[tilespmem:$0x1FB00] =	vst v63  }
0x8c: {  	_ =	swait.ge [sflag:s15], $0x2800  }
0x8d: {  	[sflag:s15] =	ssyncset.done $0x0  }
0x8e: {  	s21 =	simm.s32 $0x2C0;
	[sflag:s15] =	ssyncadd.s32 $0xFFFFD800  }
0x8f: {  	v1 =	vld [tilespmem:s21+$0xFFFFFEC0];
	_ =	sdelay $0x4  }
0x90: {  	v2 =	vand.u32 $0xFFFF, v1  }
0x91: {  	v1 =	vshra.s32 v1, $0x10;
	[tilespmem:$0x4000] =	vst v2  }
0x92: {  	[tilespmem:$0x4180] =	vst v1  }
0x93: {  	v1 =	vld [tilespmem:s21+$0xFFFFFED0];
	_ =	sdelay $0x4  }
0x94: {  	v2 =	vand.u32 $0xFFFF, v1  }
0x95: {  	v1 =	vshra.s32 v1, $0x10;
	[tilespmem:$0x4010] =	vst v2  }
0x96: {  	[tilespmem:$0x4190] =	vst v1  }
0x97: {  	v1 =	vld [tilespmem:s21+$0xFFFFFEE0];
	_ =	sdelay $0x4  }
0x98: {  	v2 =	vand.u32 $0xFFFF, v1  }
0x99: {  	v1 =	vshra.s32 v1, $0x10;
	[tilespmem:$0x4020] =	vst v2  }
0x9a: {  	[tilespmem:$0x41A0] =	vst v1  }
0x9b: {  	v1 =	vld [tilespmem:s21+$0xFFFFFEF0];
	_ =	sdelay $0x4  }
0x9c: {  	v2 =	vand.u32 $0xFFFF, v1  }
0x9d: {  	v1 =	vshra.s32 v1, $0x10;
	[tilespmem:$0x4030] =	vst v2  }
0x9e: {  	[tilespmem:$0x41B0] =	vst v1  }
0x9f: {  	v1 =	vld [tilespmem:s21+$0xFFFFFF00];
	_ =	sdelay $0x4  }
0xa0: {  	v2 =	vand.u32 $0xFFFF, v1  }
0xa1: {  	v1 =	vshra.s32 v1, $0x10;
	[tilespmem:$0x4040] =	vst v2  }
0xa2: {  	[tilespmem:$0x41C0] =	vst v1  }
0xa3: {  	[tilespmem:s24], [sflag:$0x1] =	stream.indirect.gather [hbm4b:s1+s25], $0x80, s26, s25, $0xb8;
	[tilespmem:$0x1FB00] =	vst v63  }
0xa4: {  	_ =	swait.ge [sflag:s16], $0x2800  }
0xa5: {  	[sflag:s16] =	ssyncset.done $0x0  }
0xa6: {  	[sflag:s16] =	ssyncadd.s32 $0xFFFFD800  }
0xa7: {  	[spmem:s2] =	stream.indirect.scatter.add.f32 [tilespmem:s3], [sflag:$0x6], $0x80, s17, s25, $0xb8;
	[tilespmem:$0x1FB00] =	vst v63  }
0xa8: {  	_ =	swait.ge [sflag:s18], $0x2800  }
0xa9: {  	[sflag:s18] =	ssyncset.done $0x0  }
0xaa: {  	[sflag:s18] =	ssyncadd.s32 $0xFFFFD800  }
0xab: {  	v1 =	vld [tilespmem:s21+$0xFFFFFF40];
	_ =	sdelay $0x4  }
0xac: {  	v2 =	vand.u32 $0xFFFF, v1  }
0xad: {  	v1 =	vshra.s32 v1, $0x10;
	[tilespmem:$0x4080] =	vst v2  }
0xae: {  	[tilespmem:$0x4200] =	vst v1  }
0xaf: {  	v1 =	vld [tilespmem:s21+$0xFFFFFF50];
	_ =	sdelay $0x4  }
0xb0: {  	v2 =	vand.u32 $0xFFFF, v1  }
0xb1: {  	v1 =	vshra.s32 v1, $0x10;
	[tilespmem:$0x4090] =	vst v2  }
0xb2: {  	[tilespmem:$0x4210] =	vst v1  }
0xb3: {  	v1 =	vld [tilespmem:s21+$0xFFFFFF60];
	_ =	sdelay $0x4  }
0xb4: {  	v2 =	vand.u32 $0xFFFF, v1  }
0xb5: {  	v1 =	vshra.s32 v1, $0x10;
	[tilespmem:$0x40A0] =	vst v2  }
0xb6: {  	[tilespmem:$0x4220] =	vst v1  }
0xb7: {  	v1 =	vld [tilespmem:s21+$0xFFFFFF70];
	_ =	sdelay $0x4  }
0xb8: {  	v2 =	vand.u32 $0xFFFF, v1  }
0xb9: {  	v1 =	vshra.s32 v1, $0x10;
	[tilespmem:$0x40B0] =	vst v2  }
0xba: {  	[tilespmem:$0x4230] =	vst v1  }
0xbb: {  	v1 =	vld [tilespmem:s21+$0xFFFFFF80];
	_ =	sdelay $0x4  }
0xbc: {  	v2 =	vand.u32 $0xFFFF, v1  }
0xbd: {  	v1 =	vshra.s32 v1, $0x10;
	[tilespmem:$0x40C0] =	vst v2  }
0xbe: {  	[tilespmem:$0x4240] =	vst v1  }
0xbf: {  	[tilespmem:s29], [sflag:$0x2] =	stream.indirect.gather [hbm4b:s1+s25], $0x80, s28, s25, $0xb8;
	[tilespmem:$0x1FB00] =	vst v63  }
0xc0: {  	_ =	swait.ge [sflag:s30], $0x2800  }
0xc1: {  	[sflag:s30] =	ssyncset.done $0x0  }
0xc2: {  	[sflag:s30] =	ssyncadd.s32 $0xFFFFD800  }
0xc3: {  	[spmem:s2] =	stream.indirect.scatter.add.f32 [tilespmem:s24], [sflag:$0x4], $0x80, s31, s25, $0xb8;
	[tilespmem:$0x1FB00] =	vst v63  }
0xc4: {  	_ =	swait.ge [sflag:s19], $0x2800  }
0xc5: {  	[sflag:s19] =	ssyncset.done $0x0  }
0xc6: {  	[sflag:s19] =	ssyncadd.s32 $0xFFFFD800  }
0xc7: {  	v1 =	vld [tilespmem:s21+$0xFFFFFFC0];
	_ =	sdelay $0x4  }
0xc8: {  	v2 =	vand.u32 $0xFFFF, v1  }
0xc9: {  	v1 =	vshra.s32 v1, $0x10;
	[tilespmem:$0x4100] =	vst v2  }
0xca: {  	[tilespmem:$0x4280] =	vst v1  }
0xcb: {  	v1 =	vld [tilespmem:s21+$0xFFFFFFD0];
	_ =	sdelay $0x4  }
0xcc: {  	v2 =	vand.u32 $0xFFFF, v1  }
0xcd: {  	v1 =	vshra.s32 v1, $0x10;
	[tilespmem:$0x4110] =	vst v2  }
0xce: {  	[tilespmem:$0x4290] =	vst v1  }
0xcf: {  	v1 =	vld [tilespmem:s21+$0xFFFFFFE0];
	_ =	sdelay $0x4  }
0xd0: {  	v2 =	vand.u32 $0xFFFF, v1  }
0xd1: {  	v1 =	vshra.s32 v1, $0x10;
	[tilespmem:$0x4120] =	vst v2  }
0xd2: {  	[tilespmem:$0x42A0] =	vst v1  }
0xd3: {  	s22 =	simm.s32 $0x1100;
	v1 =	vld [tilespmem:s21+$0xFFFFFFF0]  }
.LBB2_4:
0xd4: {  	p0 =	sne.s32 s22, $0xF500;
	s6 =	smov.u32 s22;
	s22 =	sadd.s32 $0x600, s22  }
0xd5: {  	_ =	sdelay $0x2  }
0xd6: {  	v2 =	vand.u32 $0xFFFF, v1;
	v1 =	vshra.s32 v1, $0x10  }
0xd7: {  	[tilespmem:$0x4130] =	vst v2  }
0xd8: {  	[tilespmem:$0x42B0] =	vst v1  }
0xd9: {  	v1 =	vld [tilespmem:s21+$0x0];
	_ =	sdelay $0x4  }
0xda: {  	v2 =	vand.u32 $0xFFFF, v1;
	v1 =	vshra.s32 v1, $0x10  }
0xdb: {  	[tilespmem:$0x4140] =	vst v2  }
0xdc: {  	[tilespmem:$0x42C0] =	vst v1  }
0xdd: {  	[tilespmem:s3], [sflag:$0x3] =	stream.indirect.gather [hbm4b:s1+s25], $0x80, s0, s25, $0xb8;
	[tilespmem:$0x1FB00] =	vst v63  }
0xde: {  	_ =	swait.ge [sflag:s5], $0x2800  }
0xdf: {  	[sflag:s5] =	ssyncset.done $0x0  }
0xe0: {  	[sflag:s5] =	ssyncadd.s32 $0xFFFFD800  }
0xe1: {  	[spmem:s2] =	stream.indirect.scatter.add.f32 [tilespmem:s29], [sflag:$0x5], $0x80, s7, s25, $0xb8;
	[tilespmem:$0x1FB00] =	vst v63  }
0xe2: {  	_ =	swait.ge [sflag:s15], $0x2800  }
0xe3: {  	[sflag:s15] =	ssyncset.done $0x0  }
0xe4: {  	s21 =	sshra.s32 s6, $0x2;
	[sflag:s15] =	ssyncadd.s32 $0xFFFFD800  }
0xe5: {  	v1 =	vld [tilespmem:s21+$0xFFFFFEC0];
	_ =	sdelay $0x4  }
0xe6: {  	v2 =	vand.u32 $0xFFFF, v1;
	v1 =	vshra.s32 v1, $0x10  }
0xe7: {  	[tilespmem:$0x4000] =	vst v2  }
0xe8: {  	[tilespmem:$0x4180] =	vst v1  }
0xe9: {  	v1 =	vld [tilespmem:s21+$0xFFFFFED0];
	_ =	sdelay $0x4  }
0xea: {  	v2 =	vand.u32 $0xFFFF, v1;
	v1 =	vshra.s32 v1, $0x10  }
0xeb: {  	[tilespmem:$0x4010] =	vst v2  }
0xec: {  	[tilespmem:$0x4190] =	vst v1  }
0xed: {  	v1 =	vld [tilespmem:s21+$0xFFFFFEE0];
	_ =	sdelay $0x4  }
0xee: {  	v2 =	vand.u32 $0xFFFF, v1;
	v1 =	vshra.s32 v1, $0x10  }
0xef: {  	[tilespmem:$0x4020] =	vst v2  }
0xf0: {  	[tilespmem:$0x41A0] =	vst v1  }
0xf1: {  	v1 =	vld [tilespmem:s21+$0xFFFFFEF0];
	_ =	sdelay $0x4  }
0xf2: {  	v2 =	vand.u32 $0xFFFF, v1;
	v1 =	vshra.s32 v1, $0x10  }
0xf3: {  	[tilespmem:$0x4030] =	vst v2  }
0xf4: {  	[tilespmem:$0x41B0] =	vst v1  }
0xf5: {  	v1 =	vld [tilespmem:s21+$0xFFFFFF00];
	_ =	sdelay $0x4  }
0xf6: {  	v2 =	vand.u32 $0xFFFF, v1;
	v1 =	vshra.s32 v1, $0x10  }
0xf7: {  	[tilespmem:$0x4040] =	vst v2  }
0xf8: {  	[tilespmem:$0x41C0] =	vst v1  }
0xf9: {  	[tilespmem:s24], [sflag:$0x1] =	stream.indirect.gather [hbm4b:s1+s25], $0x80, s26, s25, $0xb8;
	[tilespmem:$0x1FB00] =	vst v63  }
0xfa: {  	_ =	swait.ge [sflag:s16], $0x2800  }
0xfb: {  	[sflag:s16] =	ssyncset.done $0x0  }
0xfc: {  	[sflag:s16] =	ssyncadd.s32 $0xFFFFD800  }
0xfd: {  	[spmem:s2] =	stream.indirect.scatter.add.f32 [tilespmem:s3], [sflag:$0x6], $0x80, s17, s25, $0xb8;
	[tilespmem:$0x1FB00] =	vst v63  }
0xfe: {  	_ =	swait.ge [sflag:s18], $0x2800  }
0xff: {  	[sflag:s18] =	ssyncset.done $0x0  }
0x100: {  	[sflag:s18] =	ssyncadd.s32 $0xFFFFD800  }
0x101: {  	v1 =	vld [tilespmem:s21+$0xFFFFFF40];
	_ =	sdelay $0x4  }
0x102: {  	v2 =	vand.u32 $0xFFFF, v1;
	v1 =	vshra.s32 v1, $0x10  }
0x103: {  	[tilespmem:$0x4080] =	vst v2  }
0x104: {  	[tilespmem:$0x4200] =	vst v1  }
0x105: {  	v1 =	vld [tilespmem:s21+$0xFFFFFF50];
	_ =	sdelay $0x4  }
0x106: {  	v2 =	vand.u32 $0xFFFF, v1;
	v1 =	vshra.s32 v1, $0x10  }
0x107: {  	[tilespmem:$0x4090] =	vst v2  }
0x108: {  	[tilespmem:$0x4210] =	vst v1  }
0x109: {  	v1 =	vld [tilespmem:s21+$0xFFFFFF60];
	_ =	sdelay $0x4  }
0x10a: {  	v2 =	vand.u32 $0xFFFF, v1;
	v1 =	vshra.s32 v1, $0x10  }
0x10b: {  	[tilespmem:$0x40A0] =	vst v2  }
0x10c: {  	[tilespmem:$0x4220] =	vst v1  }
0x10d: {  	v1 =	vld [tilespmem:s21+$0xFFFFFF70];
	_ =	sdelay $0x4  }
0x10e: {  	v2 =	vand.u32 $0xFFFF, v1;
	v1 =	vshra.s32 v1, $0x10  }
0x10f: {  	[tilespmem:$0x40B0] =	vst v2  }
0x110: {  	[tilespmem:$0x4230] =	vst v1  }
0x111: {  	v1 =	vld [tilespmem:s21+$0xFFFFFF80];
	_ =	sdelay $0x4  }
0x112: {  	v2 =	vand.u32 $0xFFFF, v1;
	v1 =	vshra.s32 v1, $0x10  }
0x113: {  	[tilespmem:$0x40C0] =	vst v2  }
0x114: {  	[tilespmem:$0x4240] =	vst v1  }
0x115: {  	[tilespmem:s29], [sflag:$0x2] =	stream.indirect.gather [hbm4b:s1+s25], $0x80, s28, s25, $0xb8;
	[tilespmem:$0x1FB00] =	vst v63  }
0x116: {  	_ =	swait.ge [sflag:s30], $0x2800  }
0x117: {  	[sflag:s30] =	ssyncset.done $0x0  }
0x118: {  	[sflag:s30] =	ssyncadd.s32 $0xFFFFD800  }
0x119: {  	[spmem:s2] =	stream.indirect.scatter.add.f32 [tilespmem:s24], [sflag:$0x4], $0x80, s31, s25, $0xb8;
	[tilespmem:$0x1FB00] =	vst v63  }
0x11a: {  	_ =	swait.ge [sflag:s19], $0x2800  }
0x11b: {  	[sflag:s19] =	ssyncset.done $0x0  }
0x11c: {  	[sflag:s19] =	ssyncadd.s32 $0xFFFFD800  }
0x11d: {  	v1 =	vld [tilespmem:s21+$0xFFFFFFC0];
	_ =	sdelay $0x4  }
0x11e: {  	v2 =	vand.u32 $0xFFFF, v1;
	v1 =	vshra.s32 v1, $0x10  }
0x11f: {  	[tilespmem:$0x4100] =	vst v2  }
0x120: {  	[tilespmem:$0x4280] =	vst v1  }
0x121: {  	v1 =	vld [tilespmem:s21+$0xFFFFFFD0];
	_ =	sdelay $0x4  }
0x122: {  	v2 =	vand.u32 $0xFFFF, v1;
	v1 =	vshra.s32 v1, $0x10  }
0x123: {  	[tilespmem:$0x4110] =	vst v2  }
0x124: {  	[tilespmem:$0x4290] =	vst v1  }
0x125: {  	v1 =	vld [tilespmem:s21+$0xFFFFFFE0];
	_ =	sdelay $0x3  }
.Ltmp1:
0x126: {  	(pc) =	sbr.rel @p0 .LBB2_4-.Ltmp1, $4  }
0x127: {  	v2 =	vand.u32 $0xFFFF, v1;
	v1 =	vshra.s32 v1, $0x10  }
0x128: {  	[tilespmem:$0x4120] =	vst v2  }
0x129: {  	[tilespmem:$0x42A0] =	vst v1  }
0x12a: {  	v1 =	vld [tilespmem:s21+$0xFFFFFFF0]  }
0x12b: {  	_ =	sdelay $0x3  }
0x12c: {  	v2 =	vand.u32 $0xFFFF, v1  }
0x12d: {  	v1 =	vshra.s32 v1, $0x10;
	[tilespmem:$0x4130] =	vst v2  }
0x12e: {  	[tilespmem:$0x42B0] =	vst v1  }
0x12f: {  	v1 =	vld [tilespmem:s21+$0x0];
	_ =	sdelay $0x4  }
0x130: {  	v2 =	vand.u32 $0xFFFF, v1  }
0x131: {  	v1 =	vshra.s32 v1, $0x10;
	[tilespmem:$0x4140] =	vst v2  }
0x132: {  	[tilespmem:$0x42C0] =	vst v1  }
0x133: {  	[tilespmem:s3], [sflag:$0x3] =	stream.indirect.gather [hbm4b:s1+s25], $0x80, s0, s25, $0xb8;
	[tilespmem:$0x1FB00] =	vst v63  }
0x134: {  	_ =	swait.ge [sflag:s5], $0x2800  }
0x135: {  	[sflag:s5] =	ssyncset.done $0x0  }
0x136: {  	[sflag:s5] =	ssyncadd.s32 $0xFFFFD800  }
0x137: {  	[spmem:s2] =	stream.indirect.scatter.add.f32 [tilespmem:s29], [sflag:$0x5], $0x80, s7, s25, $0xb8;
	[tilespmem:$0x1FB00] =	vst v63  }
0x138: {  	_ =	swait.ge [sflag:s15], $0x2800  }
0x139: {  	[sflag:s15] =	ssyncset.done $0x0  }
0x13a: {  	[sflag:s15] =	ssyncadd.s32 $0xFFFFD800  }
0x13b: {  	v1 =	vld [tilespmem:$0x3D80];
	_ =	sdelay $0x1  }
0x13c: {  	v2 =	vld [tilespmem:$0x3D90];
	_ =	sdelay $0x1  }
0x13d: {  	v3 =	vld [tilespmem:$0x3DA0]  }
0x13e: {  	v4 =	vand.u32 $0xFFFF, v1  }
0x13f: {  	v61 =	vld [tilespmem:$0x3DB0];
	v1 =	vshra.s32 v1, $0x10;
	[tilespmem:$0x4000] =	vst v4  }
0x140: {  	[tilespmem:$0x4180] =	vst v1;
	v1 =	vand.u32 $0xFFFF, v2  }
0x141: {  	[tilespmem:$0x4010] =	vst v1;
	v1 =	vshra.s32 v2, $0x10;
	v2 =	vld [tilespmem:$0x3DC0]  }
0x142: {  	[tilespmem:$0x4190] =	vst v1;
	v1 =	vand.u32 $0xFFFF, v3  }
0x143: {  	[tilespmem:$0x4020] =	vst v1;
	v1 =	vshra.s32 v3, $0x10  }
0x144: {  	[tilespmem:$0x41A0] =	vst v1;
	v1 =	vand.u32 $0xFFFF, v61  }
0x145: {  	[tilespmem:$0x4030] =	vst v1;
	v1 =	vshra.s32 v61, $0x10  }
0x146: {  	[tilespmem:$0x41B0] =	vst v1;
	v1 =	vand.u32 $0xFFFF, v2  }
0x147: {  	[tilespmem:$0x4040] =	vst v1;
	v1 =	vshra.s32 v2, $0x10  }
0x148: {  	[tilespmem:$0x41C0] =	vst v1  }
0x149: {  	[tilespmem:s24], [sflag:$0x1] =	stream.indirect.gather [hbm4b:s1+s25], $0x80, s26, s25, $0xb8;
	[tilespmem:$0x1FB00] =	vst v63  }
0x14a: {  	_ =	swait.ge [sflag:s16], $0x2800  }
0x14b: {  	[sflag:s16] =	ssyncset.done $0x0  }
0x14c: {  	[sflag:s16] =	ssyncadd.s32 $0xFFFFD800  }
0x14d: {  	[spmem:s2] =	stream.indirect.scatter.add.f32 [tilespmem:s3], [sflag:$0x6], $0x80, s17, s25, $0xb8;
	[tilespmem:$0x1FB00] =	vst v63  }
0x14e: {  	_ =	swait.ge [sflag:s18], $0x2800  }
0x14f: {  	[sflag:s18] =	ssyncset.done $0x0  }
0x150: {  	[sflag:s18] =	ssyncadd.s32 $0xFFFFD800  }
0x151: {  	v1 =	vld [tilespmem:$0x3E00];
	_ =	sdelay $0x1  }
0x152: {  	v2 =	vld [tilespmem:$0x3E10];
	_ =	sdelay $0x1  }
0x153: {  	v3 =	vld [tilespmem:$0x3E20]  }
0x154: {  	v62 =	vand.u32 $0xFFFF, v1  }
0x155: {  	v63 =	vld [tilespmem:$0x3E30];
	v1 =	vshra.s32 v1, $0x10;
	[tilespmem:$0x4080] =	vst v62  }
0x156: {  	[tilespmem:$0x4200] =	vst v1;
	v1 =	vand.u32 $0xFFFF, v2  }
0x157: {  	[tilespmem:$0x4090] =	vst v1;
	v1 =	vshra.s32 v2, $0x10;
	v2 =	vld [tilespmem:$0x3E40]  }
0x158: {  	[tilespmem:$0x4210] =	vst v1;
	v1 =	vand.u32 $0xFFFF, v3  }
0x159: {  	[tilespmem:$0x40A0] =	vst v1;
	v1 =	vshra.s32 v3, $0x10  }
0x15a: {  	[tilespmem:$0x4220] =	vst v1;
	v1 =	vand.u32 $0xFFFF, v63  }
0x15b: {  	[tilespmem:$0x40B0] =	vst v1;
	v1 =	vshra.s32 v63, $0x10  }
0x15c: {  	[tilespmem:$0x4230] =	vst v1;
	v1 =	vand.u32 $0xFFFF, v2  }
0x15d: {  	[tilespmem:$0x40C0] =	vst v1;
	v1 =	vshra.s32 v2, $0x10  }
0x15e: {  	[tilespmem:$0x4240] =	vst v1  }
0x15f: {  	[tilespmem:s29], [sflag:$0x2] =	stream.indirect.gather [hbm4b:s1+s25], $0x80, s28, s25, $0xb8;
	[tilespmem:$0x1FB00] =	vst v63  }
0x160: {  	_ =	swait.ge [sflag:s30], $0x2800  }
0x161: {  	[sflag:s30] =	ssyncset.done $0x0  }
0x162: {  	[sflag:s30] =	ssyncadd.s32 $0xFFFFD800  }
0x163: {  	[spmem:s2] =	stream.indirect.scatter.add.f32 [tilespmem:s24], [sflag:$0x4], $0x80, s31, s25, $0xb8;
	[tilespmem:$0x1FB00] =	vst v63  }
0x164: {  	_ =	swait.ge [sflag:s19], $0x2800  }
0x165: {  	[sflag:s19] =	ssyncset.done $0x0  }
0x166: {  	[sflag:s19] =	ssyncadd.s32 $0xFFFFD800  }
0x167: {  	_ =	swait.ge [sflag:s5], $0x2800  }
0x168: {  	[sflag:s5] =	ssyncset.done $0x0  }
0x169: {  	[sflag:s5] =	ssyncadd.s32 $0xFFFFD800  }
0x16a: {  	[spmem:s2] =	stream.indirect.scatter.add.f32 [tilespmem:s29], [sflag:$0x5], $0x80, s7, s25, $0xb8;
	[tilespmem:$0x1FB00] =	vst v63  }
0x16b: {  	_ =	swait.ge [sflag:s15], $0x2800  }
0x16c: {  	[sflag:s15] =	ssyncset.done $0x0  }
0x16d: {  	[sflag:s15] =	ssyncadd.s32 $0xFFFFD800  }
0x16e: {  	_ =	swait.ge [sflag:s18], $0x2800  }
0x16f: {  	[sflag:s18] =	ssyncset.done $0x0  }
0x170: {  	[sflag:s18] =	ssyncadd.s32 $0xFFFFD800  }
0x171: {  	[bflag:$0x0] =	sbarrier.arrive $0xFFFF  }
0x172: {  	s6 =	rddreg [dreg:$0x5]  }
0x173: {  	[tilespmem:s24], [sflag:$0x7] =	stream.linear.gather [spmem:s6], $0x2800, $0x38;
	[tilespmem:$0x1FB00] =	vst v63  }
0x174: {  	_ =	swait.ge [sflag:s23], $0x2800  }
0x175: {  	[sflag:s23] =	ssyncset.done $0x0  }
0x176: {  	s22 =	rddreg [dreg:$0x7];
	[sflag:s23] =	ssyncadd.s32 $0xFFFFD800  }
0x177: {  	[hbm4b:s22+s4] =	stream.linear.scatter [tilespmem:s24], [sflag:$0x7], $0x2800, $0x38;
	[tilespmem:$0x1FB00] =	vst v63  }
0x178: {  	_ =	swait.ge [sflag:s23], $0x2800  }
0x179: {  	[sflag:s23] =	ssyncset.done $0x0  }
0x17a: {  	[sflag:s23] =	ssyncadd.s32 $0xFFFFD800  }
0x17b: {  	[tilespmem:s24], [sflag:$0x7] =	stream.linear.gather [spmem:s8], $0x2800, $0x38;
	[tilespmem:$0x1FB00] =	vst v63  }
0x17c: {  	_ =	swait.ge [sflag:s23], $0x2800  }
0x17d: {  	[sflag:s23] =	ssyncset.done $0x0  }
0x17e: {  	s21 =	rddreg [dreg:$0x8];
	[sflag:s23] =	ssyncadd.s32 $0xFFFFD800  }
0x17f: {  	[hbm4b:s21+s4] =	stream.linear.scatter [tilespmem:s24], [sflag:$0x7], $0x2800, $0x38;
	[tilespmem:$0x1FB00] =	vst v63  }
0x180: {  	_ =	swait.ge [sflag:s23], $0x2800  }
0x181: {  	[sflag:s23] =	ssyncset.done $0x0  }
0x182: {  	[sflag:s23] =	ssyncadd.s32 $0xFFFFD800  }
0x183: {  	[tilespmem:s24], [sflag:$0x7] =	stream.linear.gather [spmem:s9], $0x2800, $0x38;
	[tilespmem:$0x1FB00] =	vst v63  }
0x184: {  	_ =	swait.ge [sflag:s23], $0x2800  }
0x185: {  	[sflag:s23] =	ssyncset.done $0x0  }
0x186: {  	s22 =	rddreg [dreg:$0x9];
	[sflag:s23] =	ssyncadd.s32 $0xFFFFD800  }
0x187: {  	[hbm4b:s22+s4] =	stream.linear.scatter [tilespmem:s24], [sflag:$0x7], $0x2800, $0x38;
	[tilespmem:$0x1FB00] =	vst v63  }
0x188: {  	_ =	swait.ge [sflag:s23], $0x2800  }
0x189: {  	[sflag:s23] =	ssyncset.done $0x0  }
0x18a: {  	[sflag:s23] =	ssyncadd.s32 $0xFFFFD800  }
0x18b: {  	[tilespmem:s24], [sflag:$0x7] =	stream.linear.gather [spmem:s10], $0x2800, $0x38;
	[tilespmem:$0x1FB00] =	vst v63  }
0x18c: {  	_ =	swait.ge [sflag:s23], $0x2800  }
0x18d: {  	[sflag:s23] =	ssyncset.done $0x0  }
0x18e: {  	s21 =	rddreg [dreg:$0xa];
	[sflag:s23] =	ssyncadd.s32 $0xFFFFD800  }
0x18f: {  	[hbm4b:s21+s4] =	stream.linear.scatter [tilespmem:s24], [sflag:$0x7], $0x2800, $0x38;
	[tilespmem:$0x1FB00] =	vst v63  }
0x190: {  	_ =	swait.ge [sflag:s23], $0x2800  }
0x191: {  	[sflag:s23] =	ssyncset.done $0x0  }
0x192: {  	[sflag:s23] =	ssyncadd.s32 $0xFFFFD800  }
0x193: {  	[tilespmem:s24], [sflag:$0x7] =	stream.linear.gather [spmem:s11], $0x2800, $0x38;
	[tilespmem:$0x1FB00] =	vst v63  }
0x194: {  	_ =	swait.ge [sflag:s23], $0x2800  }
0x195: {  	[sflag:s23] =	ssyncset.done $0x0  }
0x196: {  	s22 =	rddreg [dreg:$0xb];
	[sflag:s23] =	ssyncadd.s32 $0xFFFFD800  }
0x197: {  	[hbm4b:s22+s4] =	stream.linear.scatter [tilespmem:s24], [sflag:$0x7], $0x2800, $0x38;
	[tilespmem:$0x1FB00] =	vst v63  }
0x198: {  	_ =	swait.ge [sflag:s23], $0x2800  }
0x199: {  	[sflag:s23] =	ssyncset.done $0x0  }
0x19a: {  	[sflag:s23] =	ssyncadd.s32 $0xFFFFD800  }
0x19b: {  	[tilespmem:s24], [sflag:$0x7] =	stream.linear.gather [spmem:s12], $0x2800, $0x38;
	[tilespmem:$0x1FB00] =	vst v63  }
0x19c: {  	_ =	swait.ge [sflag:s23], $0x2800  }
0x19d: {  	[sflag:s23] =	ssyncset.done $0x0  }
0x19e: {  	s21 =	rddreg [dreg:$0xc];
	[sflag:s23] =	ssyncadd.s32 $0xFFFFD800  }
0x19f: {  	[hbm4b:s21+s4] =	stream.linear.scatter [tilespmem:s24], [sflag:$0x7], $0x2800, $0x38;
	[tilespmem:$0x1FB00] =	vst v63  }
0x1a0: {  	_ =	swait.ge [sflag:s23], $0x2800  }
0x1a1: {  	[sflag:s23] =	ssyncset.done $0x0  }
0x1a2: {  	[sflag:s23] =	ssyncadd.s32 $0xFFFFD800  }
0x1a3: {  	[tilespmem:s24], [sflag:$0x7] =	stream.linear.gather [spmem:s13], $0x2800, $0x38;
	[tilespmem:$0x1FB00] =	vst v63  }
0x1a4: {  	_ =	swait.ge [sflag:s23], $0x2800  }
0x1a5: {  	[sflag:s23] =	ssyncset.done $0x0  }
0x1a6: {  	s22 =	rddreg [dreg:$0xd];
	[sflag:s23] =	ssyncadd.s32 $0xFFFFD800  }
0x1a7: {  	[hbm4b:s22+s4] =	stream.linear.scatter [tilespmem:s24], [sflag:$0x7], $0x2800, $0x38;
	[tilespmem:$0x1FB00] =	vst v63  }
0x1a8: {  	_ =	swait.ge [sflag:s23], $0x2800  }
0x1a9: {  	[sflag:s23] =	ssyncset.done $0x0  }
0x1aa: {  	[sflag:s23] =	ssyncadd.s32 $0xFFFFD800  }
0x1ab: {  	[tilespmem:s24], [sflag:$0x7] =	stream.linear.gather [spmem:s14], $0x2800, $0x38;
	[tilespmem:$0x1FB00] =	vst v63  }
0x1ac: {  	_ =	swait.ge [sflag:s23], $0x2800  }
0x1ad: {  	[sflag:s23] =	ssyncset.done $0x0  }
0x1ae: {  	s21 =	rddreg [dreg:$0xe];
	[sflag:s23] =	ssyncadd.s32 $0xFFFFD800  }
0x1af: {  	[hbm4b:s21+s4] =	stream.linear.scatter [tilespmem:s24], [sflag:$0x7], $0x2800, $0x38;
	[tilespmem:$0x1FB00] =	vst v63  }
0x1b0: {  	_ =	swait.ge [sflag:s23], $0x2800  }
0x1b1: {  	s20 =	sadd.s32 $0x1, s20;
	s22 =	rddreg [dreg:$0x6]  }
0x1b2: {  	p0 =	sne.s32 s20, s22  }
.Ltmp2:
0x1b3: {  	_ = 	snop;
	(pc) =	sbr.rel @p0 .LBB2_1-.Ltmp2, $3  }
0x1b4: {  	_ =	sdelay $0x1  }
0x1b5: {  	[sflag:s23] =	ssyncset.done $0x0  }
0x1b6: {  	[sflag:s23] =	ssyncadd.s32 $0xFFFFD800  }
0x1b7: {  	_ =	sfence.sel $0x180000  }
0x1b8: {  	[bflag:$0x0] =	sbarrier.arrive $0xFFFF  }
0x1b9: {  	_ =	strace $0x9000004A  }
0x1ba: {  	s0 =	stileid.u32;
	[bflag:$0x2] =	sbarrier.arrive $0xFFFF  }
0x1bb: {  	p0 =	sne.s32 s0, $0x0;
	s0 =	rddreg [dreg:$0x3]  }
0x1bc: {  	s0 =	sadd.s32 @!p0 $0x100000, s0  }
0x1bd: {  	[sflag:s0] =	ssyncadd.tile.s32 @!p0 $0x1;
	_ =	shalt  }
.Lfunc_end2:
_tile_overlayer_lowered:
.L_overlay_start_2:
0x1be: {  	(tag) =	ssettag $0x2  }
0x1bf: {  	s0 =	rddreg [dreg:$0x0];
	s2 =	stileid.u32  }
0x1c0: {  	s1 =	rddreg [dreg:$0x1];
	p0 =	sne.s32 s2, $0x0  }
0x1c1: {  	s3 =	rddreg [dreg:$0x2];
	[bflag:$0x3] =	sbarrier.arrive $0xFFFF;
	s2 =	simm.s32 @!p0 $0x1C07  }
0x1c2: {  	[timem:s3], [sflag:s2] =	dma.local @!p0 [hbm:s0], s1  }
0x1c3: {  	s0 =	simm.s32 @!p0 $0x7  }
0x1c4: {  	_ =	swait.ge @!p0 [sflag:s0], s1  }
0x1c5: {  	s1 =	ssub.s32 @!p0 $0x0, s1;
	[sflag:s0] =	ssyncset.done @!p0 $0x0  }
0x1c6: {  	[sflag:s0] =	ssyncadd.s32 @!p0 s1  }
0x1c7: {  	[bflag:$0x3] =	sbarrier.arrive $0xFFFF  }
0x1c8: {  	_ =	shalt  }

// kernel: sc_gcn_prop.7.cloned.1.call-start
scs
__scs_entry_jumppad:
0x0: {  	(pc) =	sbr.rel $0x88, $3  }
0x1: {  	(tag) =	ssettag $0x0;
	lr =	simm.s32 $0x1  }
0x2: {  	[smem:$0x3F9B] =	sst lr;
	_ =	strace $0xD0000000  }
0x3: {  	_ = 	snop  }
0x4: {  	_ = 	snop  }
0x5: {  	_ = 	snop  }
0x6: {  	_ = 	snop  }
0x7: {  	_ = 	snop  }
__scs_overlays_trampoline_lowered:
0x8: {  	[smem:$0x3FAA] =	sst s0  }
0x9: {  	[smem:$0x3FAB] =	sst s1  }
0xa: {  	[smem:$0x3FAC] =	sst s2  }
0xb: {  	[smem:$0x3FAD] =	sst s3  }
0xc: {  	[smem:$0x3FAE] =	sst s4  }
0xd: {  	[smem:$0x3FAF] =	sst s5  }
0xe: {  	[smem:$0x3FB0] =	sst s6  }
0xf: {  	[smem:$0x3FB1] =	sst s7  }
0x10: {  	[smem:$0x3FB2] =	sst s8  }
0x11: {  	[smem:$0x3FB3] =	sst s9;
	s0 =	simm.s32 @!p0 $0x0  }
0x12: {  	s1 =	sld [smem:$0x3F99];
	s0 =	simm.s32 @p0 $0x1  }
0x13: {  	[smem:$0x3FB4] =	sst s0;
	s0 =	simm.s32 @!p1 $0x0  }
0x14: {  	s2 =	sld [smem:$0x3F98];
	s0 =	simm.s32 @p1 $0x1  }
0x15: {  	[smem:$0x3FB5] =	sst s0;
	s0 =	simm.s32 @!p2 $0x0  }
0x16: {  	s3 =	sld [smem:$0x3FDB];
	s0 =	simm.s32 @p2 $0x1  }
0x17: {  	s4 =	simm.s32 $0x1BF5;
	[smem:$0x3FB7] =	sst s0  }
0x18: {  	s0 =	sld [smem:$0x3F9A];
	_ =	swait.ge [sflag:s4], $0x0  }
0x19: {  	s7 =	sld [smem:$0x3F9B]  }
0x1a: {  	s8 =	sadd.s32 $0xFFFFE003, lr  }
0x1b: {  	s9 =	sadd.s32 $0xFFFFFEF7, lr;
	s5 =	simm.s32 $0xFFFFFFFF;
	p2 =	slt.u32 s8, $0xFFFFF086  }
0x1c: {  	p1 =	slt.u32 s9, $0xF7A;
	s5 =	simm.s32 @!p2 $0x0  }
0x1d: {  	s5 =	simm.s32 @p1 $0x1;
	p0 =	seq.s32 s7, s2  }
0x1e: {  	s7 =	smul.u32 @!p0 $0xF7A, s2;
	p2 =	seq.s32 @!p0 s5, $0x0  }
0x1f: {  	s9 =	smul.u32 $0xF7A, s1;
	s8 =	simm.s32 @!p0 $0x1BF5;
	p2 =	por !p2, p0  }
0x20: {  	[sflag:s8] =	ssyncset.s32 @!p0 $0xFFFFF086;
	s6 =	sadd.s32 @!p0 s3, s7;
	s7 =	simm.s32 @!p0 $0x108  }
0x21: {  	s3 =	sadd.s32 s3, s9;
	s6 =	sadd.s32 @!p0 $0x88, s6;
	s7 =	simm.s32 @p2 $0x1082  }
0x22: {  	[simem:s7], [sflag:s8] =	dma.local @!p0 [hbm:s6], $0xF7A  }
0x23: {  	s9 =	sor.u32 $0xD0000000, s2;
	s6 =	simm.s32 $0x108;
	_ =	swait.ge @!p0 [sflag:s8], $0x0  }
0x24: {  	s3 =	sadd.s32 $0x88, s3;
	s6 =	simm.s32 @!p1 $0x1082;
	[sflag:s4] =	ssyncset.s32 $0xFFFFF086  }
0x25: {  	[simem:s6], [sflag:s4] =	dma.local [hbm:s3], $0xF7A  }
0x26: {  	[smem:$0x3F9B] =	sst s1;
	(tag) =	ssettag s2;
	_ =	strace s9  }
0x27: {  	s1 =	sld [smem:$0x3FAB]  }
0x28: {  	s2 =	sld [smem:$0x3FAC]  }
0x29: {  	s4 =	sld [smem:$0x3FAE]  }
0x2a: {  	p0 =	seq.s32 s5, $0x0;
	s5 =	sld [smem:$0x3FAF]  }
0x2b: {  	s6 =	sld [smem:$0x3FB0]  }
0x2c: {  	s7 =	sld [smem:$0x3FB1]  }
0x2d: {  	s3 =	simm.s32 $0x108;
	s8 =	sld [smem:$0x3FB2]  }
0x2e: {  	s3 =	simm.s32 @!p0 $0x1082;
	s9 =	sld [smem:$0x3FB3]  }
0x2f: {  	lr =	sadd.s32 s0, s3;
	s0 =	sld [smem:$0x3FAA]  }
0x30: {  	s3 =	sld [smem:$0x3FAD]  }
0x31: {  	[smem:$0x3FB6] =	sst s10  }
0x32: {  	s10 =	sld [smem:$0x3FB4];
	_ =	sdelay $0x3  }
0x33: {  	p0 =	seq.s32 s10, $0x1;
	s10 =	sld [smem:$0x3FB6];
	_ =	sdelay $0x3  }
0x34: {  	[smem:$0x3FB6] =	sst s10  }
0x35: {  	s10 =	sld [smem:$0x3FB5];
	_ =	sdelay $0x3  }
0x36: {  	p1 =	seq.s32 s10, $0x1;
	s10 =	sld [smem:$0x3FB6];
	_ =	sdelay $0x3  }
0x37: {  	[smem:$0x3FB6] =	sst s10  }
0x38: {  	s10 =	sld [smem:$0x3FB7]  }
0x39: {  	_ = 	snop;
	(pc) =	sbr.ind lr, $3  }
0x3a: {  	_ = 	snop  }
0x3b: {  	_ = 	snop  }
0x3c: {  	p2 =	seq.s32 s10, $0x1;
	s10 =	sld [smem:$0x3FB6]  }
0x3d: {  	_ =	shalt  }
0x3e: {  	_ =	shalt  }
0x3f: {  	_ =	shalt  }
0x40: {  	_ =	shalt  }
0x41: {  	_ =	shalt  }
0x42: {  	_ =	shalt  }
0x43: {  	_ =	shalt  }
0x44: {  	_ =	shalt  }
0x45: {  	_ =	shalt  }
0x46: {  	_ =	shalt  }
0x47: {  	_ =	shalt  }
0x48: {  	_ =	shalt  }
0x49: {  	_ =	shalt  }
0x4a: {  	_ =	shalt  }
0x4b: {  	_ =	shalt  }
0x4c: {  	_ =	shalt  }
0x4d: {  	_ =	shalt  }
0x4e: {  	_ =	shalt  }
0x4f: {  	_ =	shalt  }
0x50: {  	_ =	shalt  }
0x51: {  	_ =	shalt  }
0x52: {  	_ =	shalt  }
0x53: {  	_ =	shalt  }
0x54: {  	_ =	shalt  }
0x55: {  	_ =	shalt  }
0x56: {  	_ =	shalt  }
0x57: {  	_ =	shalt  }
0x58: {  	_ =	shalt  }
0x59: {  	_ =	shalt  }
0x5a: {  	_ =	shalt  }
0x5b: {  	_ =	shalt  }
0x5c: {  	_ =	shalt  }
0x5d: {  	_ =	shalt  }
0x5e: {  	_ =	shalt  }
0x5f: {  	_ =	shalt  }
0x60: {  	_ =	shalt  }
0x61: {  	_ =	shalt  }
0x62: {  	_ =	shalt  }
0x63: {  	_ =	shalt  }
0x64: {  	_ =	shalt  }
0x65: {  	_ =	shalt  }
0x66: {  	_ =	shalt  }
0x67: {  	_ =	shalt  }
0x68: {  	_ =	shalt  }
0x69: {  	_ =	shalt  }
0x6a: {  	_ =	shalt  }
0x6b: {  	_ =	shalt  }
0x6c: {  	_ =	shalt  }
0x6d: {  	_ =	shalt  }
0x6e: {  	_ =	shalt  }
0x6f: {  	_ =	shalt  }
0x70: {  	_ =	shalt  }
0x71: {  	_ =	shalt  }
0x72: {  	_ =	shalt  }
0x73: {  	_ =	shalt  }
0x74: {  	_ =	shalt  }
0x75: {  	_ =	shalt  }
0x76: {  	_ =	shalt  }
0x77: {  	_ =	shalt  }
0x78: {  	_ =	shalt  }
0x79: {  	_ =	shalt  }
0x7a: {  	_ =	shalt  }
0x7b: {  	_ =	shalt  }
0x7c: {  	_ =	shalt  }
0x7d: {  	_ =	shalt  }
0x7e: {  	_ =	shalt  }
0x7f: {  	_ =	shalt  }
0x80: {  	_ =	shalt  }
0x81: {  	_ =	shalt  }
0x82: {  	_ =	shalt  }
0x83: {  	_ =	shalt  }
0x84: {  	_ =	shalt  }
0x85: {  	_ =	shalt  }
0x86: {  	_ =	shalt  }
0x87: {  	_ =	shalt  }
.Lfunc_end0:
.L_simem_size_0:
called_computation.2_lowered:
.L_overlay_start_0:
0x88: {  	s2 =	sld [smem:$0x3FD9]  }
0x89: {  	s3 =	sld [smem:$0x3FFE];
	_ =	sdelay $0x1  }
0x8a: {  	s1 =	srdreg.scid  }
0x8b: {  	s0 =	sand.u32 $0x1, s1  }
0x8c: {  	s17 =	sshll.u32 s0, $0xA;
	s2 =	sadd.s32 s3, s2  }
0x8d: {  	s2 =	sadd.s32 s2, s17  }
0x8e: {  	[smem:$0x3FC2] =	sst s2  }
0x8f: {  	_ = 	snop  }
0x90: {  	s2 =	sld [smem:$0x3FD0];
	(tm) =	ssettm $0x1  }
0x91: {  	s18 =	sld [smem:$0x3FFB];
	_ =	sdelay $0x3  }
0x92: {  	_ =	strace s18  }
0x93: {  	s3 =	sld [smem:$0x3FFC];
	_ =	sdelay $0x3  }
0x94: {  	_ =	strace s3  }
0x95: {  	s3 =	sld [smem:$0x3FFD];
	_ =	sdelay $0x3  }
0x96: {  	_ =	strace s3  }
0x97: {  	_ =	strace $0x8FFFFFFF  }
0x98: {  	s19 =	sld [smem:$0x3FDB];
	_ =	sdelay $0x1  }
0x99: {  	s4 =	simm.s32 $_scs_section_size  }
0x9a: {  	s5 =	simm.s32 $_size__tile_overlayer_lowered;
	s6 =	simm.s32 $_tile_overlayer_lowered  }
0x9b: {  	s22 =	simm.s32 $0x1BFF;
	s21 =	sshll.u32 s6, $0x1;
	s3 =	sadd.s32 s4, s19  }
0x9c: {  	s7 =	simm.s32 $0x0;
	s20 =	sshll.u32 s5, $0x1;
	s5 =	sadd.s32 s21, s3  }
0x9d: {  	[timem:s7], [sflag:s22] =	dma.local [hbm:s5], s20  }
0x9e: {  	_ =	swait.ge [sflag:s22], s20  }
0x9f: {  	s4 =	ssub.s32 $0x0, s20;
	[sflag:s22] =	ssyncset.done $0x0  }
0xa0: {  	[sflag:s22] =	ssyncadd.s32 s4;
	_ =	sdelay $0x1  }
0xa1: {  	s23 =	simm.s32 $0x1B8B  }
0xa2: {  	_ =	swait.ge [sflag:s23], $0x1  }
0xa3: {  	[sflag:s23] =	ssyncset.done $0x0  }
0xa4: {  	s25 =	simm.s32 $0x1B8E;
	s24 =	sld [smem:$0x3FFE];
	[sflag:s23] =	ssyncadd.s32 $0xFFFFFFFF  }
0xa5: {  	s26 =	simm.s32 $execute0_lowered;
	[smem:$0x3FD2] =	sst s25  }
0xa6: {  	s5 =	sshll.u32 s26, $0x1;
	_ =	strace $0x8000004C;
	[dreg:$0x1] =	wrdreg $0xFFFFFFFF  }
0xa7: {  	s28 =	simm.s32 $_size_execute0_lowered;
	s3 =	sadd.s32 s3, s5;
	[dreg:$0x0] =	wrdreg $0x0  }
0xa8: {  	s5 =	sshll.u32 s28, $0x1;
	[dreg:$0x2] =	wrdreg s3  }
0xa9: {  	[dreg:$0x3] =	wrdreg s5  }
0xaa: {  	[dreg:$0x4] =	wrdreg $0xC0  }
0xab: {  	_ =	task [dreg:s7], $0x5FFFF  }
0xac: {  	[dreg:$0x1] =	wrdreg $0xFFFFFFFF  }
0xad: {  	[dreg:$0x0] =	wrdreg $0x60  }
0xae: {  	[dreg:$0x2] =	wrdreg s2  }
0xaf: {  	[dreg:$0x3] =	wrdreg s24  }
0xb0: {  	[dreg:$0x4] =	wrdreg $0xBB000  }
0xb1: {  	[dreg:$0x5] =	wrdreg $0x9  }
0xb2: {  	_ =	task.clear_ibuf [dreg:s7], $0x6FFFF;
	_ =	strace $0x9000004C  }
0xb3: {  	s29 =	simm.s32 $0x9;
	_ =	strace $0x8000004E  }
0xb4: {  	_ =	swait.ge [sflag:s29], $0x1  }
0xb5: {  	[sflag:s29] =	ssyncadd.s32 $0xFFFFFFFF  }
0xb6: {  	_ =	strace $0x9000004E  }
0xb7: {  	_ =	sfence  }
0xb8: {  	s30 =	sld [smem:$0x0];
	_ =	sdelay $0x2  }
0xb9: {  	s31 =	sshll.u32 s1, $0xD;
	s1 =	sshrl.u32 s1, $0x2  }
0xba: {  	s3 =	sand.u32 $0x4000, s31;
	s1 =	sadd.s32 s1, s30  }
0xbb: {  	s0 =	sor.u32 s3, s0;
	s1 =	sshll.u32 s1, $0x11  }
0xbc: {  	s0 =	sor.u32 s1, s0  }
0xbd: {  	s0 =	sadd.s32 $0x8F2B, s0  }
0xbe: {  	[sflag:s0] =	ssyncadd.remote.s32 $0x1  }
0xbf: {  	_ =	sfence.sel $0xFFFF  }
0xc0: {  	[dreg:$0x0] =	wrdreg $0xFFFFFFFF;
	(pc) =	sbr.abs _section_cstart, $3  }
0xc1: {  	[dreg:$0x1] =	wrdreg $0xFFFFFFFF  }
0xc2: {  	_ =	task.clear_ibuf [dreg:s7], $0x2FFFF;
	_ =	strace $0x9FFFFFFF  }
0xc3: {  	(tm) =	ssettm $0x7FFFFFFF  }
tec
execute0_lowered:
.L_overlay_start_1:
0x0: {  	(tag) =	ssettag $0x1  }
0x1: {  	s1 =	rddreg [dreg:$0x0]  }
0x2: {  	s0 =	rddreg [dreg:$0x1]  }
0x3: {  	s2 =	rddreg [dreg:$0x2];
	s4 =	simm.s32 $0x0  }
0x4: {  	s3 =	srdreg.scid;
	s9 =	stileid.u32;
	s28 =	simm.s32 $0x4080  }
0x5: {  	s29 =	simm.s32 $0x6B00;
	s30 =	simm.s32 $0x1;
	s31 =	simm.s32 $0x4180  }
0x6: {  	[smem:$0x7FF] =	sst s4;
	s3 =	sand.u32 $0x1, s3;
	s8 =	smul.u32 $0x50000, s9  }
0x7: {  	s5 =	sshll.u32 s9, $0xB;
	s14 =	smul.u32 $0x14000, s9;
	_ =	strace $0x8000004D  }
0x8: {  	s6 =	ssub.s32 $0x2, s3;
	s5 =	sadd.s32 s5, s0;
	s0 =	sadd.s32 $0x13600, s0  }
0x9: {  	s20 =	sshll.u32 s3, $0xF;
	s3 =	smul.u32 $0x140000, s3;
	s7 =	sshrl.u32 s6, $0x1  }
0xa: {  	s5 =	sadd.s32 s20, s5;
	s21 =	sshrl.u32 s8, $0x2;
	s24 =	sor.u32 $0x2800, s14  }
0xb: {  	s25 =	sadd.s32 $0x5000, s14;
	s15 =	sadd.s32 $0x7800, s14;
	s16 =	sadd.s32 $0xA000, s14  }
0xc: {  	s17 =	sadd.s32 $0xC800, s14;
	s18 =	sadd.s32 $0xF000, s14;
	s20 =	sadd.s32 $0x11800, s14  }
0xd: {  	s7 =	ssub.s32 s6, s7;
	s5 =	sadd.s32 $0x3600, s5;
	s22 =	sadd.s32 s21, s2  }
0xe: {  	s8 =	sadd.s32 s24, s2;
	s9 =	sadd.s32 s25, s2;
	s10 =	sadd.s32 s15, s2  }
0xf: {  	s11 =	sadd.s32 s16, s2;
	s12 =	sadd.s32 s17, s2;
	s13 =	sadd.s32 s18, s2  }
0x10: {  	s19 =	sadd.s32 s3, s14;
	s14 =	sadd.s32 s20, s2;
	[dreg:$0x4] =	wrdreg s5  }
0x11: {  	s21 =	sadd.s32 s3, s16;
	s16 =	simm.s32 $0x3;
	[dreg:$0x5] =	wrdreg s22  }
0x12: {  	s23 =	smax.u32 s7, $0x1;
	s5 =	sadd.s32 s3, s24;
	s19 =	sshrl.u32 s19, $0x3  }
0x13: {  	s7 =	sadd.s32 s3, s25;
	s24 =	sadd.s32 s3, s17;
	s25 =	sadd.s32 s3, s18  }
0x14: {  	s17 =	simm.s32 $0x4280;
	s18 =	simm.s32 $0x5;
	[dreg:$0x6] =	wrdreg s23  }
0x15: {  	s5 =	sshrl.u32 s5, $0x3;
	s26 =	sadd.s32 s0, s19;
	s19 =	sadd.s32 s3, s15  }
0x16: {  	s15 =	sshrl.u32 s21, $0x3;
	s3 =	sadd.s32 s3, s20;
	s20 =	simm.s32 $0x0  }
0x17: {  	[dreg:$0x7] =	wrdreg s26;
	s5 =	sadd.s32 s0, s5;
	s23 =	sadd.s32 s0, s15  }
0x18: {  	s3 =	sshrl.u32 s3, $0x3;
	s15 =	simm.s32 $0x4;
	[dreg:$0x8] =	wrdreg s5  }
0x19: {  	s5 =	sshrl.u32 s7, $0x3;
	s7 =	sshrl.u32 s19, $0x3;
	[dreg:$0xb] =	wrdreg s23  }
0x1a: {  	s23 =	simm.s32 $0x7;
	s19 =	simm.s32 $0x6;
	s5 =	sadd.s32 s0, s5  }
0x1b: {  	s22 =	sadd.s32 s0, s7;
	s7 =	sshrl.u32 s25, $0x3;
	[dreg:$0x9] =	wrdreg s5  }
0x1c: {  	s25 =	simm.s32 $0x50;
	[dreg:$0xa] =	wrdreg s22;
	s5 =	sshrl.u32 s24, $0x3  }
0x1d: {  	s26 =	sadd.s32 s0, s7;
	s24 =	simm.s32 $0x4300;
	s7 =	simm.s32 $0x4200  }
0x1e: {  	s5 =	sadd.s32 s0, s5;
	[dreg:$0xd] =	wrdreg s26;
	s0 =	sadd.s32 s0, s3  }
0x1f: {  	s26 =	simm.s32 $0x4000;
	s3 =	simm.s32 $0x9300;
	[dreg:$0xc] =	wrdreg s5  }
0x20: {  	v0 =	vimm.f32 $0.0e+00;
	[dreg:$0xe] =	wrdreg s0;
	s0 =	simm.s32 $0x4100;
	s5 =	simm.s32 $0x2  }
.LBB2_1:
0x21: {  	s21 =	simm.s32 $0x0;
	s22 =	simm.s32 $0x200  }
.LBB2_2:
0x22: {  	p0 =	sne.s32 s22, $0x9E00;
	[tilespmem:s21+$0x4370] =	vst v0  }
0x23: {  	[tilespmem:s21+$0x4300] =	vst v0  }
0x24: {  	[tilespmem:s21+$0x4310] =	vst v0  }
.Ltmp0:
0x25: {  	[tilespmem:s21+$0x4320] =	vst v0;
	(pc) =	sbr.rel @p0 .LBB2_2-.Ltmp0, $4  }
0x26: {  	[tilespmem:s21+$0x4330] =	vst v0  }
0x27: {  	[tilespmem:s21+$0x4340] =	vst v0  }
0x28: {  	[tilespmem:s21+$0x4350] =	vst v0  }
0x29: {  	[tilespmem:s21+$0x4360] =	vst v0;
	s21 =	sshra.s32 s22, $0x2;
	s22 =	sadd.s32 $0x200, s22  }
0x2a: {  	[tilespmem:s21+$0x4370] =	vst v0  }
0x2b: {  	[tilespmem:s21+$0x4300] =	vst v0  }
0x2c: {  	[tilespmem:s21+$0x4310] =	vst v0  }
0x2d: {  	[tilespmem:s21+$0x4320] =	vst v0  }
0x2e: {  	[tilespmem:s21+$0x4330] =	vst v0  }
0x2f: {  	[tilespmem:s21+$0x4340] =	vst v0  }
0x30: {  	[tilespmem:s21+$0x4350] =	vst v0  }
0x31: {  	[tilespmem:s21+$0x4360] =	vst v0;
	s6 =	rddreg [dreg:$0x4]  }
0x32: {  	[tilespmem:s4], [sflag:$0x7] =	stream.linear.gather [hbm4b:s6+s4], $0x3E80, $0x38;
	[tilespmem:$0x1FB00] =	vst v63  }
0x33: {  	_ =	swait.ge [sflag:s23], $0x3E80  }
0x34: {  	[sflag:s23] =	ssyncset.done $0x0  }
0x35: {  	s22 =	rddreg [dreg:$0x5];
	[sflag:s23] =	ssyncadd.s32 $0xFFFFC180  }
0x36: {  	[spmem:s22] =	stream.linear.scatter [tilespmem:s24], [sflag:$0x7], $0x2800, $0x38;
	[tilespmem:$0x1FB00] =	vst v63  }
0x37: {  	_ =	swait.ge [sflag:s23], $0x2800  }
0x38: {  	[sflag:s23] =	ssyncset.done $0x0  }
0x39: {  	[sflag:s23] =	ssyncadd.s32 $0xFFFFD800  }
0x3a: {  	[spmem:s8] =	stream.linear.scatter [tilespmem:s24], [sflag:$0x7], $0x2800, $0x38;
	[tilespmem:$0x1FB00] =	vst v63  }
0x3b: {  	_ =	swait.ge [sflag:s23], $0x2800  }
0x3c: {  	[sflag:s23] =	ssyncset.done $0x0  }
0x3d: {  	[sflag:s23] =	ssyncadd.s32 $0xFFFFD800  }
0x3e: {  	[spmem:s9] =	stream.linear.scatter [tilespmem:s24], [sflag:$0x7], $0x2800, $0x38;
	[tilespmem:$0x1FB00] =	vst v63  }
0x3f: {  	_ =	swait.ge [sflag:s23], $0x2800  }
0x40: {  	[sflag:s23] =	ssyncset.done $0x0  }
0x41: {  	[sflag:s23] =	ssyncadd.s32 $0xFFFFD800  }
0x42: {  	[spmem:s10] =	stream.linear.scatter [tilespmem:s24], [sflag:$0x7], $0x2800, $0x38;
	[tilespmem:$0x1FB00] =	vst v63  }
0x43: {  	_ =	swait.ge [sflag:s23], $0x2800  }
0x44: {  	[sflag:s23] =	ssyncset.done $0x0  }
0x45: {  	[sflag:s23] =	ssyncadd.s32 $0xFFFFD800  }
0x46: {  	[spmem:s11] =	stream.linear.scatter [tilespmem:s24], [sflag:$0x7], $0x2800, $0x38;
	[tilespmem:$0x1FB00] =	vst v63  }
0x47: {  	_ =	swait.ge [sflag:s23], $0x2800  }
0x48: {  	[sflag:s23] =	ssyncset.done $0x0  }
0x49: {  	[sflag:s23] =	ssyncadd.s32 $0xFFFFD800  }
0x4a: {  	[spmem:s12] =	stream.linear.scatter [tilespmem:s24], [sflag:$0x7], $0x2800, $0x38;
	[tilespmem:$0x1FB00] =	vst v63  }
0x4b: {  	_ =	swait.ge [sflag:s23], $0x2800  }
0x4c: {  	[sflag:s23] =	ssyncset.done $0x0  }
0x4d: {  	[sflag:s23] =	ssyncadd.s32 $0xFFFFD800  }
0x4e: {  	[spmem:s13] =	stream.linear.scatter [tilespmem:s24], [sflag:$0x7], $0x2800, $0x38;
	[tilespmem:$0x1FB00] =	vst v63  }
0x4f: {  	_ =	swait.ge [sflag:s23], $0x2800  }
0x50: {  	[sflag:s23] =	ssyncset.done $0x0  }
0x51: {  	[sflag:s23] =	ssyncadd.s32 $0xFFFFD800  }
0x52: {  	[spmem:s14] =	stream.linear.scatter [tilespmem:s24], [sflag:$0x7], $0x2800, $0x38;
	[tilespmem:$0x1FB00] =	vst v63  }
0x53: {  	_ =	swait.ge [sflag:s23], $0x2800  }
0x54: {  	[sflag:s23] =	ssyncset.done $0x0  }
0x55: {  	[sflag:s23] =	ssyncadd.s32 $0xFFFFD800  }
0x56: {  	[bflag:$0x0] =	sbarrier.arrive $0xFFFF  }
0x57: {  	v1 =	vld [tilespmem:$0x0];
	_ =	sdelay $0x1  }
0x58: {  	v2 =	vld [tilespmem:$0x10];
	_ =	sdelay $0x1  }
0x59: {  	v3 =	vld [tilespmem:$0x20]  }
0x5a: {  	v4 =	vand.u32 $0xFFFF, v1  }
0x5b: {  	v59 =	vld [tilespmem:$0x30];
	v1 =	vshra.s32 v1, $0x10;
	[tilespmem:$0x4000] =	vst v4  }
0x5c: {  	[tilespmem:$0x4180] =	vst v1;
	v1 =	vand.u32 $0xFFFF, v2  }
0x5d: {  	[tilespmem:$0x4010] =	vst v1;
	v1 =	vshra.s32 v2, $0x10;
	v2 =	vld [tilespmem:$0x40]  }
0x5e: {  	[tilespmem:$0x4190] =	vst v1;
	v1 =	vand.u32 $0xFFFF, v3  }
0x5f: {  	[tilespmem:$0x4020] =	vst v1;
	v1 =	vshra.s32 v3, $0x10  }
0x60: {  	[tilespmem:$0x41A0] =	vst v1;
	v1 =	vand.u32 $0xFFFF, v59  }
0x61: {  	[tilespmem:$0x4030] =	vst v1;
	v1 =	vshra.s32 v59, $0x10  }
0x62: {  	[tilespmem:$0x41B0] =	vst v1;
	v1 =	vand.u32 $0xFFFF, v2  }
0x63: {  	[tilespmem:$0x4040] =	vst v1;
	v1 =	vshra.s32 v2, $0x10  }
0x64: {  	[tilespmem:$0x41C0] =	vst v1  }
0x65: {  	[tilespmem:s24], [sflag:$0x1] =	stream.indirect.gather [hbm4b:s1+s25], $0x80, s26, s25, $0xb8;
	[tilespmem:$0x1FB00] =	vst v63  }
0x66: {  	v1 =	vld [tilespmem:$0x80];
	_ =	sdelay $0x1  }
0x67: {  	v2 =	vld [tilespmem:$0x90];
	_ =	sdelay $0x1  }
0x68: {  	v3 =	vld [tilespmem:$0xA0]  }
0x69: {  	v60 =	vand.u32 $0xFFFF, v1  }
0x6a: {  	v61 =	vld [tilespmem:$0xB0];
	v1 =	vshra.s32 v1, $0x10;
	[tilespmem:$0x4080] =	vst v60  }
0x6b: {  	[tilespmem:$0x4200] =	vst v1;
	v1 =	vand.u32 $0xFFFF, v2  }
0x6c: {  	[tilespmem:$0x4090] =	vst v1;
	v1 =	vshra.s32 v2, $0x10;
	v2 =	vld [tilespmem:$0xC0]  }
0x6d: {  	[tilespmem:$0x4210] =	vst v1;
	v1 =	vand.u32 $0xFFFF, v3  }
0x6e: {  	[tilespmem:$0x40A0] =	vst v1;
	v1 =	vshra.s32 v3, $0x10  }
0x6f: {  	[tilespmem:$0x4220] =	vst v1;
	v1 =	vand.u32 $0xFFFF, v61  }
0x70: {  	[tilespmem:$0x40B0] =	vst v1;
	v1 =	vshra.s32 v61, $0x10  }
0x71: {  	[tilespmem:$0x4230] =	vst v1;
	v1 =	vand.u32 $0xFFFF, v2  }
0x72: {  	[tilespmem:$0x40C0] =	vst v1;
	v1 =	vshra.s32 v2, $0x10  }
0x73: {  	[tilespmem:$0x4240] =	vst v1  }
0x74: {  	[tilespmem:s29], [sflag:$0x2] =	stream.indirect.gather [hbm4b:s1+s25], $0x80, s28, s25, $0xb8;
	[tilespmem:$0x1FB00] =	vst v63  }
0x75: {  	_ =	swait.ge [sflag:s30], $0x2800  }
0x76: {  	[sflag:s30] =	ssyncset.done $0x0  }
0x77: {  	[sflag:s30] =	ssyncadd.s32 $0xFFFFD800  }
0x78: {  	[spmem:s2] =	stream.indirect.scatter.add.f32 [tilespmem:s24], [sflag:$0x4], $0x80, s31, s25, $0xb8;
	[tilespmem:$0x1FB00] =	vst v63  }
0x79: {  	v1 =	vld [tilespmem:$0x100];
	_ =	sdelay $0x1  }
0x7a: {  	v2 =	vld [tilespmem:$0x110];
	_ =	sdelay $0x1  }
0x7b: {  	v3 =	vld [tilespmem:$0x120]  }
0x7c: {  	v62 =	vand.u32 $0xFFFF, v1  }
0x7d: {  	v63 =	vld [tilespmem:$0x130];
	v1 =	vshra.s32 v1, $0x10;
	[tilespmem:$0x4100] =	vst v62  }
0x7e: {  	[tilespmem:$0x4280] =	vst v1;
	v1 =	vand.u32 $0xFFFF, v2  }
0x7f: {  	[tilespmem:$0x4110] =	vst v1;
	v1 =	vshra.s32 v2, $0x10;
	v2 =	vld [tilespmem:$0x140]  }
0x80: {  	[tilespmem:$0x4290] =	vst v1;
	v1 =	vand.u32 $0xFFFF, v3  }
0x81: {  	[tilespmem:$0x4120] =	vst v1;
	v1 =	vshra.s32 v3, $0x10  }
0x82: {  	[tilespmem:$0x42A0] =	vst v1;
	v1 =	vand.u32 $0xFFFF, v63  }
0x83: {  	[tilespmem:$0x4130] =	vst v1;
	v1 =	vshra.s32 v63, $0x10  }
0x84: {  	[tilespmem:$0x42B0] =	vst v1;
	v1 =	vand.u32 $0xFFFF, v2  }
0x85: {  	[tilespmem:$0x4140] =	vst v1;
	v1 =	vshra.s32 v2, $0x10  }
0x86: {  	[tilespmem:$0x42C0] =	vst v1  }
0x87: {  	[tilespmem:s3], [sflag:$0x3] =	stream.indirect.gather [hbm4b:s1+s25], $0x80, s0, s25, $0xb8;
	[tilespmem:$0x1FB00] =	vst v63  }
0x88: {  	_ =	swait.ge [sflag:s5], $0x2800  }
0x89: {  	[sflag:s5] =	ssyncset.done $0x0  }
0x8a: {  	[sflag:s5] =	ssyncadd.s32 $0xFFFFD800  }
0x8b: {  	[spmem:s2] =	stream.indirect.scatter.add.f32 [tilespmem:s29], [sflag:$0x5], $0x80, s7, s25, $0xb8;
	[tilespmem:$0x1FB00] =	vst v63  }
0x8c: {  	_ =	swait.ge [sflag:s15], $0x2800  }
0x8d: {  	[sflag:s15] =	ssyncset.done $0x0  }
0x8e: {  	s21 =	simm.s32 $0x2C0;
	[sflag:s15] =	ssyncadd.s32 $0xFFFFD800  }
0x8f: {  	v1 =	vld [tilespmem:s21+$0xFFFFFEC0];
	_ =	sdelay $0x4  }
0x90: {  	v2 =	vand.u32 $0xFFFF, v1  }
0x91: {  	v1 =	vshra.s32 v1, $0x10;
	[tilespmem:$0x4000] =	vst v2  }
0x92: {  	[tilespmem:$0x4180] =	vst v1  }
0x93: {  	v1 =	vld [tilespmem:s21+$0xFFFFFED0];
	_ =	sdelay $0x4  }
0x94: {  	v2 =	vand.u32 $0xFFFF, v1  }
0x95: {  	v1 =	vshra.s32 v1, $0x10;
	[tilespmem:$0x4010] =	vst v2  }
0x96: {  	[tilespmem:$0x4190] =	vst v1  }
0x97: {  	v1 =	vld [tilespmem:s21+$0xFFFFFEE0];
	_ =	sdelay $0x4  }
0x98: {  	v2 =	vand.u32 $0xFFFF, v1  }
0x99: {  	v1 =	vshra.s32 v1, $0x10;
	[tilespmem:$0x4020] =	vst v2  }
0x9a: {  	[tilespmem:$0x41A0] =	vst v1  }
0x9b: {  	v1 =	vld [tilespmem:s21+$0xFFFFFEF0];
	_ =	sdelay $0x4  }
0x9c: {  	v2 =	vand.u32 $0xFFFF, v1  }
0x9d: {  	v1 =	vshra.s32 v1, $0x10;
	[tilespmem:$0x4030] =	vst v2  }
0x9e: {  	[tilespmem:$0x41B0] =	vst v1  }
0x9f: {  	v1 =	vld [tilespmem:s21+$0xFFFFFF00];
	_ =	sdelay $0x4  }
0xa0: {  	v2 =	vand.u32 $0xFFFF, v1  }
0xa1: {  	v1 =	vshra.s32 v1, $0x10;
	[tilespmem:$0x4040] =	vst v2  }
0xa2: {  	[tilespmem:$0x41C0] =	vst v1  }
0xa3: {  	[tilespmem:s24], [sflag:$0x1] =	stream.indirect.gather [hbm4b:s1+s25], $0x80, s26, s25, $0xb8;
	[tilespmem:$0x1FB00] =	vst v63  }
0xa4: {  	_ =	swait.ge [sflag:s16], $0x2800  }
0xa5: {  	[sflag:s16] =	ssyncset.done $0x0  }
0xa6: {  	[sflag:s16] =	ssyncadd.s32 $0xFFFFD800  }
0xa7: {  	[spmem:s2] =	stream.indirect.scatter.add.f32 [tilespmem:s3], [sflag:$0x6], $0x80, s17, s25, $0xb8;
	[tilespmem:$0x1FB00] =	vst v63  }
0xa8: {  	_ =	swait.ge [sflag:s18], $0x2800  }
0xa9: {  	[sflag:s18] =	ssyncset.done $0x0  }
0xaa: {  	[sflag:s18] =	ssyncadd.s32 $0xFFFFD800  }
0xab: {  	v1 =	vld [tilespmem:s21+$0xFFFFFF40];
	_ =	sdelay $0x4  }
0xac: {  	v2 =	vand.u32 $0xFFFF, v1  }
0xad: {  	v1 =	vshra.s32 v1, $0x10;
	[tilespmem:$0x4080] =	vst v2  }
0xae: {  	[tilespmem:$0x4200] =	vst v1  }
0xaf: {  	v1 =	vld [tilespmem:s21+$0xFFFFFF50];
	_ =	sdelay $0x4  }
0xb0: {  	v2 =	vand.u32 $0xFFFF, v1  }
0xb1: {  	v1 =	vshra.s32 v1, $0x10;
	[tilespmem:$0x4090] =	vst v2  }
0xb2: {  	[tilespmem:$0x4210] =	vst v1  }
0xb3: {  	v1 =	vld [tilespmem:s21+$0xFFFFFF60];
	_ =	sdelay $0x4  }
0xb4: {  	v2 =	vand.u32 $0xFFFF, v1  }
0xb5: {  	v1 =	vshra.s32 v1, $0x10;
	[tilespmem:$0x40A0] =	vst v2  }
0xb6: {  	[tilespmem:$0x4220] =	vst v1  }
0xb7: {  	v1 =	vld [tilespmem:s21+$0xFFFFFF70];
	_ =	sdelay $0x4  }
0xb8: {  	v2 =	vand.u32 $0xFFFF, v1  }
0xb9: {  	v1 =	vshra.s32 v1, $0x10;
	[tilespmem:$0x40B0] =	vst v2  }
0xba: {  	[tilespmem:$0x4230] =	vst v1  }
0xbb: {  	v1 =	vld [tilespmem:s21+$0xFFFFFF80];
	_ =	sdelay $0x4  }
0xbc: {  	v2 =	vand.u32 $0xFFFF, v1  }
0xbd: {  	v1 =	vshra.s32 v1, $0x10;
	[tilespmem:$0x40C0] =	vst v2  }
0xbe: {  	[tilespmem:$0x4240] =	vst v1  }
0xbf: {  	[tilespmem:s29], [sflag:$0x2] =	stream.indirect.gather [hbm4b:s1+s25], $0x80, s28, s25, $0xb8;
	[tilespmem:$0x1FB00] =	vst v63  }
0xc0: {  	_ =	swait.ge [sflag:s30], $0x2800  }
0xc1: {  	[sflag:s30] =	ssyncset.done $0x0  }
0xc2: {  	[sflag:s30] =	ssyncadd.s32 $0xFFFFD800  }
0xc3: {  	[spmem:s2] =	stream.indirect.scatter.add.f32 [tilespmem:s24], [sflag:$0x4], $0x80, s31, s25, $0xb8;
	[tilespmem:$0x1FB00] =	vst v63  }
0xc4: {  	_ =	swait.ge [sflag:s19], $0x2800  }
0xc5: {  	[sflag:s19] =	ssyncset.done $0x0  }
0xc6: {  	[sflag:s19] =	ssyncadd.s32 $0xFFFFD800  }
0xc7: {  	v1 =	vld [tilespmem:s21+$0xFFFFFFC0];
	_ =	sdelay $0x4  }
0xc8: {  	v2 =	vand.u32 $0xFFFF, v1  }
0xc9: {  	v1 =	vshra.s32 v1, $0x10;
	[tilespmem:$0x4100] =	vst v2  }
0xca: {  	[tilespmem:$0x4280] =	vst v1  }
0xcb: {  	v1 =	vld [tilespmem:s21+$0xFFFFFFD0];
	_ =	sdelay $0x4  }
0xcc: {  	v2 =	vand.u32 $0xFFFF, v1  }
0xcd: {  	v1 =	vshra.s32 v1, $0x10;
	[tilespmem:$0x4110] =	vst v2  }
0xce: {  	[tilespmem:$0x4290] =	vst v1  }
0xcf: {  	v1 =	vld [tilespmem:s21+$0xFFFFFFE0];
	_ =	sdelay $0x4  }
0xd0: {  	v2 =	vand.u32 $0xFFFF, v1  }
0xd1: {  	v1 =	vshra.s32 v1, $0x10;
	[tilespmem:$0x4120] =	vst v2  }
0xd2: {  	[tilespmem:$0x42A0] =	vst v1  }
0xd3: {  	s22 =	simm.s32 $0x1100;
	v1 =	vld [tilespmem:s21+$0xFFFFFFF0]  }
.LBB2_4:
0xd4: {  	p0 =	sne.s32 s22, $0xF500;
	s6 =	smov.u32 s22;
	s22 =	sadd.s32 $0x600, s22  }
0xd5: {  	_ =	sdelay $0x2  }
0xd6: {  	v2 =	vand.u32 $0xFFFF, v1;
	v1 =	vshra.s32 v1, $0x10  }
0xd7: {  	[tilespmem:$0x4130] =	vst v2  }
0xd8: {  	[tilespmem:$0x42B0] =	vst v1  }
0xd9: {  	v1 =	vld [tilespmem:s21+$0x0];
	_ =	sdelay $0x4  }
0xda: {  	v2 =	vand.u32 $0xFFFF, v1;
	v1 =	vshra.s32 v1, $0x10  }
0xdb: {  	[tilespmem:$0x4140] =	vst v2  }
0xdc: {  	[tilespmem:$0x42C0] =	vst v1  }
0xdd: {  	[tilespmem:s3], [sflag:$0x3] =	stream.indirect.gather [hbm4b:s1+s25], $0x80, s0, s25, $0xb8;
	[tilespmem:$0x1FB00] =	vst v63  }
0xde: {  	_ =	swait.ge [sflag:s5], $0x2800  }
0xdf: {  	[sflag:s5] =	ssyncset.done $0x0  }
0xe0: {  	[sflag:s5] =	ssyncadd.s32 $0xFFFFD800  }
0xe1: {  	[spmem:s2] =	stream.indirect.scatter.add.f32 [tilespmem:s29], [sflag:$0x5], $0x80, s7, s25, $0xb8;
	[tilespmem:$0x1FB00] =	vst v63  }
0xe2: {  	_ =	swait.ge [sflag:s15], $0x2800  }
0xe3: {  	[sflag:s15] =	ssyncset.done $0x0  }
0xe4: {  	s21 =	sshra.s32 s6, $0x2;
	[sflag:s15] =	ssyncadd.s32 $0xFFFFD800  }
0xe5: {  	v1 =	vld [tilespmem:s21+$0xFFFFFEC0];
	_ =	sdelay $0x4  }
0xe6: {  	v2 =	vand.u32 $0xFFFF, v1;
	v1 =	vshra.s32 v1, $0x10  }
0xe7: {  	[tilespmem:$0x4000] =	vst v2  }
0xe8: {  	[tilespmem:$0x4180] =	vst v1  }
0xe9: {  	v1 =	vld [tilespmem:s21+$0xFFFFFED0];
	_ =	sdelay $0x4  }
0xea: {  	v2 =	vand.u32 $0xFFFF, v1;
	v1 =	vshra.s32 v1, $0x10  }
0xeb: {  	[tilespmem:$0x4010] =	vst v2  }
0xec: {  	[tilespmem:$0x4190] =	vst v1  }
0xed: {  	v1 =	vld [tilespmem:s21+$0xFFFFFEE0];
	_ =	sdelay $0x4  }
0xee: {  	v2 =	vand.u32 $0xFFFF, v1;
	v1 =	vshra.s32 v1, $0x10  }
0xef: {  	[tilespmem:$0x4020] =	vst v2  }
0xf0: {  	[tilespmem:$0x41A0] =	vst v1  }
0xf1: {  	v1 =	vld [tilespmem:s21+$0xFFFFFEF0];
	_ =	sdelay $0x4  }
0xf2: {  	v2 =	vand.u32 $0xFFFF, v1;
	v1 =	vshra.s32 v1, $0x10  }
0xf3: {  	[tilespmem:$0x4030] =	vst v2  }
0xf4: {  	[tilespmem:$0x41B0] =	vst v1  }
0xf5: {  	v1 =	vld [tilespmem:s21+$0xFFFFFF00];
	_ =	sdelay $0x4  }
0xf6: {  	v2 =	vand.u32 $0xFFFF, v1;
	v1 =	vshra.s32 v1, $0x10  }
0xf7: {  	[tilespmem:$0x4040] =	vst v2  }
0xf8: {  	[tilespmem:$0x41C0] =	vst v1  }
0xf9: {  	[tilespmem:s24], [sflag:$0x1] =	stream.indirect.gather [hbm4b:s1+s25], $0x80, s26, s25, $0xb8;
	[tilespmem:$0x1FB00] =	vst v63  }
0xfa: {  	_ =	swait.ge [sflag:s16], $0x2800  }
0xfb: {  	[sflag:s16] =	ssyncset.done $0x0  }
0xfc: {  	[sflag:s16] =	ssyncadd.s32 $0xFFFFD800  }
0xfd: {  	[spmem:s2] =	stream.indirect.scatter.add.f32 [tilespmem:s3], [sflag:$0x6], $0x80, s17, s25, $0xb8;
	[tilespmem:$0x1FB00] =	vst v63  }
0xfe: {  	_ =	swait.ge [sflag:s18], $0x2800  }
0xff: {  	[sflag:s18] =	ssyncset.done $0x0  }
0x100: {  	[sflag:s18] =	ssyncadd.s32 $0xFFFFD800  }
0x101: {  	v1 =	vld [tilespmem:s21+$0xFFFFFF40];
	_ =	sdelay $0x4  }
0x102: {  	v2 =	vand.u32 $0xFFFF, v1;
	v1 =	vshra.s32 v1, $0x10  }
0x103: {  	[tilespmem:$0x4080] =	vst v2  }
0x104: {  	[tilespmem:$0x4200] =	vst v1  }
0x105: {  	v1 =	vld [tilespmem:s21+$0xFFFFFF50];
	_ =	sdelay $0x4  }
0x106: {  	v2 =	vand.u32 $0xFFFF, v1;
	v1 =	vshra.s32 v1, $0x10  }
0x107: {  	[tilespmem:$0x4090] =	vst v2  }
0x108: {  	[tilespmem:$0x4210] =	vst v1  }
0x109: {  	v1 =	vld [tilespmem:s21+$0xFFFFFF60];
	_ =	sdelay $0x4  }
0x10a: {  	v2 =	vand.u32 $0xFFFF, v1;
	v1 =	vshra.s32 v1, $0x10  }
0x10b: {  	[tilespmem:$0x40A0] =	vst v2  }
0x10c: {  	[tilespmem:$0x4220] =	vst v1  }
0x10d: {  	v1 =	vld [tilespmem:s21+$0xFFFFFF70];
	_ =	sdelay $0x4  }
0x10e: {  	v2 =	vand.u32 $0xFFFF, v1;
	v1 =	vshra.s32 v1, $0x10  }
0x10f: {  	[tilespmem:$0x40B0] =	vst v2  }
0x110: {  	[tilespmem:$0x4230] =	vst v1  }
0x111: {  	v1 =	vld [tilespmem:s21+$0xFFFFFF80];
	_ =	sdelay $0x4  }
0x112: {  	v2 =	vand.u32 $0xFFFF, v1;
	v1 =	vshra.s32 v1, $0x10  }
0x113: {  	[tilespmem:$0x40C0] =	vst v2  }
0x114: {  	[tilespmem:$0x4240] =	vst v1  }
0x115: {  	[tilespmem:s29], [sflag:$0x2] =	stream.indirect.gather [hbm4b:s1+s25], $0x80, s28, s25, $0xb8;
	[tilespmem:$0x1FB00] =	vst v63  }
0x116: {  	_ =	swait.ge [sflag:s30], $0x2800  }
0x117: {  	[sflag:s30] =	ssyncset.done $0x0  }
0x118: {  	[sflag:s30] =	ssyncadd.s32 $0xFFFFD800  }
0x119: {  	[spmem:s2] =	stream.indirect.scatter.add.f32 [tilespmem:s24], [sflag:$0x4], $0x80, s31, s25, $0xb8;
	[tilespmem:$0x1FB00] =	vst v63  }
0x11a: {  	_ =	swait.ge [sflag:s19], $0x2800  }
0x11b: {  	[sflag:s19] =	ssyncset.done $0x0  }
0x11c: {  	[sflag:s19] =	ssyncadd.s32 $0xFFFFD800  }
0x11d: {  	v1 =	vld [tilespmem:s21+$0xFFFFFFC0];
	_ =	sdelay $0x4  }
0x11e: {  	v2 =	vand.u32 $0xFFFF, v1;
	v1 =	vshra.s32 v1, $0x10  }
0x11f: {  	[tilespmem:$0x4100] =	vst v2  }
0x120: {  	[tilespmem:$0x4280] =	vst v1  }
0x121: {  	v1 =	vld [tilespmem:s21+$0xFFFFFFD0];
	_ =	sdelay $0x4  }
0x122: {  	v2 =	vand.u32 $0xFFFF, v1;
	v1 =	vshra.s32 v1, $0x10  }
0x123: {  	[tilespmem:$0x4110] =	vst v2  }
0x124: {  	[tilespmem:$0x4290] =	vst v1  }
0x125: {  	v1 =	vld [tilespmem:s21+$0xFFFFFFE0];
	_ =	sdelay $0x3  }
.Ltmp1:
0x126: {  	(pc) =	sbr.rel @p0 .LBB2_4-.Ltmp1, $4  }
0x127: {  	v2 =	vand.u32 $0xFFFF, v1;
	v1 =	vshra.s32 v1, $0x10  }
0x128: {  	[tilespmem:$0x4120] =	vst v2  }
0x129: {  	[tilespmem:$0x42A0] =	vst v1  }
0x12a: {  	v1 =	vld [tilespmem:s21+$0xFFFFFFF0]  }
0x12b: {  	_ =	sdelay $0x3  }
0x12c: {  	v2 =	vand.u32 $0xFFFF, v1  }
0x12d: {  	v1 =	vshra.s32 v1, $0x10;
	[tilespmem:$0x4130] =	vst v2  }
0x12e: {  	[tilespmem:$0x42B0] =	vst v1  }
0x12f: {  	v1 =	vld [tilespmem:s21+$0x0];
	_ =	sdelay $0x4  }
0x130: {  	v2 =	vand.u32 $0xFFFF, v1  }
0x131: {  	v1 =	vshra.s32 v1, $0x10;
	[tilespmem:$0x4140] =	vst v2  }
0x132: {  	[tilespmem:$0x42C0] =	vst v1  }
0x133: {  	[tilespmem:s3], [sflag:$0x3] =	stream.indirect.gather [hbm4b:s1+s25], $0x80, s0, s25, $0xb8;
	[tilespmem:$0x1FB00] =	vst v63  }
0x134: {  	_ =	swait.ge [sflag:s5], $0x2800  }
0x135: {  	[sflag:s5] =	ssyncset.done $0x0  }
0x136: {  	[sflag:s5] =	ssyncadd.s32 $0xFFFFD800  }
0x137: {  	[spmem:s2] =	stream.indirect.scatter.add.f32 [tilespmem:s29], [sflag:$0x5], $0x80, s7, s25, $0xb8;
	[tilespmem:$0x1FB00] =	vst v63  }
0x138: {  	_ =	swait.ge [sflag:s15], $0x2800  }
0x139: {  	[sflag:s15] =	ssyncset.done $0x0  }
0x13a: {  	[sflag:s15] =	ssyncadd.s32 $0xFFFFD800  }
0x13b: {  	v1 =	vld [tilespmem:$0x3D80];
	_ =	sdelay $0x1  }
0x13c: {  	v2 =	vld [tilespmem:$0x3D90];
	_ =	sdelay $0x1  }
0x13d: {  	v3 =	vld [tilespmem:$0x3DA0]  }
0x13e: {  	v4 =	vand.u32 $0xFFFF, v1  }
0x13f: {  	v61 =	vld [tilespmem:$0x3DB0];
	v1 =	vshra.s32 v1, $0x10;
	[tilespmem:$0x4000] =	vst v4  }
0x140: {  	[tilespmem:$0x4180] =	vst v1;
	v1 =	vand.u32 $0xFFFF, v2  }
0x141: {  	[tilespmem:$0x4010] =	vst v1;
	v1 =	vshra.s32 v2, $0x10;
	v2 =	vld [tilespmem:$0x3DC0]  }
0x142: {  	[tilespmem:$0x4190] =	vst v1;
	v1 =	vand.u32 $0xFFFF, v3  }
0x143: {  	[tilespmem:$0x4020] =	vst v1;
	v1 =	vshra.s32 v3, $0x10  }
0x144: {  	[tilespmem:$0x41A0] =	vst v1;
	v1 =	vand.u32 $0xFFFF, v61  }
0x145: {  	[tilespmem:$0x4030] =	vst v1;
	v1 =	vshra.s32 v61, $0x10  }
0x146: {  	[tilespmem:$0x41B0] =	vst v1;
	v1 =	vand.u32 $0xFFFF, v2  }
0x147: {  	[tilespmem:$0x4040] =	vst v1;
	v1 =	vshra.s32 v2, $0x10  }
0x148: {  	[tilespmem:$0x41C0] =	vst v1  }
0x149: {  	[tilespmem:s24], [sflag:$0x1] =	stream.indirect.gather [hbm4b:s1+s25], $0x80, s26, s25, $0xb8;
	[tilespmem:$0x1FB00] =	vst v63  }
0x14a: {  	_ =	swait.ge [sflag:s16], $0x2800  }
0x14b: {  	[sflag:s16] =	ssyncset.done $0x0  }
0x14c: {  	[sflag:s16] =	ssyncadd.s32 $0xFFFFD800  }
0x14d: {  	[spmem:s2] =	stream.indirect.scatter.add.f32 [tilespmem:s3], [sflag:$0x6], $0x80, s17, s25, $0xb8;
	[tilespmem:$0x1FB00] =	vst v63  }
0x14e: {  	_ =	swait.ge [sflag:s18], $0x2800  }
0x14f: {  	[sflag:s18] =	ssyncset.done $0x0  }
0x150: {  	[sflag:s18] =	ssyncadd.s32 $0xFFFFD800  }
0x151: {  	v1 =	vld [tilespmem:$0x3E00];
	_ =	sdelay $0x1  }
0x152: {  	v2 =	vld [tilespmem:$0x3E10];
	_ =	sdelay $0x1  }
0x153: {  	v3 =	vld [tilespmem:$0x3E20]  }
0x154: {  	v62 =	vand.u32 $0xFFFF, v1  }
0x155: {  	v63 =	vld [tilespmem:$0x3E30];
	v1 =	vshra.s32 v1, $0x10;
	[tilespmem:$0x4080] =	vst v62  }
0x156: {  	[tilespmem:$0x4200] =	vst v1;
	v1 =	vand.u32 $0xFFFF, v2  }
0x157: {  	[tilespmem:$0x4090] =	vst v1;
	v1 =	vshra.s32 v2, $0x10;
	v2 =	vld [tilespmem:$0x3E40]  }
0x158: {  	[tilespmem:$0x4210] =	vst v1;
	v1 =	vand.u32 $0xFFFF, v3  }
0x159: {  	[tilespmem:$0x40A0] =	vst v1;
	v1 =	vshra.s32 v3, $0x10  }
0x15a: {  	[tilespmem:$0x4220] =	vst v1;
	v1 =	vand.u32 $0xFFFF, v63  }
0x15b: {  	[tilespmem:$0x40B0] =	vst v1;
	v1 =	vshra.s32 v63, $0x10  }
0x15c: {  	[tilespmem:$0x4230] =	vst v1;
	v1 =	vand.u32 $0xFFFF, v2  }
0x15d: {  	[tilespmem:$0x40C0] =	vst v1;
	v1 =	vshra.s32 v2, $0x10  }
0x15e: {  	[tilespmem:$0x4240] =	vst v1  }
0x15f: {  	[tilespmem:s29], [sflag:$0x2] =	stream.indirect.gather [hbm4b:s1+s25], $0x80, s28, s25, $0xb8;
	[tilespmem:$0x1FB00] =	vst v63  }
0x160: {  	_ =	swait.ge [sflag:s30], $0x2800  }
0x161: {  	[sflag:s30] =	ssyncset.done $0x0  }
0x162: {  	[sflag:s30] =	ssyncadd.s32 $0xFFFFD800  }
0x163: {  	[spmem:s2] =	stream.indirect.scatter.add.f32 [tilespmem:s24], [sflag:$0x4], $0x80, s31, s25, $0xb8;
	[tilespmem:$0x1FB00] =	vst v63  }
0x164: {  	_ =	swait.ge [sflag:s19], $0x2800  }
0x165: {  	[sflag:s19] =	ssyncset.done $0x0  }
0x166: {  	[sflag:s19] =	ssyncadd.s32 $0xFFFFD800  }
0x167: {  	_ =	swait.ge [sflag:s5], $0x2800  }
0x168: {  	[sflag:s5] =	ssyncset.done $0x0  }
0x169: {  	[sflag:s5] =	ssyncadd.s32 $0xFFFFD800  }
0x16a: {  	[spmem:s2] =	stream.indirect.scatter.add.f32 [tilespmem:s29], [sflag:$0x5], $0x80, s7, s25, $0xb8;
	[tilespmem:$0x1FB00] =	vst v63  }
0x16b: {  	_ =	swait.ge [sflag:s15], $0x2800  }
0x16c: {  	[sflag:s15] =	ssyncset.done $0x0  }
0x16d: {  	[sflag:s15] =	ssyncadd.s32 $0xFFFFD800  }
0x16e: {  	_ =	swait.ge [sflag:s18], $0x2800  }
0x16f: {  	[sflag:s18] =	ssyncset.done $0x0  }
0x170: {  	[sflag:s18] =	ssyncadd.s32 $0xFFFFD800  }
0x171: {  	[bflag:$0x0] =	sbarrier.arrive $0xFFFF  }
0x172: {  	s6 =	rddreg [dreg:$0x5]  }
0x173: {  	[tilespmem:s24], [sflag:$0x7] =	stream.linear.gather [spmem:s6], $0x2800, $0x38;
	[tilespmem:$0x1FB00] =	vst v63  }
0x174: {  	_ =	swait.ge [sflag:s23], $0x2800  }
0x175: {  	[sflag:s23] =	ssyncset.done $0x0  }
0x176: {  	s22 =	rddreg [dreg:$0x7];
	[sflag:s23] =	ssyncadd.s32 $0xFFFFD800  }
0x177: {  	[hbm4b:s22+s4] =	stream.linear.scatter [tilespmem:s24], [sflag:$0x7], $0x2800, $0x38;
	[tilespmem:$0x1FB00] =	vst v63  }
0x178: {  	_ =	swait.ge [sflag:s23], $0x2800  }
0x179: {  	[sflag:s23] =	ssyncset.done $0x0  }
0x17a: {  	[sflag:s23] =	ssyncadd.s32 $0xFFFFD800  }
0x17b: {  	[tilespmem:s24], [sflag:$0x7] =	stream.linear.gather [spmem:s8], $0x2800, $0x38;
	[tilespmem:$0x1FB00] =	vst v63  }
0x17c: {  	_ =	swait.ge [sflag:s23], $0x2800  }
0x17d: {  	[sflag:s23] =	ssyncset.done $0x0  }
0x17e: {  	s21 =	rddreg [dreg:$0x8];
	[sflag:s23] =	ssyncadd.s32 $0xFFFFD800  }
0x17f: {  	[hbm4b:s21+s4] =	stream.linear.scatter [tilespmem:s24], [sflag:$0x7], $0x2800, $0x38;
	[tilespmem:$0x1FB00] =	vst v63  }
0x180: {  	_ =	swait.ge [sflag:s23], $0x2800  }
0x181: {  	[sflag:s23] =	ssyncset.done $0x0  }
0x182: {  	[sflag:s23] =	ssyncadd.s32 $0xFFFFD800  }
0x183: {  	[tilespmem:s24], [sflag:$0x7] =	stream.linear.gather [spmem:s9], $0x2800, $0x38;
	[tilespmem:$0x1FB00] =	vst v63  }
0x184: {  	_ =	swait.ge [sflag:s23], $0x2800  }
0x185: {  	[sflag:s23] =	ssyncset.done $0x0  }
0x186: {  	s22 =	rddreg [dreg:$0x9];
	[sflag:s23] =	ssyncadd.s32 $0xFFFFD800  }
0x187: {  	[hbm4b:s22+s4] =	stream.linear.scatter [tilespmem:s24], [sflag:$0x7], $0x2800, $0x38;
	[tilespmem:$0x1FB00] =	vst v63  }
0x188: {  	_ =	swait.ge [sflag:s23], $0x2800  }
0x189: {  	[sflag:s23] =	ssyncset.done $0x0  }
0x18a: {  	[sflag:s23] =	ssyncadd.s32 $0xFFFFD800  }
0x18b: {  	[tilespmem:s24], [sflag:$0x7] =	stream.linear.gather [spmem:s10], $0x2800, $0x38;
	[tilespmem:$0x1FB00] =	vst v63  }
0x18c: {  	_ =	swait.ge [sflag:s23], $0x2800  }
0x18d: {  	[sflag:s23] =	ssyncset.done $0x0  }
0x18e: {  	s21 =	rddreg [dreg:$0xa];
	[sflag:s23] =	ssyncadd.s32 $0xFFFFD800  }
0x18f: {  	[hbm4b:s21+s4] =	stream.linear.scatter [tilespmem:s24], [sflag:$0x7], $0x2800, $0x38;
	[tilespmem:$0x1FB00] =	vst v63  }
0x190: {  	_ =	swait.ge [sflag:s23], $0x2800  }
0x191: {  	[sflag:s23] =	ssyncset.done $0x0  }
0x192: {  	[sflag:s23] =	ssyncadd.s32 $0xFFFFD800  }
0x193: {  	[tilespmem:s24], [sflag:$0x7] =	stream.linear.gather [spmem:s11], $0x2800, $0x38;
	[tilespmem:$0x1FB00] =	vst v63  }
0x194: {  	_ =	swait.ge [sflag:s23], $0x2800  }
0x195: {  	[sflag:s23] =	ssyncset.done $0x0  }
0x196: {  	s22 =	rddreg [dreg:$0xb];
	[sflag:s23] =	ssyncadd.s32 $0xFFFFD800  }
0x197: {  	[hbm4b:s22+s4] =	stream.linear.scatter [tilespmem:s24], [sflag:$0x7], $0x2800, $0x38;
	[tilespmem:$0x1FB00] =	vst v63  }
0x198: {  	_ =	swait.ge [sflag:s23], $0x2800  }
0x199: {  	[sflag:s23] =	ssyncset.done $0x0  }
0x19a: {  	[sflag:s23] =	ssyncadd.s32 $0xFFFFD800  }
0x19b: {  	[tilespmem:s24], [sflag:$0x7] =	stream.linear.gather [spmem:s12], $0x2800, $0x38;
	[tilespmem:$0x1FB00] =	vst v63  }
0x19c: {  	_ =	swait.ge [sflag:s23], $0x2800  }
0x19d: {  	[sflag:s23] =	ssyncset.done $0x0  }
0x19e: {  	s21 =	rddreg [dreg:$0xc];
	[sflag:s23] =	ssyncadd.s32 $0xFFFFD800  }
0x19f: {  	[hbm4b:s21+s4] =	stream.linear.scatter [tilespmem:s24], [sflag:$0x7], $0x2800, $0x38;
	[tilespmem:$0x1FB00] =	vst v63  }
0x1a0: {  	_ =	swait.ge [sflag:s23], $0x2800  }
0x1a1: {  	[sflag:s23] =	ssyncset.done $0x0  }
0x1a2: {  	[sflag:s23] =	ssyncadd.s32 $0xFFFFD800  }
0x1a3: {  	[tilespmem:s24], [sflag:$0x7] =	stream.linear.gather [spmem:s13], $0x2800, $0x38;
	[tilespmem:$0x1FB00] =	vst v63  }
0x1a4: {  	_ =	swait.ge [sflag:s23], $0x2800  }
0x1a5: {  	[sflag:s23] =	ssyncset.done $0x0  }
0x1a6: {  	s22 =	rddreg [dreg:$0xd];
	[sflag:s23] =	ssyncadd.s32 $0xFFFFD800  }
0x1a7: {  	[hbm4b:s22+s4] =	stream.linear.scatter [tilespmem:s24], [sflag:$0x7], $0x2800, $0x38;
	[tilespmem:$0x1FB00] =	vst v63  }
0x1a8: {  	_ =	swait.ge [sflag:s23], $0x2800  }
0x1a9: {  	[sflag:s23] =	ssyncset.done $0x0  }
0x1aa: {  	[sflag:s23] =	ssyncadd.s32 $0xFFFFD800  }
0x1ab: {  	[tilespmem:s24], [sflag:$0x7] =	stream.linear.gather [spmem:s14], $0x2800, $0x38;
	[tilespmem:$0x1FB00] =	vst v63  }
0x1ac: {  	_ =	swait.ge [sflag:s23], $0x2800  }
0x1ad: {  	[sflag:s23] =	ssyncset.done $0x0  }
0x1ae: {  	s21 =	rddreg [dreg:$0xe];
	[sflag:s23] =	ssyncadd.s32 $0xFFFFD800  }
0x1af: {  	[hbm4b:s21+s4] =	stream.linear.scatter [tilespmem:s24], [sflag:$0x7], $0x2800, $0x38;
	[tilespmem:$0x1FB00] =	vst v63  }
0x1b0: {  	_ =	swait.ge [sflag:s23], $0x2800  }
0x1b1: {  	s20 =	sadd.s32 $0x1, s20;
	s22 =	rddreg [dreg:$0x6]  }
0x1b2: {  	p0 =	sne.s32 s20, s22  }
.Ltmp2:
0x1b3: {  	_ = 	snop;
	(pc) =	sbr.rel @p0 .LBB2_1-.Ltmp2, $3  }
0x1b4: {  	_ =	sdelay $0x1  }
0x1b5: {  	[sflag:s23] =	ssyncset.done $0x0  }
0x1b6: {  	[sflag:s23] =	ssyncadd.s32 $0xFFFFD800  }
0x1b7: {  	_ =	sfence.sel $0x180000  }
0x1b8: {  	[bflag:$0x0] =	sbarrier.arrive $0xFFFF  }
0x1b9: {  	_ =	strace $0x9000004D  }
0x1ba: {  	s0 =	stileid.u32;
	[bflag:$0x2] =	sbarrier.arrive $0xFFFF  }
0x1bb: {  	p0 =	sne.s32 s0, $0x0;
	s0 =	rddreg [dreg:$0x3]  }
0x1bc: {  	s0 =	sadd.s32 @!p0 $0x100000, s0  }
0x1bd: {  	[sflag:s0] =	ssyncadd.tile.s32 @!p0 $0x1;
	_ =	shalt  }
.Lfunc_end2:
_tile_overlayer_lowered:
.L_overlay_start_2:
0x1be: {  	(tag) =	ssettag $0x2  }
0x1bf: {  	s0 =	rddreg [dreg:$0x0];
	s2 =	stileid.u32  }
0x1c0: {  	s1 =	rddreg [dreg:$0x1];
	p0 =	sne.s32 s2, $0x0  }
0x1c1: {  	s3 =	rddreg [dreg:$0x2];
	[bflag:$0x3] =	sbarrier.arrive $0xFFFF;
	s2 =	simm.s32 @!p0 $0x1C07  }
0x1c2: {  	[timem:s3], [sflag:s2] =	dma.local @!p0 [hbm:s0], s1  }
0x1c3: {  	s0 =	simm.s32 @!p0 $0x7  }
0x1c4: {  	_ =	swait.ge @!p0 [sflag:s0], s1  }
0x1c5: {  	s1 =	ssub.s32 @!p0 $0x0, s1;
	[sflag:s0] =	ssyncset.done @!p0 $0x0  }
0x1c6: {  	[sflag:s0] =	ssyncadd.s32 @!p0 s1  }
0x1c7: {  	[bflag:$0x3] =	sbarrier.arrive $0xFFFF  }
0x1c8: {  	_ =	shalt  }

</sc_bundles>
